<compile_context>
chip_gen: v7x
topology: tpu7x:2x2x1
jax: 0.10.2.dev20260603
libtpu: 0.0.44.dev20260713+nightly
codegen_flags: <defaults>
</compile_context>

<pallas_src>
import functools

import jax
import jax.numpy as jnp
from jax import lax
from jax.experimental import pallas as pl
from jax.experimental.pallas import tpu as pltpu
from jax.experimental.pallas import tpu_sc as plsc

_B, _S, _D = 4, 4096, 2048
_RKHS = 1024
_E = 16
_TOPK = 2
_N = _B * _S

_TB = 1024
_NB = _N // _TB
_TAU = 8e-3
_CAP = 2048
_PB = 512
_NPB = _CAP // _PB

_NW = 32
_TPW = _N // _NW
_CPW = _CAP // _NW

_mesh = plsc.VectorSubcoreMesh(core_axis_name="c", subcore_axis_name="s")


def _prep_body(emb_ref, wexp_ref, bexp_ref, whid_ref, bhid_ref,
               emb2_ref, wcomb_ref, bias_ref):
    emb2 = lax.dot_general(
        emb_ref[:], wexp_ref[:], (((1,), (1,)), ((), ())),
        preferred_element_type=jnp.float32) + bexp_ref[:]
    emb2_ref[:] = emb2
    wcomb_ref[:] = lax.dot_general(
        emb2, whid_ref[:], (((1,), (0,)), ((), ())),
        preferred_element_type=jnp.float32)
    bias_ref[:] = lax.dot_general(
        bhid_ref[:], emb2, (((1,), (1,)), ((), ())),
        preferred_element_type=jnp.float32)


def _top2(logits, n_experts):
    ii = lax.broadcasted_iota(jnp.int32, logits.shape, 1)
    big = jnp.int32(n_experts)
    m1 = jnp.max(logits, axis=1, keepdims=True)
    a1 = jnp.min(jnp.where(logits == m1, ii, big), axis=1, keepdims=True)
    masked = jnp.where(ii == a1, -jnp.inf, logits)
    m2 = jnp.max(masked, axis=1, keepdims=True)
    a2 = jnp.min(jnp.where(masked == m2, ii, big), axis=1, keepdims=True)
    e2 = jnp.exp(m2 - m1)
    w1 = 1.0 / (1.0 + e2)
    w2 = e2 / (1.0 + e2)
    return m1, a1, m2, a2, masked, ii, w1, w2


def _p1_body(x_ref, wcomb_ref, bias_ref, tri_ref,
             se0_ref, se1_ref, rw0_ref, rw1_ref, pos_ref, aux_ref,
             acc_ref, cf_ref, cu_ref):
    i = pl.program_id(0)

    @pl.when(i == 0)
    def _():
        acc_ref[0, 0] = 0.0
        cf_ref[0, 0] = 0
        cu_ref[0, 0] = 0

    logits = lax.dot_general(
        x_ref[:], wcomb_ref[:], (((1,), (1,)), ((), ())),
        preferred_element_type=jnp.float32) + bias_ref[:]
    m1, a1, m2, a2, masked, ii, w1, w2 = _top2(logits, _E)
    masked2 = jnp.where(ii == a2, -jnp.inf, masked)
    m3 = jnp.max(masked2, axis=1, keepdims=True)
    flag = (m1 - m2 < _TAU) | (m2 - m3 < _TAU)

    se0_ref[0, :, :] = a1
    se1_ref[0, :, :] = a2
    rw0_ref[0, :, :] = w1
    rw1_ref[0, :, :] = w2

    acc_ref[0, 0] += jnp.sum(w1 + w2)
    aux_scale = (float(_TOPK) / _E) * 0.5 * (_E * _E) / _N

    @pl.when(i == pl.num_programs(0) - 1)
    def _():
        aux_ref[:, :] = jnp.full((1, 1), acc_ref[0, 0] * aux_scale,
                                 dtype=jnp.float32)

    cum = lax.dot_general(
        tri_ref[:], flag.astype(jnp.float32), (((1,), (0,)), ((), ())),
        preferred_element_type=jnp.float32)
    cum_i = cum.astype(jnp.int32)
    posn = lax.broadcasted_iota(jnp.int32, (_TB, 1), 0) + 1
    cumu_i = posn - cum_i
    cf = cf_ref[0, 0]
    cu = cu_ref[0, 0]
    pos = jnp.where(flag, cf + cum_i - 1, (_N - cu) - cumu_i)
    pos_ref[0, :, :] = pos
    nf = jnp.sum(flag.astype(jnp.int32))
    cf_ref[0, 0] = cf + nf
    cu_ref[0, 0] = cu + (_TB - nf)


def _p3_body(xg_ref, whid_ref, bhid_ref, emb2_ref,
             se0_ref, se1_ref, rw0_ref, rw1_ref):
    enc = lax.dot_general(
        xg_ref[:], whid_ref[:], (((1,), (1,)), ((), ())),
        preferred_element_type=jnp.float32) + bhid_ref[:]
    logits = lax.dot_general(
        enc, emb2_ref[:], (((1,), (1,)), ((), ())),
        preferred_element_type=jnp.float32)
    _, a1, _, a2, _, _, w1, w2 = _top2(logits, _E)
    se0_ref[0, :, :] = a1
    se1_ref[0, :, :] = a2
    rw0_ref[0, :, :] = w1
    rw1_ref[0, :, :] = w2


@functools.partial(
    pl.kernel, mesh=_mesh,
    out_type=jax.ShapeDtypeStruct((_N,), jnp.int32),
    scratch_types=[
        pltpu.VMEM((_TPW // 128, 128), jnp.int32),
        pltpu.VMEM((_TPW // 128, 128), jnp.int32),
        pltpu.SemaphoreType.DMA,
    ],
)
def _sc_scatter_idx(pos_hbm, idx_hbm, pos_v, tok_v, sem):
    c = lax.axis_index("c")
    s = lax.axis_index("s")
    wid = c * 16 + s
    base = wid * _TPW
    nrow = _TPW // 128
    pltpu.sync_copy(pos_hbm.at[pl.ds(wid * nrow, nrow)], pos_v)
    for j in range(_TPW // 128):
        for i in range(8):
            tok_v[j, pl.ds(i * 16, 16)] = (
                lax.iota(jnp.int32, 16) + (base + j * 128 + i * 16))
    descs = [pltpu.async_copy(tok_v.at[j], idx_hbm.at[pos_v.at[j]], sem)
             for j in range(_TPW // 128)]
    for d in descs:
        d.wait()


@functools.partial(
    pl.kernel, mesh=_mesh,
    out_type=jax.ShapeDtypeStruct((_CAP, _D), jnp.float32),
    scratch_types=[
        pltpu.VMEM((_CPW,), jnp.int32),
        pltpu.VMEM((16, _D), jnp.float32),
        pltpu.VMEM((16, _D), jnp.float32),
        pltpu.SemaphoreType.DMA,
        pltpu.SemaphoreType.DMA,
    ],
)
def _sc_gather_rows(idx_hbm, x_hbm, xg_hbm, idx_v, rows_a, rows_b, sa, sb):
    c = lax.axis_index("c")
    s = lax.axis_index("s")
    wid = c * 16 + s
    base = wid * _CPW
    pltpu.sync_copy(idx_hbm.at[pl.ds(base, _CPW)], idx_v)
    nch = _CPW // 16
    bufs = (rows_a, rows_b)
    sems = (sa, sb)
    descs = [None] * nch
    for ch in range(nch):
        iv = idx_v[pl.ds(ch * 16, 16)]
        if ch >= 2:
            descs[ch - 2].wait()
            pltpu.sync_copy(bufs[(ch - 2) % 2],
                            xg_hbm.at[pl.ds(base + (ch - 2) * 16, 16)])
        descs[ch] = pltpu.async_copy(x_hbm.at[iv], bufs[ch % 2], sems[ch % 2])
    for ch in range(max(nch - 2, 0), nch):
        descs[ch].wait()
        pltpu.sync_copy(bufs[ch % 2], xg_hbm.at[pl.ds(base + ch * 16, 16)])


_NRW = _TPW // 128

_plane2 = (_N // 128, 128)


@functools.partial(
    pl.kernel, mesh=_mesh,
    out_type=[jax.ShapeDtypeStruct(_plane2, jnp.int32),
              jax.ShapeDtypeStruct(_plane2, jnp.int32),
              jax.ShapeDtypeStruct(_plane2, jnp.float32),
              jax.ShapeDtypeStruct(_plane2, jnp.float32)],
    scratch_types=[
        pltpu.VMEM((_NRW, 128), jnp.int32),
        pltpu.VMEM((_NRW, 128), jnp.int32),
        pltpu.VMEM((_NRW, 128), jnp.int32),
        pltpu.VMEM((_NRW, 128), jnp.int32),
        pltpu.VMEM((_NRW, 128), jnp.float32),
        pltpu.VMEM((_NRW, 128), jnp.float32),
        pltpu.VMEM((_NRW, 128), jnp.int32),
        pltpu.VMEM((_NRW, 128), jnp.int32),
        pltpu.VMEM((_NRW, 128), jnp.float32),
        pltpu.VMEM((_NRW, 128), jnp.float32),
        pltpu.SemaphoreType.DMA,
    ],
)
def _sc_finalize(pos_hbm, se0_hbm, se1_hbm, rw0_hbm, rw1_hbm,
                 sec0_hbm, sec1_hbm, rwc0_hbm, rwc1_hbm,
                 fse0_hbm, fse1_hbm, frw0_hbm, frw1_hbm,
                 pos_v, cl_v, s0_v, s1_v, r0_v, r1_v,
                 g0, g1, g2, g3, sem):
    c = lax.axis_index("c")
    s = lax.axis_index("s")
    wid = c * 16 + s
    rbase = wid * _NRW
    rows = pl.ds(rbase, _NRW)
    pltpu.sync_copy(pos_hbm.at[rows], pos_v)
    pltpu.sync_copy(se0_hbm.at[rows], s0_v)
    pltpu.sync_copy(se1_hbm.at[rows], s1_v)
    pltpu.sync_copy(rw0_hbm.at[rows], r0_v)
    pltpu.sync_copy(rw1_hbm.at[rows], r1_v)
    for j in range(_NRW):
        for i in range(8):
            pv = pos_v[j, pl.ds(i * 16, 16)]
            cl_v[j, pl.ds(i * 16, 16)] = jnp.where(pv < _CAP, pv, 0)
    descs = []
    for j in range(_NRW):
        descs.append(pltpu.async_copy(sec0_hbm.at[cl_v.at[j]], g0.at[j], sem))
        descs.append(pltpu.async_copy(sec1_hbm.at[cl_v.at[j]], g1.at[j], sem))
        descs.append(pltpu.async_copy(rwc0_hbm.at[cl_v.at[j]], g2.at[j], sem))
        descs.append(pltpu.async_copy(rwc1_hbm.at[cl_v.at[j]], g3.at[j], sem))
    for d in descs:
        d.wait()
    for j in range(_NRW):
        for i in range(8):
            sl = pl.ds(i * 16, 16)
            corr = pos_v[j, sl] < _CAP
            s0_v[j, sl] = jnp.where(corr, g0[j, sl], s0_v[j, sl])
            s1_v[j, sl] = jnp.where(corr, g1[j, sl], s1_v[j, sl])
            r0_v[j, sl] = jnp.where(corr, g2[j, sl], r0_v[j, sl])
            r1_v[j, sl] = jnp.where(corr, g3[j, sl], r1_v[j, sl])
    pltpu.sync_copy(s0_v, fse0_hbm.at[rows])
    pltpu.sync_copy(s1_v, fse1_hbm.at[rows])
    pltpu.sync_copy(r0_v, frw0_hbm.at[rows])
    pltpu.sync_copy(r1_v, frw1_hbm.at[rows])


def kernel(x, W_hid, b_hid, W_exp, b_exp, rkhs_embeddings):
    b, s, d = x.shape
    rkhs = W_hid.shape[0]
    n_experts = rkhs_embeddings.shape[0]
    n = b * s
    x2 = x.reshape(n, d)

    emb2, wcomb, bias = pl.pallas_call(
        _prep_body,
        out_shape=[jax.ShapeDtypeStruct((n_experts, rkhs), jnp.float32),
                   jax.ShapeDtypeStruct((n_experts, d), jnp.float32),
                   jax.ShapeDtypeStruct((1, n_experts), jnp.float32)],
    )(rkhs_embeddings, W_exp, b_exp.reshape(1, rkhs),
      W_hid, b_hid.reshape(1, rkhs))

    ri = lax.broadcasted_iota(jnp.int32, (_TB, _TB), 0)
    ci = lax.broadcasted_iota(jnp.int32, (_TB, _TB), 1)
    tri = (ci <= ri).astype(jnp.float32)

    plane_i = jax.ShapeDtypeStruct((_NB, _TB, 1), jnp.int32)
    plane_f = jax.ShapeDtypeStruct((_NB, _TB, 1), jnp.float32)
    pspec = pl.BlockSpec((1, _TB, 1), lambda i: (i, 0, 0))
    se0p, se1p, rw0p, rw1p, posp, aux = pl.pallas_call(
        _p1_body,
        grid=(_NB,),
        in_specs=[pl.BlockSpec((_TB, d), lambda i: (i, 0)),
                  pl.BlockSpec((n_experts, d), lambda i: (0, 0)),
                  pl.BlockSpec((1, n_experts), lambda i: (0, 0)),
                  pl.BlockSpec((_TB, _TB), lambda i: (0, 0))],
        out_specs=[pspec, pspec, pspec, pspec, pspec,
                   pl.BlockSpec((1, 1), lambda i: (0, 0))],
        out_shape=[plane_i, plane_i, plane_f, plane_f, plane_i,
                   jax.ShapeDtypeStruct((1, 1), jnp.float32)],
        scratch_shapes=[pltpu.SMEM((1, 1), jnp.float32),
                        pltpu.SMEM((1, 1), jnp.int32),
                        pltpu.SMEM((1, 1), jnp.int32)],
    )(x2, wcomb, bias, tri)

    pos2 = posp.reshape(n // 128, 128)
    idx = _sc_scatter_idx(pos2)
    xg = _sc_gather_rows(idx, x2)

    cplane_i = jax.ShapeDtypeStruct((_NPB, _PB, 1), jnp.int32)
    cplane_f = jax.ShapeDtypeStruct((_NPB, _PB, 1), jnp.float32)
    cspec = pl.BlockSpec((1, _PB, 1), lambda i: (i, 0, 0))
    sec0, sec1, rwc0, rwc1 = pl.pallas_call(
        _p3_body,
        grid=(_NPB,),
        in_specs=[pl.BlockSpec((_PB, d), lambda i: (i, 0)),
                  pl.BlockSpec((rkhs, d), lambda i: (0, 0)),
                  pl.BlockSpec((1, rkhs), lambda i: (0, 0)),
                  pl.BlockSpec((n_experts, rkhs), lambda i: (0, 0))],
        out_specs=[cspec, cspec, cspec, cspec],
        out_shape=[cplane_i, cplane_i, cplane_f, cplane_f],
    )(xg, W_hid, b_hid.reshape(1, rkhs), emb2)

    p2 = (n // 128, 128)
    fse0, fse1, frw0, frw1 = _sc_finalize(
        pos2, se0p.reshape(p2), se1p.reshape(p2),
        rw0p.reshape(p2), rw1p.reshape(p2),
        sec0.reshape(_CAP), sec1.reshape(_CAP),
        rwc0.reshape(_CAP), rwc1.reshape(_CAP))

    se = jnp.stack((fse0.reshape(n), fse1.reshape(n)),
                   axis=-1).reshape(b, s, _TOPK)
    rw = jnp.stack((frw0.reshape(n), frw1.reshape(n)),
                   axis=-1).reshape(b, s, _TOPK)
    return se, rw, aux.reshape(())

# --- scband reference (transcript-rebuilt; emitter-appended) ---
"""Pipeline reference for scband-moerkhsselector-47021301957444 (READ-ONLY COPY).

The authoritative reference and input builder live on the scoring server;
editing this copy changes nothing except your own understanding.
"""

import jax, jax.numpy as jnp
import numpy as np

B, S, D = 4, 4096, 2048
RKHS = 1024
EMB = 128
E = 16
TOPK = 2


def setup_inputs(seed: int = 0) -> dict:
    key = jax.random.key(seed)
    ks = jax.random.split(key, 5)
    x = jax.random.normal(ks[0], (B, S, D), dtype=jnp.float32)
    W_hid = jax.random.normal(ks[1], (RKHS, D), dtype=jnp.float32) * (1.0 / np.sqrt(D))
    b_hid = jnp.zeros((RKHS,), dtype=jnp.float32)
    W_exp = jax.random.normal(ks[2], (RKHS, EMB), dtype=jnp.float32) * (1.0 / np.sqrt(EMB))
    b_exp = jnp.zeros((RKHS,), dtype=jnp.float32)
    rkhs_embeddings = jax.random.uniform(ks[3], (E, EMB), minval=-0.02, maxval=0.02, dtype=jnp.float32)
    return {"x": x, "W_hid": W_hid, "b_hid": b_hid, "W_exp": W_exp, "b_exp": b_exp, "rkhs_embeddings": rkhs_embeddings}


def _load_balancing_loss(gate_logits, num_experts, top_k):
    routing_weights, selected_experts = jax.lax.top_k(gate_logits, top_k)
    routing_weights = jax.nn.softmax(routing_weights, axis=-1)
    # selected_experts: [B, S, top_k] -> one_hot: [B, S, top_k, E]
    expert_mask = jax.nn.one_hot(selected_experts, num_experts, dtype=jnp.float32)
    expert_mask = jnp.max(expert_mask, axis=-2)  # [B, S, E]
    tokens_per_group_and_expert = jnp.mean(expert_mask, axis=-1)  # [B, S]
    router_prob_per_group_and_expert = jnp.mean(routing_weights, axis=-1)  # [B, S]
    return jnp.mean(tokens_per_group_and_expert * router_prob_per_group_and_expert) * (num_experts ** 2)


def reference(x, W_hid, b_hid, W_exp, b_exp, rkhs_embeddings):
    b, s, d = x.shape
    # rkhs_hid(input): Linear(D -> RKHS)
    rkhs_enc = (x.reshape(-1, d) @ W_hid.T + b_hid).reshape(b, s, -1)
    # rkhs_exp(rkhs_embeddings): Linear(EMB -> RKHS)
    rkhs_emb = rkhs_embeddings @ W_exp.T + b_exp  # [E, RKHS]
    router_logits = rkhs_enc @ rkhs_emb.T  # [B, S, E]
    routing_weights = jax.nn.softmax(router_logits.astype(jnp.float32), axis=-1)
    routing_weights, selected_experts = jax.lax.top_k(routing_weights, TOPK)
    routing_weights = routing_weights / jnp.sum(routing_weights, axis=-1, keepdims=True)
    routing_weights = routing_weights.astype(x.dtype)
    aux_loss = _load_balancing_loss(router_logits, rkhs_embeddings.shape[0], TOPK)
    return selected_experts, routing_weights, aux_loss

if __name__ == "__main__":
    import jax
    _d = setup_inputs()
    print(jax.jit(kernel)(*tuple(_d.values())))

</pallas_src>

<mosaic_0001>
#map = affine_map<(d0, d1) -> (0, 0)>
#map1 = affine_map<(d0, d1) -> (0)>
module attributes {stable_mosaic.version = 14 : i64} {
  func.func @_sc_finalize(%arg0: i32, %arg1: i32, %arg2: memref<128x128xi32, #tpu.memory_space<hbm>>, %arg3: memref<128x128xi32, #tpu.memory_space<hbm>>, %arg4: memref<128x128xi32, #tpu.memory_space<hbm>>, %arg5: memref<128x128xf32, #tpu.memory_space<hbm>>, %arg6: memref<128x128xf32, #tpu.memory_space<hbm>>, %arg7: memref<2048xi32, #tpu.memory_space<hbm>>, %arg8: memref<2048xi32, #tpu.memory_space<hbm>>, %arg9: memref<2048xf32, #tpu.memory_space<hbm>>, %arg10: memref<2048xf32, #tpu.memory_space<hbm>>, %arg11: memref<128x128xi32, #tpu.memory_space<hbm>>, %arg12: memref<128x128xi32, #tpu.memory_space<hbm>>, %arg13: memref<128x128xf32, #tpu.memory_space<hbm>>, %arg14: memref<128x128xf32, #tpu.memory_space<hbm>>, %arg15: memref<4x128xi32, #tpu.memory_space<vmem>>, %arg16: memref<4x128xi32, #tpu.memory_space<vmem>>, %arg17: memref<4x128xi32, #tpu.memory_space<vmem>>, %arg18: memref<4x128xi32, #tpu.memory_space<vmem>>, %arg19: memref<4x128xf32, #tpu.memory_space<vmem>>, %arg20: memref<4x128xf32, #tpu.memory_space<vmem>>, %arg21: memref<4x128xi32, #tpu.memory_space<vmem>>, %arg22: memref<4x128xi32, #tpu.memory_space<vmem>>, %arg23: memref<4x128xf32, #tpu.memory_space<vmem>>, %arg24: memref<4x128xf32, #tpu.memory_space<vmem>>, %arg25: memref<!tpu.dma_semaphore, #tpu.memory_space<semaphore_mem>>) attributes {dimension_semantics = [#tpu.dimension_semantics<core_parallel>, #tpu.dimension_semantics<subcore_parallel>], iteration_bounds = array<i64: 2, 16>, scalar_prefetch = 0 : i64, scratch_operands = 11 : i64, tpu.core_type = #tpu.core_type<sc_vector_subcore>, window_params = [{transform_indices = #map}, {transform_indices = #map}, {transform_indices = #map}, {transform_indices = #map}, {transform_indices = #map}, {transform_indices = #map1}, {transform_indices = #map1}, {transform_indices = #map1}, {transform_indices = #map1}, {transform_indices = #map}, {transform_indices = #map}, {transform_indices = #map}, {transform_indices = #map}]} {
    %mul3A = arith.constant 16 : i32
    %mul3A_0 = arith.muli %arg0, %mul3A : i32
    %add3A = arith.addi %mul3A_0, %arg1 : i32
    %mul3A_1 = arith.constant 4 : i32
    %mul3A_2 = arith.muli %add3A, %mul3A_1 : i32
    "tpu.region"() ({
      %run_scoped3A = tpu.sem_alloc : memref<!tpu.dma_semaphore, #tpu.memory_space<semaphore_mem>>
      %dma_start3A_3291 = arith.constant 0 : i32
      %dma_start3A_3292 = tpu.memref_slice %arg2[%mul3A_2, %dma_start3A_3291] : memref<128x128xi32, #tpu.memory_space<hbm>> -> memref<4x128xi32, #tpu.memory_space<hbm>>
      %dma_start3A_3293 = arith.constant 0 : i32
      %dma_start3A_3294 = tpu.memref_slice %arg2[%mul3A_2, %dma_start3A_3293] : memref<128x128xi32, #tpu.memory_space<hbm>> -> memref<4x128xi32, #tpu.memory_space<hbm>>
      tpu.enqueue_dma source(%dma_start3A_3294 : memref<4x128xi32, #tpu.memory_space<hbm>>) target(%arg15 : memref<4x128xi32, #tpu.memory_space<vmem>>) target_semaphore(%run_scoped3A : memref<!tpu.dma_semaphore, #tpu.memory_space<semaphore_mem>>)
      %dma_wait3A_3295 = arith.constant 0 : i32
      %dma_wait3A_3296 = tpu.memref_slice %arg2[%mul3A_2, %dma_wait3A_3295] : memref<128x128xi32, #tpu.memory_space<hbm>> -> memref<4x128xi32, #tpu.memory_space<hbm>>
      %dma_wait3A_3297 = arith.constant 0 : i32
      %dma_wait3A_3298 = tpu.memref_slice %arg2[%mul3A_2, %dma_wait3A_3297] : memref<128x128xi32, #tpu.memory_space<hbm>> -> memref<4x128xi32, #tpu.memory_space<hbm>>
      tpu.wait_dma2 semaphore(%run_scoped3A : memref<!tpu.dma_semaphore, #tpu.memory_space<semaphore_mem>>) src(%dma_wait3A_3298 : memref<4x128xi32, #tpu.memory_space<hbm>>) dst(%arg15 : memref<4x128xi32, #tpu.memory_space<vmem>>)
      tpu.yield
    }) : () -> ()
    "tpu.region"() ({
      %run_scoped3A = tpu.sem_alloc : memref<!tpu.dma_semaphore, #tpu.memory_space<semaphore_mem>>
      %dma_start3A_3291 = arith.constant 0 : i32
      %dma_start3A_3292 = tpu.memref_slice %arg3[%mul3A_2, %dma_start3A_3291] : memref<128x128xi32, #tpu.memory_space<hbm>> -> memref<4x128xi32, #tpu.memory_space<hbm>>
      %dma_start3A_3293 = arith.constant 0 : i32
      %dma_start3A_3294 = tpu.memref_slice %arg3[%mul3A_2, %dma_start3A_3293] : memref<128x128xi32, #tpu.memory_space<hbm>> -> memref<4x128xi32, #tpu.memory_space<hbm>>
      tpu.enqueue_dma source(%dma_start3A_3294 : memref<4x128xi32, #tpu.memory_space<hbm>>) target(%arg17 : memref<4x128xi32, #tpu.memory_space<vmem>>) target_semaphore(%run_scoped3A : memref<!tpu.dma_semaphore, #tpu.memory_space<semaphore_mem>>)
      %dma_wait3A_3295 = arith.constant 0 : i32
      %dma_wait3A_3296 = tpu.memref_slice %arg3[%mul3A_2, %dma_wait3A_3295] : memref<128x128xi32, #tpu.memory_space<hbm>> -> memref<4x128xi32, #tpu.memory_space<hbm>>
      %dma_wait3A_3297 = arith.constant 0 : i32
      %dma_wait3A_3298 = tpu.memref_slice %arg3[%mul3A_2, %dma_wait3A_3297] : memref<128x128xi32, #tpu.memory_space<hbm>> -> memref<4x128xi32, #tpu.memory_space<hbm>>
      tpu.wait_dma2 semaphore(%run_scoped3A : memref<!tpu.dma_semaphore, #tpu.memory_space<semaphore_mem>>) src(%dma_wait3A_3298 : memref<4x128xi32, #tpu.memory_space<hbm>>) dst(%arg17 : memref<4x128xi32, #tpu.memory_space<vmem>>)
      tpu.yield
    }) : () -> ()
    "tpu.region"() ({
      %run_scoped3A = tpu.sem_alloc : memref<!tpu.dma_semaphore, #tpu.memory_space<semaphore_mem>>
      %dma_start3A_3291 = arith.constant 0 : i32
      %dma_start3A_3292 = tpu.memref_slice %arg4[%mul3A_2, %dma_start3A_3291] : memref<128x128xi32, #tpu.memory_space<hbm>> -> memref<4x128xi32, #tpu.memory_space<hbm>>
      %dma_start3A_3293 = arith.constant 0 : i32
      %dma_start3A_3294 = tpu.memref_slice %arg4[%mul3A_2, %dma_start3A_3293] : memref<128x128xi32, #tpu.memory_space<hbm>> -> memref<4x128xi32, #tpu.memory_space<hbm>>
      tpu.enqueue_dma source(%dma_start3A_3294 : memref<4x128xi32, #tpu.memory_space<hbm>>) target(%arg18 : memref<4x128xi32, #tpu.memory_space<vmem>>) target_semaphore(%run_scoped3A : memref<!tpu.dma_semaphore, #tpu.memory_space<semaphore_mem>>)
      %dma_wait3A_3295 = arith.constant 0 : i32
      %dma_wait3A_3296 = tpu.memref_slice %arg4[%mul3A_2, %dma_wait3A_3295] : memref<128x128xi32, #tpu.memory_space<hbm>> -> memref<4x128xi32, #tpu.memory_space<hbm>>
      %dma_wait3A_3297 = arith.constant 0 : i32
      %dma_wait3A_3298 = tpu.memref_slice %arg4[%mul3A_2, %dma_wait3A_3297] : memref<128x128xi32, #tpu.memory_space<hbm>> -> memref<4x128xi32, #tpu.memory_space<hbm>>
      tpu.wait_dma2 semaphore(%run_scoped3A : memref<!tpu.dma_semaphore, #tpu.memory_space<semaphore_mem>>) src(%dma_wait3A_3298 : memref<4x128xi32, #tpu.memory_space<hbm>>) dst(%arg18 : memref<4x128xi32, #tpu.memory_space<vmem>>)
      tpu.yield
    }) : () -> ()
    "tpu.region"() ({
      %run_scoped3A = tpu.sem_alloc : memref<!tpu.dma_semaphore, #tpu.memory_space<semaphore_mem>>
      %dma_start3A_3291 = arith.constant 0 : i32
      %dma_start3A_3292 = tpu.memref_slice %arg5[%mul3A_2, %dma_start3A_3291] : memref<128x128xf32, #tpu.memory_space<hbm>> -> memref<4x128xf32, #tpu.memory_space<hbm>>
      %dma_start3A_3293 = arith.constant 0 : i32
      %dma_start3A_3294 = tpu.memref_slice %arg5[%mul3A_2, %dma_start3A_3293] : memref<128x128xf32, #tpu.memory_space<hbm>> -> memref<4x128xf32, #tpu.memory_space<hbm>>
      tpu.enqueue_dma source(%dma_start3A_3294 : memref<4x128xf32, #tpu.memory_space<hbm>>) target(%arg19 : memref<4x128xf32, #tpu.memory_space<vmem>>) target_semaphore(%run_scoped3A : memref<!tpu.dma_semaphore, #tpu.memory_space<semaphore_mem>>)
      %dma_wait3A_3295 = arith.constant 0 : i32
      %dma_wait3A_3296 = tpu.memref_slice %arg5[%mul3A_2, %dma_wait3A_3295] : memref<128x128xf32, #tpu.memory_space<hbm>> -> memref<4x128xf32, #tpu.memory_space<hbm>>
      %dma_wait3A_3297 = arith.constant 0 : i32
      %dma_wait3A_3298 = tpu.memref_slice %arg5[%mul3A_2, %dma_wait3A_3297] : memref<128x128xf32, #tpu.memory_space<hbm>> -> memref<4x128xf32, #tpu.memory_space<hbm>>
      tpu.wait_dma2 semaphore(%run_scoped3A : memref<!tpu.dma_semaphore, #tpu.memory_space<semaphore_mem>>) src(%dma_wait3A_3298 : memref<4x128xf32, #tpu.memory_space<hbm>>) dst(%arg19 : memref<4x128xf32, #tpu.memory_space<vmem>>)
      tpu.yield
    }) : () -> ()
    "tpu.region"() ({
      %run_scoped3A = tpu.sem_alloc : memref<!tpu.dma_semaphore, #tpu.memory_space<semaphore_mem>>
      %dma_start3A_3291 = arith.constant 0 : i32
      %dma_start3A_3292 = tpu.memref_slice %arg6[%mul3A_2, %dma_start3A_3291] : memref<128x128xf32, #tpu.memory_space<hbm>> -> memref<4x128xf32, #tpu.memory_space<hbm>>
      %dma_start3A_3293 = arith.constant 0 : i32
      %dma_start3A_3294 = tpu.memref_slice %arg6[%mul3A_2, %dma_start3A_3293] : memref<128x128xf32, #tpu.memory_space<hbm>> -> memref<4x128xf32, #tpu.memory_space<hbm>>
      tpu.enqueue_dma source(%dma_start3A_3294 : memref<4x128xf32, #tpu.memory_space<hbm>>) target(%arg20 : memref<4x128xf32, #tpu.memory_space<vmem>>) target_semaphore(%run_scoped3A : memref<!tpu.dma_semaphore, #tpu.memory_space<semaphore_mem>>)
      %dma_wait3A_3295 = arith.constant 0 : i32
      %dma_wait3A_3296 = tpu.memref_slice %arg6[%mul3A_2, %dma_wait3A_3295] : memref<128x128xf32, #tpu.memory_space<hbm>> -> memref<4x128xf32, #tpu.memory_space<hbm>>
      %dma_wait3A_3297 = arith.constant 0 : i32
      %dma_wait3A_3298 = tpu.memref_slice %arg6[%mul3A_2, %dma_wait3A_3297] : memref<128x128xf32, #tpu.memory_space<hbm>> -> memref<4x128xf32, #tpu.memory_space<hbm>>
      tpu.wait_dma2 semaphore(%run_scoped3A : memref<!tpu.dma_semaphore, #tpu.memory_space<semaphore_mem>>) src(%dma_wait3A_3298 : memref<4x128xf32, #tpu.memory_space<hbm>>) dst(%arg20 : memref<4x128xf32, #tpu.memory_space<vmem>>)
      tpu.yield
    }) : () -> ()
    %get3A = arith.constant 0 : i32
    %get3A_3 = arith.index_cast %get3A : i32 to index
    %get3A_4 = arith.constant 0 : index
    %get3A_5 = tpu.vector_load %arg15[%get3A_3, %get3A_4] {strides = array<i32>} : memref<4x128xi32, #tpu.memory_space<vmem>>, vector<1x16xi32>,
    %get3A_6 = vector.shape_cast %get3A_5 : vector<1x16xi32> to vector<16xi32>
    %lt3A = arith.constant 2048 : i32
    %lt3A_7 = vector.broadcast %lt3A : i32 to vector<16xi32>
    %lt3A_8 = arith.cmpi slt, %get3A_6, %lt3A_7 : vector<16xi32>
    %jit3A = arith.constant 0 : i32
    %broadcast_in_dim3A = vector.broadcast %jit3A : i32 to vector<16xi32>
    %select_n3A = arith.select %lt3A_8, %get3A_6, %broadcast_in_dim3A : vector<16xi1>, vector<16xi32>
    %swap3A = arith.constant 0 : i32
    %swap3A_9 = arith.index_cast %swap3A : i32 to index
    %swap3A_10 = arith.constant 0 : index
    %swap3A_11 = tpu.vector_load %arg16[%swap3A_9, %swap3A_10] {strides = array<i32>} : memref<4x128xi32, #tpu.memory_space<vmem>>, vector<1x16xi32>,
    %swap3A_12 = vector.shape_cast %swap3A_11 : vector<1x16xi32> to vector<16xi32>
    %swap3A_13 = vector.shape_cast %select_n3A : vector<16xi32> to vector<1x16xi32>
    tpu.vector_store %arg16[%swap3A_9, %swap3A_10], %swap3A_13 {strides = array<i32>} : memref<4x128xi32, #tpu.memory_space<vmem>>, vector<1x16xi32>,
    %get3A_14 = arith.constant 0 : i32
    %get3A_15 = arith.index_cast %get3A_14 : i32 to index
    %get3A_16 = arith.constant 16 : index
    %get3A_17 = tpu.vector_load %arg15[%get3A_15, %get3A_16] {strides = array<i32>} : memref<4x128xi32, #tpu.memory_space<vmem>>, vector<1x16xi32>,
    %get3A_18 = vector.shape_cast %get3A_17 : vector<1x16xi32> to vector<16xi32>
    %lt3A_19 = arith.constant 2048 : i32
    %lt3A_20 = vector.broadcast %lt3A_19 : i32 to vector<16xi32>
    %lt3A_21 = arith.cmpi slt, %get3A_18, %lt3A_20 : vector<16xi32>
    %jit3A_22 = arith.constant 0 : i32
    %broadcast_in_dim3A_23 = vector.broadcast %jit3A_22 : i32 to vector<16xi32>
    %select_n3A_24 = arith.select %lt3A_21, %get3A_18, %broadcast_in_dim3A_23 : vector<16xi1>, vector<16xi32>
    %swap3A_25 = arith.constant 0 : i32
    %swap3A_26 = arith.index_cast %swap3A_25 : i32 to index
    %swap3A_27 = arith.constant 16 : index
    %swap3A_28 = tpu.vector_load %arg16[%swap3A_26, %swap3A_27] {strides = array<i32>} : memref<4x128xi32, #tpu.memory_space<vmem>>, vector<1x16xi32>,
    %swap3A_29 = vector.shape_cast %swap3A_28 : vector<1x16xi32> to vector<16xi32>
    %swap3A_30 = vector.shape_cast %select_n3A_24 : vector<16xi32> to vector<1x16xi32>
    tpu.vector_store %arg16[%swap3A_26, %swap3A_27], %swap3A_30 {strides = array<i32>} : memref<4x128xi32, #tpu.memory_space<vmem>>, vector<1x16xi32>,
    %get3A_31 = arith.constant 0 : i32
    %get3A_32 = arith.index_cast %get3A_31 : i32 to index
    %get3A_33 = arith.constant 32 : index
    %get3A_34 = tpu.vector_load %arg15[%get3A_32, %get3A_33] {strides = array<i32>} : memref<4x128xi32, #tpu.memory_space<vmem>>, vector<1x16xi32>,
    %get3A_35 = vector.shape_cast %get3A_34 : vector<1x16xi32> to vector<16xi32>
    %lt3A_36 = arith.constant 2048 : i32
    %lt3A_37 = vector.broadcast %lt3A_36 : i32 to vector<16xi32>
    %lt3A_38 = arith.cmpi slt, %get3A_35, %lt3A_37 : vector<16xi32>
    %jit3A_39 = arith.constant 0 : i32
    %broadcast_in_dim3A_40 = vector.broadcast %jit3A_39 : i32 to vector<16xi32>
    %select_n3A_41 = arith.select %lt3A_38, %get3A_35, %broadcast_in_dim3A_40 : vector<16xi1>, vector<16xi32>
    %swap3A_42 = arith.constant 0 : i32
    %swap3A_43 = arith.index_cast %swap3A_42 : i32 to index
    %swap3A_44 = arith.constant 32 : index
    %swap3A_45 = tpu.vector_load %arg16[%swap3A_43, %swap3A_44] {strides = array<i32>} : memref<4x128xi32, #tpu.memory_space<vmem>>, vector<1x16xi32>,
    %swap3A_46 = vector.shape_cast %swap3A_45 : vector<1x16xi32> to vector<16xi32>
    %swap3A_47 = vector.shape_cast %select_n3A_41 : vector<16xi32> to vector<1x16xi32>
    tpu.vector_store %arg16[%swap3A_43, %swap3A_44], %swap3A_47 {strides = array<i32>} : memref<4x128xi32, #tpu.memory_space<vmem>>, vector<1x16xi32>,
    %get3A_48 = arith.constant 0 : i32
    %get3A_49 = arith.index_cast %get3A_48 : i32 to index
    %get3A_50 = arith.constant 48 : index
    %get3A_51 = tpu.vector_load %arg15[%get3A_49, %get3A_50] {strides = array<i32>} : memref<4x128xi32, #tpu.memory_space<vmem>>, vector<1x16xi32>,
    %get3A_52 = vector.shape_cast %get3A_51 : vector<1x16xi32> to vector<16xi32>
    %lt3A_53 = arith.constant 2048 : i32
    %lt3A_54 = vector.broadcast %lt3A_53 : i32 to vector<16xi32>
    %lt3A_55 = arith.cmpi slt, %get3A_52, %lt3A_54 : vector<16xi32>
    %jit3A_56 = arith.constant 0 : i32
    %broadcast_in_dim3A_57 = vector.broadcast %jit3A_56 : i32 to vector<16xi32>
    %select_n3A_58 = arith.select %lt3A_55, %get3A_52, %broadcast_in_dim3A_57 : vector<16xi1>, vector<16xi32>
    %swap3A_59 = arith.constant 0 : i32
    %swap3A_60 = arith.index_cast %swap3A_59 : i32 to index
    %swap3A_61 = arith.constant 48 : index
    %swap3A_62 = tpu.vector_load %arg16[%swap3A_60, %swap3A_61] {strides = array<i32>} : memref<4x128xi32, #tpu.memory_space<vmem>>, vector<1x16xi32>,
    %swap3A_63 = vector.shape_cast %swap3A_62 : vector<1x16xi32> to vector<16xi32>
    %swap3A_64 = vector.shape_cast %select_n3A_58 : vector<16xi32> to vector<1x16xi32>
    tpu.vector_store %arg16[%swap3A_60, %swap3A_61], %swap3A_64 {strides = array<i32>} : memref<4x128xi32, #tpu.memory_space<vmem>>, vector<1x16xi32>,
    %get3A_65 = arith.constant 0 : i32
    %get3A_66 = arith.index_cast %get3A_65 : i32 to index
    %get3A_67 = arith.constant 64 : index
    %get3A_68 = tpu.vector_load %arg15[%get3A_66, %get3A_67] {strides = array<i32>} : memref<4x128xi32, #tpu.memory_space<vmem>>, vector<1x16xi32>,
    %get3A_69 = vector.shape_cast %get3A_68 : vector<1x16xi32> to vector<16xi32>
    %lt3A_70 = arith.constant 2048 : i32
    %lt3A_71 = vector.broadcast %lt3A_70 : i32 to vector<16xi32>
    %lt3A_72 = arith.cmpi slt, %get3A_69, %lt3A_71 : vector<16xi32>
    %jit3A_73 = arith.constant 0 : i32
    %broadcast_in_dim3A_74 = vector.broadcast %jit3A_73 : i32 to vector<16xi32>
    %select_n3A_75 = arith.select %lt3A_72, %get3A_69, %broadcast_in_dim3A_74 : vector<16xi1>, vector<16xi32>
    %swap3A_76 = arith.constant 0 : i32
    %swap3A_77 = arith.index_cast %swap3A_76 : i32 to index
    %swap3A_78 = arith.constant 64 : index
    %swap3A_79 = tpu.vector_load %arg16[%swap3A_77, %swap3A_78] {strides = array<i32>} : memref<4x128xi32, #tpu.memory_space<vmem>>, vector<1x16xi32>,
    %swap3A_80 = vector.shape_cast %swap3A_79 : vector<1x16xi32> to vector<16xi32>
    %swap3A_81 = vector.shape_cast %select_n3A_75 : vector<16xi32> to vector<1x16xi32>
    tpu.vector_store %arg16[%swap3A_77, %swap3A_78], %swap3A_81 {strides = array<i32>} : memref<4x128xi32, #tpu.memory_space<vmem>>, vector<1x16xi32>,
    %get3A_82 = arith.constant 0 : i32
    %get3A_83 = arith.index_cast %get3A_82 : i32 to index
    %get3A_84 = arith.constant 80 : index
    %get3A_85 = tpu.vector_load %arg15[%get3A_83, %get3A_84] {strides = array<i32>} : memref<4x128xi32, #tpu.memory_space<vmem>>, vector<1x16xi32>,
    %get3A_86 = vector.shape_cast %get3A_85 : vector<1x16xi32> to vector<16xi32>
    %lt3A_87 = arith.constant 2048 : i32
    %lt3A_88 = vector.broadcast %lt3A_87 : i32 to vector<16xi32>
    %lt3A_89 = arith.cmpi slt, %get3A_86, %lt3A_88 : vector<16xi32>
    %jit3A_90 = arith.constant 0 : i32
    %broadcast_in_dim3A_91 = vector.broadcast %jit3A_90 : i32 to vector<16xi32>
    %select_n3A_92 = arith.select %lt3A_89, %get3A_86, %broadcast_in_dim3A_91 : vector<16xi1>, vector<16xi32>
    %swap3A_93 = arith.constant 0 : i32
    %swap3A_94 = arith.index_cast %swap3A_93 : i32 to index
    %swap3A_95 = arith.constant 80 : index
    %swap3A_96 = tpu.vector_load %arg16[%swap3A_94, %swap3A_95] {strides = array<i32>} : memref<4x128xi32, #tpu.memory_space<vmem>>, vector<1x16xi32>,
    %swap3A_97 = vector.shape_cast %swap3A_96 : vector<1x16xi32> to vector<16xi32>
    %swap3A_98 = vector.shape_cast %select_n3A_92 : vector<16xi32> to vector<1x16xi32>
    tpu.vector_store %arg16[%swap3A_94, %swap3A_95], %swap3A_98 {strides = array<i32>} : memref<4x128xi32, #tpu.memory_space<vmem>>, vector<1x16xi32>,
    %get3A_99 = arith.constant 0 : i32
    %get3A_100 = arith.index_cast %get3A_99 : i32 to index
    %get3A_101 = arith.constant 96 : index
    %get3A_102 = tpu.vector_load %arg15[%get3A_100, %get3A_101] {strides = array<i32>} : memref<4x128xi32, #tpu.memory_space<vmem>>, vector<1x16xi32>,
    %get3A_103 = vector.shape_cast %get3A_102 : vector<1x16xi32> to vector<16xi32>
    %lt3A_104 = arith.constant 2048 : i32
    %lt3A_105 = vector.broadcast %lt3A_104 : i32 to vector<16xi32>
    %lt3A_106 = arith.cmpi slt, %get3A_103, %lt3A_105 : vector<16xi32>
    %jit3A_107 = arith.constant 0 : i32
    %broadcast_in_dim3A_108 = vector.broadcast %jit3A_107 : i32 to vector<16xi32>
    %select_n3A_109 = arith.select %lt3A_106, %get3A_103, %broadcast_in_dim3A_108 : vector<16xi1>, vector<16xi32>
    %swap3A_110 = arith.constant 0 : i32
    %swap3A_111 = arith.index_cast %swap3A_110 : i32 to index
    %swap3A_112 = arith.constant 96 : index
    %swap3A_113 = tpu.vector_load %arg16[%swap3A_111, %swap3A_112] {strides = array<i32>} : memref<4x128xi32, #tpu.memory_space<vmem>>, vector<1x16xi32>,
    %swap3A_114 = vector.shape_cast %swap3A_113 : vector<1x16xi32> to vector<16xi32>
    %swap3A_115 = vector.shape_cast %select_n3A_109 : vector<16xi32> to vector<1x16xi32>
    tpu.vector_store %arg16[%swap3A_111, %swap3A_112], %swap3A_115 {strides = array<i32>} : memref<4x128xi32, #tpu.memory_space<vmem>>, vector<1x16xi32>,
    %get3A_116 = arith.constant 0 : i32
    %get3A_117 = arith.index_cast %get3A_116 : i32 to index
    %get3A_118 = arith.constant 112 : index
    %get3A_119 = tpu.vector_load %arg15[%get3A_117, %get3A_118] {strides = array<i32>} : memref<4x128xi32, #tpu.memory_space<vmem>>, vector<1x16xi32>,
    %get3A_120 = vector.shape_cast %get3A_119 : vector<1x16xi32> to vector<16xi32>
    %lt3A_121 = arith.constant 2048 : i32
    %lt3A_122 = vector.broadcast %lt3A_121 : i32 to vector<16xi32>
    %lt3A_123 = arith.cmpi slt, %get3A_120, %lt3A_122 : vector<16xi32>
    %jit3A_124 = arith.constant 0 : i32
    %broadcast_in_dim3A_125 = vector.broadcast %jit3A_124 : i32 to vector<16xi32>
    %select_n3A_126 = arith.select %lt3A_123, %get3A_120, %broadcast_in_dim3A_125 : vector<16xi1>, vector<16xi32>
    %swap3A_127 = arith.constant 0 : i32
    %swap3A_128 = arith.index_cast %swap3A_127 : i32 to index
    %swap3A_129 = arith.constant 112 : index
    %swap3A_130 = tpu.vector_load %arg16[%swap3A_128, %swap3A_129] {strides = array<i32>} : memref<4x128xi32, #tpu.memory_space<vmem>>, vector<1x16xi32>,
    %swap3A_131 = vector.shape_cast %swap3A_130 : vector<1x16xi32> to vector<16xi32>
    %swap3A_132 = vector.shape_cast %select_n3A_126 : vector<16xi32> to vector<1x16xi32>
    tpu.vector_store %arg16[%swap3A_128, %swap3A_129], %swap3A_132 {strides = array<i32>} : memref<4x128xi32, #tpu.memory_space<vmem>>, vector<1x16xi32>,
    %get3A_133 = arith.constant 1 : i32
    %get3A_134 = arith.index_cast %get3A_133 : i32 to index
    %get3A_135 = arith.constant 0 : index
    %get3A_136 = tpu.vector_load %arg15[%get3A_134, %get3A_135] {strides = array<i32>} : memref<4x128xi32, #tpu.memory_space<vmem>>, vector<1x16xi32>,
    %get3A_137 = vector.shape_cast %get3A_136 : vector<1x16xi32> to vector<16xi32>
    %lt3A_138 = arith.constant 2048 : i32
    %lt3A_139 = vector.broadcast %lt3A_138 : i32 to vector<16xi32>
    %lt3A_140 = arith.cmpi slt, %get3A_137, %lt3A_139 : vector<16xi32>
    %jit3A_141 = arith.constant 0 : i32
    %broadcast_in_dim3A_142 = vector.broadcast %jit3A_141 : i32 to vector<16xi32>
    %select_n3A_143 = arith.select %lt3A_140, %get3A_137, %broadcast_in_dim3A_142 : vector<16xi1>, vector<16xi32>
    %swap3A_144 = arith.constant 1 : i32
    %swap3A_145 = arith.index_cast %swap3A_144 : i32 to index
    %swap3A_146 = arith.constant 0 : index
    %swap3A_147 = tpu.vector_load %arg16[%swap3A_145, %swap3A_146] {strides = array<i32>} : memref<4x128xi32, #tpu.memory_space<vmem>>, vector<1x16xi32>,
    %swap3A_148 = vector.shape_cast %swap3A_147 : vector<1x16xi32> to vector<16xi32>
    %swap3A_149 = vector.shape_cast %select_n3A_143 : vector<16xi32> to vector<1x16xi32>
    tpu.vector_store %arg16[%swap3A_145, %swap3A_146], %swap3A_149 {strides = array<i32>} : memref<4x128xi32, #tpu.memory_space<vmem>>, vector<1x16xi32>,
    %get3A_150 = arith.constant 1 : i32
    %get3A_151 = arith.index_cast %get3A_150 : i32 to index
    %get3A_152 = arith.constant 16 : index
    %get3A_153 = tpu.vector_load %arg15[%get3A_151, %get3A_152] {strides = array<i32>} : memref<4x128xi32, #tpu.memory_space<vmem>>, vector<1x16xi32>,
    %get3A_154 = vector.shape_cast %get3A_153 : vector<1x16xi32> to vector<16xi32>
    %lt3A_155 = arith.constant 2048 : i32
    %lt3A_156 = vector.broadcast %lt3A_155 : i32 to vector<16xi32>
    %lt3A_157 = arith.cmpi slt, %get3A_154, %lt3A_156 : vector<16xi32>
    %jit3A_158 = arith.constant 0 : i32
    %broadcast_in_dim3A_159 = vector.broadcast %jit3A_158 : i32 to vector<16xi32>
    %select_n3A_160 = arith.select %lt3A_157, %get3A_154, %broadcast_in_dim3A_159 : vector<16xi1>, vector<16xi32>
    %swap3A_161 = arith.constant 1 : i32
    %swap3A_162 = arith.index_cast %swap3A_161 : i32 to index
    %swap3A_163 = arith.constant 16 : index
    %swap3A_164 = tpu.vector_load %arg16[%swap3A_162, %swap3A_163] {strides = array<i32>} : memref<4x128xi32, #tpu.memory_space<vmem>>, vector<1x16xi32>,
    %swap3A_165 = vector.shape_cast %swap3A_164 : vector<1x16xi32> to vector<16xi32>
    %swap3A_166 = vector.shape_cast %select_n3A_160 : vector<16xi32> to vector<1x16xi32>
    tpu.vector_store %arg16[%swap3A_162, %swap3A_163], %swap3A_166 {strides = array<i32>} : memref<4x128xi32, #tpu.memory_space<vmem>>, vector<1x16xi32>,
    %get3A_167 = arith.constant 1 : i32
    %get3A_168 = arith.index_cast %get3A_167 : i32 to index
    %get3A_169 = arith.constant 32 : index
    %get3A_170 = tpu.vector_load %arg15[%get3A_168, %get3A_169] {strides = array<i32>} : memref<4x128xi32, #tpu.memory_space<vmem>>, vector<1x16xi32>,
    %get3A_171 = vector.shape_cast %get3A_170 : vector<1x16xi32> to vector<16xi32>
    %lt3A_172 = arith.constant 2048 : i32
    %lt3A_173 = vector.broadcast %lt3A_172 : i32 to vector<16xi32>
    %lt3A_174 = arith.cmpi slt, %get3A_171, %lt3A_173 : vector<16xi32>
    %jit3A_175 = arith.constant 0 : i32
    %broadcast_in_dim3A_176 = vector.broadcast %jit3A_175 : i32 to vector<16xi32>
    %select_n3A_177 = arith.select %lt3A_174, %get3A_171, %broadcast_in_dim3A_176 : vector<16xi1>, vector<16xi32>
    %swap3A_178 = arith.constant 1 : i32
    %swap3A_179 = arith.index_cast %swap3A_178 : i32 to index
    %swap3A_180 = arith.constant 32 : index
    %swap3A_181 = tpu.vector_load %arg16[%swap3A_179, %swap3A_180] {strides = array<i32>} : memref<4x128xi32, #tpu.memory_space<vmem>>, vector<1x16xi32>,
    %swap3A_182 = vector.shape_cast %swap3A_181 : vector<1x16xi32> to vector<16xi32>
    %swap3A_183 = vector.shape_cast %select_n3A_177 : vector<16xi32> to vector<1x16xi32>
    tpu.vector_store %arg16[%swap3A_179, %swap3A_180], %swap3A_183 {strides = array<i32>} : memref<4x128xi32, #tpu.memory_space<vmem>>, vector<1x16xi32>,
    %get3A_184 = arith.constant 1 : i32
    %get3A_185 = arith.index_cast %get3A_184 : i32 to index
    %get3A_186 = arith.constant 48 : index
    %get3A_187 = tpu.vector_load %arg15[%get3A_185, %get3A_186] {strides = array<i32>} : memref<4x128xi32, #tpu.memory_space<vmem>>, vector<1x16xi32>,
    %get3A_188 = vector.shape_cast %get3A_187 : vector<1x16xi32> to vector<16xi32>
    %lt3A_189 = arith.constant 2048 : i32
    %lt3A_190 = vector.broadcast %lt3A_189 : i32 to vector<16xi32>
    %lt3A_191 = arith.cmpi slt, %get3A_188, %lt3A_190 : vector<16xi32>
    %jit3A_192 = arith.constant 0 : i32
    %broadcast_in_dim3A_193 = vector.broadcast %jit3A_192 : i32 to vector<16xi32>
    %select_n3A_194 = arith.select %lt3A_191, %get3A_188, %broadcast_in_dim3A_193 : vector<16xi1>, vector<16xi32>
    %swap3A_195 = arith.constant 1 : i32
    %swap3A_196 = arith.index_cast %swap3A_195 : i32 to index
    %swap3A_197 = arith.constant 48 : index
    %swap3A_198 = tpu.vector_load %arg16[%swap3A_196, %swap3A_197] {strides = array<i32>} : memref<4x128xi32, #tpu.memory_space<vmem>>, vector<1x16xi32>,
    %swap3A_199 = vector.shape_cast %swap3A_198 : vector<1x16xi32> to vector<16xi32>
    %swap3A_200 = vector.shape_cast %select_n3A_194 : vector<16xi32> to vector<1x16xi32>
    tpu.vector_store %arg16[%swap3A_196, %swap3A_197], %swap3A_200 {strides = array<i32>} : memref<4x128xi32, #tpu.memory_space<vmem>>, vector<1x16xi32>,
    %get3A_201 = arith.constant 1 : i32
    %get3A_202 = arith.index_cast %get3A_201 : i32 to index
    %get3A_203 = arith.constant 64 : index
    %get3A_204 = tpu.vector_load %arg15[%get3A_202, %get3A_203] {strides = array<i32>} : memref<4x128xi32, #tpu.memory_space<vmem>>, vector<1x16xi32>,
    %get3A_205 = vector.shape_cast %get3A_204 : vector<1x16xi32> to vector<16xi32>
    %lt3A_206 = arith.constant 2048 : i32
    %lt3A_207 = vector.broadcast %lt3A_206 : i32 to vector<16xi32>
    %lt3A_208 = arith.cmpi slt, %get3A_205, %lt3A_207 : vector<16xi32>
    %jit3A_209 = arith.constant 0 : i32
    %broadcast_in_dim3A_210 = vector.broadcast %jit3A_209 : i32 to vector<16xi32>
    %select_n3A_211 = arith.select %lt3A_208, %get3A_205, %broadcast_in_dim3A_210 : vector<16xi1>, vector<16xi32>
    %swap3A_212 = arith.constant 1 : i32
    %swap3A_213 = arith.index_cast %swap3A_212 : i32 to index
    %swap3A_214 = arith.constant 64 : index
    %swap3A_215 = tpu.vector_load %arg16[%swap3A_213, %swap3A_214] {strides = array<i32>} : memref<4x128xi32, #tpu.memory_space<vmem>>, vector<1x16xi32>,
    %swap3A_216 = vector.shape_cast %swap3A_215 : vector<1x16xi32> to vector<16xi32>
    %swap3A_217 = vector.shape_cast %select_n3A_211 : vector<16xi32> to vector<1x16xi32>
    tpu.vector_store %arg16[%swap3A_213, %swap3A_214], %swap3A_217 {strides = array<i32>} : memref<4x128xi32, #tpu.memory_space<vmem>>, vector<1x16xi32>,
    %get3A_218 = arith.constant 1 : i32
    %get3A_219 = arith.index_cast %get3A_218 : i32 to index
    %get3A_220 = arith.constant 80 : index
    %get3A_221 = tpu.vector_load %arg15[%get3A_219, %get3A_220] {strides = array<i32>} : memref<4x128xi32, #tpu.memory_space<vmem>>, vector<1x16xi32>,
    %get3A_222 = vector.shape_cast %get3A_221 : vector<1x16xi32> to vector<16xi32>
    %lt3A_223 = arith.constant 2048 : i32
    %lt3A_224 = vector.broadcast %lt3A_223 : i32 to vector<16xi32>
    %lt3A_225 = arith.cmpi slt, %get3A_222, %lt3A_224 : vector<16xi32>
    %jit3A_226 = arith.constant 0 : i32
    %broadcast_in_dim3A_227 = vector.broadcast %jit3A_226 : i32 to vector<16xi32>
    %select_n3A_228 = arith.select %lt3A_225, %get3A_222, %broadcast_in_dim3A_227 : vector<16xi1>, vector<16xi32>
    %swap3A_229 = arith.constant 1 : i32
    %swap3A_230 = arith.index_cast %swap3A_229 : i32 to index
    %swap3A_231 = arith.constant 80 : index
    %swap3A_232 = tpu.vector_load %arg16[%swap3A_230, %swap3A_231] {strides = array<i32>} : memref<4x128xi32, #tpu.memory_space<vmem>>, vector<1x16xi32>,
    %swap3A_233 = vector.shape_cast %swap3A_232 : vector<1x16xi32> to vector<16xi32>
    %swap3A_234 = vector.shape_cast %select_n3A_228 : vector<16xi32> to vector<1x16xi32>
    tpu.vector_store %arg16[%swap3A_230, %swap3A_231], %swap3A_234 {strides = array<i32>} : memref<4x128xi32, #tpu.memory_space<vmem>>, vector<1x16xi32>,
    %get3A_235 = arith.constant 1 : i32
    %get3A_236 = arith.index_cast %get3A_235 : i32 to index
    %get3A_237 = arith.constant 96 : index
    %get3A_238 = tpu.vector_load %arg15[%get3A_236, %get3A_237] {strides = array<i32>} : memref<4x128xi32, #tpu.memory_space<vmem>>, vector<1x16xi32>,
    %get3A_239 = vector.shape_cast %get3A_238 : vector<1x16xi32> to vector<16xi32>
    %lt3A_240 = arith.constant 2048 : i32
    %lt3A_241 = vector.broadcast %lt3A_240 : i32 to vector<16xi32>
    %lt3A_242 = arith.cmpi slt, %get3A_239, %lt3A_241 : vector<16xi32>
    %jit3A_243 = arith.constant 0 : i32
    %broadcast_in_dim3A_244 = vector.broadcast %jit3A_243 : i32 to vector<16xi32>
    %select_n3A_245 = arith.select %lt3A_242, %get3A_239, %broadcast_in_dim3A_244 : vector<16xi1>, vector<16xi32>
    %swap3A_246 = arith.constant 1 : i32
    %swap3A_247 = arith.index_cast %swap3A_246 : i32 to index
    %swap3A_248 = arith.constant 96 : index
    %swap3A_249 = tpu.vector_load %arg16[%swap3A_247, %swap3A_248] {strides = array<i32>} : memref<4x128xi32, #tpu.memory_space<vmem>>, vector<1x16xi32>,
    %swap3A_250 = vector.shape_cast %swap3A_249 : vector<1x16xi32> to vector<16xi32>
    %swap3A_251 = vector.shape_cast %select_n3A_245 : vector<16xi32> to vector<1x16xi32>
    tpu.vector_store %arg16[%swap3A_247, %swap3A_248], %swap3A_251 {strides = array<i32>} : memref<4x128xi32, #tpu.memory_space<vmem>>, vector<1x16xi32>,
    %get3A_252 = arith.constant 1 : i32
    %get3A_253 = arith.index_cast %get3A_252 : i32 to index
    %get3A_254 = arith.constant 112 : index
    %get3A_255 = tpu.vector_load %arg15[%get3A_253, %get3A_254] {strides = array<i32>} : memref<4x128xi32, #tpu.memory_space<vmem>>, vector<1x16xi32>,
    %get3A_256 = vector.shape_cast %get3A_255 : vector<1x16xi32> to vector<16xi32>
    %lt3A_257 = arith.constant 2048 : i32
    %lt3A_258 = vector.broadcast %lt3A_257 : i32 to vector<16xi32>
    %lt3A_259 = arith.cmpi slt, %get3A_256, %lt3A_258 : vector<16xi32>
    %jit3A_260 = arith.constant 0 : i32
    %broadcast_in_dim3A_261 = vector.broadcast %jit3A_260 : i32 to vector<16xi32>
    %select_n3A_262 = arith.select %lt3A_259, %get3A_256, %broadcast_in_dim3A_261 : vector<16xi1>, vector<16xi32>
    %swap3A_263 = arith.constant 1 : i32
    %swap3A_264 = arith.index_cast %swap3A_263 : i32 to index
    %swap3A_265 = arith.constant 112 : index
    %swap3A_266 = tpu.vector_load %arg16[%swap3A_264, %swap3A_265] {strides = array<i32>} : memref<4x128xi32, #tpu.memory_space<vmem>>, vector<1x16xi32>,
    %swap3A_267 = vector.shape_cast %swap3A_266 : vector<1x16xi32> to vector<16xi32>
    %swap3A_268 = vector.shape_cast %select_n3A_262 : vector<16xi32> to vector<1x16xi32>
    tpu.vector_store %arg16[%swap3A_264, %swap3A_265], %swap3A_268 {strides = array<i32>} : memref<4x128xi32, #tpu.memory_space<vmem>>, vector<1x16xi32>,
    %get3A_269 = arith.constant 2 : i32
    %get3A_270 = arith.index_cast %get3A_269 : i32 to index
    %get3A_271 = arith.constant 0 : index
    %get3A_272 = tpu.vector_load %arg15[%get3A_270, %get3A_271] {strides = array<i32>} : memref<4x128xi32, #tpu.memory_space<vmem>>, vector<1x16xi32>,
    %get3A_273 = vector.shape_cast %get3A_272 : vector<1x16xi32> to vector<16xi32>
    %lt3A_274 = arith.constant 2048 : i32
    %lt3A_275 = vector.broadcast %lt3A_274 : i32 to vector<16xi32>
    %lt3A_276 = arith.cmpi slt, %get3A_273, %lt3A_275 : vector<16xi32>
    %jit3A_277 = arith.constant 0 : i32
    %broadcast_in_dim3A_278 = vector.broadcast %jit3A_277 : i32 to vector<16xi32>
    %select_n3A_279 = arith.select %lt3A_276, %get3A_273, %broadcast_in_dim3A_278 : vector<16xi1>, vector<16xi32>
    %swap3A_280 = arith.constant 2 : i32
    %swap3A_281 = arith.index_cast %swap3A_280 : i32 to index
    %swap3A_282 = arith.constant 0 : index
    %swap3A_283 = tpu.vector_load %arg16[%swap3A_281, %swap3A_282] {strides = array<i32>} : memref<4x128xi32, #tpu.memory_space<vmem>>, vector<1x16xi32>,
    %swap3A_284 = vector.shape_cast %swap3A_283 : vector<1x16xi32> to vector<16xi32>
    %swap3A_285 = vector.shape_cast %select_n3A_279 : vector<16xi32> to vector<1x16xi32>
    tpu.vector_store %arg16[%swap3A_281, %swap3A_282], %swap3A_285 {strides = array<i32>} : memref<4x128xi32, #tpu.memory_space<vmem>>, vector<1x16xi32>,
    %get3A_286 = arith.constant 2 : i32
    %get3A_287 = arith.index_cast %get3A_286 : i32 to index
    %get3A_288 = arith.constant 16 : index
    %get3A_289 = tpu.vector_load %arg15[%get3A_287, %get3A_288] {strides = array<i32>} : memref<4x128xi32, #tpu.memory_space<vmem>>, vector<1x16xi32>,
    %get3A_290 = vector.shape_cast %get3A_289 : vector<1x16xi32> to vector<16xi32>
    %lt3A_291 = arith.constant 2048 : i32
    %lt3A_292 = vector.broadcast %lt3A_291 : i32 to vector<16xi32>
    %lt3A_293 = arith.cmpi slt, %get3A_290, %lt3A_292 : vector<16xi32>
    %jit3A_294 = arith.constant 0 : i32
    %broadcast_in_dim3A_295 = vector.broadcast %jit3A_294 : i32 to vector<16xi32>
    %select_n3A_296 = arith.select %lt3A_293, %get3A_290, %broadcast_in_dim3A_295 : vector<16xi1>, vector<16xi32>
    %swap3A_297 = arith.constant 2 : i32
    %swap3A_298 = arith.index_cast %swap3A_297 : i32 to index
    %swap3A_299 = arith.constant 16 : index
    %swap3A_300 = tpu.vector_load %arg16[%swap3A_298, %swap3A_299] {strides = array<i32>} : memref<4x128xi32, #tpu.memory_space<vmem>>, vector<1x16xi32>,
    %swap3A_301 = vector.shape_cast %swap3A_300 : vector<1x16xi32> to vector<16xi32>
    %swap3A_302 = vector.shape_cast %select_n3A_296 : vector<16xi32> to vector<1x16xi32>
    tpu.vector_store %arg16[%swap3A_298, %swap3A_299], %swap3A_302 {strides = array<i32>} : memref<4x128xi32, #tpu.memory_space<vmem>>, vector<1x16xi32>,
    %get3A_303 = arith.constant 2 : i32
    %get3A_304 = arith.index_cast %get3A_303 : i32 to index
    %get3A_305 = arith.constant 32 : index
    %get3A_306 = tpu.vector_load %arg15[%get3A_304, %get3A_305] {strides = array<i32>} : memref<4x128xi32, #tpu.memory_space<vmem>>, vector<1x16xi32>,
    %get3A_307 = vector.shape_cast %get3A_306 : vector<1x16xi32> to vector<16xi32>
    %lt3A_308 = arith.constant 2048 : i32
    %lt3A_309 = vector.broadcast %lt3A_308 : i32 to vector<16xi32>
    %lt3A_310 = arith.cmpi slt, %get3A_307, %lt3A_309 : vector<16xi32>
    %jit3A_311 = arith.constant 0 : i32
    %broadcast_in_dim3A_312 = vector.broadcast %jit3A_311 : i32 to vector<16xi32>
    %select_n3A_313 = arith.select %lt3A_310, %get3A_307, %broadcast_in_dim3A_312 : vector<16xi1>, vector<16xi32>
    %swap3A_314 = arith.constant 2 : i32
    %swap3A_315 = arith.index_cast %swap3A_314 : i32 to index
    %swap3A_316 = arith.constant 32 : index
    %swap3A_317 = tpu.vector_load %arg16[%swap3A_315, %swap3A_316] {strides = array<i32>} : memref<4x128xi32, #tpu.memory_space<vmem>>, vector<1x16xi32>,
    %swap3A_318 = vector.shape_cast %swap3A_317 : vector<1x16xi32> to vector<16xi32>
    %swap3A_319 = vector.shape_cast %select_n3A_313 : vector<16xi32> to vector<1x16xi32>
    tpu.vector_store %arg16[%swap3A_315, %swap3A_316], %swap3A_319 {strides = array<i32>} : memref<4x128xi32, #tpu.memory_space<vmem>>, vector<1x16xi32>,
    %get3A_320 = arith.constant 2 : i32
    %get3A_321 = arith.index_cast %get3A_320 : i32 to index
    %get3A_322 = arith.constant 48 : index
    %get3A_323 = tpu.vector_load %arg15[%get3A_321, %get3A_322] {strides = array<i32>} : memref<4x128xi32, #tpu.memory_space<vmem>>, vector<1x16xi32>,
    %get3A_324 = vector.shape_cast %get3A_323 : vector<1x16xi32> to vector<16xi32>
    %lt3A_325 = arith.constant 2048 : i32
    %lt3A_326 = vector.broadcast %lt3A_325 : i32 to vector<16xi32>
    %lt3A_327 = arith.cmpi slt, %get3A_324, %lt3A_326 : vector<16xi32>
    %jit3A_328 = arith.constant 0 : i32
    %broadcast_in_dim3A_329 = vector.broadcast %jit3A_328 : i32 to vector<16xi32>
    %select_n3A_330 = arith.select %lt3A_327, %get3A_324, %broadcast_in_dim3A_329 : vector<16xi1>, vector<16xi32>
    %swap3A_331 = arith.constant 2 : i32
    %swap3A_332 = arith.index_cast %swap3A_331 : i32 to index
    %swap3A_333 = arith.constant 48 : index
    %swap3A_334 = tpu.vector_load %arg16[%swap3A_332, %swap3A_333] {strides = array<i32>} : memref<4x128xi32, #tpu.memory_space<vmem>>, vector<1x16xi32>,
    %swap3A_335 = vector.shape_cast %swap3A_334 : vector<1x16xi32> to vector<16xi32>
    %swap3A_336 = vector.shape_cast %select_n3A_330 : vector<16xi32> to vector<1x16xi32>
    tpu.vector_store %arg16[%swap3A_332, %swap3A_333], %swap3A_336 {strides = array<i32>} : memref<4x128xi32, #tpu.memory_space<vmem>>, vector<1x16xi32>,
    %get3A_337 = arith.constant 2 : i32
    %get3A_338 = arith.index_cast %get3A_337 : i32 to index
    %get3A_339 = arith.constant 64 : index
    %get3A_340 = tpu.vector_load %arg15[%get3A_338, %get3A_339] {strides = array<i32>} : memref<4x128xi32, #tpu.memory_space<vmem>>, vector<1x16xi32>,
    %get3A_341 = vector.shape_cast %get3A_340 : vector<1x16xi32> to vector<16xi32>
    %lt3A_342 = arith.constant 2048 : i32
    %lt3A_343 = vector.broadcast %lt3A_342 : i32 to vector<16xi32>
    %lt3A_344 = arith.cmpi slt, %get3A_341, %lt3A_343 : vector<16xi32>
    %jit3A_345 = arith.constant 0 : i32
    %broadcast_in_dim3A_346 = vector.broadcast %jit3A_345 : i32 to vector<16xi32>
    %select_n3A_347 = arith.select %lt3A_344, %get3A_341, %broadcast_in_dim3A_346 : vector<16xi1>, vector<16xi32>
    %swap3A_348 = arith.constant 2 : i32
    %swap3A_349 = arith.index_cast %swap3A_348 : i32 to index
    %swap3A_350 = arith.constant 64 : index
    %swap3A_351 = tpu.vector_load %arg16[%swap3A_349, %swap3A_350] {strides = array<i32>} : memref<4x128xi32, #tpu.memory_space<vmem>>, vector<1x16xi32>,
    %swap3A_352 = vector.shape_cast %swap3A_351 : vector<1x16xi32> to vector<16xi32>
    %swap3A_353 = vector.shape_cast %select_n3A_347 : vector<16xi32> to vector<1x16xi32>
    tpu.vector_store %arg16[%swap3A_349, %swap3A_350], %swap3A_353 {strides = array<i32>} : memref<4x128xi32, #tpu.memory_space<vmem>>, vector<1x16xi32>,
    %get3A_354 = arith.constant 2 : i32
    %get3A_355 = arith.index_cast %get3A_354 : i32 to index
    %get3A_356 = arith.constant 80 : index
    %get3A_357 = tpu.vector_load %arg15[%get3A_355, %get3A_356] {strides = array<i32>} : memref<4x128xi32, #tpu.memory_space<vmem>>, vector<1x16xi32>,
    %get3A_358 = vector.shape_cast %get3A_357 : vector<1x16xi32> to vector<16xi32>
    %lt3A_359 = arith.constant 2048 : i32
    %lt3A_360 = vector.broadcast %lt3A_359 : i32 to vector<16xi32>
    %lt3A_361 = arith.cmpi slt, %get3A_358, %lt3A_360 : vector<16xi32>
    %jit3A_362 = arith.constant 0 : i32
    %broadcast_in_dim3A_363 = vector.broadcast %jit3A_362 : i32 to vector<16xi32>
    %select_n3A_364 = arith.select %lt3A_361, %get3A_358, %broadcast_in_dim3A_363 : vector<16xi1>, vector<16xi32>
    %swap3A_365 = arith.constant 2 : i32
    %swap3A_366 = arith.index_cast %swap3A_365 : i32 to index
    %swap3A_367 = arith.constant 80 : index
    %swap3A_368 = tpu.vector_load %arg16[%swap3A_366, %swap3A_367] {strides = array<i32>} : memref<4x128xi32, #tpu.memory_space<vmem>>, vector<1x16xi32>,
    %swap3A_369 = vector.shape_cast %swap3A_368 : vector<1x16xi32> to vector<16xi32>
    %swap3A_370 = vector.shape_cast %select_n3A_364 : vector<16xi32> to vector<1x16xi32>
    tpu.vector_store %arg16[%swap3A_366, %swap3A_367], %swap3A_370 {strides = array<i32>} : memref<4x128xi32, #tpu.memory_space<vmem>>, vector<1x16xi32>,
    %get3A_371 = arith.constant 2 : i32
    %get3A_372 = arith.index_cast %get3A_371 : i32 to index
    %get3A_373 = arith.constant 96 : index
    %get3A_374 = tpu.vector_load %arg15[%get3A_372, %get3A_373] {strides = array<i32>} : memref<4x128xi32, #tpu.memory_space<vmem>>, vector<1x16xi32>,
    %get3A_375 = vector.shape_cast %get3A_374 : vector<1x16xi32> to vector<16xi32>
    %lt3A_376 = arith.constant 2048 : i32
    %lt3A_377 = vector.broadcast %lt3A_376 : i32 to vector<16xi32>
    %lt3A_378 = arith.cmpi slt, %get3A_375, %lt3A_377 : vector<16xi32>
    %jit3A_379 = arith.constant 0 : i32
    %broadcast_in_dim3A_380 = vector.broadcast %jit3A_379 : i32 to vector<16xi32>
    %select_n3A_381 = arith.select %lt3A_378, %get3A_375, %broadcast_in_dim3A_380 : vector<16xi1>, vector<16xi32>
    %swap3A_382 = arith.constant 2 : i32
    %swap3A_383 = arith.index_cast %swap3A_382 : i32 to index
    %swap3A_384 = arith.constant 96 : index
    %swap3A_385 = tpu.vector_load %arg16[%swap3A_383, %swap3A_384] {strides = array<i32>} : memref<4x128xi32, #tpu.memory_space<vmem>>, vector<1x16xi32>,
    %swap3A_386 = vector.shape_cast %swap3A_385 : vector<1x16xi32> to vector<16xi32>
    %swap3A_387 = vector.shape_cast %select_n3A_381 : vector<16xi32> to vector<1x16xi32>
    tpu.vector_store %arg16[%swap3A_383, %swap3A_384], %swap3A_387 {strides = array<i32>} : memref<4x128xi32, #tpu.memory_space<vmem>>, vector<1x16xi32>,
    %get3A_388 = arith.constant 2 : i32
    %get3A_389 = arith.index_cast %get3A_388 : i32 to index
    %get3A_390 = arith.constant 112 : index
    %get3A_391 = tpu.vector_load %arg15[%get3A_389, %get3A_390] {strides = array<i32>} : memref<4x128xi32, #tpu.memory_space<vmem>>, vector<1x16xi32>,
    %get3A_392 = vector.shape_cast %get3A_391 : vector<1x16xi32> to vector<16xi32>
    %lt3A_393 = arith.constant 2048 : i32
    %lt3A_394 = vector.broadcast %lt3A_393 : i32 to vector<16xi32>
    %lt3A_395 = arith.cmpi slt, %get3A_392, %lt3A_394 : vector<16xi32>
    %jit3A_396 = arith.constant 0 : i32
    %broadcast_in_dim3A_397 = vector.broadcast %jit3A_396 : i32 to vector<16xi32>
    %select_n3A_398 = arith.select %lt3A_395, %get3A_392, %broadcast_in_dim3A_397 : vector<16xi1>, vector<16xi32>
    %swap3A_399 = arith.constant 2 : i32
    %swap3A_400 = arith.index_cast %swap3A_399 : i32 to index
    %swap3A_401 = arith.constant 112 : index
    %swap3A_402 = tpu.vector_load %arg16[%swap3A_400, %swap3A_401] {strides = array<i32>} : memref<4x128xi32, #tpu.memory_space<vmem>>, vector<1x16xi32>,
    %swap3A_403 = vector.shape_cast %swap3A_402 : vector<1x16xi32> to vector<16xi32>
    %swap3A_404 = vector.shape_cast %select_n3A_398 : vector<16xi32> to vector<1x16xi32>
    tpu.vector_store %arg16[%swap3A_400, %swap3A_401], %swap3A_404 {strides = array<i32>} : memref<4x128xi32, #tpu.memory_space<vmem>>, vector<1x16xi32>,
    %get3A_405 = arith.constant 3 : i32
    %get3A_406 = arith.index_cast %get3A_405 : i32 to index
    %get3A_407 = arith.constant 0 : index
    %get3A_408 = tpu.vector_load %arg15[%get3A_406, %get3A_407] {strides = array<i32>} : memref<4x128xi32, #tpu.memory_space<vmem>>, vector<1x16xi32>,
    %get3A_409 = vector.shape_cast %get3A_408 : vector<1x16xi32> to vector<16xi32>
    %lt3A_410 = arith.constant 2048 : i32
    %lt3A_411 = vector.broadcast %lt3A_410 : i32 to vector<16xi32>
    %lt3A_412 = arith.cmpi slt, %get3A_409, %lt3A_411 : vector<16xi32>
    %jit3A_413 = arith.constant 0 : i32
    %broadcast_in_dim3A_414 = vector.broadcast %jit3A_413 : i32 to vector<16xi32>
    %select_n3A_415 = arith.select %lt3A_412, %get3A_409, %broadcast_in_dim3A_414 : vector<16xi1>, vector<16xi32>
    %swap3A_416 = arith.constant 3 : i32
    %swap3A_417 = arith.index_cast %swap3A_416 : i32 to index
    %swap3A_418 = arith.constant 0 : index
    %swap3A_419 = tpu.vector_load %arg16[%swap3A_417, %swap3A_418] {strides = array<i32>} : memref<4x128xi32, #tpu.memory_space<vmem>>, vector<1x16xi32>,
    %swap3A_420 = vector.shape_cast %swap3A_419 : vector<1x16xi32> to vector<16xi32>
    %swap3A_421 = vector.shape_cast %select_n3A_415 : vector<16xi32> to vector<1x16xi32>
    tpu.vector_store %arg16[%swap3A_417, %swap3A_418], %swap3A_421 {strides = array<i32>} : memref<4x128xi32, #tpu.memory_space<vmem>>, vector<1x16xi32>,
    %get3A_422 = arith.constant 3 : i32
    %get3A_423 = arith.index_cast %get3A_422 : i32 to index
    %get3A_424 = arith.constant 16 : index
    %get3A_425 = tpu.vector_load %arg15[%get3A_423, %get3A_424] {strides = array<i32>} : memref<4x128xi32, #tpu.memory_space<vmem>>, vector<1x16xi32>,
    %get3A_426 = vector.shape_cast %get3A_425 : vector<1x16xi32> to vector<16xi32>
    %lt3A_427 = arith.constant 2048 : i32
    %lt3A_428 = vector.broadcast %lt3A_427 : i32 to vector<16xi32>
    %lt3A_429 = arith.cmpi slt, %get3A_426, %lt3A_428 : vector<16xi32>
    %jit3A_430 = arith.constant 0 : i32
    %broadcast_in_dim3A_431 = vector.broadcast %jit3A_430 : i32 to vector<16xi32>
    %select_n3A_432 = arith.select %lt3A_429, %get3A_426, %broadcast_in_dim3A_431 : vector<16xi1>, vector<16xi32>
    %swap3A_433 = arith.constant 3 : i32
    %swap3A_434 = arith.index_cast %swap3A_433 : i32 to index
    %swap3A_435 = arith.constant 16 : index
    %swap3A_436 = tpu.vector_load %arg16[%swap3A_434, %swap3A_435] {strides = array<i32>} : memref<4x128xi32, #tpu.memory_space<vmem>>, vector<1x16xi32>,
    %swap3A_437 = vector.shape_cast %swap3A_436 : vector<1x16xi32> to vector<16xi32>
    %swap3A_438 = vector.shape_cast %select_n3A_432 : vector<16xi32> to vector<1x16xi32>
    tpu.vector_store %arg16[%swap3A_434, %swap3A_435], %swap3A_438 {strides = array<i32>} : memref<4x128xi32, #tpu.memory_space<vmem>>, vector<1x16xi32>,
    %get3A_439 = arith.constant 3 : i32
    %get3A_440 = arith.index_cast %get3A_439 : i32 to index
    %get3A_441 = arith.constant 32 : index
    %get3A_442 = tpu.vector_load %arg15[%get3A_440, %get3A_441] {strides = array<i32>} : memref<4x128xi32, #tpu.memory_space<vmem>>, vector<1x16xi32>,
    %get3A_443 = vector.shape_cast %get3A_442 : vector<1x16xi32> to vector<16xi32>
    %lt3A_444 = arith.constant 2048 : i32
    %lt3A_445 = vector.broadcast %lt3A_444 : i32 to vector<16xi32>
    %lt3A_446 = arith.cmpi slt, %get3A_443, %lt3A_445 : vector<16xi32>
    %jit3A_447 = arith.constant 0 : i32
    %broadcast_in_dim3A_448 = vector.broadcast %jit3A_447 : i32 to vector<16xi32>
    %select_n3A_449 = arith.select %lt3A_446, %get3A_443, %broadcast_in_dim3A_448 : vector<16xi1>, vector<16xi32>
    %swap3A_450 = arith.constant 3 : i32
    %swap3A_451 = arith.index_cast %swap3A_450 : i32 to index
    %swap3A_452 = arith.constant 32 : index
    %swap3A_453 = tpu.vector_load %arg16[%swap3A_451, %swap3A_452] {strides = array<i32>} : memref<4x128xi32, #tpu.memory_space<vmem>>, vector<1x16xi32>,
    %swap3A_454 = vector.shape_cast %swap3A_453 : vector<1x16xi32> to vector<16xi32>
    %swap3A_455 = vector.shape_cast %select_n3A_449 : vector<16xi32> to vector<1x16xi32>
    tpu.vector_store %arg16[%swap3A_451, %swap3A_452], %swap3A_455 {strides = array<i32>} : memref<4x128xi32, #tpu.memory_space<vmem>>, vector<1x16xi32>,
    %get3A_456 = arith.constant 3 : i32
    %get3A_457 = arith.index_cast %get3A_456 : i32 to index
    %get3A_458 = arith.constant 48 : index
    %get3A_459 = tpu.vector_load %arg15[%get3A_457, %get3A_458] {strides = array<i32>} : memref<4x128xi32, #tpu.memory_space<vmem>>, vector<1x16xi32>,
    %get3A_460 = vector.shape_cast %get3A_459 : vector<1x16xi32> to vector<16xi32>
    %lt3A_461 = arith.constant 2048 : i32
    %lt3A_462 = vector.broadcast %lt3A_461 : i32 to vector<16xi32>
    %lt3A_463 = arith.cmpi slt, %get3A_460, %lt3A_462 : vector<16xi32>
    %jit3A_464 = arith.constant 0 : i32
    %broadcast_in_dim3A_465 = vector.broadcast %jit3A_464 : i32 to vector<16xi32>
    %select_n3A_466 = arith.select %lt3A_463, %get3A_460, %broadcast_in_dim3A_465 : vector<16xi1>, vector<16xi32>
    %swap3A_467 = arith.constant 3 : i32
    %swap3A_468 = arith.index_cast %swap3A_467 : i32 to index
    %swap3A_469 = arith.constant 48 : index
    %swap3A_470 = tpu.vector_load %arg16[%swap3A_468, %swap3A_469] {strides = array<i32>} : memref<4x128xi32, #tpu.memory_space<vmem>>, vector<1x16xi32>,
    %swap3A_471 = vector.shape_cast %swap3A_470 : vector<1x16xi32> to vector<16xi32>
    %swap3A_472 = vector.shape_cast %select_n3A_466 : vector<16xi32> to vector<1x16xi32>
    tpu.vector_store %arg16[%swap3A_468, %swap3A_469], %swap3A_472 {strides = array<i32>} : memref<4x128xi32, #tpu.memory_space<vmem>>, vector<1x16xi32>,
    %get3A_473 = arith.constant 3 : i32
    %get3A_474 = arith.index_cast %get3A_473 : i32 to index
    %get3A_475 = arith.constant 64 : index
    %get3A_476 = tpu.vector_load %arg15[%get3A_474, %get3A_475] {strides = array<i32>} : memref<4x128xi32, #tpu.memory_space<vmem>>, vector<1x16xi32>,
    %get3A_477 = vector.shape_cast %get3A_476 : vector<1x16xi32> to vector<16xi32>
    %lt3A_478 = arith.constant 2048 : i32
    %lt3A_479 = vector.broadcast %lt3A_478 : i32 to vector<16xi32>
    %lt3A_480 = arith.cmpi slt, %get3A_477, %lt3A_479 : vector<16xi32>
    %jit3A_481 = arith.constant 0 : i32
    %broadcast_in_dim3A_482 = vector.broadcast %jit3A_481 : i32 to vector<16xi32>
    %select_n3A_483 = arith.select %lt3A_480, %get3A_477, %broadcast_in_dim3A_482 : vector<16xi1>, vector<16xi32>
    %swap3A_484 = arith.constant 3 : i32
    %swap3A_485 = arith.index_cast %swap3A_484 : i32 to index
    %swap3A_486 = arith.constant 64 : index
    %swap3A_487 = tpu.vector_load %arg16[%swap3A_485, %swap3A_486] {strides = array<i32>} : memref<4x128xi32, #tpu.memory_space<vmem>>, vector<1x16xi32>,
    %swap3A_488 = vector.shape_cast %swap3A_487 : vector<1x16xi32> to vector<16xi32>
    %swap3A_489 = vector.shape_cast %select_n3A_483 : vector<16xi32> to vector<1x16xi32>
    tpu.vector_store %arg16[%swap3A_485, %swap3A_486], %swap3A_489 {strides = array<i32>} : memref<4x128xi32, #tpu.memory_space<vmem>>, vector<1x16xi32>,
    %get3A_490 = arith.constant 3 : i32
    %get3A_491 = arith.index_cast %get3A_490 : i32 to index
    %get3A_492 = arith.constant 80 : index
    %get3A_493 = tpu.vector_load %arg15[%get3A_491, %get3A_492] {strides = array<i32>} : memref<4x128xi32, #tpu.memory_space<vmem>>, vector<1x16xi32>,
    %get3A_494 = vector.shape_cast %get3A_493 : vector<1x16xi32> to vector<16xi32>
    %lt3A_495 = arith.constant 2048 : i32
    %lt3A_496 = vector.broadcast %lt3A_495 : i32 to vector<16xi32>
    %lt3A_497 = arith.cmpi slt, %get3A_494, %lt3A_496 : vector<16xi32>
    %jit3A_498 = arith.constant 0 : i32
    %broadcast_in_dim3A_499 = vector.broadcast %jit3A_498 : i32 to vector<16xi32>
    %select_n3A_500 = arith.select %lt3A_497, %get3A_494, %broadcast_in_dim3A_499 : vector<16xi1>, vector<16xi32>
    %swap3A_501 = arith.constant 3 : i32
    %swap3A_502 = arith.index_cast %swap3A_501 : i32 to index
    %swap3A_503 = arith.constant 80 : index
    %swap3A_504 = tpu.vector_load %arg16[%swap3A_502, %swap3A_503] {strides = array<i32>} : memref<4x128xi32, #tpu.memory_space<vmem>>, vector<1x16xi32>,
    %swap3A_505 = vector.shape_cast %swap3A_504 : vector<1x16xi32> to vector<16xi32>
    %swap3A_506 = vector.shape_cast %select_n3A_500 : vector<16xi32> to vector<1x16xi32>
    tpu.vector_store %arg16[%swap3A_502, %swap3A_503], %swap3A_506 {strides = array<i32>} : memref<4x128xi32, #tpu.memory_space<vmem>>, vector<1x16xi32>,
    %get3A_507 = arith.constant 3 : i32
    %get3A_508 = arith.index_cast %get3A_507 : i32 to index
    %get3A_509 = arith.constant 96 : index
    %get3A_510 = tpu.vector_load %arg15[%get3A_508, %get3A_509] {strides = array<i32>} : memref<4x128xi32, #tpu.memory_space<vmem>>, vector<1x16xi32>,
    %get3A_511 = vector.shape_cast %get3A_510 : vector<1x16xi32> to vector<16xi32>
    %lt3A_512 = arith.constant 2048 : i32
    %lt3A_513 = vector.broadcast %lt3A_512 : i32 to vector<16xi32>
    %lt3A_514 = arith.cmpi slt, %get3A_511, %lt3A_513 : vector<16xi32>
    %jit3A_515 = arith.constant 0 : i32
    %broadcast_in_dim3A_516 = vector.broadcast %jit3A_515 : i32 to vector<16xi32>
    %select_n3A_517 = arith.select %lt3A_514, %get3A_511, %broadcast_in_dim3A_516 : vector<16xi1>, vector<16xi32>
    %swap3A_518 = arith.constant 3 : i32
    %swap3A_519 = arith.index_cast %swap3A_518 : i32 to index
    %swap3A_520 = arith.constant 96 : index
    %swap3A_521 = tpu.vector_load %arg16[%swap3A_519, %swap3A_520] {strides = array<i32>} : memref<4x128xi32, #tpu.memory_space<vmem>>, vector<1x16xi32>,
    %swap3A_522 = vector.shape_cast %swap3A_521 : vector<1x16xi32> to vector<16xi32>
    %swap3A_523 = vector.shape_cast %select_n3A_517 : vector<16xi32> to vector<1x16xi32>
    tpu.vector_store %arg16[%swap3A_519, %swap3A_520], %swap3A_523 {strides = array<i32>} : memref<4x128xi32, #tpu.memory_space<vmem>>, vector<1x16xi32>,
    %get3A_524 = arith.constant 3 : i32
    %get3A_525 = arith.index_cast %get3A_524 : i32 to index
    %get3A_526 = arith.constant 112 : index
    %get3A_527 = tpu.vector_load %arg15[%get3A_525, %get3A_526] {strides = array<i32>} : memref<4x128xi32, #tpu.memory_space<vmem>>, vector<1x16xi32>,
    %get3A_528 = vector.shape_cast %get3A_527 : vector<1x16xi32> to vector<16xi32>
    %lt3A_529 = arith.constant 2048 : i32
    %lt3A_530 = vector.broadcast %lt3A_529 : i32 to vector<16xi32>
    %lt3A_531 = arith.cmpi slt, %get3A_528, %lt3A_530 : vector<16xi32>
    %jit3A_532 = arith.constant 0 : i32
    %broadcast_in_dim3A_533 = vector.broadcast %jit3A_532 : i32 to vector<16xi32>
    %select_n3A_534 = arith.select %lt3A_531, %get3A_528, %broadcast_in_dim3A_533 : vector<16xi1>, vector<16xi32>
    %swap3A_535 = arith.constant 3 : i32
    %swap3A_536 = arith.index_cast %swap3A_535 : i32 to index
    %swap3A_537 = arith.constant 112 : index
    %swap3A_538 = tpu.vector_load %arg16[%swap3A_536, %swap3A_537] {strides = array<i32>} : memref<4x128xi32, #tpu.memory_space<vmem>>, vector<1x16xi32>,
    %swap3A_539 = vector.shape_cast %swap3A_538 : vector<1x16xi32> to vector<16xi32>
    %swap3A_540 = vector.shape_cast %select_n3A_534 : vector<16xi32> to vector<1x16xi32>
    tpu.vector_store %arg16[%swap3A_536, %swap3A_537], %swap3A_540 {strides = array<i32>} : memref<4x128xi32, #tpu.memory_space<vmem>>, vector<1x16xi32>,
    %dma_start3A = arith.constant 0 : i32
    %dma_start3A_541 = arith.constant 0 : i32
    %dma_start3A_542 = arith.constant 0 : i32
    %dma_start3A_543 = tpu.memref_slice %arg21[%dma_start3A_541, %dma_start3A_542] : memref<4x128xi32, #tpu.memory_space<vmem>> -> memref<1x128xi32, #tpu.memory_space<vmem>>
    %dma_start3A_544 = tpu.memref_squeeze %dma_start3A_543 : memref<1x128xi32, #tpu.memory_space<vmem>> -> memref<128xi32, #tpu.memory_space<vmem>>
    %dma_start3A_545 = arith.constant 0 : i32
    %dma_start3A_546 = tpu.memref_slice %arg16[%dma_start3A, %dma_start3A_545] : memref<4x128xi32, #tpu.memory_space<vmem>> -> memref<1x128xi32, #tpu.memory_space<vmem>>
    %dma_start3A_547 = tpu.memref_squeeze %dma_start3A_546 : memref<1x128xi32, #tpu.memory_space<vmem>> -> memref<128xi32, #tpu.memory_space<vmem>>
    %dma_start3A_548 = arith.constant 0 : i32
    %dma_start3A_549 = tpu.memref_slice %arg7[%dma_start3A_548] : memref<2048xi32, #tpu.memory_space<hbm>> -> memref<2048xi32, #tpu.memory_space<hbm>>
    tpu.enqueue_indirect_dma source(%dma_start3A_549 : memref<2048xi32, #tpu.memory_space<hbm>>) target(%dma_start3A_544 : memref<128xi32, #tpu.memory_space<vmem>>) offsets(%dma_start3A_547 : memref<128xi32, #tpu.memory_space<vmem>>) semaphore(%arg25 : memref<!tpu.dma_semaphore, #tpu.memory_space<semaphore_mem>>)
    %dma_start3A_550 = arith.constant 0 : i32
    %dma_start3A_551 = arith.constant 0 : i32
    %dma_start3A_552 = arith.constant 0 : i32
    %dma_start3A_553 = tpu.memref_slice %arg22[%dma_start3A_551, %dma_start3A_552] : memref<4x128xi32, #tpu.memory_space<vmem>> -> memref<1x128xi32, #tpu.memory_space<vmem>>
    %dma_start3A_554 = tpu.memref_squeeze %dma_start3A_553 : memref<1x128xi32, #tpu.memory_space<vmem>> -> memref<128xi32, #tpu.memory_space<vmem>>
    %dma_start3A_555 = arith.constant 0 : i32
    %dma_start3A_556 = tpu.memref_slice %arg16[%dma_start3A_550, %dma_start3A_555] : memref<4x128xi32, #tpu.memory_space<vmem>> -> memref<1x128xi32, #tpu.memory_space<vmem>>
    %dma_start3A_557 = tpu.memref_squeeze %dma_start3A_556 : memref<1x128xi32, #tpu.memory_space<vmem>> -> memref<128xi32, #tpu.memory_space<vmem>>
    %dma_start3A_558 = arith.constant 0 : i32
    %dma_start3A_559 = tpu.memref_slice %arg8[%dma_start3A_558] : memref<2048xi32, #tpu.memory_space<hbm>> -> memref<2048xi32, #tpu.memory_space<hbm>>
    tpu.enqueue_indirect_dma source(%dma_start3A_559 : memref<2048xi32, #tpu.memory_space<hbm>>) target(%dma_start3A_554 : memref<128xi32, #tpu.memory_space<vmem>>) offsets(%dma_start3A_557 : memref<128xi32, #tpu.memory_space<vmem>>) semaphore(%arg25 : memref<!tpu.dma_semaphore, #tpu.memory_space<semaphore_mem>>)
    %dma_start3A_560 = arith.constant 0 : i32
    %dma_start3A_561 = arith.constant 0 : i32
    %dma_start3A_562 = arith.constant 0 : i32
    %dma_start3A_563 = tpu.memref_slice %arg23[%dma_start3A_561, %dma_start3A_562] : memref<4x128xf32, #tpu.memory_space<vmem>> -> memref<1x128xf32, #tpu.memory_space<vmem>>
    %dma_start3A_564 = tpu.memref_squeeze %dma_start3A_563 : memref<1x128xf32, #tpu.memory_space<vmem>> -> memref<128xf32, #tpu.memory_space<vmem>>
    %dma_start3A_565 = arith.constant 0 : i32
    %dma_start3A_566 = tpu.memref_slice %arg16[%dma_start3A_560, %dma_start3A_565] : memref<4x128xi32, #tpu.memory_space<vmem>> -> memref<1x128xi32, #tpu.memory_space<vmem>>
    %dma_start3A_567 = tpu.memref_squeeze %dma_start3A_566 : memref<1x128xi32, #tpu.memory_space<vmem>> -> memref<128xi32, #tpu.memory_space<vmem>>
    %dma_start3A_568 = arith.constant 0 : i32
    %dma_start3A_569 = tpu.memref_slice %arg9[%dma_start3A_568] : memref<2048xf32, #tpu.memory_space<hbm>> -> memref<2048xf32, #tpu.memory_space<hbm>>
    tpu.enqueue_indirect_dma source(%dma_start3A_569 : memref<2048xf32, #tpu.memory_space<hbm>>) target(%dma_start3A_564 : memref<128xf32, #tpu.memory_space<vmem>>) offsets(%dma_start3A_567 : memref<128xi32, #tpu.memory_space<vmem>>) semaphore(%arg25 : memref<!tpu.dma_semaphore, #tpu.memory_space<semaphore_mem>>)
    %dma_start3A_570 = arith.constant 0 : i32
    %dma_start3A_571 = arith.constant 0 : i32
    %dma_start3A_572 = arith.constant 0 : i32
    %dma_start3A_573 = tpu.memref_slice %arg24[%dma_start3A_571, %dma_start3A_572] : memref<4x128xf32, #tpu.memory_space<vmem>> -> memref<1x128xf32, #tpu.memory_space<vmem>>
    %dma_start3A_574 = tpu.memref_squeeze %dma_start3A_573 : memref<1x128xf32, #tpu.memory_space<vmem>> -> memref<128xf32, #tpu.memory_space<vmem>>
    %dma_start3A_575 = arith.constant 0 : i32
    %dma_start3A_576 = tpu.memref_slice %arg16[%dma_start3A_570, %dma_start3A_575] : memref<4x128xi32, #tpu.memory_space<vmem>> -> memref<1x128xi32, #tpu.memory_space<vmem>>
    %dma_start3A_577 = tpu.memref_squeeze %dma_start3A_576 : memref<1x128xi32, #tpu.memory_space<vmem>> -> memref<128xi32, #tpu.memory_space<vmem>>
    %dma_start3A_578 = arith.constant 0 : i32
    %dma_start3A_579 = tpu.memref_slice %arg10[%dma_start3A_578] : memref<2048xf32, #tpu.memory_space<hbm>> -> memref<2048xf32, #tpu.memory_space<hbm>>
    tpu.enqueue_indirect_dma source(%dma_start3A_579 : memref<2048xf32, #tpu.memory_space<hbm>>) target(%dma_start3A_574 : memref<128xf32, #tpu.memory_space<vmem>>) offsets(%dma_start3A_577 : memref<128xi32, #tpu.memory_space<vmem>>) semaphore(%arg25 : memref<!tpu.dma_semaphore, #tpu.memory_space<semaphore_mem>>)
    %dma_start3A_580 = arith.constant 1 : i32
    %dma_start3A_581 = arith.constant 1 : i32
    %dma_start3A_582 = arith.constant 0 : i32
    %dma_start3A_583 = tpu.memref_slice %arg21[%dma_start3A_581, %dma_start3A_582] : memref<4x128xi32, #tpu.memory_space<vmem>> -> memref<1x128xi32, #tpu.memory_space<vmem>>
    %dma_start3A_584 = tpu.memref_squeeze %dma_start3A_583 : memref<1x128xi32, #tpu.memory_space<vmem>> -> memref<128xi32, #tpu.memory_space<vmem>>
    %dma_start3A_585 = arith.constant 0 : i32
    %dma_start3A_586 = tpu.memref_slice %arg16[%dma_start3A_580, %dma_start3A_585] : memref<4x128xi32, #tpu.memory_space<vmem>> -> memref<1x128xi32, #tpu.memory_space<vmem>>
    %dma_start3A_587 = tpu.memref_squeeze %dma_start3A_586 : memref<1x128xi32, #tpu.memory_space<vmem>> -> memref<128xi32, #tpu.memory_space<vmem>>
    %dma_start3A_588 = arith.constant 0 : i32
    %dma_start3A_589 = tpu.memref_slice %arg7[%dma_start3A_588] : memref<2048xi32, #tpu.memory_space<hbm>> -> memref<2048xi32, #tpu.memory_space<hbm>>
    tpu.enqueue_indirect_dma source(%dma_start3A_589 : memref<2048xi32, #tpu.memory_space<hbm>>) target(%dma_start3A_584 : memref<128xi32, #tpu.memory_space<vmem>>) offsets(%dma_start3A_587 : memref<128xi32, #tpu.memory_space<vmem>>) semaphore(%arg25 : memref<!tpu.dma_semaphore, #tpu.memory_space<semaphore_mem>>)
    %dma_start3A_590 = arith.constant 1 : i32
    %dma_start3A_591 = arith.constant 1 : i32
    %dma_start3A_592 = arith.constant 0 : i32
    %dma_start3A_593 = tpu.memref_slice %arg22[%dma_start3A_591, %dma_start3A_592] : memref<4x128xi32, #tpu.memory_space<vmem>> -> memref<1x128xi32, #tpu.memory_space<vmem>>
    %dma_start3A_594 = tpu.memref_squeeze %dma_start3A_593 : memref<1x128xi32, #tpu.memory_space<vmem>> -> memref<128xi32, #tpu.memory_space<vmem>>
    %dma_start3A_595 = arith.constant 0 : i32
    %dma_start3A_596 = tpu.memref_slice %arg16[%dma_start3A_590, %dma_start3A_595] : memref<4x128xi32, #tpu.memory_space<vmem>> -> memref<1x128xi32, #tpu.memory_space<vmem>>
    %dma_start3A_597 = tpu.memref_squeeze %dma_start3A_596 : memref<1x128xi32, #tpu.memory_space<vmem>> -> memref<128xi32, #tpu.memory_space<vmem>>
    %dma_start3A_598 = arith.constant 0 : i32
    %dma_start3A_599 = tpu.memref_slice %arg8[%dma_start3A_598] : memref<2048xi32, #tpu.memory_space<hbm>> -> memref<2048xi32, #tpu.memory_space<hbm>>
    tpu.enqueue_indirect_dma source(%dma_start3A_599 : memref<2048xi32, #tpu.memory_space<hbm>>) target(%dma_start3A_594 : memref<128xi32, #tpu.memory_space<vmem>>) offsets(%dma_start3A_597 : memref<128xi32, #tpu.memory_space<vmem>>) semaphore(%arg25 : memref<!tpu.dma_semaphore, #tpu.memory_space<semaphore_mem>>)
    %dma_start3A_600 = arith.constant 1 : i32
    %dma_start3A_601 = arith.constant 1 : i32
    %dma_start3A_602 = arith.constant 0 : i32
    %dma_start3A_603 = tpu.memref_slice %arg23[%dma_start3A_601, %dma_start3A_602] : memref<4x128xf32, #tpu.memory_space<vmem>> -> memref<1x128xf32, #tpu.memory_space<vmem>>
    %dma_start3A_604 = tpu.memref_squeeze %dma_start3A_603 : memref<1x128xf32, #tpu.memory_space<vmem>> -> memref<128xf32, #tpu.memory_space<vmem>>
    %dma_start3A_605 = arith.constant 0 : i32
    %dma_start3A_606 = tpu.memref_slice %arg16[%dma_start3A_600, %dma_start3A_605] : memref<4x128xi32, #tpu.memory_space<vmem>> -> memref<1x128xi32, #tpu.memory_space<vmem>>
    %dma_start3A_607 = tpu.memref_squeeze %dma_start3A_606 : memref<1x128xi32, #tpu.memory_space<vmem>> -> memref<128xi32, #tpu.memory_space<vmem>>
    %dma_start3A_608 = arith.constant 0 : i32
    %dma_start3A_609 = tpu.memref_slice %arg9[%dma_start3A_608] : memref<2048xf32, #tpu.memory_space<hbm>> -> memref<2048xf32, #tpu.memory_space<hbm>>
    tpu.enqueue_indirect_dma source(%dma_start3A_609 : memref<2048xf32, #tpu.memory_space<hbm>>) target(%dma_start3A_604 : memref<128xf32, #tpu.memory_space<vmem>>) offsets(%dma_start3A_607 : memref<128xi32, #tpu.memory_space<vmem>>) semaphore(%arg25 : memref<!tpu.dma_semaphore, #tpu.memory_space<semaphore_mem>>)
    %dma_start3A_610 = arith.constant 1 : i32
    %dma_start3A_611 = arith.constant 1 : i32
    %dma_start3A_612 = arith.constant 0 : i32
    %dma_start3A_613 = tpu.memref_slice %arg24[%dma_start3A_611, %dma_start3A_612] : memref<4x128xf32, #tpu.memory_space<vmem>> -> memref<1x128xf32, #tpu.memory_space<vmem>>
    %dma_start3A_614 = tpu.memref_squeeze %dma_start3A_613 : memref<1x128xf32, #tpu.memory_space<vmem>> -> memref<128xf32, #tpu.memory_space<vmem>>
    %dma_start3A_615 = arith.constant 0 : i32
    %dma_start3A_616 = tpu.memref_slice %arg16[%dma_start3A_610, %dma_start3A_615] : memref<4x128xi32, #tpu.memory_space<vmem>> -> memref<1x128xi32, #tpu.memory_space<vmem>>
    %dma_start3A_617 = tpu.memref_squeeze %dma_start3A_616 : memref<1x128xi32, #tpu.memory_space<vmem>> -> memref<128xi32, #tpu.memory_space<vmem>>
    %dma_start3A_618 = arith.constant 0 : i32
    %dma_start3A_619 = tpu.memref_slice %arg10[%dma_start3A_618] : memref<2048xf32, #tpu.memory_space<hbm>> -> memref<2048xf32, #tpu.memory_space<hbm>>
    tpu.enqueue_indirect_dma source(%dma_start3A_619 : memref<2048xf32, #tpu.memory_space<hbm>>) target(%dma_start3A_614 : memref<128xf32, #tpu.memory_space<vmem>>) offsets(%dma_start3A_617 : memref<128xi32, #tpu.memory_space<vmem>>) semaphore(%arg25 : memref<!tpu.dma_semaphore, #tpu.memory_space<semaphore_mem>>)
    %dma_start3A_620 = arith.constant 2 : i32
    %dma_start3A_621 = arith.constant 2 : i32
    %dma_start3A_622 = arith.constant 0 : i32
    %dma_start3A_623 = tpu.memref_slice %arg21[%dma_start3A_621, %dma_start3A_622] : memref<4x128xi32, #tpu.memory_space<vmem>> -> memref<1x128xi32, #tpu.memory_space<vmem>>
    %dma_start3A_624 = tpu.memref_squeeze %dma_start3A_623 : memref<1x128xi32, #tpu.memory_space<vmem>> -> memref<128xi32, #tpu.memory_space<vmem>>
    %dma_start3A_625 = arith.constant 0 : i32
    %dma_start3A_626 = tpu.memref_slice %arg16[%dma_start3A_620, %dma_start3A_625] : memref<4x128xi32, #tpu.memory_space<vmem>> -> memref<1x128xi32, #tpu.memory_space<vmem>>
    %dma_start3A_627 = tpu.memref_squeeze %dma_start3A_626 : memref<1x128xi32, #tpu.memory_space<vmem>> -> memref<128xi32, #tpu.memory_space<vmem>>
    %dma_start3A_628 = arith.constant 0 : i32
    %dma_start3A_629 = tpu.memref_slice %arg7[%dma_start3A_628] : memref<2048xi32, #tpu.memory_space<hbm>> -> memref<2048xi32, #tpu.memory_space<hbm>>
    tpu.enqueue_indirect_dma source(%dma_start3A_629 : memref<2048xi32, #tpu.memory_space<hbm>>) target(%dma_start3A_624 : memref<128xi32, #tpu.memory_space<vmem>>) offsets(%dma_start3A_627 : memref<128xi32, #tpu.memory_space<vmem>>) semaphore(%arg25 : memref<!tpu.dma_semaphore, #tpu.memory_space<semaphore_mem>>)
    %dma_start3A_630 = arith.constant 2 : i32
    %dma_start3A_631 = arith.constant 2 : i32
    %dma_start3A_632 = arith.constant 0 : i32
    %dma_start3A_633 = tpu.memref_slice %arg22[%dma_start3A_631, %dma_start3A_632] : memref<4x128xi32, #tpu.memory_space<vmem>> -> memref<1x128xi32, #tpu.memory_space<vmem>>
    %dma_start3A_634 = tpu.memref_squeeze %dma_start3A_633 : memref<1x128xi32, #tpu.memory_space<vmem>> -> memref<128xi32, #tpu.memory_space<vmem>>
    %dma_start3A_635 = arith.constant 0 : i32
    %dma_start3A_636 = tpu.memref_slice %arg16[%dma_start3A_630, %dma_start3A_635] : memref<4x128xi32, #tpu.memory_space<vmem>> -> memref<1x128xi32, #tpu.memory_space<vmem>>
    %dma_start3A_637 = tpu.memref_squeeze %dma_start3A_636 : memref<1x128xi32, #tpu.memory_space<vmem>> -> memref<128xi32, #tpu.memory_space<vmem>>
    %dma_start3A_638 = arith.constant 0 : i32
    %dma_start3A_639 = tpu.memref_slice %arg8[%dma_start3A_638] : memref<2048xi32, #tpu.memory_space<hbm>> -> memref<2048xi32, #tpu.memory_space<hbm>>
    tpu.enqueue_indirect_dma source(%dma_start3A_639 : memref<2048xi32, #tpu.memory_space<hbm>>) target(%dma_start3A_634 : memref<128xi32, #tpu.memory_space<vmem>>) offsets(%dma_start3A_637 : memref<128xi32, #tpu.memory_space<vmem>>) semaphore(%arg25 : memref<!tpu.dma_semaphore, #tpu.memory_space<semaphore_mem>>)
    %dma_start3A_640 = arith.constant 2 : i32
    %dma_start3A_641 = arith.constant 2 : i32
    %dma_start3A_642 = arith.constant 0 : i32
    %dma_start3A_643 = tpu.memref_slice %arg23[%dma_start3A_641, %dma_start3A_642] : memref<4x128xf32, #tpu.memory_space<vmem>> -> memref<1x128xf32, #tpu.memory_space<vmem>>
    %dma_start3A_644 = tpu.memref_squeeze %dma_start3A_643 : memref<1x128xf32, #tpu.memory_space<vmem>> -> memref<128xf32, #tpu.memory_space<vmem>>
    %dma_start3A_645 = arith.constant 0 : i32
    %dma_start3A_646 = tpu.memref_slice %arg16[%dma_start3A_640, %dma_start3A_645] : memref<4x128xi32, #tpu.memory_space<vmem>> -> memref<1x128xi32, #tpu.memory_space<vmem>>
    %dma_start3A_647 = tpu.memref_squeeze %dma_start3A_646 : memref<1x128xi32, #tpu.memory_space<vmem>> -> memref<128xi32, #tpu.memory_space<vmem>>
    %dma_start3A_648 = arith.constant 0 : i32
    %dma_start3A_649 = tpu.memref_slice %arg9[%dma_start3A_648] : memref<2048xf32, #tpu.memory_space<hbm>> -> memref<2048xf32, #tpu.memory_space<hbm>>
    tpu.enqueue_indirect_dma source(%dma_start3A_649 : memref<2048xf32, #tpu.memory_space<hbm>>) target(%dma_start3A_644 : memref<128xf32, #tpu.memory_space<vmem>>) offsets(%dma_start3A_647 : memref<128xi32, #tpu.memory_space<vmem>>) semaphore(%arg25 : memref<!tpu.dma_semaphore, #tpu.memory_space<semaphore_mem>>)
    %dma_start3A_650 = arith.constant 2 : i32
    %dma_start3A_651 = arith.constant 2 : i32
    %dma_start3A_652 = arith.constant 0 : i32
    %dma_start3A_653 = tpu.memref_slice %arg24[%dma_start3A_651, %dma_start3A_652] : memref<4x128xf32, #tpu.memory_space<vmem>> -> memref<1x128xf32, #tpu.memory_space<vmem>>
    %dma_start3A_654 = tpu.memref_squeeze %dma_start3A_653 : memref<1x128xf32, #tpu.memory_space<vmem>> -> memref<128xf32, #tpu.memory_space<vmem>>
    %dma_start3A_655 = arith.constant 0 : i32
    %dma_start3A_656 = tpu.memref_slice %arg16[%dma_start3A_650, %dma_start3A_655] : memref<4x128xi32, #tpu.memory_space<vmem>> -> memref<1x128xi32, #tpu.memory_space<vmem>>
    %dma_start3A_657 = tpu.memref_squeeze %dma_start3A_656 : memref<1x128xi32, #tpu.memory_space<vmem>> -> memref<128xi32, #tpu.memory_space<vmem>>
    %dma_start3A_658 = arith.constant 0 : i32
    %dma_start3A_659 = tpu.memref_slice %arg10[%dma_start3A_658] : memref<2048xf32, #tpu.memory_space<hbm>> -> memref<2048xf32, #tpu.memory_space<hbm>>
    tpu.enqueue_indirect_dma source(%dma_start3A_659 : memref<2048xf32, #tpu.memory_space<hbm>>) target(%dma_start3A_654 : memref<128xf32, #tpu.memory_space<vmem>>) offsets(%dma_start3A_657 : memref<128xi32, #tpu.memory_space<vmem>>) semaphore(%arg25 : memref<!tpu.dma_semaphore, #tpu.memory_space<semaphore_mem>>)
    %dma_start3A_660 = arith.constant 3 : i32
    %dma_start3A_661 = arith.constant 3 : i32
    %dma_start3A_662 = arith.constant 0 : i32
    %dma_start3A_663 = tpu.memref_slice %arg21[%dma_start3A_661, %dma_start3A_662] : memref<4x128xi32, #tpu.memory_space<vmem>> -> memref<1x128xi32, #tpu.memory_space<vmem>>
    %dma_start3A_664 = tpu.memref_squeeze %dma_start3A_663 : memref<1x128xi32, #tpu.memory_space<vmem>> -> memref<128xi32, #tpu.memory_space<vmem>>
    %dma_start3A_665 = arith.constant 0 : i32
    %dma_start3A_666 = tpu.memref_slice %arg16[%dma_start3A_660, %dma_start3A_665] : memref<4x128xi32, #tpu.memory_space<vmem>> -> memref<1x128xi32, #tpu.memory_space<vmem>>
    %dma_start3A_667 = tpu.memref_squeeze %dma_start3A_666 : memref<1x128xi32, #tpu.memory_space<vmem>> -> memref<128xi32, #tpu.memory_space<vmem>>
    %dma_start3A_668 = arith.constant 0 : i32
    %dma_start3A_669 = tpu.memref_slice %arg7[%dma_start3A_668] : memref<2048xi32, #tpu.memory_space<hbm>> -> memref<2048xi32, #tpu.memory_space<hbm>>
    tpu.enqueue_indirect_dma source(%dma_start3A_669 : memref<2048xi32, #tpu.memory_space<hbm>>) target(%dma_start3A_664 : memref<128xi32, #tpu.memory_space<vmem>>) offsets(%dma_start3A_667 : memref<128xi32, #tpu.memory_space<vmem>>) semaphore(%arg25 : memref<!tpu.dma_semaphore, #tpu.memory_space<semaphore_mem>>)
    %dma_start3A_670 = arith.constant 3 : i32
    %dma_start3A_671 = arith.constant 3 : i32
    %dma_start3A_672 = arith.constant 0 : i32
    %dma_start3A_673 = tpu.memref_slice %arg22[%dma_start3A_671, %dma_start3A_672] : memref<4x128xi32, #tpu.memory_space<vmem>> -> memref<1x128xi32, #tpu.memory_space<vmem>>
    %dma_start3A_674 = tpu.memref_squeeze %dma_start3A_673 : memref<1x128xi32, #tpu.memory_space<vmem>> -> memref<128xi32, #tpu.memory_space<vmem>>
    %dma_start3A_675 = arith.constant 0 : i32
    %dma_start3A_676 = tpu.memref_slice %arg16[%dma_start3A_670, %dma_start3A_675] : memref<4x128xi32, #tpu.memory_space<vmem>> -> memref<1x128xi32, #tpu.memory_space<vmem>>
    %dma_start3A_677 = tpu.memref_squeeze %dma_start3A_676 : memref<1x128xi32, #tpu.memory_space<vmem>> -> memref<128xi32, #tpu.memory_space<vmem>>
    %dma_start3A_678 = arith.constant 0 : i32
    %dma_start3A_679 = tpu.memref_slice %arg8[%dma_start3A_678] : memref<2048xi32, #tpu.memory_space<hbm>> -> memref<2048xi32, #tpu.memory_space<hbm>>
    tpu.enqueue_indirect_dma source(%dma_start3A_679 : memref<2048xi32, #tpu.memory_space<hbm>>) target(%dma_start3A_674 : memref<128xi32, #tpu.memory_space<vmem>>) offsets(%dma_start3A_677 : memref<128xi32, #tpu.memory_space<vmem>>) semaphore(%arg25 : memref<!tpu.dma_semaphore, #tpu.memory_space<semaphore_mem>>)
    %dma_start3A_680 = arith.constant 3 : i32
    %dma_start3A_681 = arith.constant 3 : i32
    %dma_start3A_682 = arith.constant 0 : i32
    %dma_start3A_683 = tpu.memref_slice %arg23[%dma_start3A_681, %dma_start3A_682] : memref<4x128xf32, #tpu.memory_space<vmem>> -> memref<1x128xf32, #tpu.memory_space<vmem>>
    %dma_start3A_684 = tpu.memref_squeeze %dma_start3A_683 : memref<1x128xf32, #tpu.memory_space<vmem>> -> memref<128xf32, #tpu.memory_space<vmem>>
    %dma_start3A_685 = arith.constant 0 : i32
    %dma_start3A_686 = tpu.memref_slice %arg16[%dma_start3A_680, %dma_start3A_685] : memref<4x128xi32, #tpu.memory_space<vmem>> -> memref<1x128xi32, #tpu.memory_space<vmem>>
    %dma_start3A_687 = tpu.memref_squeeze %dma_start3A_686 : memref<1x128xi32, #tpu.memory_space<vmem>> -> memref<128xi32, #tpu.memory_space<vmem>>
    %dma_start3A_688 = arith.constant 0 : i32
    %dma_start3A_689 = tpu.memref_slice %arg9[%dma_start3A_688] : memref<2048xf32, #tpu.memory_space<hbm>> -> memref<2048xf32, #tpu.memory_space<hbm>>
    tpu.enqueue_indirect_dma source(%dma_start3A_689 : memref<2048xf32, #tpu.memory_space<hbm>>) target(%dma_start3A_684 : memref<128xf32, #tpu.memory_space<vmem>>) offsets(%dma_start3A_687 : memref<128xi32, #tpu.memory_space<vmem>>) semaphore(%arg25 : memref<!tpu.dma_semaphore, #tpu.memory_space<semaphore_mem>>)
    %dma_start3A_690 = arith.constant 3 : i32
    %dma_start3A_691 = arith.constant 3 : i32
    %dma_start3A_692 = arith.constant 0 : i32
    %dma_start3A_693 = tpu.memref_slice %arg24[%dma_start3A_691, %dma_start3A_692] : memref<4x128xf32, #tpu.memory_space<vmem>> -> memref<1x128xf32, #tpu.memory_space<vmem>>
    %dma_start3A_694 = tpu.memref_squeeze %dma_start3A_693 : memref<1x128xf32, #tpu.memory_space<vmem>> -> memref<128xf32, #tpu.memory_space<vmem>>
    %dma_start3A_695 = arith.constant 0 : i32
    %dma_start3A_696 = tpu.memref_slice %arg16[%dma_start3A_690, %dma_start3A_695] : memref<4x128xi32, #tpu.memory_space<vmem>> -> memref<1x128xi32, #tpu.memory_space<vmem>>
    %dma_start3A_697 = tpu.memref_squeeze %dma_start3A_696 : memref<1x128xi32, #tpu.memory_space<vmem>> -> memref<128xi32, #tpu.memory_space<vmem>>
    %dma_start3A_698 = arith.constant 0 : i32
    %dma_start3A_699 = tpu.memref_slice %arg10[%dma_start3A_698] : memref<2048xf32, #tpu.memory_space<hbm>> -> memref<2048xf32, #tpu.memory_space<hbm>>
    tpu.enqueue_indirect_dma source(%dma_start3A_699 : memref<2048xf32, #tpu.memory_space<hbm>>) target(%dma_start3A_694 : memref<128xf32, #tpu.memory_space<vmem>>) offsets(%dma_start3A_697 : memref<128xi32, #tpu.memory_space<vmem>>) semaphore(%arg25 : memref<!tpu.dma_semaphore, #tpu.memory_space<semaphore_mem>>)
    %dma_wait3A = arith.constant 0 : i32
    %dma_wait3A_700 = arith.constant 0 : i32
    %dma_wait3A_701 = arith.constant 0 : i32
    %dma_wait3A_702 = tpu.memref_slice %arg21[%dma_wait3A_700, %dma_wait3A_701] : memref<4x128xi32, #tpu.memory_space<vmem>> -> memref<1x128xi32, #tpu.memory_space<vmem>>
    %dma_wait3A_703 = tpu.memref_squeeze %dma_wait3A_702 : memref<1x128xi32, #tpu.memory_space<vmem>> -> memref<128xi32, #tpu.memory_space<vmem>>
    %dma_wait3A_704 = arith.constant 0 : i32
    %dma_wait3A_705 = tpu.memref_slice %arg16[%dma_wait3A, %dma_wait3A_704] : memref<4x128xi32, #tpu.memory_space<vmem>> -> memref<1x128xi32, #tpu.memory_space<vmem>>
    %dma_wait3A_706 = tpu.memref_squeeze %dma_wait3A_705 : memref<1x128xi32, #tpu.memory_space<vmem>> -> memref<128xi32, #tpu.memory_space<vmem>>
    %dma_wait3A_707 = arith.constant 0 : i32
    %dma_wait3A_708 = tpu.memref_slice %arg7[%dma_wait3A_707] : memref<2048xi32, #tpu.memory_space<hbm>> -> memref<2048xi32, #tpu.memory_space<hbm>>
    tpu.wait_indirect_dma semaphore(%arg25 : memref<!tpu.dma_semaphore, #tpu.memory_space<semaphore_mem>>) src(%dma_wait3A_708 : memref<2048xi32, #tpu.memory_space<hbm>>) dst(%dma_wait3A_703 : memref<128xi32, #tpu.memory_space<vmem>>)
    %dma_wait3A_709 = arith.constant 0 : i32
    %dma_wait3A_710 = arith.constant 0 : i32
    %dma_wait3A_711 = arith.constant 0 : i32
    %dma_wait3A_712 = tpu.memref_slice %arg22[%dma_wait3A_710, %dma_wait3A_711] : memref<4x128xi32, #tpu.memory_space<vmem>> -> memref<1x128xi32, #tpu.memory_space<vmem>>
    %dma_wait3A_713 = tpu.memref_squeeze %dma_wait3A_712 : memref<1x128xi32, #tpu.memory_space<vmem>> -> memref<128xi32, #tpu.memory_space<vmem>>
    %dma_wait3A_714 = arith.constant 0 : i32
    %dma_wait3A_715 = tpu.memref_slice %arg16[%dma_wait3A_709, %dma_wait3A_714] : memref<4x128xi32, #tpu.memory_space<vmem>> -> memref<1x128xi32, #tpu.memory_space<vmem>>
    %dma_wait3A_716 = tpu.memref_squeeze %dma_wait3A_715 : memref<1x128xi32, #tpu.memory_space<vmem>> -> memref<128xi32, #tpu.memory_space<vmem>>
    %dma_wait3A_717 = arith.constant 0 : i32
    %dma_wait3A_718 = tpu.memref_slice %arg8[%dma_wait3A_717] : memref<2048xi32, #tpu.memory_space<hbm>> -> memref<2048xi32, #tpu.memory_space<hbm>>
    tpu.wait_indirect_dma semaphore(%arg25 : memref<!tpu.dma_semaphore, #tpu.memory_space<semaphore_mem>>) src(%dma_wait3A_718 : memref<2048xi32, #tpu.memory_space<hbm>>) dst(%dma_wait3A_713 : memref<128xi32, #tpu.memory_space<vmem>>)
    %dma_wait3A_719 = arith.constant 0 : i32
    %dma_wait3A_720 = arith.constant 0 : i32
    %dma_wait3A_721 = arith.constant 0 : i32
    %dma_wait3A_722 = tpu.memref_slice %arg23[%dma_wait3A_720, %dma_wait3A_721] : memref<4x128xf32, #tpu.memory_space<vmem>> -> memref<1x128xf32, #tpu.memory_space<vmem>>
    %dma_wait3A_723 = tpu.memref_squeeze %dma_wait3A_722 : memref<1x128xf32, #tpu.memory_space<vmem>> -> memref<128xf32, #tpu.memory_space<vmem>>
    %dma_wait3A_724 = arith.constant 0 : i32
    %dma_wait3A_725 = tpu.memref_slice %arg16[%dma_wait3A_719, %dma_wait3A_724] : memref<4x128xi32, #tpu.memory_space<vmem>> -> memref<1x128xi32, #tpu.memory_space<vmem>>
    %dma_wait3A_726 = tpu.memref_squeeze %dma_wait3A_725 : memref<1x128xi32, #tpu.memory_space<vmem>> -> memref<128xi32, #tpu.memory_space<vmem>>
    %dma_wait3A_727 = arith.constant 0 : i32
    %dma_wait3A_728 = tpu.memref_slice %arg9[%dma_wait3A_727] : memref<2048xf32, #tpu.memory_space<hbm>> -> memref<2048xf32, #tpu.memory_space<hbm>>
    tpu.wait_indirect_dma semaphore(%arg25 : memref<!tpu.dma_semaphore, #tpu.memory_space<semaphore_mem>>) src(%dma_wait3A_728 : memref<2048xf32, #tpu.memory_space<hbm>>) dst(%dma_wait3A_723 : memref<128xf32, #tpu.memory_space<vmem>>)
    %dma_wait3A_729 = arith.constant 0 : i32
    %dma_wait3A_730 = arith.constant 0 : i32
    %dma_wait3A_731 = arith.constant 0 : i32
    %dma_wait3A_732 = tpu.memref_slice %arg24[%dma_wait3A_730, %dma_wait3A_731] : memref<4x128xf32, #tpu.memory_space<vmem>> -> memref<1x128xf32, #tpu.memory_space<vmem>>
    %dma_wait3A_733 = tpu.memref_squeeze %dma_wait3A_732 : memref<1x128xf32, #tpu.memory_space<vmem>> -> memref<128xf32, #tpu.memory_space<vmem>>
    %dma_wait3A_734 = arith.constant 0 : i32
    %dma_wait3A_735 = tpu.memref_slice %arg16[%dma_wait3A_729, %dma_wait3A_734] : memref<4x128xi32, #tpu.memory_space<vmem>> -> memref<1x128xi32, #tpu.memory_space<vmem>>
    %dma_wait3A_736 = tpu.memref_squeeze %dma_wait3A_735 : memref<1x128xi32, #tpu.memory_space<vmem>> -> memref<128xi32, #tpu.memory_space<vmem>>
    %dma_wait3A_737 = arith.constant 0 : i32
    %dma_wait3A_738 = tpu.memref_slice %arg10[%dma_wait3A_737] : memref<2048xf32, #tpu.memory_space<hbm>> -> memref<2048xf32, #tpu.memory_space<hbm>>
    tpu.wait_indirect_dma semaphore(%arg25 : memref<!tpu.dma_semaphore, #tpu.memory_space<semaphore_mem>>) src(%dma_wait3A_738 : memref<2048xf32, #tpu.memory_space<hbm>>) dst(%dma_wait3A_733 : memref<128xf32, #tpu.memory_space<vmem>>)
    %dma_wait3A_739 = arith.constant 1 : i32
    %dma_wait3A_740 = arith.constant 1 : i32
    %dma_wait3A_741 = arith.constant 0 : i32
    %dma_wait3A_742 = tpu.memref_slice %arg21[%dma_wait3A_740, %dma_wait3A_741] : memref<4x128xi32, #tpu.memory_space<vmem>> -> memref<1x128xi32, #tpu.memory_space<vmem>>
    %dma_wait3A_743 = tpu.memref_squeeze %dma_wait3A_742 : memref<1x128xi32, #tpu.memory_space<vmem>> -> memref<128xi32, #tpu.memory_space<vmem>>
    %dma_wait3A_744 = arith.constant 0 : i32
    %dma_wait3A_745 = tpu.memref_slice %arg16[%dma_wait3A_739, %dma_wait3A_744] : memref<4x128xi32, #tpu.memory_space<vmem>> -> memref<1x128xi32, #tpu.memory_space<vmem>>
    %dma_wait3A_746 = tpu.memref_squeeze %dma_wait3A_745 : memref<1x128xi32, #tpu.memory_space<vmem>> -> memref<128xi32, #tpu.memory_space<vmem>>
    %dma_wait3A_747 = arith.constant 0 : i32
    %dma_wait3A_748 = tpu.memref_slice %arg7[%dma_wait3A_747] : memref<2048xi32, #tpu.memory_space<hbm>> -> memref<2048xi32, #tpu.memory_space<hbm>>
    tpu.wait_indirect_dma semaphore(%arg25 : memref<!tpu.dma_semaphore, #tpu.memory_space<semaphore_mem>>) src(%dma_wait3A_748 : memref<2048xi32, #tpu.memory_space<hbm>>) dst(%dma_wait3A_743 : memref<128xi32, #tpu.memory_space<vmem>>)
    %dma_wait3A_749 = arith.constant 1 : i32
    %dma_wait3A_750 = arith.constant 1 : i32
    %dma_wait3A_751 = arith.constant 0 : i32
    %dma_wait3A_752 = tpu.memref_slice %arg22[%dma_wait3A_750, %dma_wait3A_751] : memref<4x128xi32, #tpu.memory_space<vmem>> -> memref<1x128xi32, #tpu.memory_space<vmem>>
    %dma_wait3A_753 = tpu.memref_squeeze %dma_wait3A_752 : memref<1x128xi32, #tpu.memory_space<vmem>> -> memref<128xi32, #tpu.memory_space<vmem>>
    %dma_wait3A_754 = arith.constant 0 : i32
    %dma_wait3A_755 = tpu.memref_slice %arg16[%dma_wait3A_749, %dma_wait3A_754] : memref<4x128xi32, #tpu.memory_space<vmem>> -> memref<1x128xi32, #tpu.memory_space<vmem>>
    %dma_wait3A_756 = tpu.memref_squeeze %dma_wait3A_755 : memref<1x128xi32, #tpu.memory_space<vmem>> -> memref<128xi32, #tpu.memory_space<vmem>>
    %dma_wait3A_757 = arith.constant 0 : i32
    %dma_wait3A_758 = tpu.memref_slice %arg8[%dma_wait3A_757] : memref<2048xi32, #tpu.memory_space<hbm>> -> memref<2048xi32, #tpu.memory_space<hbm>>
    tpu.wait_indirect_dma semaphore(%arg25 : memref<!tpu.dma_semaphore, #tpu.memory_space<semaphore_mem>>) src(%dma_wait3A_758 : memref<2048xi32, #tpu.memory_space<hbm>>) dst(%dma_wait3A_753 : memref<128xi32, #tpu.memory_space<vmem>>)
    %dma_wait3A_759 = arith.constant 1 : i32
    %dma_wait3A_760 = arith.constant 1 : i32
    %dma_wait3A_761 = arith.constant 0 : i32
    %dma_wait3A_762 = tpu.memref_slice %arg23[%dma_wait3A_760, %dma_wait3A_761] : memref<4x128xf32, #tpu.memory_space<vmem>> -> memref<1x128xf32, #tpu.memory_space<vmem>>
    %dma_wait3A_763 = tpu.memref_squeeze %dma_wait3A_762 : memref<1x128xf32, #tpu.memory_space<vmem>> -> memref<128xf32, #tpu.memory_space<vmem>>
    %dma_wait3A_764 = arith.constant 0 : i32
    %dma_wait3A_765 = tpu.memref_slice %arg16[%dma_wait3A_759, %dma_wait3A_764] : memref<4x128xi32, #tpu.memory_space<vmem>> -> memref<1x128xi32, #tpu.memory_space<vmem>>
    %dma_wait3A_766 = tpu.memref_squeeze %dma_wait3A_765 : memref<1x128xi32, #tpu.memory_space<vmem>> -> memref<128xi32, #tpu.memory_space<vmem>>
    %dma_wait3A_767 = arith.constant 0 : i32
    %dma_wait3A_768 = tpu.memref_slice %arg9[%dma_wait3A_767] : memref<2048xf32, #tpu.memory_space<hbm>> -> memref<2048xf32, #tpu.memory_space<hbm>>
    tpu.wait_indirect_dma semaphore(%arg25 : memref<!tpu.dma_semaphore, #tpu.memory_space<semaphore_mem>>) src(%dma_wait3A_768 : memref<2048xf32, #tpu.memory_space<hbm>>) dst(%dma_wait3A_763 : memref<128xf32, #tpu.memory_space<vmem>>)
    %dma_wait3A_769 = arith.constant 1 : i32
    %dma_wait3A_770 = arith.constant 1 : i32
    %dma_wait3A_771 = arith.constant 0 : i32
    %dma_wait3A_772 = tpu.memref_slice %arg24[%dma_wait3A_770, %dma_wait3A_771] : memref<4x128xf32, #tpu.memory_space<vmem>> -> memref<1x128xf32, #tpu.memory_space<vmem>>
    %dma_wait3A_773 = tpu.memref_squeeze %dma_wait3A_772 : memref<1x128xf32, #tpu.memory_space<vmem>> -> memref<128xf32, #tpu.memory_space<vmem>>
    %dma_wait3A_774 = arith.constant 0 : i32
    %dma_wait3A_775 = tpu.memref_slice %arg16[%dma_wait3A_769, %dma_wait3A_774] : memref<4x128xi32, #tpu.memory_space<vmem>> -> memref<1x128xi32, #tpu.memory_space<vmem>>
    %dma_wait3A_776 = tpu.memref_squeeze %dma_wait3A_775 : memref<1x128xi32, #tpu.memory_space<vmem>> -> memref<128xi32, #tpu.memory_space<vmem>>
    %dma_wait3A_777 = arith.constant 0 : i32
    %dma_wait3A_778 = tpu.memref_slice %arg10[%dma_wait3A_777] : memref<2048xf32, #tpu.memory_space<hbm>> -> memref<2048xf32, #tpu.memory_space<hbm>>
    tpu.wait_indirect_dma semaphore(%arg25 : memref<!tpu.dma_semaphore, #tpu.memory_space<semaphore_mem>>) src(%dma_wait3A_778 : memref<2048xf32, #tpu.memory_space<hbm>>) dst(%dma_wait3A_773 : memref<128xf32, #tpu.memory_space<vmem>>)
    %dma_wait3A_779 = arith.constant 2 : i32
    %dma_wait3A_780 = arith.constant 2 : i32
    %dma_wait3A_781 = arith.constant 0 : i32
    %dma_wait3A_782 = tpu.memref_slice %arg21[%dma_wait3A_780, %dma_wait3A_781] : memref<4x128xi32, #tpu.memory_space<vmem>> -> memref<1x128xi32, #tpu.memory_space<vmem>>
    %dma_wait3A_783 = tpu.memref_squeeze %dma_wait3A_782 : memref<1x128xi32, #tpu.memory_space<vmem>> -> memref<128xi32, #tpu.memory_space<vmem>>
    %dma_wait3A_784 = arith.constant 0 : i32
    %dma_wait3A_785 = tpu.memref_slice %arg16[%dma_wait3A_779, %dma_wait3A_784] : memref<4x128xi32, #tpu.memory_space<vmem>> -> memref<1x128xi32, #tpu.memory_space<vmem>>
    %dma_wait3A_786 = tpu.memref_squeeze %dma_wait3A_785 : memref<1x128xi32, #tpu.memory_space<vmem>> -> memref<128xi32, #tpu.memory_space<vmem>>
    %dma_wait3A_787 = arith.constant 0 : i32
    %dma_wait3A_788 = tpu.memref_slice %arg7[%dma_wait3A_787] : memref<2048xi32, #tpu.memory_space<hbm>> -> memref<2048xi32, #tpu.memory_space<hbm>>
    tpu.wait_indirect_dma semaphore(%arg25 : memref<!tpu.dma_semaphore, #tpu.memory_space<semaphore_mem>>) src(%dma_wait3A_788 : memref<2048xi32, #tpu.memory_space<hbm>>) dst(%dma_wait3A_783 : memref<128xi32, #tpu.memory_space<vmem>>)
    %dma_wait3A_789 = arith.constant 2 : i32
    %dma_wait3A_790 = arith.constant 2 : i32
    %dma_wait3A_791 = arith.constant 0 : i32
    %dma_wait3A_792 = tpu.memref_slice %arg22[%dma_wait3A_790, %dma_wait3A_791] : memref<4x128xi32, #tpu.memory_space<vmem>> -> memref<1x128xi32, #tpu.memory_space<vmem>>
    %dma_wait3A_793 = tpu.memref_squeeze %dma_wait3A_792 : memref<1x128xi32, #tpu.memory_space<vmem>> -> memref<128xi32, #tpu.memory_space<vmem>>
    %dma_wait3A_794 = arith.constant 0 : i32
    %dma_wait3A_795 = tpu.memref_slice %arg16[%dma_wait3A_789, %dma_wait3A_794] : memref<4x128xi32, #tpu.memory_space<vmem>> -> memref<1x128xi32, #tpu.memory_space<vmem>>
    %dma_wait3A_796 = tpu.memref_squeeze %dma_wait3A_795 : memref<1x128xi32, #tpu.memory_space<vmem>> -> memref<128xi32, #tpu.memory_space<vmem>>
    %dma_wait3A_797 = arith.constant 0 : i32
    %dma_wait3A_798 = tpu.memref_slice %arg8[%dma_wait3A_797] : memref<2048xi32, #tpu.memory_space<hbm>> -> memref<2048xi32, #tpu.memory_space<hbm>>
    tpu.wait_indirect_dma semaphore(%arg25 : memref<!tpu.dma_semaphore, #tpu.memory_space<semaphore_mem>>) src(%dma_wait3A_798 : memref<2048xi32, #tpu.memory_space<hbm>>) dst(%dma_wait3A_793 : memref<128xi32, #tpu.memory_space<vmem>>)
    %dma_wait3A_799 = arith.constant 2 : i32
    %dma_wait3A_800 = arith.constant 2 : i32
    %dma_wait3A_801 = arith.constant 0 : i32
    %dma_wait3A_802 = tpu.memref_slice %arg23[%dma_wait3A_800, %dma_wait3A_801] : memref<4x128xf32, #tpu.memory_space<vmem>> -> memref<1x128xf32, #tpu.memory_space<vmem>>
    %dma_wait3A_803 = tpu.memref_squeeze %dma_wait3A_802 : memref<1x128xf32, #tpu.memory_space<vmem>> -> memref<128xf32, #tpu.memory_space<vmem>>
    %dma_wait3A_804 = arith.constant 0 : i32
    %dma_wait3A_805 = tpu.memref_slice %arg16[%dma_wait3A_799, %dma_wait3A_804] : memref<4x128xi32, #tpu.memory_space<vmem>> -> memref<1x128xi32, #tpu.memory_space<vmem>>
    %dma_wait3A_806 = tpu.memref_squeeze %dma_wait3A_805 : memref<1x128xi32, #tpu.memory_space<vmem>> -> memref<128xi32, #tpu.memory_space<vmem>>
    %dma_wait3A_807 = arith.constant 0 : i32
    %dma_wait3A_808 = tpu.memref_slice %arg9[%dma_wait3A_807] : memref<2048xf32, #tpu.memory_space<hbm>> -> memref<2048xf32, #tpu.memory_space<hbm>>
    tpu.wait_indirect_dma semaphore(%arg25 : memref<!tpu.dma_semaphore, #tpu.memory_space<semaphore_mem>>) src(%dma_wait3A_808 : memref<2048xf32, #tpu.memory_space<hbm>>) dst(%dma_wait3A_803 : memref<128xf32, #tpu.memory_space<vmem>>)
    %dma_wait3A_809 = arith.constant 2 : i32
    %dma_wait3A_810 = arith.constant 2 : i32
    %dma_wait3A_811 = arith.constant 0 : i32
    %dma_wait3A_812 = tpu.memref_slice %arg24[%dma_wait3A_810, %dma_wait3A_811] : memref<4x128xf32, #tpu.memory_space<vmem>> -> memref<1x128xf32, #tpu.memory_space<vmem>>
    %dma_wait3A_813 = tpu.memref_squeeze %dma_wait3A_812 : memref<1x128xf32, #tpu.memory_space<vmem>> -> memref<128xf32, #tpu.memory_space<vmem>>
    %dma_wait3A_814 = arith.constant 0 : i32
    %dma_wait3A_815 = tpu.memref_slice %arg16[%dma_wait3A_809, %dma_wait3A_814] : memref<4x128xi32, #tpu.memory_space<vmem>> -> memref<1x128xi32, #tpu.memory_space<vmem>>
    %dma_wait3A_816 = tpu.memref_squeeze %dma_wait3A_815 : memref<1x128xi32, #tpu.memory_space<vmem>> -> memref<128xi32, #tpu.memory_space<vmem>>
    %dma_wait3A_817 = arith.constant 0 : i32
    %dma_wait3A_818 = tpu.memref_slice %arg10[%dma_wait3A_817] : memref<2048xf32, #tpu.memory_space<hbm>> -> memref<2048xf32, #tpu.memory_space<hbm>>
    tpu.wait_indirect_dma semaphore(%arg25 : memref<!tpu.dma_semaphore, #tpu.memory_space<semaphore_mem>>) src(%dma_wait3A_818 : memref<2048xf32, #tpu.memory_space<hbm>>) dst(%dma_wait3A_813 : memref<128xf32, #tpu.memory_space<vmem>>)
    %dma_wait3A_819 = arith.constant 3 : i32
    %dma_wait3A_820 = arith.constant 3 : i32
    %dma_wait3A_821 = arith.constant 0 : i32
    %dma_wait3A_822 = tpu.memref_slice %arg21[%dma_wait3A_820, %dma_wait3A_821] : memref<4x128xi32, #tpu.memory_space<vmem>> -> memref<1x128xi32, #tpu.memory_space<vmem>>
    %dma_wait3A_823 = tpu.memref_squeeze %dma_wait3A_822 : memref<1x128xi32, #tpu.memory_space<vmem>> -> memref<128xi32, #tpu.memory_space<vmem>>
    %dma_wait3A_824 = arith.constant 0 : i32
    %dma_wait3A_825 = tpu.memref_slice %arg16[%dma_wait3A_819, %dma_wait3A_824] : memref<4x128xi32, #tpu.memory_space<vmem>> -> memref<1x128xi32, #tpu.memory_space<vmem>>
    %dma_wait3A_826 = tpu.memref_squeeze %dma_wait3A_825 : memref<1x128xi32, #tpu.memory_space<vmem>> -> memref<128xi32, #tpu.memory_space<vmem>>
    %dma_wait3A_827 = arith.constant 0 : i32
    %dma_wait3A_828 = tpu.memref_slice %arg7[%dma_wait3A_827] : memref<2048xi32, #tpu.memory_space<hbm>> -> memref<2048xi32, #tpu.memory_space<hbm>>
    tpu.wait_indirect_dma semaphore(%arg25 : memref<!tpu.dma_semaphore, #tpu.memory_space<semaphore_mem>>) src(%dma_wait3A_828 : memref<2048xi32, #tpu.memory_space<hbm>>) dst(%dma_wait3A_823 : memref<128xi32, #tpu.memory_space<vmem>>)
    %dma_wait3A_829 = arith.constant 3 : i32
    %dma_wait3A_830 = arith.constant 3 : i32
    %dma_wait3A_831 = arith.constant 0 : i32
    %dma_wait3A_832 = tpu.memref_slice %arg22[%dma_wait3A_830, %dma_wait3A_831] : memref<4x128xi32, #tpu.memory_space<vmem>> -> memref<1x128xi32, #tpu.memory_space<vmem>>
    %dma_wait3A_833 = tpu.memref_squeeze %dma_wait3A_832 : memref<1x128xi32, #tpu.memory_space<vmem>> -> memref<128xi32, #tpu.memory_space<vmem>>
    %dma_wait3A_834 = arith.constant 0 : i32
    %dma_wait3A_835 = tpu.memref_slice %arg16[%dma_wait3A_829, %dma_wait3A_834] : memref<4x128xi32, #tpu.memory_space<vmem>> -> memref<1x128xi32, #tpu.memory_space<vmem>>
    %dma_wait3A_836 = tpu.memref_squeeze %dma_wait3A_835 : memref<1x128xi32, #tpu.memory_space<vmem>> -> memref<128xi32, #tpu.memory_space<vmem>>
    %dma_wait3A_837 = arith.constant 0 : i32
    %dma_wait3A_838 = tpu.memref_slice %arg8[%dma_wait3A_837] : memref<2048xi32, #tpu.memory_space<hbm>> -> memref<2048xi32, #tpu.memory_space<hbm>>
    tpu.wait_indirect_dma semaphore(%arg25 : memref<!tpu.dma_semaphore, #tpu.memory_space<semaphore_mem>>) src(%dma_wait3A_838 : memref<2048xi32, #tpu.memory_space<hbm>>) dst(%dma_wait3A_833 : memref<128xi32, #tpu.memory_space<vmem>>)
    %dma_wait3A_839 = arith.constant 3 : i32
    %dma_wait3A_840 = arith.constant 3 : i32
    %dma_wait3A_841 = arith.constant 0 : i32
    %dma_wait3A_842 = tpu.memref_slice %arg23[%dma_wait3A_840, %dma_wait3A_841] : memref<4x128xf32, #tpu.memory_space<vmem>> -> memref<1x128xf32, #tpu.memory_space<vmem>>
    %dma_wait3A_843 = tpu.memref_squeeze %dma_wait3A_842 : memref<1x128xf32, #tpu.memory_space<vmem>> -> memref<128xf32, #tpu.memory_space<vmem>>
    %dma_wait3A_844 = arith.constant 0 : i32
    %dma_wait3A_845 = tpu.memref_slice %arg16[%dma_wait3A_839, %dma_wait3A_844] : memref<4x128xi32, #tpu.memory_space<vmem>> -> memref<1x128xi32, #tpu.memory_space<vmem>>
    %dma_wait3A_846 = tpu.memref_squeeze %dma_wait3A_845 : memref<1x128xi32, #tpu.memory_space<vmem>> -> memref<128xi32, #tpu.memory_space<vmem>>
    %dma_wait3A_847 = arith.constant 0 : i32
    %dma_wait3A_848 = tpu.memref_slice %arg9[%dma_wait3A_847] : memref<2048xf32, #tpu.memory_space<hbm>> -> memref<2048xf32, #tpu.memory_space<hbm>>
    tpu.wait_indirect_dma semaphore(%arg25 : memref<!tpu.dma_semaphore, #tpu.memory_space<semaphore_mem>>) src(%dma_wait3A_848 : memref<2048xf32, #tpu.memory_space<hbm>>) dst(%dma_wait3A_843 : memref<128xf32, #tpu.memory_space<vmem>>)
    %dma_wait3A_849 = arith.constant 3 : i32
    %dma_wait3A_850 = arith.constant 3 : i32
    %dma_wait3A_851 = arith.constant 0 : i32
    %dma_wait3A_852 = tpu.memref_slice %arg24[%dma_wait3A_850, %dma_wait3A_851] : memref<4x128xf32, #tpu.memory_space<vmem>> -> memref<1x128xf32, #tpu.memory_space<vmem>>
    %dma_wait3A_853 = tpu.memref_squeeze %dma_wait3A_852 : memref<1x128xf32, #tpu.memory_space<vmem>> -> memref<128xf32, #tpu.memory_space<vmem>>
    %dma_wait3A_854 = arith.constant 0 : i32
    %dma_wait3A_855 = tpu.memref_slice %arg16[%dma_wait3A_849, %dma_wait3A_854] : memref<4x128xi32, #tpu.memory_space<vmem>> -> memref<1x128xi32, #tpu.memory_space<vmem>>
    %dma_wait3A_856 = tpu.memref_squeeze %dma_wait3A_855 : memref<1x128xi32, #tpu.memory_space<vmem>> -> memref<128xi32, #tpu.memory_space<vmem>>
    %dma_wait3A_857 = arith.constant 0 : i32
    %dma_wait3A_858 = tpu.memref_slice %arg10[%dma_wait3A_857] : memref<2048xf32, #tpu.memory_space<hbm>> -> memref<2048xf32, #tpu.memory_space<hbm>>
    tpu.wait_indirect_dma semaphore(%arg25 : memref<!tpu.dma_semaphore, #tpu.memory_space<semaphore_mem>>) src(%dma_wait3A_858 : memref<2048xf32, #tpu.memory_space<hbm>>) dst(%dma_wait3A_853 : memref<128xf32, #tpu.memory_space<vmem>>)
    %get3A_859 = arith.constant 0 : i32
    %get3A_860 = arith.index_cast %get3A_859 : i32 to index
    %get3A_861 = arith.constant 0 : index
    %get3A_862 = tpu.vector_load %arg15[%get3A_860, %get3A_861] {strides = array<i32>} : memref<4x128xi32, #tpu.memory_space<vmem>>, vector<1x16xi32>,
    %get3A_863 = vector.shape_cast %get3A_862 : vector<1x16xi32> to vector<16xi32>
    %lt3A_864 = arith.constant 2048 : i32
    %lt3A_865 = vector.broadcast %lt3A_864 : i32 to vector<16xi32>
    %lt3A_866 = arith.cmpi slt, %get3A_863, %lt3A_865 : vector<16xi32>
    %get3A_867 = arith.constant 0 : i32
    %get3A_868 = arith.index_cast %get3A_867 : i32 to index
    %get3A_869 = arith.constant 0 : index
    %get3A_870 = tpu.vector_load %arg21[%get3A_868, %get3A_869] {strides = array<i32>} : memref<4x128xi32, #tpu.memory_space<vmem>>, vector<1x16xi32>,
    %get3A_871 = vector.shape_cast %get3A_870 : vector<1x16xi32> to vector<16xi32>
    %get3A_872 = arith.constant 0 : i32
    %get3A_873 = arith.index_cast %get3A_872 : i32 to index
    %get3A_874 = arith.constant 0 : index
    %get3A_875 = tpu.vector_load %arg17[%get3A_873, %get3A_874] {strides = array<i32>} : memref<4x128xi32, #tpu.memory_space<vmem>>, vector<1x16xi32>,
    %get3A_876 = vector.shape_cast %get3A_875 : vector<1x16xi32> to vector<16xi32>
    %select_n3A_877 = arith.select %lt3A_866, %get3A_871, %get3A_876 : vector<16xi1>, vector<16xi32>
    %swap3A_878 = arith.constant 0 : i32
    %swap3A_879 = arith.index_cast %swap3A_878 : i32 to index
    %swap3A_880 = arith.constant 0 : index
    %swap3A_881 = tpu.vector_load %arg17[%swap3A_879, %swap3A_880] {strides = array<i32>} : memref<4x128xi32, #tpu.memory_space<vmem>>, vector<1x16xi32>,
    %swap3A_882 = vector.shape_cast %swap3A_881 : vector<1x16xi32> to vector<16xi32>
    %swap3A_883 = vector.shape_cast %select_n3A_877 : vector<16xi32> to vector<1x16xi32>
    tpu.vector_store %arg17[%swap3A_879, %swap3A_880], %swap3A_883 {strides = array<i32>} : memref<4x128xi32, #tpu.memory_space<vmem>>, vector<1x16xi32>,
    %get3A_884 = arith.constant 0 : i32
    %get3A_885 = arith.index_cast %get3A_884 : i32 to index
    %get3A_886 = arith.constant 0 : index
    %get3A_887 = tpu.vector_load %arg22[%get3A_885, %get3A_886] {strides = array<i32>} : memref<4x128xi32, #tpu.memory_space<vmem>>, vector<1x16xi32>,
    %get3A_888 = vector.shape_cast %get3A_887 : vector<1x16xi32> to vector<16xi32>
    %get3A_889 = arith.constant 0 : i32
    %get3A_890 = arith.index_cast %get3A_889 : i32 to index
    %get3A_891 = arith.constant 0 : index
    %get3A_892 = tpu.vector_load %arg18[%get3A_890, %get3A_891] {strides = array<i32>} : memref<4x128xi32, #tpu.memory_space<vmem>>, vector<1x16xi32>,
    %get3A_893 = vector.shape_cast %get3A_892 : vector<1x16xi32> to vector<16xi32>
    %select_n3A_894 = arith.select %lt3A_866, %get3A_888, %get3A_893 : vector<16xi1>, vector<16xi32>
    %swap3A_895 = arith.constant 0 : i32
    %swap3A_896 = arith.index_cast %swap3A_895 : i32 to index
    %swap3A_897 = arith.constant 0 : index
    %swap3A_898 = tpu.vector_load %arg18[%swap3A_896, %swap3A_897] {strides = array<i32>} : memref<4x128xi32, #tpu.memory_space<vmem>>, vector<1x16xi32>,
    %swap3A_899 = vector.shape_cast %swap3A_898 : vector<1x16xi32> to vector<16xi32>
    %swap3A_900 = vector.shape_cast %select_n3A_894 : vector<16xi32> to vector<1x16xi32>
    tpu.vector_store %arg18[%swap3A_896, %swap3A_897], %swap3A_900 {strides = array<i32>} : memref<4x128xi32, #tpu.memory_space<vmem>>, vector<1x16xi32>,
    %get3A_901 = arith.constant 0 : i32
    %get3A_902 = arith.index_cast %get3A_901 : i32 to index
    %get3A_903 = arith.constant 0 : index
    %get3A_904 = tpu.vector_load %arg23[%get3A_902, %get3A_903] {strides = array<i32>} : memref<4x128xf32, #tpu.memory_space<vmem>>, vector<1x16xf32>,
    %get3A_905 = vector.shape_cast %get3A_904 : vector<1x16xf32> to vector<16xf32>
    %get3A_906 = arith.constant 0 : i32
    %get3A_907 = arith.index_cast %get3A_906 : i32 to index
    %get3A_908 = arith.constant 0 : index
    %get3A_909 = tpu.vector_load %arg19[%get3A_907, %get3A_908] {strides = array<i32>} : memref<4x128xf32, #tpu.memory_space<vmem>>, vector<1x16xf32>,
    %get3A_910 = vector.shape_cast %get3A_909 : vector<1x16xf32> to vector<16xf32>
    %select_n3A_911 = arith.select %lt3A_866, %get3A_905, %get3A_910 : vector<16xi1>, vector<16xf32>
    %swap3A_912 = arith.constant 0 : i32
    %swap3A_913 = arith.index_cast %swap3A_912 : i32 to index
    %swap3A_914 = arith.constant 0 : index
    %swap3A_915 = tpu.vector_load %arg19[%swap3A_913, %swap3A_914] {strides = array<i32>} : memref<4x128xf32, #tpu.memory_space<vmem>>, vector<1x16xf32>,
    %swap3A_916 = vector.shape_cast %swap3A_915 : vector<1x16xf32> to vector<16xf32>
    %swap3A_917 = vector.shape_cast %select_n3A_911 : vector<16xf32> to vector<1x16xf32>
    tpu.vector_store %arg19[%swap3A_913, %swap3A_914], %swap3A_917 {strides = array<i32>} : memref<4x128xf32, #tpu.memory_space<vmem>>, vector<1x16xf32>,
    %get3A_918 = arith.constant 0 : i32
    %get3A_919 = arith.index_cast %get3A_918 : i32 to index
    %get3A_920 = arith.constant 0 : index
    %get3A_921 = tpu.vector_load %arg24[%get3A_919, %get3A_920] {strides = array<i32>} : memref<4x128xf32, #tpu.memory_space<vmem>>, vector<1x16xf32>,
    %get3A_922 = vector.shape_cast %get3A_921 : vector<1x16xf32> to vector<16xf32>
    %get3A_923 = arith.constant 0 : i32
    %get3A_924 = arith.index_cast %get3A_923 : i32 to index
    %get3A_925 = arith.constant 0 : index
    %get3A_926 = tpu.vector_load %arg20[%get3A_924, %get3A_925] {strides = array<i32>} : memref<4x128xf32, #tpu.memory_space<vmem>>, vector<1x16xf32>,
    %get3A_927 = vector.shape_cast %get3A_926 : vector<1x16xf32> to vector<16xf32>
    %select_n3A_928 = arith.select %lt3A_866, %get3A_922, %get3A_927 : vector<16xi1>, vector<16xf32>
    %swap3A_929 = arith.constant 0 : i32
    %swap3A_930 = arith.index_cast %swap3A_929 : i32 to index
    %swap3A_931 = arith.constant 0 : index
    %swap3A_932 = tpu.vector_load %arg20[%swap3A_930, %swap3A_931] {strides = array<i32>} : memref<4x128xf32, #tpu.memory_space<vmem>>, vector<1x16xf32>,
    %swap3A_933 = vector.shape_cast %swap3A_932 : vector<1x16xf32> to vector<16xf32>
    %swap3A_934 = vector.shape_cast %select_n3A_928 : vector<16xf32> to vector<1x16xf32>
    tpu.vector_store %arg20[%swap3A_930, %swap3A_931], %swap3A_934 {strides = array<i32>} : memref<4x128xf32, #tpu.memory_space<vmem>>, vector<1x16xf32>,
    %get3A_935 = arith.constant 0 : i32
    %get3A_936 = arith.index_cast %get3A_935 : i32 to index
    %get3A_937 = arith.constant 16 : index
    %get3A_938 = tpu.vector_load %arg15[%get3A_936, %get3A_937] {strides = array<i32>} : memref<4x128xi32, #tpu.memory_space<vmem>>, vector<1x16xi32>,
    %get3A_939 = vector.shape_cast %get3A_938 : vector<1x16xi32> to vector<16xi32>
    %lt3A_940 = arith.constant 2048 : i32
    %lt3A_941 = vector.broadcast %lt3A_940 : i32 to vector<16xi32>
    %lt3A_942 = arith.cmpi slt, %get3A_939, %lt3A_941 : vector<16xi32>
    %get3A_943 = arith.constant 0 : i32
    %get3A_944 = arith.index_cast %get3A_943 : i32 to index
    %get3A_945 = arith.constant 16 : index
    %get3A_946 = tpu.vector_load %arg21[%get3A_944, %get3A_945] {strides = array<i32>} : memref<4x128xi32, #tpu.memory_space<vmem>>, vector<1x16xi32>,
    %get3A_947 = vector.shape_cast %get3A_946 : vector<1x16xi32> to vector<16xi32>
    %get3A_948 = arith.constant 0 : i32
    %get3A_949 = arith.index_cast %get3A_948 : i32 to index
    %get3A_950 = arith.constant 16 : index
    %get3A_951 = tpu.vector_load %arg17[%get3A_949, %get3A_950] {strides = array<i32>} : memref<4x128xi32, #tpu.memory_space<vmem>>, vector<1x16xi32>,
    %get3A_952 = vector.shape_cast %get3A_951 : vector<1x16xi32> to vector<16xi32>
    %select_n3A_953 = arith.select %lt3A_942, %get3A_947, %get3A_952 : vector<16xi1>, vector<16xi32>
    %swap3A_954 = arith.constant 0 : i32
    %swap3A_955 = arith.index_cast %swap3A_954 : i32 to index
    %swap3A_956 = arith.constant 16 : index
    %swap3A_957 = tpu.vector_load %arg17[%swap3A_955, %swap3A_956] {strides = array<i32>} : memref<4x128xi32, #tpu.memory_space<vmem>>, vector<1x16xi32>,
    %swap3A_958 = vector.shape_cast %swap3A_957 : vector<1x16xi32> to vector<16xi32>
    %swap3A_959 = vector.shape_cast %select_n3A_953 : vector<16xi32> to vector<1x16xi32>
    tpu.vector_store %arg17[%swap3A_955, %swap3A_956], %swap3A_959 {strides = array<i32>} : memref<4x128xi32, #tpu.memory_space<vmem>>, vector<1x16xi32>,
    %get3A_960 = arith.constant 0 : i32
    %get3A_961 = arith.index_cast %get3A_960 : i32 to index
    %get3A_962 = arith.constant 16 : index
    %get3A_963 = tpu.vector_load %arg22[%get3A_961, %get3A_962] {strides = array<i32>} : memref<4x128xi32, #tpu.memory_space<vmem>>, vector<1x16xi32>,
    %get3A_964 = vector.shape_cast %get3A_963 : vector<1x16xi32> to vector<16xi32>
    %get3A_965 = arith.constant 0 : i32
    %get3A_966 = arith.index_cast %get3A_965 : i32 to index
    %get3A_967 = arith.constant 16 : index
    %get3A_968 = tpu.vector_load %arg18[%get3A_966, %get3A_967] {strides = array<i32>} : memref<4x128xi32, #tpu.memory_space<vmem>>, vector<1x16xi32>,
    %get3A_969 = vector.shape_cast %get3A_968 : vector<1x16xi32> to vector<16xi32>
    %select_n3A_970 = arith.select %lt3A_942, %get3A_964, %get3A_969 : vector<16xi1>, vector<16xi32>
    %swap3A_971 = arith.constant 0 : i32
    %swap3A_972 = arith.index_cast %swap3A_971 : i32 to index
    %swap3A_973 = arith.constant 16 : index
    %swap3A_974 = tpu.vector_load %arg18[%swap3A_972, %swap3A_973] {strides = array<i32>} : memref<4x128xi32, #tpu.memory_space<vmem>>, vector<1x16xi32>,
    %swap3A_975 = vector.shape_cast %swap3A_974 : vector<1x16xi32> to vector<16xi32>
    %swap3A_976 = vector.shape_cast %select_n3A_970 : vector<16xi32> to vector<1x16xi32>
    tpu.vector_store %arg18[%swap3A_972, %swap3A_973], %swap3A_976 {strides = array<i32>} : memref<4x128xi32, #tpu.memory_space<vmem>>, vector<1x16xi32>,
    %get3A_977 = arith.constant 0 : i32
    %get3A_978 = arith.index_cast %get3A_977 : i32 to index
    %get3A_979 = arith.constant 16 : index
    %get3A_980 = tpu.vector_load %arg23[%get3A_978, %get3A_979] {strides = array<i32>} : memref<4x128xf32, #tpu.memory_space<vmem>>, vector<1x16xf32>,
    %get3A_981 = vector.shape_cast %get3A_980 : vector<1x16xf32> to vector<16xf32>
    %get3A_982 = arith.constant 0 : i32
    %get3A_983 = arith.index_cast %get3A_982 : i32 to index
    %get3A_984 = arith.constant 16 : index
    %get3A_985 = tpu.vector_load %arg19[%get3A_983, %get3A_984] {strides = array<i32>} : memref<4x128xf32, #tpu.memory_space<vmem>>, vector<1x16xf32>,
    %get3A_986 = vector.shape_cast %get3A_985 : vector<1x16xf32> to vector<16xf32>
    %select_n3A_987 = arith.select %lt3A_942, %get3A_981, %get3A_986 : vector<16xi1>, vector<16xf32>
    %swap3A_988 = arith.constant 0 : i32
    %swap3A_989 = arith.index_cast %swap3A_988 : i32 to index
    %swap3A_990 = arith.constant 16 : index
    %swap3A_991 = tpu.vector_load %arg19[%swap3A_989, %swap3A_990] {strides = array<i32>} : memref<4x128xf32, #tpu.memory_space<vmem>>, vector<1x16xf32>,
    %swap3A_992 = vector.shape_cast %swap3A_991 : vector<1x16xf32> to vector<16xf32>
    %swap3A_993 = vector.shape_cast %select_n3A_987 : vector<16xf32> to vector<1x16xf32>
    tpu.vector_store %arg19[%swap3A_989, %swap3A_990], %swap3A_993 {strides = array<i32>} : memref<4x128xf32, #tpu.memory_space<vmem>>, vector<1x16xf32>,
    %get3A_994 = arith.constant 0 : i32
    %get3A_995 = arith.index_cast %get3A_994 : i32 to index
    %get3A_996 = arith.constant 16 : index
    %get3A_997 = tpu.vector_load %arg24[%get3A_995, %get3A_996] {strides = array<i32>} : memref<4x128xf32, #tpu.memory_space<vmem>>, vector<1x16xf32>,
    %get3A_998 = vector.shape_cast %get3A_997 : vector<1x16xf32> to vector<16xf32>
    %get3A_999 = arith.constant 0 : i32
    %get3A_1000 = arith.index_cast %get3A_999 : i32 to index
    %get3A_1001 = arith.constant 16 : index
    %get3A_1002 = tpu.vector_load %arg20[%get3A_1000, %get3A_1001] {strides = array<i32>} : memref<4x128xf32, #tpu.memory_space<vmem>>, vector<1x16xf32>,
    %get3A_1003 = vector.shape_cast %get3A_1002 : vector<1x16xf32> to vector<16xf32>
    %select_n3A_1004 = arith.select %lt3A_942, %get3A_998, %get3A_1003 : vector<16xi1>, vector<16xf32>
    %swap3A_1005 = arith.constant 0 : i32
    %swap3A_1006 = arith.index_cast %swap3A_1005 : i32 to index
    %swap3A_1007 = arith.constant 16 : index
    %swap3A_1008 = tpu.vector_load %arg20[%swap3A_1006, %swap3A_1007] {strides = array<i32>} : memref<4x128xf32, #tpu.memory_space<vmem>>, vector<1x16xf32>,
    %swap3A_1009 = vector.shape_cast %swap3A_1008 : vector<1x16xf32> to vector<16xf32>
    %swap3A_1010 = vector.shape_cast %select_n3A_1004 : vector<16xf32> to vector<1x16xf32>
    tpu.vector_store %arg20[%swap3A_1006, %swap3A_1007], %swap3A_1010 {strides = array<i32>} : memref<4x128xf32, #tpu.memory_space<vmem>>, vector<1x16xf32>,
    %get3A_1011 = arith.constant 0 : i32
    %get3A_1012 = arith.index_cast %get3A_1011 : i32 to index
    %get3A_1013 = arith.constant 32 : index
    %get3A_1014 = tpu.vector_load %arg15[%get3A_1012, %get3A_1013] {strides = array<i32>} : memref<4x128xi32, #tpu.memory_space<vmem>>, vector<1x16xi32>,
    %get3A_1015 = vector.shape_cast %get3A_1014 : vector<1x16xi32> to vector<16xi32>
    %lt3A_1016 = arith.constant 2048 : i32
    %lt3A_1017 = vector.broadcast %lt3A_1016 : i32 to vector<16xi32>
    %lt3A_1018 = arith.cmpi slt, %get3A_1015, %lt3A_1017 : vector<16xi32>
    %get3A_1019 = arith.constant 0 : i32
    %get3A_1020 = arith.index_cast %get3A_1019 : i32 to index
    %get3A_1021 = arith.constant 32 : index
    %get3A_1022 = tpu.vector_load %arg21[%get3A_1020, %get3A_1021] {strides = array<i32>} : memref<4x128xi32, #tpu.memory_space<vmem>>, vector<1x16xi32>,
    %get3A_1023 = vector.shape_cast %get3A_1022 : vector<1x16xi32> to vector<16xi32>
    %get3A_1024 = arith.constant 0 : i32
    %get3A_1025 = arith.index_cast %get3A_1024 : i32 to index
    %get3A_1026 = arith.constant 32 : index
    %get3A_1027 = tpu.vector_load %arg17[%get3A_1025, %get3A_1026] {strides = array<i32>} : memref<4x128xi32, #tpu.memory_space<vmem>>, vector<1x16xi32>,
    %get3A_1028 = vector.shape_cast %get3A_1027 : vector<1x16xi32> to vector<16xi32>
    %select_n3A_1029 = arith.select %lt3A_1018, %get3A_1023, %get3A_1028 : vector<16xi1>, vector<16xi32>
    %swap3A_1030 = arith.constant 0 : i32
    %swap3A_1031 = arith.index_cast %swap3A_1030 : i32 to index
    %swap3A_1032 = arith.constant 32 : index
    %swap3A_1033 = tpu.vector_load %arg17[%swap3A_1031, %swap3A_1032] {strides = array<i32>} : memref<4x128xi32, #tpu.memory_space<vmem>>, vector<1x16xi32>,
    %swap3A_1034 = vector.shape_cast %swap3A_1033 : vector<1x16xi32> to vector<16xi32>
    %swap3A_1035 = vector.shape_cast %select_n3A_1029 : vector<16xi32> to vector<1x16xi32>
    tpu.vector_store %arg17[%swap3A_1031, %swap3A_1032], %swap3A_1035 {strides = array<i32>} : memref<4x128xi32, #tpu.memory_space<vmem>>, vector<1x16xi32>,
    %get3A_1036 = arith.constant 0 : i32
    %get3A_1037 = arith.index_cast %get3A_1036 : i32 to index
    %get3A_1038 = arith.constant 32 : index
    %get3A_1039 = tpu.vector_load %arg22[%get3A_1037, %get3A_1038] {strides = array<i32>} : memref<4x128xi32, #tpu.memory_space<vmem>>, vector<1x16xi32>,
    %get3A_1040 = vector.shape_cast %get3A_1039 : vector<1x16xi32> to vector<16xi32>
    %get3A_1041 = arith.constant 0 : i32
    %get3A_1042 = arith.index_cast %get3A_1041 : i32 to index
    %get3A_1043 = arith.constant 32 : index
    %get3A_1044 = tpu.vector_load %arg18[%get3A_1042, %get3A_1043] {strides = array<i32>} : memref<4x128xi32, #tpu.memory_space<vmem>>, vector<1x16xi32>,
    %get3A_1045 = vector.shape_cast %get3A_1044 : vector<1x16xi32> to vector<16xi32>
    %select_n3A_1046 = arith.select %lt3A_1018, %get3A_1040, %get3A_1045 : vector<16xi1>, vector<16xi32>
    %swap3A_1047 = arith.constant 0 : i32
    %swap3A_1048 = arith.index_cast %swap3A_1047 : i32 to index
    %swap3A_1049 = arith.constant 32 : index
    %swap3A_1050 = tpu.vector_load %arg18[%swap3A_1048, %swap3A_1049] {strides = array<i32>} : memref<4x128xi32, #tpu.memory_space<vmem>>, vector<1x16xi32>,
    %swap3A_1051 = vector.shape_cast %swap3A_1050 : vector<1x16xi32> to vector<16xi32>
    %swap3A_1052 = vector.shape_cast %select_n3A_1046 : vector<16xi32> to vector<1x16xi32>
    tpu.vector_store %arg18[%swap3A_1048, %swap3A_1049], %swap3A_1052 {strides = array<i32>} : memref<4x128xi32, #tpu.memory_space<vmem>>, vector<1x16xi32>,
    %get3A_1053 = arith.constant 0 : i32
    %get3A_1054 = arith.index_cast %get3A_1053 : i32 to index
    %get3A_1055 = arith.constant 32 : index
    %get3A_1056 = tpu.vector_load %arg23[%get3A_1054, %get3A_1055] {strides = array<i32>} : memref<4x128xf32, #tpu.memory_space<vmem>>, vector<1x16xf32>,
    %get3A_1057 = vector.shape_cast %get3A_1056 : vector<1x16xf32> to vector<16xf32>
    %get3A_1058 = arith.constant 0 : i32
    %get3A_1059 = arith.index_cast %get3A_1058 : i32 to index
    %get3A_1060 = arith.constant 32 : index
    %get3A_1061 = tpu.vector_load %arg19[%get3A_1059, %get3A_1060] {strides = array<i32>} : memref<4x128xf32, #tpu.memory_space<vmem>>, vector<1x16xf32>,
    %get3A_1062 = vector.shape_cast %get3A_1061 : vector<1x16xf32> to vector<16xf32>
    %select_n3A_1063 = arith.select %lt3A_1018, %get3A_1057, %get3A_1062 : vector<16xi1>, vector<16xf32>
    %swap3A_1064 = arith.constant 0 : i32
    %swap3A_1065 = arith.index_cast %swap3A_1064 : i32 to index
    %swap3A_1066 = arith.constant 32 : index
    %swap3A_1067 = tpu.vector_load %arg19[%swap3A_1065, %swap3A_1066] {strides = array<i32>} : memref<4x128xf32, #tpu.memory_space<vmem>>, vector<1x16xf32>,
    %swap3A_1068 = vector.shape_cast %swap3A_1067 : vector<1x16xf32> to vector<16xf32>
    %swap3A_1069 = vector.shape_cast %select_n3A_1063 : vector<16xf32> to vector<1x16xf32>
    tpu.vector_store %arg19[%swap3A_1065, %swap3A_1066], %swap3A_1069 {strides = array<i32>} : memref<4x128xf32, #tpu.memory_space<vmem>>, vector<1x16xf32>,
    %get3A_1070 = arith.constant 0 : i32
    %get3A_1071 = arith.index_cast %get3A_1070 : i32 to index
    %get3A_1072 = arith.constant 32 : index
    %get3A_1073 = tpu.vector_load %arg24[%get3A_1071, %get3A_1072] {strides = array<i32>} : memref<4x128xf32, #tpu.memory_space<vmem>>, vector<1x16xf32>,
    %get3A_1074 = vector.shape_cast %get3A_1073 : vector<1x16xf32> to vector<16xf32>
    %get3A_1075 = arith.constant 0 : i32
    %get3A_1076 = arith.index_cast %get3A_1075 : i32 to index
    %get3A_1077 = arith.constant 32 : index
    %get3A_1078 = tpu.vector_load %arg20[%get3A_1076, %get3A_1077] {strides = array<i32>} : memref<4x128xf32, #tpu.memory_space<vmem>>, vector<1x16xf32>,
    %get3A_1079 = vector.shape_cast %get3A_1078 : vector<1x16xf32> to vector<16xf32>
    %select_n3A_1080 = arith.select %lt3A_1018, %get3A_1074, %get3A_1079 : vector<16xi1>, vector<16xf32>
    %swap3A_1081 = arith.constant 0 : i32
    %swap3A_1082 = arith.index_cast %swap3A_1081 : i32 to index
    %swap3A_1083 = arith.constant 32 : index
    %swap3A_1084 = tpu.vector_load %arg20[%swap3A_1082, %swap3A_1083] {strides = array<i32>} : memref<4x128xf32, #tpu.memory_space<vmem>>, vector<1x16xf32>,
    %swap3A_1085 = vector.shape_cast %swap3A_1084 : vector<1x16xf32> to vector<16xf32>
    %swap3A_1086 = vector.shape_cast %select_n3A_1080 : vector<16xf32> to vector<1x16xf32>
    tpu.vector_store %arg20[%swap3A_1082, %swap3A_1083], %swap3A_1086 {strides = array<i32>} : memref<4x128xf32, #tpu.memory_space<vmem>>, vector<1x16xf32>,
    %get3A_1087 = arith.constant 0 : i32
    %get3A_1088 = arith.index_cast %get3A_1087 : i32 to index
    %get3A_1089 = arith.constant 48 : index
    %get3A_1090 = tpu.vector_load %arg15[%get3A_1088, %get3A_1089] {strides = array<i32>} : memref<4x128xi32, #tpu.memory_space<vmem>>, vector<1x16xi32>,
    %get3A_1091 = vector.shape_cast %get3A_1090 : vector<1x16xi32> to vector<16xi32>
    %lt3A_1092 = arith.constant 2048 : i32
    %lt3A_1093 = vector.broadcast %lt3A_1092 : i32 to vector<16xi32>
    %lt3A_1094 = arith.cmpi slt, %get3A_1091, %lt3A_1093 : vector<16xi32>
    %get3A_1095 = arith.constant 0 : i32
    %get3A_1096 = arith.index_cast %get3A_1095 : i32 to index
    %get3A_1097 = arith.constant 48 : index
    %get3A_1098 = tpu.vector_load %arg21[%get3A_1096, %get3A_1097] {strides = array<i32>} : memref<4x128xi32, #tpu.memory_space<vmem>>, vector<1x16xi32>,
    %get3A_1099 = vector.shape_cast %get3A_1098 : vector<1x16xi32> to vector<16xi32>
    %get3A_1100 = arith.constant 0 : i32
    %get3A_1101 = arith.index_cast %get3A_1100 : i32 to index
    %get3A_1102 = arith.constant 48 : index
    %get3A_1103 = tpu.vector_load %arg17[%get3A_1101, %get3A_1102] {strides = array<i32>} : memref<4x128xi32, #tpu.memory_space<vmem>>, vector<1x16xi32>,
    %get3A_1104 = vector.shape_cast %get3A_1103 : vector<1x16xi32> to vector<16xi32>
    %select_n3A_1105 = arith.select %lt3A_1094, %get3A_1099, %get3A_1104 : vector<16xi1>, vector<16xi32>
    %swap3A_1106 = arith.constant 0 : i32
    %swap3A_1107 = arith.index_cast %swap3A_1106 : i32 to index
    %swap3A_1108 = arith.constant 48 : index
    %swap3A_1109 = tpu.vector_load %arg17[%swap3A_1107, %swap3A_1108] {strides = array<i32>} : memref<4x128xi32, #tpu.memory_space<vmem>>, vector<1x16xi32>,
    %swap3A_1110 = vector.shape_cast %swap3A_1109 : vector<1x16xi32> to vector<16xi32>
    %swap3A_1111 = vector.shape_cast %select_n3A_1105 : vector<16xi32> to vector<1x16xi32>
    tpu.vector_store %arg17[%swap3A_1107, %swap3A_1108], %swap3A_1111 {strides = array<i32>} : memref<4x128xi32, #tpu.memory_space<vmem>>, vector<1x16xi32>,
    %get3A_1112 = arith.constant 0 : i32
    %get3A_1113 = arith.index_cast %get3A_1112 : i32 to index
    %get3A_1114 = arith.constant 48 : index
    %get3A_1115 = tpu.vector_load %arg22[%get3A_1113, %get3A_1114] {strides = array<i32>} : memref<4x128xi32, #tpu.memory_space<vmem>>, vector<1x16xi32>,
    %get3A_1116 = vector.shape_cast %get3A_1115 : vector<1x16xi32> to vector<16xi32>
    %get3A_1117 = arith.constant 0 : i32
    %get3A_1118 = arith.index_cast %get3A_1117 : i32 to index
    %get3A_1119 = arith.constant 48 : index
    %get3A_1120 = tpu.vector_load %arg18[%get3A_1118, %get3A_1119] {strides = array<i32>} : memref<4x128xi32, #tpu.memory_space<vmem>>, vector<1x16xi32>,
    %get3A_1121 = vector.shape_cast %get3A_1120 : vector<1x16xi32> to vector<16xi32>
    %select_n3A_1122 = arith.select %lt3A_1094, %get3A_1116, %get3A_1121 : vector<16xi1>, vector<16xi32>
    %swap3A_1123 = arith.constant 0 : i32
    %swap3A_1124 = arith.index_cast %swap3A_1123 : i32 to index
    %swap3A_1125 = arith.constant 48 : index
    %swap3A_1126 = tpu.vector_load %arg18[%swap3A_1124, %swap3A_1125] {strides = array<i32>} : memref<4x128xi32, #tpu.memory_space<vmem>>, vector<1x16xi32>,
    %swap3A_1127 = vector.shape_cast %swap3A_1126 : vector<1x16xi32> to vector<16xi32>
    %swap3A_1128 = vector.shape_cast %select_n3A_1122 : vector<16xi32> to vector<1x16xi32>
    tpu.vector_store %arg18[%swap3A_1124, %swap3A_1125], %swap3A_1128 {strides = array<i32>} : memref<4x128xi32, #tpu.memory_space<vmem>>, vector<1x16xi32>,
    %get3A_1129 = arith.constant 0 : i32
    %get3A_1130 = arith.index_cast %get3A_1129 : i32 to index
    %get3A_1131 = arith.constant 48 : index
    %get3A_1132 = tpu.vector_load %arg23[%get3A_1130, %get3A_1131] {strides = array<i32>} : memref<4x128xf32, #tpu.memory_space<vmem>>, vector<1x16xf32>,
    %get3A_1133 = vector.shape_cast %get3A_1132 : vector<1x16xf32> to vector<16xf32>
    %get3A_1134 = arith.constant 0 : i32
    %get3A_1135 = arith.index_cast %get3A_1134 : i32 to index
    %get3A_1136 = arith.constant 48 : index
    %get3A_1137 = tpu.vector_load %arg19[%get3A_1135, %get3A_1136] {strides = array<i32>} : memref<4x128xf32, #tpu.memory_space<vmem>>, vector<1x16xf32>,
    %get3A_1138 = vector.shape_cast %get3A_1137 : vector<1x16xf32> to vector<16xf32>
    %select_n3A_1139 = arith.select %lt3A_1094, %get3A_1133, %get3A_1138 : vector<16xi1>, vector<16xf32>
    %swap3A_1140 = arith.constant 0 : i32
    %swap3A_1141 = arith.index_cast %swap3A_1140 : i32 to index
    %swap3A_1142 = arith.constant 48 : index
    %swap3A_1143 = tpu.vector_load %arg19[%swap3A_1141, %swap3A_1142] {strides = array<i32>} : memref<4x128xf32, #tpu.memory_space<vmem>>, vector<1x16xf32>,
    %swap3A_1144 = vector.shape_cast %swap3A_1143 : vector<1x16xf32> to vector<16xf32>
    %swap3A_1145 = vector.shape_cast %select_n3A_1139 : vector<16xf32> to vector<1x16xf32>
    tpu.vector_store %arg19[%swap3A_1141, %swap3A_1142], %swap3A_1145 {strides = array<i32>} : memref<4x128xf32, #tpu.memory_space<vmem>>, vector<1x16xf32>,
    %get3A_1146 = arith.constant 0 : i32
    %get3A_1147 = arith.index_cast %get3A_1146 : i32 to index
    %get3A_1148 = arith.constant 48 : index
    %get3A_1149 = tpu.vector_load %arg24[%get3A_1147, %get3A_1148] {strides = array<i32>} : memref<4x128xf32, #tpu.memory_space<vmem>>, vector<1x16xf32>,
    %get3A_1150 = vector.shape_cast %get3A_1149 : vector<1x16xf32> to vector<16xf32>
    %get3A_1151 = arith.constant 0 : i32
    %get3A_1152 = arith.index_cast %get3A_1151 : i32 to index
    %get3A_1153 = arith.constant 48 : index
    %get3A_1154 = tpu.vector_load %arg20[%get3A_1152, %get3A_1153] {strides = array<i32>} : memref<4x128xf32, #tpu.memory_space<vmem>>, vector<1x16xf32>,
    %get3A_1155 = vector.shape_cast %get3A_1154 : vector<1x16xf32> to vector<16xf32>
    %select_n3A_1156 = arith.select %lt3A_1094, %get3A_1150, %get3A_1155 : vector<16xi1>, vector<16xf32>
    %swap3A_1157 = arith.constant 0 : i32
    %swap3A_1158 = arith.index_cast %swap3A_1157 : i32 to index
    %swap3A_1159 = arith.constant 48 : index
    %swap3A_1160 = tpu.vector_load %arg20[%swap3A_1158, %swap3A_1159] {strides = array<i32>} : memref<4x128xf32, #tpu.memory_space<vmem>>, vector<1x16xf32>,
    %swap3A_1161 = vector.shape_cast %swap3A_1160 : vector<1x16xf32> to vector<16xf32>
    %swap3A_1162 = vector.shape_cast %select_n3A_1156 : vector<16xf32> to vector<1x16xf32>
    tpu.vector_store %arg20[%swap3A_1158, %swap3A_1159], %swap3A_1162 {strides = array<i32>} : memref<4x128xf32, #tpu.memory_space<vmem>>, vector<1x16xf32>,
    %get3A_1163 = arith.constant 0 : i32
    %get3A_1164 = arith.index_cast %get3A_1163 : i32 to index
    %get3A_1165 = arith.constant 64 : index
    %get3A_1166 = tpu.vector_load %arg15[%get3A_1164, %get3A_1165] {strides = array<i32>} : memref<4x128xi32, #tpu.memory_space<vmem>>, vector<1x16xi32>,
    %get3A_1167 = vector.shape_cast %get3A_1166 : vector<1x16xi32> to vector<16xi32>
    %lt3A_1168 = arith.constant 2048 : i32
    %lt3A_1169 = vector.broadcast %lt3A_1168 : i32 to vector<16xi32>
    %lt3A_1170 = arith.cmpi slt, %get3A_1167, %lt3A_1169 : vector<16xi32>
    %get3A_1171 = arith.constant 0 : i32
    %get3A_1172 = arith.index_cast %get3A_1171 : i32 to index
    %get3A_1173 = arith.constant 64 : index
    %get3A_1174 = tpu.vector_load %arg21[%get3A_1172, %get3A_1173] {strides = array<i32>} : memref<4x128xi32, #tpu.memory_space<vmem>>, vector<1x16xi32>,
    %get3A_1175 = vector.shape_cast %get3A_1174 : vector<1x16xi32> to vector<16xi32>
    %get3A_1176 = arith.constant 0 : i32
    %get3A_1177 = arith.index_cast %get3A_1176 : i32 to index
    %get3A_1178 = arith.constant 64 : index
    %get3A_1179 = tpu.vector_load %arg17[%get3A_1177, %get3A_1178] {strides = array<i32>} : memref<4x128xi32, #tpu.memory_space<vmem>>, vector<1x16xi32>,
    %get3A_1180 = vector.shape_cast %get3A_1179 : vector<1x16xi32> to vector<16xi32>
    %select_n3A_1181 = arith.select %lt3A_1170, %get3A_1175, %get3A_1180 : vector<16xi1>, vector<16xi32>
    %swap3A_1182 = arith.constant 0 : i32
    %swap3A_1183 = arith.index_cast %swap3A_1182 : i32 to index
    %swap3A_1184 = arith.constant 64 : index
    %swap3A_1185 = tpu.vector_load %arg17[%swap3A_1183, %swap3A_1184] {strides = array<i32>} : memref<4x128xi32, #tpu.memory_space<vmem>>, vector<1x16xi32>,
    %swap3A_1186 = vector.shape_cast %swap3A_1185 : vector<1x16xi32> to vector<16xi32>
    %swap3A_1187 = vector.shape_cast %select_n3A_1181 : vector<16xi32> to vector<1x16xi32>
    tpu.vector_store %arg17[%swap3A_1183, %swap3A_1184], %swap3A_1187 {strides = array<i32>} : memref<4x128xi32, #tpu.memory_space<vmem>>, vector<1x16xi32>,
    %get3A_1188 = arith.constant 0 : i32
    %get3A_1189 = arith.index_cast %get3A_1188 : i32 to index
    %get3A_1190 = arith.constant 64 : index
    %get3A_1191 = tpu.vector_load %arg22[%get3A_1189, %get3A_1190] {strides = array<i32>} : memref<4x128xi32, #tpu.memory_space<vmem>>, vector<1x16xi32>,
    %get3A_1192 = vector.shape_cast %get3A_1191 : vector<1x16xi32> to vector<16xi32>
    %get3A_1193 = arith.constant 0 : i32
    %get3A_1194 = arith.index_cast %get3A_1193 : i32 to index
    %get3A_1195 = arith.constant 64 : index
    %get3A_1196 = tpu.vector_load %arg18[%get3A_1194, %get3A_1195] {strides = array<i32>} : memref<4x128xi32, #tpu.memory_space<vmem>>, vector<1x16xi32>,
    %get3A_1197 = vector.shape_cast %get3A_1196 : vector<1x16xi32> to vector<16xi32>
    %select_n3A_1198 = arith.select %lt3A_1170, %get3A_1192, %get3A_1197 : vector<16xi1>, vector<16xi32>
    %swap3A_1199 = arith.constant 0 : i32
    %swap3A_1200 = arith.index_cast %swap3A_1199 : i32 to index
    %swap3A_1201 = arith.constant 64 : index
    %swap3A_1202 = tpu.vector_load %arg18[%swap3A_1200, %swap3A_1201] {strides = array<i32>} : memref<4x128xi32, #tpu.memory_space<vmem>>, vector<1x16xi32>,
    %swap3A_1203 = vector.shape_cast %swap3A_1202 : vector<1x16xi32> to vector<16xi32>
    %swap3A_1204 = vector.shape_cast %select_n3A_1198 : vector<16xi32> to vector<1x16xi32>
    tpu.vector_store %arg18[%swap3A_1200, %swap3A_1201], %swap3A_1204 {strides = array<i32>} : memref<4x128xi32, #tpu.memory_space<vmem>>, vector<1x16xi32>,
    %get3A_1205 = arith.constant 0 : i32
    %get3A_1206 = arith.index_cast %get3A_1205 : i32 to index
    %get3A_1207 = arith.constant 64 : index
    %get3A_1208 = tpu.vector_load %arg23[%get3A_1206, %get3A_1207] {strides = array<i32>} : memref<4x128xf32, #tpu.memory_space<vmem>>, vector<1x16xf32>,
    %get3A_1209 = vector.shape_cast %get3A_1208 : vector<1x16xf32> to vector<16xf32>
    %get3A_1210 = arith.constant 0 : i32
    %get3A_1211 = arith.index_cast %get3A_1210 : i32 to index
    %get3A_1212 = arith.constant 64 : index
    %get3A_1213 = tpu.vector_load %arg19[%get3A_1211, %get3A_1212] {strides = array<i32>} : memref<4x128xf32, #tpu.memory_space<vmem>>, vector<1x16xf32>,
    %get3A_1214 = vector.shape_cast %get3A_1213 : vector<1x16xf32> to vector<16xf32>
    %select_n3A_1215 = arith.select %lt3A_1170, %get3A_1209, %get3A_1214 : vector<16xi1>, vector<16xf32>
    %swap3A_1216 = arith.constant 0 : i32
    %swap3A_1217 = arith.index_cast %swap3A_1216 : i32 to index
    %swap3A_1218 = arith.constant 64 : index
    %swap3A_1219 = tpu.vector_load %arg19[%swap3A_1217, %swap3A_1218] {strides = array<i32>} : memref<4x128xf32, #tpu.memory_space<vmem>>, vector<1x16xf32>,
    %swap3A_1220 = vector.shape_cast %swap3A_1219 : vector<1x16xf32> to vector<16xf32>
    %swap3A_1221 = vector.shape_cast %select_n3A_1215 : vector<16xf32> to vector<1x16xf32>
    tpu.vector_store %arg19[%swap3A_1217, %swap3A_1218], %swap3A_1221 {strides = array<i32>} : memref<4x128xf32, #tpu.memory_space<vmem>>, vector<1x16xf32>,
    %get3A_1222 = arith.constant 0 : i32
    %get3A_1223 = arith.index_cast %get3A_1222 : i32 to index
    %get3A_1224 = arith.constant 64 : index
    %get3A_1225 = tpu.vector_load %arg24[%get3A_1223, %get3A_1224] {strides = array<i32>} : memref<4x128xf32, #tpu.memory_space<vmem>>, vector<1x16xf32>,
    %get3A_1226 = vector.shape_cast %get3A_1225 : vector<1x16xf32> to vector<16xf32>
    %get3A_1227 = arith.constant 0 : i32
    %get3A_1228 = arith.index_cast %get3A_1227 : i32 to index
    %get3A_1229 = arith.constant 64 : index
    %get3A_1230 = tpu.vector_load %arg20[%get3A_1228, %get3A_1229] {strides = array<i32>} : memref<4x128xf32, #tpu.memory_space<vmem>>, vector<1x16xf32>,
    %get3A_1231 = vector.shape_cast %get3A_1230 : vector<1x16xf32> to vector<16xf32>
    %select_n3A_1232 = arith.select %lt3A_1170, %get3A_1226, %get3A_1231 : vector<16xi1>, vector<16xf32>
    %swap3A_1233 = arith.constant 0 : i32
    %swap3A_1234 = arith.index_cast %swap3A_1233 : i32 to index
    %swap3A_1235 = arith.constant 64 : index
    %swap3A_1236 = tpu.vector_load %arg20[%swap3A_1234, %swap3A_1235] {strides = array<i32>} : memref<4x128xf32, #tpu.memory_space<vmem>>, vector<1x16xf32>,
    %swap3A_1237 = vector.shape_cast %swap3A_1236 : vector<1x16xf32> to vector<16xf32>
    %swap3A_1238 = vector.shape_cast %select_n3A_1232 : vector<16xf32> to vector<1x16xf32>
    tpu.vector_store %arg20[%swap3A_1234, %swap3A_1235], %swap3A_1238 {strides = array<i32>} : memref<4x128xf32, #tpu.memory_space<vmem>>, vector<1x16xf32>,
    %get3A_1239 = arith.constant 0 : i32
    %get3A_1240 = arith.index_cast %get3A_1239 : i32 to index
    %get3A_1241 = arith.constant 80 : index
    %get3A_1242 = tpu.vector_load %arg15[%get3A_1240, %get3A_1241] {strides = array<i32>} : memref<4x128xi32, #tpu.memory_space<vmem>>, vector<1x16xi32>,
    %get3A_1243 = vector.shape_cast %get3A_1242 : vector<1x16xi32> to vector<16xi32>
    %lt3A_1244 = arith.constant 2048 : i32
    %lt3A_1245 = vector.broadcast %lt3A_1244 : i32 to vector<16xi32>
    %lt3A_1246 = arith.cmpi slt, %get3A_1243, %lt3A_1245 : vector<16xi32>
    %get3A_1247 = arith.constant 0 : i32
    %get3A_1248 = arith.index_cast %get3A_1247 : i32 to index
    %get3A_1249 = arith.constant 80 : index
    %get3A_1250 = tpu.vector_load %arg21[%get3A_1248, %get3A_1249] {strides = array<i32>} : memref<4x128xi32, #tpu.memory_space<vmem>>, vector<1x16xi32>,
    %get3A_1251 = vector.shape_cast %get3A_1250 : vector<1x16xi32> to vector<16xi32>
    %get3A_1252 = arith.constant 0 : i32
    %get3A_1253 = arith.index_cast %get3A_1252 : i32 to index
    %get3A_1254 = arith.constant 80 : index
    %get3A_1255 = tpu.vector_load %arg17[%get3A_1253, %get3A_1254] {strides = array<i32>} : memref<4x128xi32, #tpu.memory_space<vmem>>, vector<1x16xi32>,
    %get3A_1256 = vector.shape_cast %get3A_1255 : vector<1x16xi32> to vector<16xi32>
    %select_n3A_1257 = arith.select %lt3A_1246, %get3A_1251, %get3A_1256 : vector<16xi1>, vector<16xi32>
    %swap3A_1258 = arith.constant 0 : i32
    %swap3A_1259 = arith.index_cast %swap3A_1258 : i32 to index
    %swap3A_1260 = arith.constant 80 : index
    %swap3A_1261 = tpu.vector_load %arg17[%swap3A_1259, %swap3A_1260] {strides = array<i32>} : memref<4x128xi32, #tpu.memory_space<vmem>>, vector<1x16xi32>,
    %swap3A_1262 = vector.shape_cast %swap3A_1261 : vector<1x16xi32> to vector<16xi32>
    %swap3A_1263 = vector.shape_cast %select_n3A_1257 : vector<16xi32> to vector<1x16xi32>
    tpu.vector_store %arg17[%swap3A_1259, %swap3A_1260], %swap3A_1263 {strides = array<i32>} : memref<4x128xi32, #tpu.memory_space<vmem>>, vector<1x16xi32>,
    %get3A_1264 = arith.constant 0 : i32
    %get3A_1265 = arith.index_cast %get3A_1264 : i32 to index
    %get3A_1266 = arith.constant 80 : index
    %get3A_1267 = tpu.vector_load %arg22[%get3A_1265, %get3A_1266] {strides = array<i32>} : memref<4x128xi32, #tpu.memory_space<vmem>>, vector<1x16xi32>,
    %get3A_1268 = vector.shape_cast %get3A_1267 : vector<1x16xi32> to vector<16xi32>
    %get3A_1269 = arith.constant 0 : i32
    %get3A_1270 = arith.index_cast %get3A_1269 : i32 to index
    %get3A_1271 = arith.constant 80 : index
    %get3A_1272 = tpu.vector_load %arg18[%get3A_1270, %get3A_1271] {strides = array<i32>} : memref<4x128xi32, #tpu.memory_space<vmem>>, vector<1x16xi32>,
    %get3A_1273 = vector.shape_cast %get3A_1272 : vector<1x16xi32> to vector<16xi32>
    %select_n3A_1274 = arith.select %lt3A_1246, %get3A_1268, %get3A_1273 : vector<16xi1>, vector<16xi32>
    %swap3A_1275 = arith.constant 0 : i32
    %swap3A_1276 = arith.index_cast %swap3A_1275 : i32 to index
    %swap3A_1277 = arith.constant 80 : index
    %swap3A_1278 = tpu.vector_load %arg18[%swap3A_1276, %swap3A_1277] {strides = array<i32>} : memref<4x128xi32, #tpu.memory_space<vmem>>, vector<1x16xi32>,
    %swap3A_1279 = vector.shape_cast %swap3A_1278 : vector<1x16xi32> to vector<16xi32>
    %swap3A_1280 = vector.shape_cast %select_n3A_1274 : vector<16xi32> to vector<1x16xi32>
    tpu.vector_store %arg18[%swap3A_1276, %swap3A_1277], %swap3A_1280 {strides = array<i32>} : memref<4x128xi32, #tpu.memory_space<vmem>>, vector<1x16xi32>,
    %get3A_1281 = arith.constant 0 : i32
    %get3A_1282 = arith.index_cast %get3A_1281 : i32 to index
    %get3A_1283 = arith.constant 80 : index
    %get3A_1284 = tpu.vector_load %arg23[%get3A_1282, %get3A_1283] {strides = array<i32>} : memref<4x128xf32, #tpu.memory_space<vmem>>, vector<1x16xf32>,
    %get3A_1285 = vector.shape_cast %get3A_1284 : vector<1x16xf32> to vector<16xf32>
    %get3A_1286 = arith.constant 0 : i32
    %get3A_1287 = arith.index_cast %get3A_1286 : i32 to index
    %get3A_1288 = arith.constant 80 : index
    %get3A_1289 = tpu.vector_load %arg19[%get3A_1287, %get3A_1288] {strides = array<i32>} : memref<4x128xf32, #tpu.memory_space<vmem>>, vector<1x16xf32>,
    %get3A_1290 = vector.shape_cast %get3A_1289 : vector<1x16xf32> to vector<16xf32>
    %select_n3A_1291 = arith.select %lt3A_1246, %get3A_1285, %get3A_1290 : vector<16xi1>, vector<16xf32>
    %swap3A_1292 = arith.constant 0 : i32
    %swap3A_1293 = arith.index_cast %swap3A_1292 : i32 to index
    %swap3A_1294 = arith.constant 80 : index
    %swap3A_1295 = tpu.vector_load %arg19[%swap3A_1293, %swap3A_1294] {strides = array<i32>} : memref<4x128xf32, #tpu.memory_space<vmem>>, vector<1x16xf32>,
    %swap3A_1296 = vector.shape_cast %swap3A_1295 : vector<1x16xf32> to vector<16xf32>
    %swap3A_1297 = vector.shape_cast %select_n3A_1291 : vector<16xf32> to vector<1x16xf32>
    tpu.vector_store %arg19[%swap3A_1293, %swap3A_1294], %swap3A_1297 {strides = array<i32>} : memref<4x128xf32, #tpu.memory_space<vmem>>, vector<1x16xf32>,
    %get3A_1298 = arith.constant 0 : i32
    %get3A_1299 = arith.index_cast %get3A_1298 : i32 to index
    %get3A_1300 = arith.constant 80 : index
    %get3A_1301 = tpu.vector_load %arg24[%get3A_1299, %get3A_1300] {strides = array<i32>} : memref<4x128xf32, #tpu.memory_space<vmem>>, vector<1x16xf32>,
    %get3A_1302 = vector.shape_cast %get3A_1301 : vector<1x16xf32> to vector<16xf32>
    %get3A_1303 = arith.constant 0 : i32
    %get3A_1304 = arith.index_cast %get3A_1303 : i32 to index
    %get3A_1305 = arith.constant 80 : index
    %get3A_1306 = tpu.vector_load %arg20[%get3A_1304, %get3A_1305] {strides = array<i32>} : memref<4x128xf32, #tpu.memory_space<vmem>>, vector<1x16xf32>,
    %get3A_1307 = vector.shape_cast %get3A_1306 : vector<1x16xf32> to vector<16xf32>
    %select_n3A_1308 = arith.select %lt3A_1246, %get3A_1302, %get3A_1307 : vector<16xi1>, vector<16xf32>
    %swap3A_1309 = arith.constant 0 : i32
    %swap3A_1310 = arith.index_cast %swap3A_1309 : i32 to index
    %swap3A_1311 = arith.constant 80 : index
    %swap3A_1312 = tpu.vector_load %arg20[%swap3A_1310, %swap3A_1311] {strides = array<i32>} : memref<4x128xf32, #tpu.memory_space<vmem>>, vector<1x16xf32>,
    %swap3A_1313 = vector.shape_cast %swap3A_1312 : vector<1x16xf32> to vector<16xf32>
    %swap3A_1314 = vector.shape_cast %select_n3A_1308 : vector<16xf32> to vector<1x16xf32>
    tpu.vector_store %arg20[%swap3A_1310, %swap3A_1311], %swap3A_1314 {strides = array<i32>} : memref<4x128xf32, #tpu.memory_space<vmem>>, vector<1x16xf32>,
    %get3A_1315 = arith.constant 0 : i32
    %get3A_1316 = arith.index_cast %get3A_1315 : i32 to index
    %get3A_1317 = arith.constant 96 : index
    %get3A_1318 = tpu.vector_load %arg15[%get3A_1316, %get3A_1317] {strides = array<i32>} : memref<4x128xi32, #tpu.memory_space<vmem>>, vector<1x16xi32>,
    %get3A_1319 = vector.shape_cast %get3A_1318 : vector<1x16xi32> to vector<16xi32>
    %lt3A_1320 = arith.constant 2048 : i32
    %lt3A_1321 = vector.broadcast %lt3A_1320 : i32 to vector<16xi32>
    %lt3A_1322 = arith.cmpi slt, %get3A_1319, %lt3A_1321 : vector<16xi32>
    %get3A_1323 = arith.constant 0 : i32
    %get3A_1324 = arith.index_cast %get3A_1323 : i32 to index
    %get3A_1325 = arith.constant 96 : index
    %get3A_1326 = tpu.vector_load %arg21[%get3A_1324, %get3A_1325] {strides = array<i32>} : memref<4x128xi32, #tpu.memory_space<vmem>>, vector<1x16xi32>,
    %get3A_1327 = vector.shape_cast %get3A_1326 : vector<1x16xi32> to vector<16xi32>
    %get3A_1328 = arith.constant 0 : i32
    %get3A_1329 = arith.index_cast %get3A_1328 : i32 to index
    %get3A_1330 = arith.constant 96 : index
    %get3A_1331 = tpu.vector_load %arg17[%get3A_1329, %get3A_1330] {strides = array<i32>} : memref<4x128xi32, #tpu.memory_space<vmem>>, vector<1x16xi32>,
    %get3A_1332 = vector.shape_cast %get3A_1331 : vector<1x16xi32> to vector<16xi32>
    %select_n3A_1333 = arith.select %lt3A_1322, %get3A_1327, %get3A_1332 : vector<16xi1>, vector<16xi32>
    %swap3A_1334 = arith.constant 0 : i32
    %swap3A_1335 = arith.index_cast %swap3A_1334 : i32 to index
    %swap3A_1336 = arith.constant 96 : index
    %swap3A_1337 = tpu.vector_load %arg17[%swap3A_1335, %swap3A_1336] {strides = array<i32>} : memref<4x128xi32, #tpu.memory_space<vmem>>, vector<1x16xi32>,
    %swap3A_1338 = vector.shape_cast %swap3A_1337 : vector<1x16xi32> to vector<16xi32>
    %swap3A_1339 = vector.shape_cast %select_n3A_1333 : vector<16xi32> to vector<1x16xi32>
    tpu.vector_store %arg17[%swap3A_1335, %swap3A_1336], %swap3A_1339 {strides = array<i32>} : memref<4x128xi32, #tpu.memory_space<vmem>>, vector<1x16xi32>,
    %get3A_1340 = arith.constant 0 : i32
    %get3A_1341 = arith.index_cast %get3A_1340 : i32 to index
    %get3A_1342 = arith.constant 96 : index
    %get3A_1343 = tpu.vector_load %arg22[%get3A_1341, %get3A_1342] {strides = array<i32>} : memref<4x128xi32, #tpu.memory_space<vmem>>, vector<1x16xi32>,
    %get3A_1344 = vector.shape_cast %get3A_1343 : vector<1x16xi32> to vector<16xi32>
    %get3A_1345 = arith.constant 0 : i32
    %get3A_1346 = arith.index_cast %get3A_1345 : i32 to index
    %get3A_1347 = arith.constant 96 : index
    %get3A_1348 = tpu.vector_load %arg18[%get3A_1346, %get3A_1347] {strides = array<i32>} : memref<4x128xi32, #tpu.memory_space<vmem>>, vector<1x16xi32>,
    %get3A_1349 = vector.shape_cast %get3A_1348 : vector<1x16xi32> to vector<16xi32>
    %select_n3A_1350 = arith.select %lt3A_1322, %get3A_1344, %get3A_1349 : vector<16xi1>, vector<16xi32>
    %swap3A_1351 = arith.constant 0 : i32
    %swap3A_1352 = arith.index_cast %swap3A_1351 : i32 to index
    %swap3A_1353 = arith.constant 96 : index
    %swap3A_1354 = tpu.vector_load %arg18[%swap3A_1352, %swap3A_1353] {strides = array<i32>} : memref<4x128xi32, #tpu.memory_space<vmem>>, vector<1x16xi32>,
    %swap3A_1355 = vector.shape_cast %swap3A_1354 : vector<1x16xi32> to vector<16xi32>
    %swap3A_1356 = vector.shape_cast %select_n3A_1350 : vector<16xi32> to vector<1x16xi32>
    tpu.vector_store %arg18[%swap3A_1352, %swap3A_1353], %swap3A_1356 {strides = array<i32>} : memref<4x128xi32, #tpu.memory_space<vmem>>, vector<1x16xi32>,
    %get3A_1357 = arith.constant 0 : i32
    %get3A_1358 = arith.index_cast %get3A_1357 : i32 to index
    %get3A_1359 = arith.constant 96 : index
    %get3A_1360 = tpu.vector_load %arg23[%get3A_1358, %get3A_1359] {strides = array<i32>} : memref<4x128xf32, #tpu.memory_space<vmem>>, vector<1x16xf32>,
    %get3A_1361 = vector.shape_cast %get3A_1360 : vector<1x16xf32> to vector<16xf32>
    %get3A_1362 = arith.constant 0 : i32
    %get3A_1363 = arith.index_cast %get3A_1362 : i32 to index
    %get3A_1364 = arith.constant 96 : index
    %get3A_1365 = tpu.vector_load %arg19[%get3A_1363, %get3A_1364] {strides = array<i32>} : memref<4x128xf32, #tpu.memory_space<vmem>>, vector<1x16xf32>,
    %get3A_1366 = vector.shape_cast %get3A_1365 : vector<1x16xf32> to vector<16xf32>
    %select_n3A_1367 = arith.select %lt3A_1322, %get3A_1361, %get3A_1366 : vector<16xi1>, vector<16xf32>
    %swap3A_1368 = arith.constant 0 : i32
    %swap3A_1369 = arith.index_cast %swap3A_1368 : i32 to index
    %swap3A_1370 = arith.constant 96 : index
    %swap3A_1371 = tpu.vector_load %arg19[%swap3A_1369, %swap3A_1370] {strides = array<i32>} : memref<4x128xf32, #tpu.memory_space<vmem>>, vector<1x16xf32>,
    %swap3A_1372 = vector.shape_cast %swap3A_1371 : vector<1x16xf32> to vector<16xf32>
    %swap3A_1373 = vector.shape_cast %select_n3A_1367 : vector<16xf32> to vector<1x16xf32>
    tpu.vector_store %arg19[%swap3A_1369, %swap3A_1370], %swap3A_1373 {strides = array<i32>} : memref<4x128xf32, #tpu.memory_space<vmem>>, vector<1x16xf32>,
    %get3A_1374 = arith.constant 0 : i32
    %get3A_1375 = arith.index_cast %get3A_1374 : i32 to index
    %get3A_1376 = arith.constant 96 : index
    %get3A_1377 = tpu.vector_load %arg24[%get3A_1375, %get3A_1376] {strides = array<i32>} : memref<4x128xf32, #tpu.memory_space<vmem>>, vector<1x16xf32>,
    %get3A_1378 = vector.shape_cast %get3A_1377 : vector<1x16xf32> to vector<16xf32>
    %get3A_1379 = arith.constant 0 : i32
    %get3A_1380 = arith.index_cast %get3A_1379 : i32 to index
    %get3A_1381 = arith.constant 96 : index
    %get3A_1382 = tpu.vector_load %arg20[%get3A_1380, %get3A_1381] {strides = array<i32>} : memref<4x128xf32, #tpu.memory_space<vmem>>, vector<1x16xf32>,
    %get3A_1383 = vector.shape_cast %get3A_1382 : vector<1x16xf32> to vector<16xf32>
    %select_n3A_1384 = arith.select %lt3A_1322, %get3A_1378, %get3A_1383 : vector<16xi1>, vector<16xf32>
    %swap3A_1385 = arith.constant 0 : i32
    %swap3A_1386 = arith.index_cast %swap3A_1385 : i32 to index
    %swap3A_1387 = arith.constant 96 : index
    %swap3A_1388 = tpu.vector_load %arg20[%swap3A_1386, %swap3A_1387] {strides = array<i32>} : memref<4x128xf32, #tpu.memory_space<vmem>>, vector<1x16xf32>,
    %swap3A_1389 = vector.shape_cast %swap3A_1388 : vector<1x16xf32> to vector<16xf32>
    %swap3A_1390 = vector.shape_cast %select_n3A_1384 : vector<16xf32> to vector<1x16xf32>
    tpu.vector_store %arg20[%swap3A_1386, %swap3A_1387], %swap3A_1390 {strides = array<i32>} : memref<4x128xf32, #tpu.memory_space<vmem>>, vector<1x16xf32>,
    %get3A_1391 = arith.constant 0 : i32
    %get3A_1392 = arith.index_cast %get3A_1391 : i32 to index
    %get3A_1393 = arith.constant 112 : index
    %get3A_1394 = tpu.vector_load %arg15[%get3A_1392, %get3A_1393] {strides = array<i32>} : memref<4x128xi32, #tpu.memory_space<vmem>>, vector<1x16xi32>,
    %get3A_1395 = vector.shape_cast %get3A_1394 : vector<1x16xi32> to vector<16xi32>
    %lt3A_1396 = arith.constant 2048 : i32
    %lt3A_1397 = vector.broadcast %lt3A_1396 : i32 to vector<16xi32>
    %lt3A_1398 = arith.cmpi slt, %get3A_1395, %lt3A_1397 : vector<16xi32>
    %get3A_1399 = arith.constant 0 : i32
    %get3A_1400 = arith.index_cast %get3A_1399 : i32 to index
    %get3A_1401 = arith.constant 112 : index
    %get3A_1402 = tpu.vector_load %arg21[%get3A_1400, %get3A_1401] {strides = array<i32>} : memref<4x128xi32, #tpu.memory_space<vmem>>, vector<1x16xi32>,
    %get3A_1403 = vector.shape_cast %get3A_1402 : vector<1x16xi32> to vector<16xi32>
    %get3A_1404 = arith.constant 0 : i32
    %get3A_1405 = arith.index_cast %get3A_1404 : i32 to index
    %get3A_1406 = arith.constant 112 : index
    %get3A_1407 = tpu.vector_load %arg17[%get3A_1405, %get3A_1406] {strides = array<i32>} : memref<4x128xi32, #tpu.memory_space<vmem>>, vector<1x16xi32>,
    %get3A_1408 = vector.shape_cast %get3A_1407 : vector<1x16xi32> to vector<16xi32>
    %select_n3A_1409 = arith.select %lt3A_1398, %get3A_1403, %get3A_1408 : vector<16xi1>, vector<16xi32>
    %swap3A_1410 = arith.constant 0 : i32
    %swap3A_1411 = arith.index_cast %swap3A_1410 : i32 to index
    %swap3A_1412 = arith.constant 112 : index
    %swap3A_1413 = tpu.vector_load %arg17[%swap3A_1411, %swap3A_1412] {strides = array<i32>} : memref<4x128xi32, #tpu.memory_space<vmem>>, vector<1x16xi32>,
    %swap3A_1414 = vector.shape_cast %swap3A_1413 : vector<1x16xi32> to vector<16xi32>
    %swap3A_1415 = vector.shape_cast %select_n3A_1409 : vector<16xi32> to vector<1x16xi32>
    tpu.vector_store %arg17[%swap3A_1411, %swap3A_1412], %swap3A_1415 {strides = array<i32>} : memref<4x128xi32, #tpu.memory_space<vmem>>, vector<1x16xi32>,
    %get3A_1416 = arith.constant 0 : i32
    %get3A_1417 = arith.index_cast %get3A_1416 : i32 to index
    %get3A_1418 = arith.constant 112 : index
    %get3A_1419 = tpu.vector_load %arg22[%get3A_1417, %get3A_1418] {strides = array<i32>} : memref<4x128xi32, #tpu.memory_space<vmem>>, vector<1x16xi32>,
    %get3A_1420 = vector.shape_cast %get3A_1419 : vector<1x16xi32> to vector<16xi32>
    %get3A_1421 = arith.constant 0 : i32
    %get3A_1422 = arith.index_cast %get3A_1421 : i32 to index
    %get3A_1423 = arith.constant 112 : index
    %get3A_1424 = tpu.vector_load %arg18[%get3A_1422, %get3A_1423] {strides = array<i32>} : memref<4x128xi32, #tpu.memory_space<vmem>>, vector<1x16xi32>,
    %get3A_1425 = vector.shape_cast %get3A_1424 : vector<1x16xi32> to vector<16xi32>
    %select_n3A_1426 = arith.select %lt3A_1398, %get3A_1420, %get3A_1425 : vector<16xi1>, vector<16xi32>
    %swap3A_1427 = arith.constant 0 : i32
    %swap3A_1428 = arith.index_cast %swap3A_1427 : i32 to index
    %swap3A_1429 = arith.constant 112 : index
    %swap3A_1430 = tpu.vector_load %arg18[%swap3A_1428, %swap3A_1429] {strides = array<i32>} : memref<4x128xi32, #tpu.memory_space<vmem>>, vector<1x16xi32>,
    %swap3A_1431 = vector.shape_cast %swap3A_1430 : vector<1x16xi32> to vector<16xi32>
    %swap3A_1432 = vector.shape_cast %select_n3A_1426 : vector<16xi32> to vector<1x16xi32>
    tpu.vector_store %arg18[%swap3A_1428, %swap3A_1429], %swap3A_1432 {strides = array<i32>} : memref<4x128xi32, #tpu.memory_space<vmem>>, vector<1x16xi32>,
    %get3A_1433 = arith.constant 0 : i32
    %get3A_1434 = arith.index_cast %get3A_1433 : i32 to index
    %get3A_1435 = arith.constant 112 : index
    %get3A_1436 = tpu.vector_load %arg23[%get3A_1434, %get3A_1435] {strides = array<i32>} : memref<4x128xf32, #tpu.memory_space<vmem>>, vector<1x16xf32>,
    %get3A_1437 = vector.shape_cast %get3A_1436 : vector<1x16xf32> to vector<16xf32>
    %get3A_1438 = arith.constant 0 : i32
    %get3A_1439 = arith.index_cast %get3A_1438 : i32 to index
    %get3A_1440 = arith.constant 112 : index
    %get3A_1441 = tpu.vector_load %arg19[%get3A_1439, %get3A_1440] {strides = array<i32>} : memref<4x128xf32, #tpu.memory_space<vmem>>, vector<1x16xf32>,
    %get3A_1442 = vector.shape_cast %get3A_1441 : vector<1x16xf32> to vector<16xf32>
    %select_n3A_1443 = arith.select %lt3A_1398, %get3A_1437, %get3A_1442 : vector<16xi1>, vector<16xf32>
    %swap3A_1444 = arith.constant 0 : i32
    %swap3A_1445 = arith.index_cast %swap3A_1444 : i32 to index
    %swap3A_1446 = arith.constant 112 : index
    %swap3A_1447 = tpu.vector_load %arg19[%swap3A_1445, %swap3A_1446] {strides = array<i32>} : memref<4x128xf32, #tpu.memory_space<vmem>>, vector<1x16xf32>,
    %swap3A_1448 = vector.shape_cast %swap3A_1447 : vector<1x16xf32> to vector<16xf32>
    %swap3A_1449 = vector.shape_cast %select_n3A_1443 : vector<16xf32> to vector<1x16xf32>
    tpu.vector_store %arg19[%swap3A_1445, %swap3A_1446], %swap3A_1449 {strides = array<i32>} : memref<4x128xf32, #tpu.memory_space<vmem>>, vector<1x16xf32>,
    %get3A_1450 = arith.constant 0 : i32
    %get3A_1451 = arith.index_cast %get3A_1450 : i32 to index
    %get3A_1452 = arith.constant 112 : index
    %get3A_1453 = tpu.vector_load %arg24[%get3A_1451, %get3A_1452] {strides = array<i32>} : memref<4x128xf32, #tpu.memory_space<vmem>>, vector<1x16xf32>,
    %get3A_1454 = vector.shape_cast %get3A_1453 : vector<1x16xf32> to vector<16xf32>
    %get3A_1455 = arith.constant 0 : i32
    %get3A_1456 = arith.index_cast %get3A_1455 : i32 to index
    %get3A_1457 = arith.constant 112 : index
    %get3A_1458 = tpu.vector_load %arg20[%get3A_1456, %get3A_1457] {strides = array<i32>} : memref<4x128xf32, #tpu.memory_space<vmem>>, vector<1x16xf32>,
    %get3A_1459 = vector.shape_cast %get3A_1458 : vector<1x16xf32> to vector<16xf32>
    %select_n3A_1460 = arith.select %lt3A_1398, %get3A_1454, %get3A_1459 : vector<16xi1>, vector<16xf32>
    %swap3A_1461 = arith.constant 0 : i32
    %swap3A_1462 = arith.index_cast %swap3A_1461 : i32 to index
    %swap3A_1463 = arith.constant 112 : index
    %swap3A_1464 = tpu.vector_load %arg20[%swap3A_1462, %swap3A_1463] {strides = array<i32>} : memref<4x128xf32, #tpu.memory_space<vmem>>, vector<1x16xf32>,
    %swap3A_1465 = vector.shape_cast %swap3A_1464 : vector<1x16xf32> to vector<16xf32>
    %swap3A_1466 = vector.shape_cast %select_n3A_1460 : vector<16xf32> to vector<1x16xf32>
    tpu.vector_store %arg20[%swap3A_1462, %swap3A_1463], %swap3A_1466 {strides = array<i32>} : memref<4x128xf32, #tpu.memory_space<vmem>>, vector<1x16xf32>,
    %get3A_1467 = arith.constant 1 : i32
    %get3A_1468 = arith.index_cast %get3A_1467 : i32 to index
    %get3A_1469 = arith.constant 0 : index
    %get3A_1470 = tpu.vector_load %arg15[%get3A_1468, %get3A_1469] {strides = array<i32>} : memref<4x128xi32, #tpu.memory_space<vmem>>, vector<1x16xi32>,
    %get3A_1471 = vector.shape_cast %get3A_1470 : vector<1x16xi32> to vector<16xi32>
    %lt3A_1472 = arith.constant 2048 : i32
    %lt3A_1473 = vector.broadcast %lt3A_1472 : i32 to vector<16xi32>
    %lt3A_1474 = arith.cmpi slt, %get3A_1471, %lt3A_1473 : vector<16xi32>
    %get3A_1475 = arith.constant 1 : i32
    %get3A_1476 = arith.index_cast %get3A_1475 : i32 to index
    %get3A_1477 = arith.constant 0 : index
    %get3A_1478 = tpu.vector_load %arg21[%get3A_1476, %get3A_1477] {strides = array<i32>} : memref<4x128xi32, #tpu.memory_space<vmem>>, vector<1x16xi32>,
    %get3A_1479 = vector.shape_cast %get3A_1478 : vector<1x16xi32> to vector<16xi32>
    %get3A_1480 = arith.constant 1 : i32
    %get3A_1481 = arith.index_cast %get3A_1480 : i32 to index
    %get3A_1482 = arith.constant 0 : index
    %get3A_1483 = tpu.vector_load %arg17[%get3A_1481, %get3A_1482] {strides = array<i32>} : memref<4x128xi32, #tpu.memory_space<vmem>>, vector<1x16xi32>,
    %get3A_1484 = vector.shape_cast %get3A_1483 : vector<1x16xi32> to vector<16xi32>
    %select_n3A_1485 = arith.select %lt3A_1474, %get3A_1479, %get3A_1484 : vector<16xi1>, vector<16xi32>
    %swap3A_1486 = arith.constant 1 : i32
    %swap3A_1487 = arith.index_cast %swap3A_1486 : i32 to index
    %swap3A_1488 = arith.constant 0 : index
    %swap3A_1489 = tpu.vector_load %arg17[%swap3A_1487, %swap3A_1488] {strides = array<i32>} : memref<4x128xi32, #tpu.memory_space<vmem>>, vector<1x16xi32>,
    %swap3A_1490 = vector.shape_cast %swap3A_1489 : vector<1x16xi32> to vector<16xi32>
    %swap3A_1491 = vector.shape_cast %select_n3A_1485 : vector<16xi32> to vector<1x16xi32>
    tpu.vector_store %arg17[%swap3A_1487, %swap3A_1488], %swap3A_1491 {strides = array<i32>} : memref<4x128xi32, #tpu.memory_space<vmem>>, vector<1x16xi32>,
    %get3A_1492 = arith.constant 1 : i32
    %get3A_1493 = arith.index_cast %get3A_1492 : i32 to index
    %get3A_1494 = arith.constant 0 : index
    %get3A_1495 = tpu.vector_load %arg22[%get3A_1493, %get3A_1494] {strides = array<i32>} : memref<4x128xi32, #tpu.memory_space<vmem>>, vector<1x16xi32>,
    %get3A_1496 = vector.shape_cast %get3A_1495 : vector<1x16xi32> to vector<16xi32>
    %get3A_1497 = arith.constant 1 : i32
    %get3A_1498 = arith.index_cast %get3A_1497 : i32 to index
    %get3A_1499 = arith.constant 0 : index
    %get3A_1500 = tpu.vector_load %arg18[%get3A_1498, %get3A_1499] {strides = array<i32>} : memref<4x128xi32, #tpu.memory_space<vmem>>, vector<1x16xi32>,
    %get3A_1501 = vector.shape_cast %get3A_1500 : vector<1x16xi32> to vector<16xi32>
    %select_n3A_1502 = arith.select %lt3A_1474, %get3A_1496, %get3A_1501 : vector<16xi1>, vector<16xi32>
    %swap3A_1503 = arith.constant 1 : i32
    %swap3A_1504 = arith.index_cast %swap3A_1503 : i32 to index
    %swap3A_1505 = arith.constant 0 : index
    %swap3A_1506 = tpu.vector_load %arg18[%swap3A_1504, %swap3A_1505] {strides = array<i32>} : memref<4x128xi32, #tpu.memory_space<vmem>>, vector<1x16xi32>,
    %swap3A_1507 = vector.shape_cast %swap3A_1506 : vector<1x16xi32> to vector<16xi32>
    %swap3A_1508 = vector.shape_cast %select_n3A_1502 : vector<16xi32> to vector<1x16xi32>
    tpu.vector_store %arg18[%swap3A_1504, %swap3A_1505], %swap3A_1508 {strides = array<i32>} : memref<4x128xi32, #tpu.memory_space<vmem>>, vector<1x16xi32>,
    %get3A_1509 = arith.constant 1 : i32
    %get3A_1510 = arith.index_cast %get3A_1509 : i32 to index
    %get3A_1511 = arith.constant 0 : index
    %get3A_1512 = tpu.vector_load %arg23[%get3A_1510, %get3A_1511] {strides = array<i32>} : memref<4x128xf32, #tpu.memory_space<vmem>>, vector<1x16xf32>,
    %get3A_1513 = vector.shape_cast %get3A_1512 : vector<1x16xf32> to vector<16xf32>
    %get3A_1514 = arith.constant 1 : i32
    %get3A_1515 = arith.index_cast %get3A_1514 : i32 to index
    %get3A_1516 = arith.constant 0 : index
    %get3A_1517 = tpu.vector_load %arg19[%get3A_1515, %get3A_1516] {strides = array<i32>} : memref<4x128xf32, #tpu.memory_space<vmem>>, vector<1x16xf32>,
    %get3A_1518 = vector.shape_cast %get3A_1517 : vector<1x16xf32> to vector<16xf32>
    %select_n3A_1519 = arith.select %lt3A_1474, %get3A_1513, %get3A_1518 : vector<16xi1>, vector<16xf32>
    %swap3A_1520 = arith.constant 1 : i32
    %swap3A_1521 = arith.index_cast %swap3A_1520 : i32 to index
    %swap3A_1522 = arith.constant 0 : index
    %swap3A_1523 = tpu.vector_load %arg19[%swap3A_1521, %swap3A_1522] {strides = array<i32>} : memref<4x128xf32, #tpu.memory_space<vmem>>, vector<1x16xf32>,
    %swap3A_1524 = vector.shape_cast %swap3A_1523 : vector<1x16xf32> to vector<16xf32>
    %swap3A_1525 = vector.shape_cast %select_n3A_1519 : vector<16xf32> to vector<1x16xf32>
    tpu.vector_store %arg19[%swap3A_1521, %swap3A_1522], %swap3A_1525 {strides = array<i32>} : memref<4x128xf32, #tpu.memory_space<vmem>>, vector<1x16xf32>,
    %get3A_1526 = arith.constant 1 : i32
    %get3A_1527 = arith.index_cast %get3A_1526 : i32 to index
    %get3A_1528 = arith.constant 0 : index
    %get3A_1529 = tpu.vector_load %arg24[%get3A_1527, %get3A_1528] {strides = array<i32>} : memref<4x128xf32, #tpu.memory_space<vmem>>, vector<1x16xf32>,
    %get3A_1530 = vector.shape_cast %get3A_1529 : vector<1x16xf32> to vector<16xf32>
    %get3A_1531 = arith.constant 1 : i32
    %get3A_1532 = arith.index_cast %get3A_1531 : i32 to index
    %get3A_1533 = arith.constant 0 : index
    %get3A_1534 = tpu.vector_load %arg20[%get3A_1532, %get3A_1533] {strides = array<i32>} : memref<4x128xf32, #tpu.memory_space<vmem>>, vector<1x16xf32>,
    %get3A_1535 = vector.shape_cast %get3A_1534 : vector<1x16xf32> to vector<16xf32>
    %select_n3A_1536 = arith.select %lt3A_1474, %get3A_1530, %get3A_1535 : vector<16xi1>, vector<16xf32>
    %swap3A_1537 = arith.constant 1 : i32
    %swap3A_1538 = arith.index_cast %swap3A_1537 : i32 to index
    %swap3A_1539 = arith.constant 0 : index
    %swap3A_1540 = tpu.vector_load %arg20[%swap3A_1538, %swap3A_1539] {strides = array<i32>} : memref<4x128xf32, #tpu.memory_space<vmem>>, vector<1x16xf32>,
    %swap3A_1541 = vector.shape_cast %swap3A_1540 : vector<1x16xf32> to vector<16xf32>
    %swap3A_1542 = vector.shape_cast %select_n3A_1536 : vector<16xf32> to vector<1x16xf32>
    tpu.vector_store %arg20[%swap3A_1538, %swap3A_1539], %swap3A_1542 {strides = array<i32>} : memref<4x128xf32, #tpu.memory_space<vmem>>, vector<1x16xf32>,
    %get3A_1543 = arith.constant 1 : i32
    %get3A_1544 = arith.index_cast %get3A_1543 : i32 to index
    %get3A_1545 = arith.constant 16 : index
    %get3A_1546 = tpu.vector_load %arg15[%get3A_1544, %get3A_1545] {strides = array<i32>} : memref<4x128xi32, #tpu.memory_space<vmem>>, vector<1x16xi32>,
    %get3A_1547 = vector.shape_cast %get3A_1546 : vector<1x16xi32> to vector<16xi32>
    %lt3A_1548 = arith.constant 2048 : i32
    %lt3A_1549 = vector.broadcast %lt3A_1548 : i32 to vector<16xi32>
    %lt3A_1550 = arith.cmpi slt, %get3A_1547, %lt3A_1549 : vector<16xi32>
    %get3A_1551 = arith.constant 1 : i32
    %get3A_1552 = arith.index_cast %get3A_1551 : i32 to index
    %get3A_1553 = arith.constant 16 : index
    %get3A_1554 = tpu.vector_load %arg21[%get3A_1552, %get3A_1553] {strides = array<i32>} : memref<4x128xi32, #tpu.memory_space<vmem>>, vector<1x16xi32>,
    %get3A_1555 = vector.shape_cast %get3A_1554 : vector<1x16xi32> to vector<16xi32>
    %get3A_1556 = arith.constant 1 : i32
    %get3A_1557 = arith.index_cast %get3A_1556 : i32 to index
    %get3A_1558 = arith.constant 16 : index
    %get3A_1559 = tpu.vector_load %arg17[%get3A_1557, %get3A_1558] {strides = array<i32>} : memref<4x128xi32, #tpu.memory_space<vmem>>, vector<1x16xi32>,
    %get3A_1560 = vector.shape_cast %get3A_1559 : vector<1x16xi32> to vector<16xi32>
    %select_n3A_1561 = arith.select %lt3A_1550, %get3A_1555, %get3A_1560 : vector<16xi1>, vector<16xi32>
    %swap3A_1562 = arith.constant 1 : i32
    %swap3A_1563 = arith.index_cast %swap3A_1562 : i32 to index
    %swap3A_1564 = arith.constant 16 : index
    %swap3A_1565 = tpu.vector_load %arg17[%swap3A_1563, %swap3A_1564] {strides = array<i32>} : memref<4x128xi32, #tpu.memory_space<vmem>>, vector<1x16xi32>,
    %swap3A_1566 = vector.shape_cast %swap3A_1565 : vector<1x16xi32> to vector<16xi32>
    %swap3A_1567 = vector.shape_cast %select_n3A_1561 : vector<16xi32> to vector<1x16xi32>
    tpu.vector_store %arg17[%swap3A_1563, %swap3A_1564], %swap3A_1567 {strides = array<i32>} : memref<4x128xi32, #tpu.memory_space<vmem>>, vector<1x16xi32>,
    %get3A_1568 = arith.constant 1 : i32
    %get3A_1569 = arith.index_cast %get3A_1568 : i32 to index
    %get3A_1570 = arith.constant 16 : index
    %get3A_1571 = tpu.vector_load %arg22[%get3A_1569, %get3A_1570] {strides = array<i32>} : memref<4x128xi32, #tpu.memory_space<vmem>>, vector<1x16xi32>,
    %get3A_1572 = vector.shape_cast %get3A_1571 : vector<1x16xi32> to vector<16xi32>
    %get3A_1573 = arith.constant 1 : i32
    %get3A_1574 = arith.index_cast %get3A_1573 : i32 to index
    %get3A_1575 = arith.constant 16 : index
    %get3A_1576 = tpu.vector_load %arg18[%get3A_1574, %get3A_1575] {strides = array<i32>} : memref<4x128xi32, #tpu.memory_space<vmem>>, vector<1x16xi32>,
    %get3A_1577 = vector.shape_cast %get3A_1576 : vector<1x16xi32> to vector<16xi32>
    %select_n3A_1578 = arith.select %lt3A_1550, %get3A_1572, %get3A_1577 : vector<16xi1>, vector<16xi32>
    %swap3A_1579 = arith.constant 1 : i32
    %swap3A_1580 = arith.index_cast %swap3A_1579 : i32 to index
    %swap3A_1581 = arith.constant 16 : index
    %swap3A_1582 = tpu.vector_load %arg18[%swap3A_1580, %swap3A_1581] {strides = array<i32>} : memref<4x128xi32, #tpu.memory_space<vmem>>, vector<1x16xi32>,
    %swap3A_1583 = vector.shape_cast %swap3A_1582 : vector<1x16xi32> to vector<16xi32>
    %swap3A_1584 = vector.shape_cast %select_n3A_1578 : vector<16xi32> to vector<1x16xi32>
    tpu.vector_store %arg18[%swap3A_1580, %swap3A_1581], %swap3A_1584 {strides = array<i32>} : memref<4x128xi32, #tpu.memory_space<vmem>>, vector<1x16xi32>,
    %get3A_1585 = arith.constant 1 : i32
    %get3A_1586 = arith.index_cast %get3A_1585 : i32 to index
    %get3A_1587 = arith.constant 16 : index
    %get3A_1588 = tpu.vector_load %arg23[%get3A_1586, %get3A_1587] {strides = array<i32>} : memref<4x128xf32, #tpu.memory_space<vmem>>, vector<1x16xf32>,
    %get3A_1589 = vector.shape_cast %get3A_1588 : vector<1x16xf32> to vector<16xf32>
    %get3A_1590 = arith.constant 1 : i32
    %get3A_1591 = arith.index_cast %get3A_1590 : i32 to index
    %get3A_1592 = arith.constant 16 : index
    %get3A_1593 = tpu.vector_load %arg19[%get3A_1591, %get3A_1592] {strides = array<i32>} : memref<4x128xf32, #tpu.memory_space<vmem>>, vector<1x16xf32>,
    %get3A_1594 = vector.shape_cast %get3A_1593 : vector<1x16xf32> to vector<16xf32>
    %select_n3A_1595 = arith.select %lt3A_1550, %get3A_1589, %get3A_1594 : vector<16xi1>, vector<16xf32>
    %swap3A_1596 = arith.constant 1 : i32
    %swap3A_1597 = arith.index_cast %swap3A_1596 : i32 to index
    %swap3A_1598 = arith.constant 16 : index
    %swap3A_1599 = tpu.vector_load %arg19[%swap3A_1597, %swap3A_1598] {strides = array<i32>} : memref<4x128xf32, #tpu.memory_space<vmem>>, vector<1x16xf32>,
    %swap3A_1600 = vector.shape_cast %swap3A_1599 : vector<1x16xf32> to vector<16xf32>
    %swap3A_1601 = vector.shape_cast %select_n3A_1595 : vector<16xf32> to vector<1x16xf32>
    tpu.vector_store %arg19[%swap3A_1597, %swap3A_1598], %swap3A_1601 {strides = array<i32>} : memref<4x128xf32, #tpu.memory_space<vmem>>, vector<1x16xf32>,
    %get3A_1602 = arith.constant 1 : i32
    %get3A_1603 = arith.index_cast %get3A_1602 : i32 to index
    %get3A_1604 = arith.constant 16 : index
    %get3A_1605 = tpu.vector_load %arg24[%get3A_1603, %get3A_1604] {strides = array<i32>} : memref<4x128xf32, #tpu.memory_space<vmem>>, vector<1x16xf32>,
    %get3A_1606 = vector.shape_cast %get3A_1605 : vector<1x16xf32> to vector<16xf32>
    %get3A_1607 = arith.constant 1 : i32
    %get3A_1608 = arith.index_cast %get3A_1607 : i32 to index
    %get3A_1609 = arith.constant 16 : index
    %get3A_1610 = tpu.vector_load %arg20[%get3A_1608, %get3A_1609] {strides = array<i32>} : memref<4x128xf32, #tpu.memory_space<vmem>>, vector<1x16xf32>,
    %get3A_1611 = vector.shape_cast %get3A_1610 : vector<1x16xf32> to vector<16xf32>
    %select_n3A_1612 = arith.select %lt3A_1550, %get3A_1606, %get3A_1611 : vector<16xi1>, vector<16xf32>
    %swap3A_1613 = arith.constant 1 : i32
    %swap3A_1614 = arith.index_cast %swap3A_1613 : i32 to index
    %swap3A_1615 = arith.constant 16 : index
    %swap3A_1616 = tpu.vector_load %arg20[%swap3A_1614, %swap3A_1615] {strides = array<i32>} : memref<4x128xf32, #tpu.memory_space<vmem>>, vector<1x16xf32>,
    %swap3A_1617 = vector.shape_cast %swap3A_1616 : vector<1x16xf32> to vector<16xf32>
    %swap3A_1618 = vector.shape_cast %select_n3A_1612 : vector<16xf32> to vector<1x16xf32>
    tpu.vector_store %arg20[%swap3A_1614, %swap3A_1615], %swap3A_1618 {strides = array<i32>} : memref<4x128xf32, #tpu.memory_space<vmem>>, vector<1x16xf32>,
    %get3A_1619 = arith.constant 1 : i32
    %get3A_1620 = arith.index_cast %get3A_1619 : i32 to index
    %get3A_1621 = arith.constant 32 : index
    %get3A_1622 = tpu.vector_load %arg15[%get3A_1620, %get3A_1621] {strides = array<i32>} : memref<4x128xi32, #tpu.memory_space<vmem>>, vector<1x16xi32>,
    %get3A_1623 = vector.shape_cast %get3A_1622 : vector<1x16xi32> to vector<16xi32>
    %lt3A_1624 = arith.constant 2048 : i32
    %lt3A_1625 = vector.broadcast %lt3A_1624 : i32 to vector<16xi32>
    %lt3A_1626 = arith.cmpi slt, %get3A_1623, %lt3A_1625 : vector<16xi32>
    %get3A_1627 = arith.constant 1 : i32
    %get3A_1628 = arith.index_cast %get3A_1627 : i32 to index
    %get3A_1629 = arith.constant 32 : index
    %get3A_1630 = tpu.vector_load %arg21[%get3A_1628, %get3A_1629] {strides = array<i32>} : memref<4x128xi32, #tpu.memory_space<vmem>>, vector<1x16xi32>,
    %get3A_1631 = vector.shape_cast %get3A_1630 : vector<1x16xi32> to vector<16xi32>
    %get3A_1632 = arith.constant 1 : i32
    %get3A_1633 = arith.index_cast %get3A_1632 : i32 to index
    %get3A_1634 = arith.constant 32 : index
    %get3A_1635 = tpu.vector_load %arg17[%get3A_1633, %get3A_1634] {strides = array<i32>} : memref<4x128xi32, #tpu.memory_space<vmem>>, vector<1x16xi32>,
    %get3A_1636 = vector.shape_cast %get3A_1635 : vector<1x16xi32> to vector<16xi32>
    %select_n3A_1637 = arith.select %lt3A_1626, %get3A_1631, %get3A_1636 : vector<16xi1>, vector<16xi32>
    %swap3A_1638 = arith.constant 1 : i32
    %swap3A_1639 = arith.index_cast %swap3A_1638 : i32 to index
    %swap3A_1640 = arith.constant 32 : index
    %swap3A_1641 = tpu.vector_load %arg17[%swap3A_1639, %swap3A_1640] {strides = array<i32>} : memref<4x128xi32, #tpu.memory_space<vmem>>, vector<1x16xi32>,
    %swap3A_1642 = vector.shape_cast %swap3A_1641 : vector<1x16xi32> to vector<16xi32>
    %swap3A_1643 = vector.shape_cast %select_n3A_1637 : vector<16xi32> to vector<1x16xi32>
    tpu.vector_store %arg17[%swap3A_1639, %swap3A_1640], %swap3A_1643 {strides = array<i32>} : memref<4x128xi32, #tpu.memory_space<vmem>>, vector<1x16xi32>,
    %get3A_1644 = arith.constant 1 : i32
    %get3A_1645 = arith.index_cast %get3A_1644 : i32 to index
    %get3A_1646 = arith.constant 32 : index
    %get3A_1647 = tpu.vector_load %arg22[%get3A_1645, %get3A_1646] {strides = array<i32>} : memref<4x128xi32, #tpu.memory_space<vmem>>, vector<1x16xi32>,
    %get3A_1648 = vector.shape_cast %get3A_1647 : vector<1x16xi32> to vector<16xi32>
    %get3A_1649 = arith.constant 1 : i32
    %get3A_1650 = arith.index_cast %get3A_1649 : i32 to index
    %get3A_1651 = arith.constant 32 : index
    %get3A_1652 = tpu.vector_load %arg18[%get3A_1650, %get3A_1651] {strides = array<i32>} : memref<4x128xi32, #tpu.memory_space<vmem>>, vector<1x16xi32>,
    %get3A_1653 = vector.shape_cast %get3A_1652 : vector<1x16xi32> to vector<16xi32>
    %select_n3A_1654 = arith.select %lt3A_1626, %get3A_1648, %get3A_1653 : vector<16xi1>, vector<16xi32>
    %swap3A_1655 = arith.constant 1 : i32
    %swap3A_1656 = arith.index_cast %swap3A_1655 : i32 to index
    %swap3A_1657 = arith.constant 32 : index
    %swap3A_1658 = tpu.vector_load %arg18[%swap3A_1656, %swap3A_1657] {strides = array<i32>} : memref<4x128xi32, #tpu.memory_space<vmem>>, vector<1x16xi32>,
    %swap3A_1659 = vector.shape_cast %swap3A_1658 : vector<1x16xi32> to vector<16xi32>
    %swap3A_1660 = vector.shape_cast %select_n3A_1654 : vector<16xi32> to vector<1x16xi32>
    tpu.vector_store %arg18[%swap3A_1656, %swap3A_1657], %swap3A_1660 {strides = array<i32>} : memref<4x128xi32, #tpu.memory_space<vmem>>, vector<1x16xi32>,
    %get3A_1661 = arith.constant 1 : i32
    %get3A_1662 = arith.index_cast %get3A_1661 : i32 to index
    %get3A_1663 = arith.constant 32 : index
    %get3A_1664 = tpu.vector_load %arg23[%get3A_1662, %get3A_1663] {strides = array<i32>} : memref<4x128xf32, #tpu.memory_space<vmem>>, vector<1x16xf32>,
    %get3A_1665 = vector.shape_cast %get3A_1664 : vector<1x16xf32> to vector<16xf32>
    %get3A_1666 = arith.constant 1 : i32
    %get3A_1667 = arith.index_cast %get3A_1666 : i32 to index
    %get3A_1668 = arith.constant 32 : index
    %get3A_1669 = tpu.vector_load %arg19[%get3A_1667, %get3A_1668] {strides = array<i32>} : memref<4x128xf32, #tpu.memory_space<vmem>>, vector<1x16xf32>,
    %get3A_1670 = vector.shape_cast %get3A_1669 : vector<1x16xf32> to vector<16xf32>
    %select_n3A_1671 = arith.select %lt3A_1626, %get3A_1665, %get3A_1670 : vector<16xi1>, vector<16xf32>
    %swap3A_1672 = arith.constant 1 : i32
    %swap3A_1673 = arith.index_cast %swap3A_1672 : i32 to index
    %swap3A_1674 = arith.constant 32 : index
    %swap3A_1675 = tpu.vector_load %arg19[%swap3A_1673, %swap3A_1674] {strides = array<i32>} : memref<4x128xf32, #tpu.memory_space<vmem>>, vector<1x16xf32>,
    %swap3A_1676 = vector.shape_cast %swap3A_1675 : vector<1x16xf32> to vector<16xf32>
    %swap3A_1677 = vector.shape_cast %select_n3A_1671 : vector<16xf32> to vector<1x16xf32>
    tpu.vector_store %arg19[%swap3A_1673, %swap3A_1674], %swap3A_1677 {strides = array<i32>} : memref<4x128xf32, #tpu.memory_space<vmem>>, vector<1x16xf32>,
    %get3A_1678 = arith.constant 1 : i32
    %get3A_1679 = arith.index_cast %get3A_1678 : i32 to index
    %get3A_1680 = arith.constant 32 : index
    %get3A_1681 = tpu.vector_load %arg24[%get3A_1679, %get3A_1680] {strides = array<i32>} : memref<4x128xf32, #tpu.memory_space<vmem>>, vector<1x16xf32>,
    %get3A_1682 = vector.shape_cast %get3A_1681 : vector<1x16xf32> to vector<16xf32>
    %get3A_1683 = arith.constant 1 : i32
    %get3A_1684 = arith.index_cast %get3A_1683 : i32 to index
    %get3A_1685 = arith.constant 32 : index
    %get3A_1686 = tpu.vector_load %arg20[%get3A_1684, %get3A_1685] {strides = array<i32>} : memref<4x128xf32, #tpu.memory_space<vmem>>, vector<1x16xf32>,
    %get3A_1687 = vector.shape_cast %get3A_1686 : vector<1x16xf32> to vector<16xf32>
    %select_n3A_1688 = arith.select %lt3A_1626, %get3A_1682, %get3A_1687 : vector<16xi1>, vector<16xf32>
    %swap3A_1689 = arith.constant 1 : i32
    %swap3A_1690 = arith.index_cast %swap3A_1689 : i32 to index
    %swap3A_1691 = arith.constant 32 : index
    %swap3A_1692 = tpu.vector_load %arg20[%swap3A_1690, %swap3A_1691] {strides = array<i32>} : memref<4x128xf32, #tpu.memory_space<vmem>>, vector<1x16xf32>,
    %swap3A_1693 = vector.shape_cast %swap3A_1692 : vector<1x16xf32> to vector<16xf32>
    %swap3A_1694 = vector.shape_cast %select_n3A_1688 : vector<16xf32> to vector<1x16xf32>
    tpu.vector_store %arg20[%swap3A_1690, %swap3A_1691], %swap3A_1694 {strides = array<i32>} : memref<4x128xf32, #tpu.memory_space<vmem>>, vector<1x16xf32>,
    %get3A_1695 = arith.constant 1 : i32
    %get3A_1696 = arith.index_cast %get3A_1695 : i32 to index
    %get3A_1697 = arith.constant 48 : index
    %get3A_1698 = tpu.vector_load %arg15[%get3A_1696, %get3A_1697] {strides = array<i32>} : memref<4x128xi32, #tpu.memory_space<vmem>>, vector<1x16xi32>,
    %get3A_1699 = vector.shape_cast %get3A_1698 : vector<1x16xi32> to vector<16xi32>
    %lt3A_1700 = arith.constant 2048 : i32
    %lt3A_1701 = vector.broadcast %lt3A_1700 : i32 to vector<16xi32>
    %lt3A_1702 = arith.cmpi slt, %get3A_1699, %lt3A_1701 : vector<16xi32>
    %get3A_1703 = arith.constant 1 : i32
    %get3A_1704 = arith.index_cast %get3A_1703 : i32 to index
    %get3A_1705 = arith.constant 48 : index
    %get3A_1706 = tpu.vector_load %arg21[%get3A_1704, %get3A_1705] {strides = array<i32>} : memref<4x128xi32, #tpu.memory_space<vmem>>, vector<1x16xi32>,
    %get3A_1707 = vector.shape_cast %get3A_1706 : vector<1x16xi32> to vector<16xi32>
    %get3A_1708 = arith.constant 1 : i32
    %get3A_1709 = arith.index_cast %get3A_1708 : i32 to index
    %get3A_1710 = arith.constant 48 : index
    %get3A_1711 = tpu.vector_load %arg17[%get3A_1709, %get3A_1710] {strides = array<i32>} : memref<4x128xi32, #tpu.memory_space<vmem>>, vector<1x16xi32>,
    %get3A_1712 = vector.shape_cast %get3A_1711 : vector<1x16xi32> to vector<16xi32>
    %select_n3A_1713 = arith.select %lt3A_1702, %get3A_1707, %get3A_1712 : vector<16xi1>, vector<16xi32>
    %swap3A_1714 = arith.constant 1 : i32
    %swap3A_1715 = arith.index_cast %swap3A_1714 : i32 to index
    %swap3A_1716 = arith.constant 48 : index
    %swap3A_1717 = tpu.vector_load %arg17[%swap3A_1715, %swap3A_1716] {strides = array<i32>} : memref<4x128xi32, #tpu.memory_space<vmem>>, vector<1x16xi32>,
    %swap3A_1718 = vector.shape_cast %swap3A_1717 : vector<1x16xi32> to vector<16xi32>
    %swap3A_1719 = vector.shape_cast %select_n3A_1713 : vector<16xi32> to vector<1x16xi32>
    tpu.vector_store %arg17[%swap3A_1715, %swap3A_1716], %swap3A_1719 {strides = array<i32>} : memref<4x128xi32, #tpu.memory_space<vmem>>, vector<1x16xi32>,
    %get3A_1720 = arith.constant 1 : i32
    %get3A_1721 = arith.index_cast %get3A_1720 : i32 to index
    %get3A_1722 = arith.constant 48 : index
    %get3A_1723 = tpu.vector_load %arg22[%get3A_1721, %get3A_1722] {strides = array<i32>} : memref<4x128xi32, #tpu.memory_space<vmem>>, vector<1x16xi32>,
    %get3A_1724 = vector.shape_cast %get3A_1723 : vector<1x16xi32> to vector<16xi32>
    %get3A_1725 = arith.constant 1 : i32
    %get3A_1726 = arith.index_cast %get3A_1725 : i32 to index
    %get3A_1727 = arith.constant 48 : index
    %get3A_1728 = tpu.vector_load %arg18[%get3A_1726, %get3A_1727] {strides = array<i32>} : memref<4x128xi32, #tpu.memory_space<vmem>>, vector<1x16xi32>,
    %get3A_1729 = vector.shape_cast %get3A_1728 : vector<1x16xi32> to vector<16xi32>
    %select_n3A_1730 = arith.select %lt3A_1702, %get3A_1724, %get3A_1729 : vector<16xi1>, vector<16xi32>
    %swap3A_1731 = arith.constant 1 : i32
    %swap3A_1732 = arith.index_cast %swap3A_1731 : i32 to index
    %swap3A_1733 = arith.constant 48 : index
    %swap3A_1734 = tpu.vector_load %arg18[%swap3A_1732, %swap3A_1733] {strides = array<i32>} : memref<4x128xi32, #tpu.memory_space<vmem>>, vector<1x16xi32>,
    %swap3A_1735 = vector.shape_cast %swap3A_1734 : vector<1x16xi32> to vector<16xi32>
    %swap3A_1736 = vector.shape_cast %select_n3A_1730 : vector<16xi32> to vector<1x16xi32>
    tpu.vector_store %arg18[%swap3A_1732, %swap3A_1733], %swap3A_1736 {strides = array<i32>} : memref<4x128xi32, #tpu.memory_space<vmem>>, vector<1x16xi32>,
    %get3A_1737 = arith.constant 1 : i32
    %get3A_1738 = arith.index_cast %get3A_1737 : i32 to index
    %get3A_1739 = arith.constant 48 : index
    %get3A_1740 = tpu.vector_load %arg23[%get3A_1738, %get3A_1739] {strides = array<i32>} : memref<4x128xf32, #tpu.memory_space<vmem>>, vector<1x16xf32>,
    %get3A_1741 = vector.shape_cast %get3A_1740 : vector<1x16xf32> to vector<16xf32>
    %get3A_1742 = arith.constant 1 : i32
    %get3A_1743 = arith.index_cast %get3A_1742 : i32 to index
    %get3A_1744 = arith.constant 48 : index
    %get3A_1745 = tpu.vector_load %arg19[%get3A_1743, %get3A_1744] {strides = array<i32>} : memref<4x128xf32, #tpu.memory_space<vmem>>, vector<1x16xf32>,
    %get3A_1746 = vector.shape_cast %get3A_1745 : vector<1x16xf32> to vector<16xf32>
    %select_n3A_1747 = arith.select %lt3A_1702, %get3A_1741, %get3A_1746 : vector<16xi1>, vector<16xf32>
    %swap3A_1748 = arith.constant 1 : i32
    %swap3A_1749 = arith.index_cast %swap3A_1748 : i32 to index
    %swap3A_1750 = arith.constant 48 : index
    %swap3A_1751 = tpu.vector_load %arg19[%swap3A_1749, %swap3A_1750] {strides = array<i32>} : memref<4x128xf32, #tpu.memory_space<vmem>>, vector<1x16xf32>,
    %swap3A_1752 = vector.shape_cast %swap3A_1751 : vector<1x16xf32> to vector<16xf32>
    %swap3A_1753 = vector.shape_cast %select_n3A_1747 : vector<16xf32> to vector<1x16xf32>
    tpu.vector_store %arg19[%swap3A_1749, %swap3A_1750], %swap3A_1753 {strides = array<i32>} : memref<4x128xf32, #tpu.memory_space<vmem>>, vector<1x16xf32>,
    %get3A_1754 = arith.constant 1 : i32
    %get3A_1755 = arith.index_cast %get3A_1754 : i32 to index
    %get3A_1756 = arith.constant 48 : index
    %get3A_1757 = tpu.vector_load %arg24[%get3A_1755, %get3A_1756] {strides = array<i32>} : memref<4x128xf32, #tpu.memory_space<vmem>>, vector<1x16xf32>,
    %get3A_1758 = vector.shape_cast %get3A_1757 : vector<1x16xf32> to vector<16xf32>
    %get3A_1759 = arith.constant 1 : i32
    %get3A_1760 = arith.index_cast %get3A_1759 : i32 to index
    %get3A_1761 = arith.constant 48 : index
    %get3A_1762 = tpu.vector_load %arg20[%get3A_1760, %get3A_1761] {strides = array<i32>} : memref<4x128xf32, #tpu.memory_space<vmem>>, vector<1x16xf32>,
    %get3A_1763 = vector.shape_cast %get3A_1762 : vector<1x16xf32> to vector<16xf32>
    %select_n3A_1764 = arith.select %lt3A_1702, %get3A_1758, %get3A_1763 : vector<16xi1>, vector<16xf32>
    %swap3A_1765 = arith.constant 1 : i32
    %swap3A_1766 = arith.index_cast %swap3A_1765 : i32 to index
    %swap3A_1767 = arith.constant 48 : index
    %swap3A_1768 = tpu.vector_load %arg20[%swap3A_1766, %swap3A_1767] {strides = array<i32>} : memref<4x128xf32, #tpu.memory_space<vmem>>, vector<1x16xf32>,
    %swap3A_1769 = vector.shape_cast %swap3A_1768 : vector<1x16xf32> to vector<16xf32>
    %swap3A_1770 = vector.shape_cast %select_n3A_1764 : vector<16xf32> to vector<1x16xf32>
    tpu.vector_store %arg20[%swap3A_1766, %swap3A_1767], %swap3A_1770 {strides = array<i32>} : memref<4x128xf32, #tpu.memory_space<vmem>>, vector<1x16xf32>,
    %get3A_1771 = arith.constant 1 : i32
    %get3A_1772 = arith.index_cast %get3A_1771 : i32 to index
    %get3A_1773 = arith.constant 64 : index
    %get3A_1774 = tpu.vector_load %arg15[%get3A_1772, %get3A_1773] {strides = array<i32>} : memref<4x128xi32, #tpu.memory_space<vmem>>, vector<1x16xi32>,
    %get3A_1775 = vector.shape_cast %get3A_1774 : vector<1x16xi32> to vector<16xi32>
    %lt3A_1776 = arith.constant 2048 : i32
    %lt3A_1777 = vector.broadcast %lt3A_1776 : i32 to vector<16xi32>
    %lt3A_1778 = arith.cmpi slt, %get3A_1775, %lt3A_1777 : vector<16xi32>
    %get3A_1779 = arith.constant 1 : i32
    %get3A_1780 = arith.index_cast %get3A_1779 : i32 to index
    %get3A_1781 = arith.constant 64 : index
    %get3A_1782 = tpu.vector_load %arg21[%get3A_1780, %get3A_1781] {strides = array<i32>} : memref<4x128xi32, #tpu.memory_space<vmem>>, vector<1x16xi32>,
    %get3A_1783 = vector.shape_cast %get3A_1782 : vector<1x16xi32> to vector<16xi32>
    %get3A_1784 = arith.constant 1 : i32
    %get3A_1785 = arith.index_cast %get3A_1784 : i32 to index
    %get3A_1786 = arith.constant 64 : index
    %get3A_1787 = tpu.vector_load %arg17[%get3A_1785, %get3A_1786] {strides = array<i32>} : memref<4x128xi32, #tpu.memory_space<vmem>>, vector<1x16xi32>,
    %get3A_1788 = vector.shape_cast %get3A_1787 : vector<1x16xi32> to vector<16xi32>
    %select_n3A_1789 = arith.select %lt3A_1778, %get3A_1783, %get3A_1788 : vector<16xi1>, vector<16xi32>
    %swap3A_1790 = arith.constant 1 : i32
    %swap3A_1791 = arith.index_cast %swap3A_1790 : i32 to index
    %swap3A_1792 = arith.constant 64 : index
    %swap3A_1793 = tpu.vector_load %arg17[%swap3A_1791, %swap3A_1792] {strides = array<i32>} : memref<4x128xi32, #tpu.memory_space<vmem>>, vector<1x16xi32>,
    %swap3A_1794 = vector.shape_cast %swap3A_1793 : vector<1x16xi32> to vector<16xi32>
    %swap3A_1795 = vector.shape_cast %select_n3A_1789 : vector<16xi32> to vector<1x16xi32>
    tpu.vector_store %arg17[%swap3A_1791, %swap3A_1792], %swap3A_1795 {strides = array<i32>} : memref<4x128xi32, #tpu.memory_space<vmem>>, vector<1x16xi32>,
    %get3A_1796 = arith.constant 1 : i32
    %get3A_1797 = arith.index_cast %get3A_1796 : i32 to index
    %get3A_1798 = arith.constant 64 : index
    %get3A_1799 = tpu.vector_load %arg22[%get3A_1797, %get3A_1798] {strides = array<i32>} : memref<4x128xi32, #tpu.memory_space<vmem>>, vector<1x16xi32>,
    %get3A_1800 = vector.shape_cast %get3A_1799 : vector<1x16xi32> to vector<16xi32>
    %get3A_1801 = arith.constant 1 : i32
    %get3A_1802 = arith.index_cast %get3A_1801 : i32 to index
    %get3A_1803 = arith.constant 64 : index
    %get3A_1804 = tpu.vector_load %arg18[%get3A_1802, %get3A_1803] {strides = array<i32>} : memref<4x128xi32, #tpu.memory_space<vmem>>, vector<1x16xi32>,
    %get3A_1805 = vector.shape_cast %get3A_1804 : vector<1x16xi32> to vector<16xi32>
    %select_n3A_1806 = arith.select %lt3A_1778, %get3A_1800, %get3A_1805 : vector<16xi1>, vector<16xi32>
    %swap3A_1807 = arith.constant 1 : i32
    %swap3A_1808 = arith.index_cast %swap3A_1807 : i32 to index
    %swap3A_1809 = arith.constant 64 : index
    %swap3A_1810 = tpu.vector_load %arg18[%swap3A_1808, %swap3A_1809] {strides = array<i32>} : memref<4x128xi32, #tpu.memory_space<vmem>>, vector<1x16xi32>,
    %swap3A_1811 = vector.shape_cast %swap3A_1810 : vector<1x16xi32> to vector<16xi32>
    %swap3A_1812 = vector.shape_cast %select_n3A_1806 : vector<16xi32> to vector<1x16xi32>
    tpu.vector_store %arg18[%swap3A_1808, %swap3A_1809], %swap3A_1812 {strides = array<i32>} : memref<4x128xi32, #tpu.memory_space<vmem>>, vector<1x16xi32>,
    %get3A_1813 = arith.constant 1 : i32
    %get3A_1814 = arith.index_cast %get3A_1813 : i32 to index
    %get3A_1815 = arith.constant 64 : index
    %get3A_1816 = tpu.vector_load %arg23[%get3A_1814, %get3A_1815] {strides = array<i32>} : memref<4x128xf32, #tpu.memory_space<vmem>>, vector<1x16xf32>,
    %get3A_1817 = vector.shape_cast %get3A_1816 : vector<1x16xf32> to vector<16xf32>
    %get3A_1818 = arith.constant 1 : i32
    %get3A_1819 = arith.index_cast %get3A_1818 : i32 to index
    %get3A_1820 = arith.constant 64 : index
    %get3A_1821 = tpu.vector_load %arg19[%get3A_1819, %get3A_1820] {strides = array<i32>} : memref<4x128xf32, #tpu.memory_space<vmem>>, vector<1x16xf32>,
    %get3A_1822 = vector.shape_cast %get3A_1821 : vector<1x16xf32> to vector<16xf32>
    %select_n3A_1823 = arith.select %lt3A_1778, %get3A_1817, %get3A_1822 : vector<16xi1>, vector<16xf32>
    %swap3A_1824 = arith.constant 1 : i32
    %swap3A_1825 = arith.index_cast %swap3A_1824 : i32 to index
    %swap3A_1826 = arith.constant 64 : index
    %swap3A_1827 = tpu.vector_load %arg19[%swap3A_1825, %swap3A_1826] {strides = array<i32>} : memref<4x128xf32, #tpu.memory_space<vmem>>, vector<1x16xf32>,
    %swap3A_1828 = vector.shape_cast %swap3A_1827 : vector<1x16xf32> to vector<16xf32>
    %swap3A_1829 = vector.shape_cast %select_n3A_1823 : vector<16xf32> to vector<1x16xf32>
    tpu.vector_store %arg19[%swap3A_1825, %swap3A_1826], %swap3A_1829 {strides = array<i32>} : memref<4x128xf32, #tpu.memory_space<vmem>>, vector<1x16xf32>,
    %get3A_1830 = arith.constant 1 : i32
    %get3A_1831 = arith.index_cast %get3A_1830 : i32 to index
    %get3A_1832 = arith.constant 64 : index
    %get3A_1833 = tpu.vector_load %arg24[%get3A_1831, %get3A_1832] {strides = array<i32>} : memref<4x128xf32, #tpu.memory_space<vmem>>, vector<1x16xf32>,
    %get3A_1834 = vector.shape_cast %get3A_1833 : vector<1x16xf32> to vector<16xf32>
    %get3A_1835 = arith.constant 1 : i32
    %get3A_1836 = arith.index_cast %get3A_1835 : i32 to index
    %get3A_1837 = arith.constant 64 : index
    %get3A_1838 = tpu.vector_load %arg20[%get3A_1836, %get3A_1837] {strides = array<i32>} : memref<4x128xf32, #tpu.memory_space<vmem>>, vector<1x16xf32>,
    %get3A_1839 = vector.shape_cast %get3A_1838 : vector<1x16xf32> to vector<16xf32>
    %select_n3A_1840 = arith.select %lt3A_1778, %get3A_1834, %get3A_1839 : vector<16xi1>, vector<16xf32>
    %swap3A_1841 = arith.constant 1 : i32
    %swap3A_1842 = arith.index_cast %swap3A_1841 : i32 to index
    %swap3A_1843 = arith.constant 64 : index
    %swap3A_1844 = tpu.vector_load %arg20[%swap3A_1842, %swap3A_1843] {strides = array<i32>} : memref<4x128xf32, #tpu.memory_space<vmem>>, vector<1x16xf32>,
    %swap3A_1845 = vector.shape_cast %swap3A_1844 : vector<1x16xf32> to vector<16xf32>
    %swap3A_1846 = vector.shape_cast %select_n3A_1840 : vector<16xf32> to vector<1x16xf32>
    tpu.vector_store %arg20[%swap3A_1842, %swap3A_1843], %swap3A_1846 {strides = array<i32>} : memref<4x128xf32, #tpu.memory_space<vmem>>, vector<1x16xf32>,
    %get3A_1847 = arith.constant 1 : i32
    %get3A_1848 = arith.index_cast %get3A_1847 : i32 to index
    %get3A_1849 = arith.constant 80 : index
    %get3A_1850 = tpu.vector_load %arg15[%get3A_1848, %get3A_1849] {strides = array<i32>} : memref<4x128xi32, #tpu.memory_space<vmem>>, vector<1x16xi32>,
    %get3A_1851 = vector.shape_cast %get3A_1850 : vector<1x16xi32> to vector<16xi32>
    %lt3A_1852 = arith.constant 2048 : i32
    %lt3A_1853 = vector.broadcast %lt3A_1852 : i32 to vector<16xi32>
    %lt3A_1854 = arith.cmpi slt, %get3A_1851, %lt3A_1853 : vector<16xi32>
    %get3A_1855 = arith.constant 1 : i32
    %get3A_1856 = arith.index_cast %get3A_1855 : i32 to index
    %get3A_1857 = arith.constant 80 : index
    %get3A_1858 = tpu.vector_load %arg21[%get3A_1856, %get3A_1857] {strides = array<i32>} : memref<4x128xi32, #tpu.memory_space<vmem>>, vector<1x16xi32>,
    %get3A_1859 = vector.shape_cast %get3A_1858 : vector<1x16xi32> to vector<16xi32>
    %get3A_1860 = arith.constant 1 : i32
    %get3A_1861 = arith.index_cast %get3A_1860 : i32 to index
    %get3A_1862 = arith.constant 80 : index
    %get3A_1863 = tpu.vector_load %arg17[%get3A_1861, %get3A_1862] {strides = array<i32>} : memref<4x128xi32, #tpu.memory_space<vmem>>, vector<1x16xi32>,
    %get3A_1864 = vector.shape_cast %get3A_1863 : vector<1x16xi32> to vector<16xi32>
    %select_n3A_1865 = arith.select %lt3A_1854, %get3A_1859, %get3A_1864 : vector<16xi1>, vector<16xi32>
    %swap3A_1866 = arith.constant 1 : i32
    %swap3A_1867 = arith.index_cast %swap3A_1866 : i32 to index
    %swap3A_1868 = arith.constant 80 : index
    %swap3A_1869 = tpu.vector_load %arg17[%swap3A_1867, %swap3A_1868] {strides = array<i32>} : memref<4x128xi32, #tpu.memory_space<vmem>>, vector<1x16xi32>,
    %swap3A_1870 = vector.shape_cast %swap3A_1869 : vector<1x16xi32> to vector<16xi32>
    %swap3A_1871 = vector.shape_cast %select_n3A_1865 : vector<16xi32> to vector<1x16xi32>
    tpu.vector_store %arg17[%swap3A_1867, %swap3A_1868], %swap3A_1871 {strides = array<i32>} : memref<4x128xi32, #tpu.memory_space<vmem>>, vector<1x16xi32>,
    %get3A_1872 = arith.constant 1 : i32
    %get3A_1873 = arith.index_cast %get3A_1872 : i32 to index
    %get3A_1874 = arith.constant 80 : index
    %get3A_1875 = tpu.vector_load %arg22[%get3A_1873, %get3A_1874] {strides = array<i32>} : memref<4x128xi32, #tpu.memory_space<vmem>>, vector<1x16xi32>,
    %get3A_1876 = vector.shape_cast %get3A_1875 : vector<1x16xi32> to vector<16xi32>
    %get3A_1877 = arith.constant 1 : i32
    %get3A_1878 = arith.index_cast %get3A_1877 : i32 to index
    %get3A_1879 = arith.constant 80 : index
    %get3A_1880 = tpu.vector_load %arg18[%get3A_1878, %get3A_1879] {strides = array<i32>} : memref<4x128xi32, #tpu.memory_space<vmem>>, vector<1x16xi32>,
    %get3A_1881 = vector.shape_cast %get3A_1880 : vector<1x16xi32> to vector<16xi32>
    %select_n3A_1882 = arith.select %lt3A_1854, %get3A_1876, %get3A_1881 : vector<16xi1>, vector<16xi32>
    %swap3A_1883 = arith.constant 1 : i32
    %swap3A_1884 = arith.index_cast %swap3A_1883 : i32 to index
    %swap3A_1885 = arith.constant 80 : index
    %swap3A_1886 = tpu.vector_load %arg18[%swap3A_1884, %swap3A_1885] {strides = array<i32>} : memref<4x128xi32, #tpu.memory_space<vmem>>, vector<1x16xi32>,
    %swap3A_1887 = vector.shape_cast %swap3A_1886 : vector<1x16xi32> to vector<16xi32>
    %swap3A_1888 = vector.shape_cast %select_n3A_1882 : vector<16xi32> to vector<1x16xi32>
    tpu.vector_store %arg18[%swap3A_1884, %swap3A_1885], %swap3A_1888 {strides = array<i32>} : memref<4x128xi32, #tpu.memory_space<vmem>>, vector<1x16xi32>,
    %get3A_1889 = arith.constant 1 : i32
    %get3A_1890 = arith.index_cast %get3A_1889 : i32 to index
    %get3A_1891 = arith.constant 80 : index
    %get3A_1892 = tpu.vector_load %arg23[%get3A_1890, %get3A_1891] {strides = array<i32>} : memref<4x128xf32, #tpu.memory_space<vmem>>, vector<1x16xf32>,
    %get3A_1893 = vector.shape_cast %get3A_1892 : vector<1x16xf32> to vector<16xf32>
    %get3A_1894 = arith.constant 1 : i32
    %get3A_1895 = arith.index_cast %get3A_1894 : i32 to index
    %get3A_1896 = arith.constant 80 : index
    %get3A_1897 = tpu.vector_load %arg19[%get3A_1895, %get3A_1896] {strides = array<i32>} : memref<4x128xf32, #tpu.memory_space<vmem>>, vector<1x16xf32>,
    %get3A_1898 = vector.shape_cast %get3A_1897 : vector<1x16xf32> to vector<16xf32>
    %select_n3A_1899 = arith.select %lt3A_1854, %get3A_1893, %get3A_1898 : vector<16xi1>, vector<16xf32>
    %swap3A_1900 = arith.constant 1 : i32
    %swap3A_1901 = arith.index_cast %swap3A_1900 : i32 to index
    %swap3A_1902 = arith.constant 80 : index
    %swap3A_1903 = tpu.vector_load %arg19[%swap3A_1901, %swap3A_1902] {strides = array<i32>} : memref<4x128xf32, #tpu.memory_space<vmem>>, vector<1x16xf32>,
    %swap3A_1904 = vector.shape_cast %swap3A_1903 : vector<1x16xf32> to vector<16xf32>
    %swap3A_1905 = vector.shape_cast %select_n3A_1899 : vector<16xf32> to vector<1x16xf32>
    tpu.vector_store %arg19[%swap3A_1901, %swap3A_1902], %swap3A_1905 {strides = array<i32>} : memref<4x128xf32, #tpu.memory_space<vmem>>, vector<1x16xf32>,
    %get3A_1906 = arith.constant 1 : i32
    %get3A_1907 = arith.index_cast %get3A_1906 : i32 to index
    %get3A_1908 = arith.constant 80 : index
    %get3A_1909 = tpu.vector_load %arg24[%get3A_1907, %get3A_1908] {strides = array<i32>} : memref<4x128xf32, #tpu.memory_space<vmem>>, vector<1x16xf32>,
    %get3A_1910 = vector.shape_cast %get3A_1909 : vector<1x16xf32> to vector<16xf32>
    %get3A_1911 = arith.constant 1 : i32
    %get3A_1912 = arith.index_cast %get3A_1911 : i32 to index
    %get3A_1913 = arith.constant 80 : index
    %get3A_1914 = tpu.vector_load %arg20[%get3A_1912, %get3A_1913] {strides = array<i32>} : memref<4x128xf32, #tpu.memory_space<vmem>>, vector<1x16xf32>,
    %get3A_1915 = vector.shape_cast %get3A_1914 : vector<1x16xf32> to vector<16xf32>
    %select_n3A_1916 = arith.select %lt3A_1854, %get3A_1910, %get3A_1915 : vector<16xi1>, vector<16xf32>
    %swap3A_1917 = arith.constant 1 : i32
    %swap3A_1918 = arith.index_cast %swap3A_1917 : i32 to index
    %swap3A_1919 = arith.constant 80 : index
    %swap3A_1920 = tpu.vector_load %arg20[%swap3A_1918, %swap3A_1919] {strides = array<i32>} : memref<4x128xf32, #tpu.memory_space<vmem>>, vector<1x16xf32>,
    %swap3A_1921 = vector.shape_cast %swap3A_1920 : vector<1x16xf32> to vector<16xf32>
    %swap3A_1922 = vector.shape_cast %select_n3A_1916 : vector<16xf32> to vector<1x16xf32>
    tpu.vector_store %arg20[%swap3A_1918, %swap3A_1919], %swap3A_1922 {strides = array<i32>} : memref<4x128xf32, #tpu.memory_space<vmem>>, vector<1x16xf32>,
    %get3A_1923 = arith.constant 1 : i32
    %get3A_1924 = arith.index_cast %get3A_1923 : i32 to index
    %get3A_1925 = arith.constant 96 : index
    %get3A_1926 = tpu.vector_load %arg15[%get3A_1924, %get3A_1925] {strides = array<i32>} : memref<4x128xi32, #tpu.memory_space<vmem>>, vector<1x16xi32>,
    %get3A_1927 = vector.shape_cast %get3A_1926 : vector<1x16xi32> to vector<16xi32>
    %lt3A_1928 = arith.constant 2048 : i32
    %lt3A_1929 = vector.broadcast %lt3A_1928 : i32 to vector<16xi32>
    %lt3A_1930 = arith.cmpi slt, %get3A_1927, %lt3A_1929 : vector<16xi32>
    %get3A_1931 = arith.constant 1 : i32
    %get3A_1932 = arith.index_cast %get3A_1931 : i32 to index
    %get3A_1933 = arith.constant 96 : index
    %get3A_1934 = tpu.vector_load %arg21[%get3A_1932, %get3A_1933] {strides = array<i32>} : memref<4x128xi32, #tpu.memory_space<vmem>>, vector<1x16xi32>,
    %get3A_1935 = vector.shape_cast %get3A_1934 : vector<1x16xi32> to vector<16xi32>
    %get3A_1936 = arith.constant 1 : i32
    %get3A_1937 = arith.index_cast %get3A_1936 : i32 to index
    %get3A_1938 = arith.constant 96 : index
    %get3A_1939 = tpu.vector_load %arg17[%get3A_1937, %get3A_1938] {strides = array<i32>} : memref<4x128xi32, #tpu.memory_space<vmem>>, vector<1x16xi32>,
    %get3A_1940 = vector.shape_cast %get3A_1939 : vector<1x16xi32> to vector<16xi32>
    %select_n3A_1941 = arith.select %lt3A_1930, %get3A_1935, %get3A_1940 : vector<16xi1>, vector<16xi32>
    %swap3A_1942 = arith.constant 1 : i32
    %swap3A_1943 = arith.index_cast %swap3A_1942 : i32 to index
    %swap3A_1944 = arith.constant 96 : index
    %swap3A_1945 = tpu.vector_load %arg17[%swap3A_1943, %swap3A_1944] {strides = array<i32>} : memref<4x128xi32, #tpu.memory_space<vmem>>, vector<1x16xi32>,
    %swap3A_1946 = vector.shape_cast %swap3A_1945 : vector<1x16xi32> to vector<16xi32>
    %swap3A_1947 = vector.shape_cast %select_n3A_1941 : vector<16xi32> to vector<1x16xi32>
    tpu.vector_store %arg17[%swap3A_1943, %swap3A_1944], %swap3A_1947 {strides = array<i32>} : memref<4x128xi32, #tpu.memory_space<vmem>>, vector<1x16xi32>,
    %get3A_1948 = arith.constant 1 : i32
    %get3A_1949 = arith.index_cast %get3A_1948 : i32 to index
    %get3A_1950 = arith.constant 96 : index
    %get3A_1951 = tpu.vector_load %arg22[%get3A_1949, %get3A_1950] {strides = array<i32>} : memref<4x128xi32, #tpu.memory_space<vmem>>, vector<1x16xi32>,
    %get3A_1952 = vector.shape_cast %get3A_1951 : vector<1x16xi32> to vector<16xi32>
    %get3A_1953 = arith.constant 1 : i32
    %get3A_1954 = arith.index_cast %get3A_1953 : i32 to index
    %get3A_1955 = arith.constant 96 : index
    %get3A_1956 = tpu.vector_load %arg18[%get3A_1954, %get3A_1955] {strides = array<i32>} : memref<4x128xi32, #tpu.memory_space<vmem>>, vector<1x16xi32>,
    %get3A_1957 = vector.shape_cast %get3A_1956 : vector<1x16xi32> to vector<16xi32>
    %select_n3A_1958 = arith.select %lt3A_1930, %get3A_1952, %get3A_1957 : vector<16xi1>, vector<16xi32>
    %swap3A_1959 = arith.constant 1 : i32
    %swap3A_1960 = arith.index_cast %swap3A_1959 : i32 to index
    %swap3A_1961 = arith.constant 96 : index
    %swap3A_1962 = tpu.vector_load %arg18[%swap3A_1960, %swap3A_1961] {strides = array<i32>} : memref<4x128xi32, #tpu.memory_space<vmem>>, vector<1x16xi32>,
    %swap3A_1963 = vector.shape_cast %swap3A_1962 : vector<1x16xi32> to vector<16xi32>
    %swap3A_1964 = vector.shape_cast %select_n3A_1958 : vector<16xi32> to vector<1x16xi32>
    tpu.vector_store %arg18[%swap3A_1960, %swap3A_1961], %swap3A_1964 {strides = array<i32>} : memref<4x128xi32, #tpu.memory_space<vmem>>, vector<1x16xi32>,
    %get3A_1965 = arith.constant 1 : i32
    %get3A_1966 = arith.index_cast %get3A_1965 : i32 to index
    %get3A_1967 = arith.constant 96 : index
    %get3A_1968 = tpu.vector_load %arg23[%get3A_1966, %get3A_1967] {strides = array<i32>} : memref<4x128xf32, #tpu.memory_space<vmem>>, vector<1x16xf32>,
    %get3A_1969 = vector.shape_cast %get3A_1968 : vector<1x16xf32> to vector<16xf32>
    %get3A_1970 = arith.constant 1 : i32
    %get3A_1971 = arith.index_cast %get3A_1970 : i32 to index
    %get3A_1972 = arith.constant 96 : index
    %get3A_1973 = tpu.vector_load %arg19[%get3A_1971, %get3A_1972] {strides = array<i32>} : memref<4x128xf32, #tpu.memory_space<vmem>>, vector<1x16xf32>,
    %get3A_1974 = vector.shape_cast %get3A_1973 : vector<1x16xf32> to vector<16xf32>
    %select_n3A_1975 = arith.select %lt3A_1930, %get3A_1969, %get3A_1974 : vector<16xi1>, vector<16xf32>
    %swap3A_1976 = arith.constant 1 : i32
    %swap3A_1977 = arith.index_cast %swap3A_1976 : i32 to index
    %swap3A_1978 = arith.constant 96 : index
    %swap3A_1979 = tpu.vector_load %arg19[%swap3A_1977, %swap3A_1978] {strides = array<i32>} : memref<4x128xf32, #tpu.memory_space<vmem>>, vector<1x16xf32>,
    %swap3A_1980 = vector.shape_cast %swap3A_1979 : vector<1x16xf32> to vector<16xf32>
    %swap3A_1981 = vector.shape_cast %select_n3A_1975 : vector<16xf32> to vector<1x16xf32>
    tpu.vector_store %arg19[%swap3A_1977, %swap3A_1978], %swap3A_1981 {strides = array<i32>} : memref<4x128xf32, #tpu.memory_space<vmem>>, vector<1x16xf32>,
    %get3A_1982 = arith.constant 1 : i32
    %get3A_1983 = arith.index_cast %get3A_1982 : i32 to index
    %get3A_1984 = arith.constant 96 : index
    %get3A_1985 = tpu.vector_load %arg24[%get3A_1983, %get3A_1984] {strides = array<i32>} : memref<4x128xf32, #tpu.memory_space<vmem>>, vector<1x16xf32>,
    %get3A_1986 = vector.shape_cast %get3A_1985 : vector<1x16xf32> to vector<16xf32>
    %get3A_1987 = arith.constant 1 : i32
    %get3A_1988 = arith.index_cast %get3A_1987 : i32 to index
    %get3A_1989 = arith.constant 96 : index
    %get3A_1990 = tpu.vector_load %arg20[%get3A_1988, %get3A_1989] {strides = array<i32>} : memref<4x128xf32, #tpu.memory_space<vmem>>, vector<1x16xf32>,
    %get3A_1991 = vector.shape_cast %get3A_1990 : vector<1x16xf32> to vector<16xf32>
    %select_n3A_1992 = arith.select %lt3A_1930, %get3A_1986, %get3A_1991 : vector<16xi1>, vector<16xf32>
    %swap3A_1993 = arith.constant 1 : i32
    %swap3A_1994 = arith.index_cast %swap3A_1993 : i32 to index
    %swap3A_1995 = arith.constant 96 : index
    %swap3A_1996 = tpu.vector_load %arg20[%swap3A_1994, %swap3A_1995] {strides = array<i32>} : memref<4x128xf32, #tpu.memory_space<vmem>>, vector<1x16xf32>,
    %swap3A_1997 = vector.shape_cast %swap3A_1996 : vector<1x16xf32> to vector<16xf32>
    %swap3A_1998 = vector.shape_cast %select_n3A_1992 : vector<16xf32> to vector<1x16xf32>
    tpu.vector_store %arg20[%swap3A_1994, %swap3A_1995], %swap3A_1998 {strides = array<i32>} : memref<4x128xf32, #tpu.memory_space<vmem>>, vector<1x16xf32>,
    %get3A_1999 = arith.constant 1 : i32
    %get3A_2000 = arith.index_cast %get3A_1999 : i32 to index
    %get3A_2001 = arith.constant 112 : index
    %get3A_2002 = tpu.vector_load %arg15[%get3A_2000, %get3A_2001] {strides = array<i32>} : memref<4x128xi32, #tpu.memory_space<vmem>>, vector<1x16xi32>,
    %get3A_2003 = vector.shape_cast %get3A_2002 : vector<1x16xi32> to vector<16xi32>
    %lt3A_2004 = arith.constant 2048 : i32
    %lt3A_2005 = vector.broadcast %lt3A_2004 : i32 to vector<16xi32>
    %lt3A_2006 = arith.cmpi slt, %get3A_2003, %lt3A_2005 : vector<16xi32>
    %get3A_2007 = arith.constant 1 : i32
    %get3A_2008 = arith.index_cast %get3A_2007 : i32 to index
    %get3A_2009 = arith.constant 112 : index
    %get3A_2010 = tpu.vector_load %arg21[%get3A_2008, %get3A_2009] {strides = array<i32>} : memref<4x128xi32, #tpu.memory_space<vmem>>, vector<1x16xi32>,
    %get3A_2011 = vector.shape_cast %get3A_2010 : vector<1x16xi32> to vector<16xi32>
    %get3A_2012 = arith.constant 1 : i32
    %get3A_2013 = arith.index_cast %get3A_2012 : i32 to index
    %get3A_2014 = arith.constant 112 : index
    %get3A_2015 = tpu.vector_load %arg17[%get3A_2013, %get3A_2014] {strides = array<i32>} : memref<4x128xi32, #tpu.memory_space<vmem>>, vector<1x16xi32>,
    %get3A_2016 = vector.shape_cast %get3A_2015 : vector<1x16xi32> to vector<16xi32>
    %select_n3A_2017 = arith.select %lt3A_2006, %get3A_2011, %get3A_2016 : vector<16xi1>, vector<16xi32>
    %swap3A_2018 = arith.constant 1 : i32
    %swap3A_2019 = arith.index_cast %swap3A_2018 : i32 to index
    %swap3A_2020 = arith.constant 112 : index
    %swap3A_2021 = tpu.vector_load %arg17[%swap3A_2019, %swap3A_2020] {strides = array<i32>} : memref<4x128xi32, #tpu.memory_space<vmem>>, vector<1x16xi32>,
    %swap3A_2022 = vector.shape_cast %swap3A_2021 : vector<1x16xi32> to vector<16xi32>
    %swap3A_2023 = vector.shape_cast %select_n3A_2017 : vector<16xi32> to vector<1x16xi32>
    tpu.vector_store %arg17[%swap3A_2019, %swap3A_2020], %swap3A_2023 {strides = array<i32>} : memref<4x128xi32, #tpu.memory_space<vmem>>, vector<1x16xi32>,
    %get3A_2024 = arith.constant 1 : i32
    %get3A_2025 = arith.index_cast %get3A_2024 : i32 to index
    %get3A_2026 = arith.constant 112 : index
    %get3A_2027 = tpu.vector_load %arg22[%get3A_2025, %get3A_2026] {strides = array<i32>} : memref<4x128xi32, #tpu.memory_space<vmem>>, vector<1x16xi32>,
    %get3A_2028 = vector.shape_cast %get3A_2027 : vector<1x16xi32> to vector<16xi32>
    %get3A_2029 = arith.constant 1 : i32
    %get3A_2030 = arith.index_cast %get3A_2029 : i32 to index
    %get3A_2031 = arith.constant 112 : index
    %get3A_2032 = tpu.vector_load %arg18[%get3A_2030, %get3A_2031] {strides = array<i32>} : memref<4x128xi32, #tpu.memory_space<vmem>>, vector<1x16xi32>,
    %get3A_2033 = vector.shape_cast %get3A_2032 : vector<1x16xi32> to vector<16xi32>
    %select_n3A_2034 = arith.select %lt3A_2006, %get3A_2028, %get3A_2033 : vector<16xi1>, vector<16xi32>
    %swap3A_2035 = arith.constant 1 : i32
    %swap3A_2036 = arith.index_cast %swap3A_2035 : i32 to index
    %swap3A_2037 = arith.constant 112 : index
    %swap3A_2038 = tpu.vector_load %arg18[%swap3A_2036, %swap3A_2037] {strides = array<i32>} : memref<4x128xi32, #tpu.memory_space<vmem>>, vector<1x16xi32>,
    %swap3A_2039 = vector.shape_cast %swap3A_2038 : vector<1x16xi32> to vector<16xi32>
    %swap3A_2040 = vector.shape_cast %select_n3A_2034 : vector<16xi32> to vector<1x16xi32>
    tpu.vector_store %arg18[%swap3A_2036, %swap3A_2037], %swap3A_2040 {strides = array<i32>} : memref<4x128xi32, #tpu.memory_space<vmem>>, vector<1x16xi32>,
    %get3A_2041 = arith.constant 1 : i32
    %get3A_2042 = arith.index_cast %get3A_2041 : i32 to index
    %get3A_2043 = arith.constant 112 : index
    %get3A_2044 = tpu.vector_load %arg23[%get3A_2042, %get3A_2043] {strides = array<i32>} : memref<4x128xf32, #tpu.memory_space<vmem>>, vector<1x16xf32>,
    %get3A_2045 = vector.shape_cast %get3A_2044 : vector<1x16xf32> to vector<16xf32>
    %get3A_2046 = arith.constant 1 : i32
    %get3A_2047 = arith.index_cast %get3A_2046 : i32 to index
    %get3A_2048 = arith.constant 112 : index
    %get3A_2049 = tpu.vector_load %arg19[%get3A_2047, %get3A_2048] {strides = array<i32>} : memref<4x128xf32, #tpu.memory_space<vmem>>, vector<1x16xf32>,
    %get3A_2050 = vector.shape_cast %get3A_2049 : vector<1x16xf32> to vector<16xf32>
    %select_n3A_2051 = arith.select %lt3A_2006, %get3A_2045, %get3A_2050 : vector<16xi1>, vector<16xf32>
    %swap3A_2052 = arith.constant 1 : i32
    %swap3A_2053 = arith.index_cast %swap3A_2052 : i32 to index
    %swap3A_2054 = arith.constant 112 : index
    %swap3A_2055 = tpu.vector_load %arg19[%swap3A_2053, %swap3A_2054] {strides = array<i32>} : memref<4x128xf32, #tpu.memory_space<vmem>>, vector<1x16xf32>,
    %swap3A_2056 = vector.shape_cast %swap3A_2055 : vector<1x16xf32> to vector<16xf32>
    %swap3A_2057 = vector.shape_cast %select_n3A_2051 : vector<16xf32> to vector<1x16xf32>
    tpu.vector_store %arg19[%swap3A_2053, %swap3A_2054], %swap3A_2057 {strides = array<i32>} : memref<4x128xf32, #tpu.memory_space<vmem>>, vector<1x16xf32>,
    %get3A_2058 = arith.constant 1 : i32
    %get3A_2059 = arith.index_cast %get3A_2058 : i32 to index
    %get3A_2060 = arith.constant 112 : index
    %get3A_2061 = tpu.vector_load %arg24[%get3A_2059, %get3A_2060] {strides = array<i32>} : memref<4x128xf32, #tpu.memory_space<vmem>>, vector<1x16xf32>,
    %get3A_2062 = vector.shape_cast %get3A_2061 : vector<1x16xf32> to vector<16xf32>
    %get3A_2063 = arith.constant 1 : i32
    %get3A_2064 = arith.index_cast %get3A_2063 : i32 to index
    %get3A_2065 = arith.constant 112 : index
    %get3A_2066 = tpu.vector_load %arg20[%get3A_2064, %get3A_2065] {strides = array<i32>} : memref<4x128xf32, #tpu.memory_space<vmem>>, vector<1x16xf32>,
    %get3A_2067 = vector.shape_cast %get3A_2066 : vector<1x16xf32> to vector<16xf32>
    %select_n3A_2068 = arith.select %lt3A_2006, %get3A_2062, %get3A_2067 : vector<16xi1>, vector<16xf32>
    %swap3A_2069 = arith.constant 1 : i32
    %swap3A_2070 = arith.index_cast %swap3A_2069 : i32 to index
    %swap3A_2071 = arith.constant 112 : index
    %swap3A_2072 = tpu.vector_load %arg20[%swap3A_2070, %swap3A_2071] {strides = array<i32>} : memref<4x128xf32, #tpu.memory_space<vmem>>, vector<1x16xf32>,
    %swap3A_2073 = vector.shape_cast %swap3A_2072 : vector<1x16xf32> to vector<16xf32>
    %swap3A_2074 = vector.shape_cast %select_n3A_2068 : vector<16xf32> to vector<1x16xf32>
    tpu.vector_store %arg20[%swap3A_2070, %swap3A_2071], %swap3A_2074 {strides = array<i32>} : memref<4x128xf32, #tpu.memory_space<vmem>>, vector<1x16xf32>,
    %get3A_2075 = arith.constant 2 : i32
    %get3A_2076 = arith.index_cast %get3A_2075 : i32 to index
    %get3A_2077 = arith.constant 0 : index
    %get3A_2078 = tpu.vector_load %arg15[%get3A_2076, %get3A_2077] {strides = array<i32>} : memref<4x128xi32, #tpu.memory_space<vmem>>, vector<1x16xi32>,
    %get3A_2079 = vector.shape_cast %get3A_2078 : vector<1x16xi32> to vector<16xi32>
    %lt3A_2080 = arith.constant 2048 : i32
    %lt3A_2081 = vector.broadcast %lt3A_2080 : i32 to vector<16xi32>
    %lt3A_2082 = arith.cmpi slt, %get3A_2079, %lt3A_2081 : vector<16xi32>
    %get3A_2083 = arith.constant 2 : i32
    %get3A_2084 = arith.index_cast %get3A_2083 : i32 to index
    %get3A_2085 = arith.constant 0 : index
    %get3A_2086 = tpu.vector_load %arg21[%get3A_2084, %get3A_2085] {strides = array<i32>} : memref<4x128xi32, #tpu.memory_space<vmem>>, vector<1x16xi32>,
    %get3A_2087 = vector.shape_cast %get3A_2086 : vector<1x16xi32> to vector<16xi32>
    %get3A_2088 = arith.constant 2 : i32
    %get3A_2089 = arith.index_cast %get3A_2088 : i32 to index
    %get3A_2090 = arith.constant 0 : index
    %get3A_2091 = tpu.vector_load %arg17[%get3A_2089, %get3A_2090] {strides = array<i32>} : memref<4x128xi32, #tpu.memory_space<vmem>>, vector<1x16xi32>,
    %get3A_2092 = vector.shape_cast %get3A_2091 : vector<1x16xi32> to vector<16xi32>
    %select_n3A_2093 = arith.select %lt3A_2082, %get3A_2087, %get3A_2092 : vector<16xi1>, vector<16xi32>
    %swap3A_2094 = arith.constant 2 : i32
    %swap3A_2095 = arith.index_cast %swap3A_2094 : i32 to index
    %swap3A_2096 = arith.constant 0 : index
    %swap3A_2097 = tpu.vector_load %arg17[%swap3A_2095, %swap3A_2096] {strides = array<i32>} : memref<4x128xi32, #tpu.memory_space<vmem>>, vector<1x16xi32>,
    %swap3A_2098 = vector.shape_cast %swap3A_2097 : vector<1x16xi32> to vector<16xi32>
    %swap3A_2099 = vector.shape_cast %select_n3A_2093 : vector<16xi32> to vector<1x16xi32>
    tpu.vector_store %arg17[%swap3A_2095, %swap3A_2096], %swap3A_2099 {strides = array<i32>} : memref<4x128xi32, #tpu.memory_space<vmem>>, vector<1x16xi32>,
    %get3A_2100 = arith.constant 2 : i32
    %get3A_2101 = arith.index_cast %get3A_2100 : i32 to index
    %get3A_2102 = arith.constant 0 : index
    %get3A_2103 = tpu.vector_load %arg22[%get3A_2101, %get3A_2102] {strides = array<i32>} : memref<4x128xi32, #tpu.memory_space<vmem>>, vector<1x16xi32>,
    %get3A_2104 = vector.shape_cast %get3A_2103 : vector<1x16xi32> to vector<16xi32>
    %get3A_2105 = arith.constant 2 : i32
    %get3A_2106 = arith.index_cast %get3A_2105 : i32 to index
    %get3A_2107 = arith.constant 0 : index
    %get3A_2108 = tpu.vector_load %arg18[%get3A_2106, %get3A_2107] {strides = array<i32>} : memref<4x128xi32, #tpu.memory_space<vmem>>, vector<1x16xi32>,
    %get3A_2109 = vector.shape_cast %get3A_2108 : vector<1x16xi32> to vector<16xi32>
    %select_n3A_2110 = arith.select %lt3A_2082, %get3A_2104, %get3A_2109 : vector<16xi1>, vector<16xi32>
    %swap3A_2111 = arith.constant 2 : i32
    %swap3A_2112 = arith.index_cast %swap3A_2111 : i32 to index
    %swap3A_2113 = arith.constant 0 : index
    %swap3A_2114 = tpu.vector_load %arg18[%swap3A_2112, %swap3A_2113] {strides = array<i32>} : memref<4x128xi32, #tpu.memory_space<vmem>>, vector<1x16xi32>,
    %swap3A_2115 = vector.shape_cast %swap3A_2114 : vector<1x16xi32> to vector<16xi32>
    %swap3A_2116 = vector.shape_cast %select_n3A_2110 : vector<16xi32> to vector<1x16xi32>
    tpu.vector_store %arg18[%swap3A_2112, %swap3A_2113], %swap3A_2116 {strides = array<i32>} : memref<4x128xi32, #tpu.memory_space<vmem>>, vector<1x16xi32>,
    %get3A_2117 = arith.constant 2 : i32
    %get3A_2118 = arith.index_cast %get3A_2117 : i32 to index
    %get3A_2119 = arith.constant 0 : index
    %get3A_2120 = tpu.vector_load %arg23[%get3A_2118, %get3A_2119] {strides = array<i32>} : memref<4x128xf32, #tpu.memory_space<vmem>>, vector<1x16xf32>,
    %get3A_2121 = vector.shape_cast %get3A_2120 : vector<1x16xf32> to vector<16xf32>
    %get3A_2122 = arith.constant 2 : i32
    %get3A_2123 = arith.index_cast %get3A_2122 : i32 to index
    %get3A_2124 = arith.constant 0 : index
    %get3A_2125 = tpu.vector_load %arg19[%get3A_2123, %get3A_2124] {strides = array<i32>} : memref<4x128xf32, #tpu.memory_space<vmem>>, vector<1x16xf32>,
    %get3A_2126 = vector.shape_cast %get3A_2125 : vector<1x16xf32> to vector<16xf32>
    %select_n3A_2127 = arith.select %lt3A_2082, %get3A_2121, %get3A_2126 : vector<16xi1>, vector<16xf32>
    %swap3A_2128 = arith.constant 2 : i32
    %swap3A_2129 = arith.index_cast %swap3A_2128 : i32 to index
    %swap3A_2130 = arith.constant 0 : index
    %swap3A_2131 = tpu.vector_load %arg19[%swap3A_2129, %swap3A_2130] {strides = array<i32>} : memref<4x128xf32, #tpu.memory_space<vmem>>, vector<1x16xf32>,
    %swap3A_2132 = vector.shape_cast %swap3A_2131 : vector<1x16xf32> to vector<16xf32>
    %swap3A_2133 = vector.shape_cast %select_n3A_2127 : vector<16xf32> to vector<1x16xf32>
    tpu.vector_store %arg19[%swap3A_2129, %swap3A_2130], %swap3A_2133 {strides = array<i32>} : memref<4x128xf32, #tpu.memory_space<vmem>>, vector<1x16xf32>,
    %get3A_2134 = arith.constant 2 : i32
    %get3A_2135 = arith.index_cast %get3A_2134 : i32 to index
    %get3A_2136 = arith.constant 0 : index
    %get3A_2137 = tpu.vector_load %arg24[%get3A_2135, %get3A_2136] {strides = array<i32>} : memref<4x128xf32, #tpu.memory_space<vmem>>, vector<1x16xf32>,
    %get3A_2138 = vector.shape_cast %get3A_2137 : vector<1x16xf32> to vector<16xf32>
    %get3A_2139 = arith.constant 2 : i32
    %get3A_2140 = arith.index_cast %get3A_2139 : i32 to index
    %get3A_2141 = arith.constant 0 : index
    %get3A_2142 = tpu.vector_load %arg20[%get3A_2140, %get3A_2141] {strides = array<i32>} : memref<4x128xf32, #tpu.memory_space<vmem>>, vector<1x16xf32>,
    %get3A_2143 = vector.shape_cast %get3A_2142 : vector<1x16xf32> to vector<16xf32>
    %select_n3A_2144 = arith.select %lt3A_2082, %get3A_2138, %get3A_2143 : vector<16xi1>, vector<16xf32>
    %swap3A_2145 = arith.constant 2 : i32
    %swap3A_2146 = arith.index_cast %swap3A_2145 : i32 to index
    %swap3A_2147 = arith.constant 0 : index
    %swap3A_2148 = tpu.vector_load %arg20[%swap3A_2146, %swap3A_2147] {strides = array<i32>} : memref<4x128xf32, #tpu.memory_space<vmem>>, vector<1x16xf32>,
    %swap3A_2149 = vector.shape_cast %swap3A_2148 : vector<1x16xf32> to vector<16xf32>
    %swap3A_2150 = vector.shape_cast %select_n3A_2144 : vector<16xf32> to vector<1x16xf32>
    tpu.vector_store %arg20[%swap3A_2146, %swap3A_2147], %swap3A_2150 {strides = array<i32>} : memref<4x128xf32, #tpu.memory_space<vmem>>, vector<1x16xf32>,
    %get3A_2151 = arith.constant 2 : i32
    %get3A_2152 = arith.index_cast %get3A_2151 : i32 to index
    %get3A_2153 = arith.constant 16 : index
    %get3A_2154 = tpu.vector_load %arg15[%get3A_2152, %get3A_2153] {strides = array<i32>} : memref<4x128xi32, #tpu.memory_space<vmem>>, vector<1x16xi32>,
    %get3A_2155 = vector.shape_cast %get3A_2154 : vector<1x16xi32> to vector<16xi32>
    %lt3A_2156 = arith.constant 2048 : i32
    %lt3A_2157 = vector.broadcast %lt3A_2156 : i32 to vector<16xi32>
    %lt3A_2158 = arith.cmpi slt, %get3A_2155, %lt3A_2157 : vector<16xi32>
    %get3A_2159 = arith.constant 2 : i32
    %get3A_2160 = arith.index_cast %get3A_2159 : i32 to index
    %get3A_2161 = arith.constant 16 : index
    %get3A_2162 = tpu.vector_load %arg21[%get3A_2160, %get3A_2161] {strides = array<i32>} : memref<4x128xi32, #tpu.memory_space<vmem>>, vector<1x16xi32>,
    %get3A_2163 = vector.shape_cast %get3A_2162 : vector<1x16xi32> to vector<16xi32>
    %get3A_2164 = arith.constant 2 : i32
    %get3A_2165 = arith.index_cast %get3A_2164 : i32 to index
    %get3A_2166 = arith.constant 16 : index
    %get3A_2167 = tpu.vector_load %arg17[%get3A_2165, %get3A_2166] {strides = array<i32>} : memref<4x128xi32, #tpu.memory_space<vmem>>, vector<1x16xi32>,
    %get3A_2168 = vector.shape_cast %get3A_2167 : vector<1x16xi32> to vector<16xi32>
    %select_n3A_2169 = arith.select %lt3A_2158, %get3A_2163, %get3A_2168 : vector<16xi1>, vector<16xi32>
    %swap3A_2170 = arith.constant 2 : i32
    %swap3A_2171 = arith.index_cast %swap3A_2170 : i32 to index
    %swap3A_2172 = arith.constant 16 : index
    %swap3A_2173 = tpu.vector_load %arg17[%swap3A_2171, %swap3A_2172] {strides = array<i32>} : memref<4x128xi32, #tpu.memory_space<vmem>>, vector<1x16xi32>,
    %swap3A_2174 = vector.shape_cast %swap3A_2173 : vector<1x16xi32> to vector<16xi32>
    %swap3A_2175 = vector.shape_cast %select_n3A_2169 : vector<16xi32> to vector<1x16xi32>
    tpu.vector_store %arg17[%swap3A_2171, %swap3A_2172], %swap3A_2175 {strides = array<i32>} : memref<4x128xi32, #tpu.memory_space<vmem>>, vector<1x16xi32>,
    %get3A_2176 = arith.constant 2 : i32
    %get3A_2177 = arith.index_cast %get3A_2176 : i32 to index
    %get3A_2178 = arith.constant 16 : index
    %get3A_2179 = tpu.vector_load %arg22[%get3A_2177, %get3A_2178] {strides = array<i32>} : memref<4x128xi32, #tpu.memory_space<vmem>>, vector<1x16xi32>,
    %get3A_2180 = vector.shape_cast %get3A_2179 : vector<1x16xi32> to vector<16xi32>
    %get3A_2181 = arith.constant 2 : i32
    %get3A_2182 = arith.index_cast %get3A_2181 : i32 to index
    %get3A_2183 = arith.constant 16 : index
    %get3A_2184 = tpu.vector_load %arg18[%get3A_2182, %get3A_2183] {strides = array<i32>} : memref<4x128xi32, #tpu.memory_space<vmem>>, vector<1x16xi32>,
    %get3A_2185 = vector.shape_cast %get3A_2184 : vector<1x16xi32> to vector<16xi32>
    %select_n3A_2186 = arith.select %lt3A_2158, %get3A_2180, %get3A_2185 : vector<16xi1>, vector<16xi32>
    %swap3A_2187 = arith.constant 2 : i32
    %swap3A_2188 = arith.index_cast %swap3A_2187 : i32 to index
    %swap3A_2189 = arith.constant 16 : index
    %swap3A_2190 = tpu.vector_load %arg18[%swap3A_2188, %swap3A_2189] {strides = array<i32>} : memref<4x128xi32, #tpu.memory_space<vmem>>, vector<1x16xi32>,
    %swap3A_2191 = vector.shape_cast %swap3A_2190 : vector<1x16xi32> to vector<16xi32>
    %swap3A_2192 = vector.shape_cast %select_n3A_2186 : vector<16xi32> to vector<1x16xi32>
    tpu.vector_store %arg18[%swap3A_2188, %swap3A_2189], %swap3A_2192 {strides = array<i32>} : memref<4x128xi32, #tpu.memory_space<vmem>>, vector<1x16xi32>,
    %get3A_2193 = arith.constant 2 : i32
    %get3A_2194 = arith.index_cast %get3A_2193 : i32 to index
    %get3A_2195 = arith.constant 16 : index
    %get3A_2196 = tpu.vector_load %arg23[%get3A_2194, %get3A_2195] {strides = array<i32>} : memref<4x128xf32, #tpu.memory_space<vmem>>, vector<1x16xf32>,
    %get3A_2197 = vector.shape_cast %get3A_2196 : vector<1x16xf32> to vector<16xf32>
    %get3A_2198 = arith.constant 2 : i32
    %get3A_2199 = arith.index_cast %get3A_2198 : i32 to index
    %get3A_2200 = arith.constant 16 : index
    %get3A_2201 = tpu.vector_load %arg19[%get3A_2199, %get3A_2200] {strides = array<i32>} : memref<4x128xf32, #tpu.memory_space<vmem>>, vector<1x16xf32>,
    %get3A_2202 = vector.shape_cast %get3A_2201 : vector<1x16xf32> to vector<16xf32>
    %select_n3A_2203 = arith.select %lt3A_2158, %get3A_2197, %get3A_2202 : vector<16xi1>, vector<16xf32>
    %swap3A_2204 = arith.constant 2 : i32
    %swap3A_2205 = arith.index_cast %swap3A_2204 : i32 to index
    %swap3A_2206 = arith.constant 16 : index
    %swap3A_2207 = tpu.vector_load %arg19[%swap3A_2205, %swap3A_2206] {strides = array<i32>} : memref<4x128xf32, #tpu.memory_space<vmem>>, vector<1x16xf32>,
    %swap3A_2208 = vector.shape_cast %swap3A_2207 : vector<1x16xf32> to vector<16xf32>
    %swap3A_2209 = vector.shape_cast %select_n3A_2203 : vector<16xf32> to vector<1x16xf32>
    tpu.vector_store %arg19[%swap3A_2205, %swap3A_2206], %swap3A_2209 {strides = array<i32>} : memref<4x128xf32, #tpu.memory_space<vmem>>, vector<1x16xf32>,
    %get3A_2210 = arith.constant 2 : i32
    %get3A_2211 = arith.index_cast %get3A_2210 : i32 to index
    %get3A_2212 = arith.constant 16 : index
    %get3A_2213 = tpu.vector_load %arg24[%get3A_2211, %get3A_2212] {strides = array<i32>} : memref<4x128xf32, #tpu.memory_space<vmem>>, vector<1x16xf32>,
    %get3A_2214 = vector.shape_cast %get3A_2213 : vector<1x16xf32> to vector<16xf32>
    %get3A_2215 = arith.constant 2 : i32
    %get3A_2216 = arith.index_cast %get3A_2215 : i32 to index
    %get3A_2217 = arith.constant 16 : index
    %get3A_2218 = tpu.vector_load %arg20[%get3A_2216, %get3A_2217] {strides = array<i32>} : memref<4x128xf32, #tpu.memory_space<vmem>>, vector<1x16xf32>,
    %get3A_2219 = vector.shape_cast %get3A_2218 : vector<1x16xf32> to vector<16xf32>
    %select_n3A_2220 = arith.select %lt3A_2158, %get3A_2214, %get3A_2219 : vector<16xi1>, vector<16xf32>
    %swap3A_2221 = arith.constant 2 : i32
    %swap3A_2222 = arith.index_cast %swap3A_2221 : i32 to index
    %swap3A_2223 = arith.constant 16 : index
    %swap3A_2224 = tpu.vector_load %arg20[%swap3A_2222, %swap3A_2223] {strides = array<i32>} : memref<4x128xf32, #tpu.memory_space<vmem>>, vector<1x16xf32>,
    %swap3A_2225 = vector.shape_cast %swap3A_2224 : vector<1x16xf32> to vector<16xf32>
    %swap3A_2226 = vector.shape_cast %select_n3A_2220 : vector<16xf32> to vector<1x16xf32>
    tpu.vector_store %arg20[%swap3A_2222, %swap3A_2223], %swap3A_2226 {strides = array<i32>} : memref<4x128xf32, #tpu.memory_space<vmem>>, vector<1x16xf32>,
    %get3A_2227 = arith.constant 2 : i32
    %get3A_2228 = arith.index_cast %get3A_2227 : i32 to index
    %get3A_2229 = arith.constant 32 : index
    %get3A_2230 = tpu.vector_load %arg15[%get3A_2228, %get3A_2229] {strides = array<i32>} : memref<4x128xi32, #tpu.memory_space<vmem>>, vector<1x16xi32>,
    %get3A_2231 = vector.shape_cast %get3A_2230 : vector<1x16xi32> to vector<16xi32>
    %lt3A_2232 = arith.constant 2048 : i32
    %lt3A_2233 = vector.broadcast %lt3A_2232 : i32 to vector<16xi32>
    %lt3A_2234 = arith.cmpi slt, %get3A_2231, %lt3A_2233 : vector<16xi32>
    %get3A_2235 = arith.constant 2 : i32
    %get3A_2236 = arith.index_cast %get3A_2235 : i32 to index
    %get3A_2237 = arith.constant 32 : index
    %get3A_2238 = tpu.vector_load %arg21[%get3A_2236, %get3A_2237] {strides = array<i32>} : memref<4x128xi32, #tpu.memory_space<vmem>>, vector<1x16xi32>,
    %get3A_2239 = vector.shape_cast %get3A_2238 : vector<1x16xi32> to vector<16xi32>
    %get3A_2240 = arith.constant 2 : i32
    %get3A_2241 = arith.index_cast %get3A_2240 : i32 to index
    %get3A_2242 = arith.constant 32 : index
    %get3A_2243 = tpu.vector_load %arg17[%get3A_2241, %get3A_2242] {strides = array<i32>} : memref<4x128xi32, #tpu.memory_space<vmem>>, vector<1x16xi32>,
    %get3A_2244 = vector.shape_cast %get3A_2243 : vector<1x16xi32> to vector<16xi32>
    %select_n3A_2245 = arith.select %lt3A_2234, %get3A_2239, %get3A_2244 : vector<16xi1>, vector<16xi32>
    %swap3A_2246 = arith.constant 2 : i32
    %swap3A_2247 = arith.index_cast %swap3A_2246 : i32 to index
    %swap3A_2248 = arith.constant 32 : index
    %swap3A_2249 = tpu.vector_load %arg17[%swap3A_2247, %swap3A_2248] {strides = array<i32>} : memref<4x128xi32, #tpu.memory_space<vmem>>, vector<1x16xi32>,
    %swap3A_2250 = vector.shape_cast %swap3A_2249 : vector<1x16xi32> to vector<16xi32>
    %swap3A_2251 = vector.shape_cast %select_n3A_2245 : vector<16xi32> to vector<1x16xi32>
    tpu.vector_store %arg17[%swap3A_2247, %swap3A_2248], %swap3A_2251 {strides = array<i32>} : memref<4x128xi32, #tpu.memory_space<vmem>>, vector<1x16xi32>,
    %get3A_2252 = arith.constant 2 : i32
    %get3A_2253 = arith.index_cast %get3A_2252 : i32 to index
    %get3A_2254 = arith.constant 32 : index
    %get3A_2255 = tpu.vector_load %arg22[%get3A_2253, %get3A_2254] {strides = array<i32>} : memref<4x128xi32, #tpu.memory_space<vmem>>, vector<1x16xi32>,
    %get3A_2256 = vector.shape_cast %get3A_2255 : vector<1x16xi32> to vector<16xi32>
    %get3A_2257 = arith.constant 2 : i32
    %get3A_2258 = arith.index_cast %get3A_2257 : i32 to index
    %get3A_2259 = arith.constant 32 : index
    %get3A_2260 = tpu.vector_load %arg18[%get3A_2258, %get3A_2259] {strides = array<i32>} : memref<4x128xi32, #tpu.memory_space<vmem>>, vector<1x16xi32>,
    %get3A_2261 = vector.shape_cast %get3A_2260 : vector<1x16xi32> to vector<16xi32>
    %select_n3A_2262 = arith.select %lt3A_2234, %get3A_2256, %get3A_2261 : vector<16xi1>, vector<16xi32>
    %swap3A_2263 = arith.constant 2 : i32
    %swap3A_2264 = arith.index_cast %swap3A_2263 : i32 to index
    %swap3A_2265 = arith.constant 32 : index
    %swap3A_2266 = tpu.vector_load %arg18[%swap3A_2264, %swap3A_2265] {strides = array<i32>} : memref<4x128xi32, #tpu.memory_space<vmem>>, vector<1x16xi32>,
    %swap3A_2267 = vector.shape_cast %swap3A_2266 : vector<1x16xi32> to vector<16xi32>
    %swap3A_2268 = vector.shape_cast %select_n3A_2262 : vector<16xi32> to vector<1x16xi32>
    tpu.vector_store %arg18[%swap3A_2264, %swap3A_2265], %swap3A_2268 {strides = array<i32>} : memref<4x128xi32, #tpu.memory_space<vmem>>, vector<1x16xi32>,
    %get3A_2269 = arith.constant 2 : i32
    %get3A_2270 = arith.index_cast %get3A_2269 : i32 to index
    %get3A_2271 = arith.constant 32 : index
    %get3A_2272 = tpu.vector_load %arg23[%get3A_2270, %get3A_2271] {strides = array<i32>} : memref<4x128xf32, #tpu.memory_space<vmem>>, vector<1x16xf32>,
    %get3A_2273 = vector.shape_cast %get3A_2272 : vector<1x16xf32> to vector<16xf32>
    %get3A_2274 = arith.constant 2 : i32
    %get3A_2275 = arith.index_cast %get3A_2274 : i32 to index
    %get3A_2276 = arith.constant 32 : index
    %get3A_2277 = tpu.vector_load %arg19[%get3A_2275, %get3A_2276] {strides = array<i32>} : memref<4x128xf32, #tpu.memory_space<vmem>>, vector<1x16xf32>,
    %get3A_2278 = vector.shape_cast %get3A_2277 : vector<1x16xf32> to vector<16xf32>
    %select_n3A_2279 = arith.select %lt3A_2234, %get3A_2273, %get3A_2278 : vector<16xi1>, vector<16xf32>
    %swap3A_2280 = arith.constant 2 : i32
    %swap3A_2281 = arith.index_cast %swap3A_2280 : i32 to index
    %swap3A_2282 = arith.constant 32 : index
    %swap3A_2283 = tpu.vector_load %arg19[%swap3A_2281, %swap3A_2282] {strides = array<i32>} : memref<4x128xf32, #tpu.memory_space<vmem>>, vector<1x16xf32>,
    %swap3A_2284 = vector.shape_cast %swap3A_2283 : vector<1x16xf32> to vector<16xf32>
    %swap3A_2285 = vector.shape_cast %select_n3A_2279 : vector<16xf32> to vector<1x16xf32>
    tpu.vector_store %arg19[%swap3A_2281, %swap3A_2282], %swap3A_2285 {strides = array<i32>} : memref<4x128xf32, #tpu.memory_space<vmem>>, vector<1x16xf32>,
    %get3A_2286 = arith.constant 2 : i32
    %get3A_2287 = arith.index_cast %get3A_2286 : i32 to index
    %get3A_2288 = arith.constant 32 : index
    %get3A_2289 = tpu.vector_load %arg24[%get3A_2287, %get3A_2288] {strides = array<i32>} : memref<4x128xf32, #tpu.memory_space<vmem>>, vector<1x16xf32>,
    %get3A_2290 = vector.shape_cast %get3A_2289 : vector<1x16xf32> to vector<16xf32>
    %get3A_2291 = arith.constant 2 : i32
    %get3A_2292 = arith.index_cast %get3A_2291 : i32 to index
    %get3A_2293 = arith.constant 32 : index
    %get3A_2294 = tpu.vector_load %arg20[%get3A_2292, %get3A_2293] {strides = array<i32>} : memref<4x128xf32, #tpu.memory_space<vmem>>, vector<1x16xf32>,
    %get3A_2295 = vector.shape_cast %get3A_2294 : vector<1x16xf32> to vector<16xf32>
    %select_n3A_2296 = arith.select %lt3A_2234, %get3A_2290, %get3A_2295 : vector<16xi1>, vector<16xf32>
    %swap3A_2297 = arith.constant 2 : i32
    %swap3A_2298 = arith.index_cast %swap3A_2297 : i32 to index
    %swap3A_2299 = arith.constant 32 : index
    %swap3A_2300 = tpu.vector_load %arg20[%swap3A_2298, %swap3A_2299] {strides = array<i32>} : memref<4x128xf32, #tpu.memory_space<vmem>>, vector<1x16xf32>,
    %swap3A_2301 = vector.shape_cast %swap3A_2300 : vector<1x16xf32> to vector<16xf32>
    %swap3A_2302 = vector.shape_cast %select_n3A_2296 : vector<16xf32> to vector<1x16xf32>
    tpu.vector_store %arg20[%swap3A_2298, %swap3A_2299], %swap3A_2302 {strides = array<i32>} : memref<4x128xf32, #tpu.memory_space<vmem>>, vector<1x16xf32>,
    %get3A_2303 = arith.constant 2 : i32
    %get3A_2304 = arith.index_cast %get3A_2303 : i32 to index
    %get3A_2305 = arith.constant 48 : index
    %get3A_2306 = tpu.vector_load %arg15[%get3A_2304, %get3A_2305] {strides = array<i32>} : memref<4x128xi32, #tpu.memory_space<vmem>>, vector<1x16xi32>,
    %get3A_2307 = vector.shape_cast %get3A_2306 : vector<1x16xi32> to vector<16xi32>
    %lt3A_2308 = arith.constant 2048 : i32
    %lt3A_2309 = vector.broadcast %lt3A_2308 : i32 to vector<16xi32>
    %lt3A_2310 = arith.cmpi slt, %get3A_2307, %lt3A_2309 : vector<16xi32>
    %get3A_2311 = arith.constant 2 : i32
    %get3A_2312 = arith.index_cast %get3A_2311 : i32 to index
    %get3A_2313 = arith.constant 48 : index
    %get3A_2314 = tpu.vector_load %arg21[%get3A_2312, %get3A_2313] {strides = array<i32>} : memref<4x128xi32, #tpu.memory_space<vmem>>, vector<1x16xi32>,
    %get3A_2315 = vector.shape_cast %get3A_2314 : vector<1x16xi32> to vector<16xi32>
    %get3A_2316 = arith.constant 2 : i32
    %get3A_2317 = arith.index_cast %get3A_2316 : i32 to index
    %get3A_2318 = arith.constant 48 : index
    %get3A_2319 = tpu.vector_load %arg17[%get3A_2317, %get3A_2318] {strides = array<i32>} : memref<4x128xi32, #tpu.memory_space<vmem>>, vector<1x16xi32>,
    %get3A_2320 = vector.shape_cast %get3A_2319 : vector<1x16xi32> to vector<16xi32>
    %select_n3A_2321 = arith.select %lt3A_2310, %get3A_2315, %get3A_2320 : vector<16xi1>, vector<16xi32>
    %swap3A_2322 = arith.constant 2 : i32
    %swap3A_2323 = arith.index_cast %swap3A_2322 : i32 to index
    %swap3A_2324 = arith.constant 48 : index
    %swap3A_2325 = tpu.vector_load %arg17[%swap3A_2323, %swap3A_2324] {strides = array<i32>} : memref<4x128xi32, #tpu.memory_space<vmem>>, vector<1x16xi32>,
    %swap3A_2326 = vector.shape_cast %swap3A_2325 : vector<1x16xi32> to vector<16xi32>
    %swap3A_2327 = vector.shape_cast %select_n3A_2321 : vector<16xi32> to vector<1x16xi32>
    tpu.vector_store %arg17[%swap3A_2323, %swap3A_2324], %swap3A_2327 {strides = array<i32>} : memref<4x128xi32, #tpu.memory_space<vmem>>, vector<1x16xi32>,
    %get3A_2328 = arith.constant 2 : i32
    %get3A_2329 = arith.index_cast %get3A_2328 : i32 to index
    %get3A_2330 = arith.constant 48 : index
    %get3A_2331 = tpu.vector_load %arg22[%get3A_2329, %get3A_2330] {strides = array<i32>} : memref<4x128xi32, #tpu.memory_space<vmem>>, vector<1x16xi32>,
    %get3A_2332 = vector.shape_cast %get3A_2331 : vector<1x16xi32> to vector<16xi32>
    %get3A_2333 = arith.constant 2 : i32
    %get3A_2334 = arith.index_cast %get3A_2333 : i32 to index
    %get3A_2335 = arith.constant 48 : index
    %get3A_2336 = tpu.vector_load %arg18[%get3A_2334, %get3A_2335] {strides = array<i32>} : memref<4x128xi32, #tpu.memory_space<vmem>>, vector<1x16xi32>,
    %get3A_2337 = vector.shape_cast %get3A_2336 : vector<1x16xi32> to vector<16xi32>
    %select_n3A_2338 = arith.select %lt3A_2310, %get3A_2332, %get3A_2337 : vector<16xi1>, vector<16xi32>
    %swap3A_2339 = arith.constant 2 : i32
    %swap3A_2340 = arith.index_cast %swap3A_2339 : i32 to index
    %swap3A_2341 = arith.constant 48 : index
    %swap3A_2342 = tpu.vector_load %arg18[%swap3A_2340, %swap3A_2341] {strides = array<i32>} : memref<4x128xi32, #tpu.memory_space<vmem>>, vector<1x16xi32>,
    %swap3A_2343 = vector.shape_cast %swap3A_2342 : vector<1x16xi32> to vector<16xi32>
    %swap3A_2344 = vector.shape_cast %select_n3A_2338 : vector<16xi32> to vector<1x16xi32>
    tpu.vector_store %arg18[%swap3A_2340, %swap3A_2341], %swap3A_2344 {strides = array<i32>} : memref<4x128xi32, #tpu.memory_space<vmem>>, vector<1x16xi32>,
    %get3A_2345 = arith.constant 2 : i32
    %get3A_2346 = arith.index_cast %get3A_2345 : i32 to index
    %get3A_2347 = arith.constant 48 : index
    %get3A_2348 = tpu.vector_load %arg23[%get3A_2346, %get3A_2347] {strides = array<i32>} : memref<4x128xf32, #tpu.memory_space<vmem>>, vector<1x16xf32>,
    %get3A_2349 = vector.shape_cast %get3A_2348 : vector<1x16xf32> to vector<16xf32>
    %get3A_2350 = arith.constant 2 : i32
    %get3A_2351 = arith.index_cast %get3A_2350 : i32 to index
    %get3A_2352 = arith.constant 48 : index
    %get3A_2353 = tpu.vector_load %arg19[%get3A_2351, %get3A_2352] {strides = array<i32>} : memref<4x128xf32, #tpu.memory_space<vmem>>, vector<1x16xf32>,
    %get3A_2354 = vector.shape_cast %get3A_2353 : vector<1x16xf32> to vector<16xf32>
    %select_n3A_2355 = arith.select %lt3A_2310, %get3A_2349, %get3A_2354 : vector<16xi1>, vector<16xf32>
    %swap3A_2356 = arith.constant 2 : i32
    %swap3A_2357 = arith.index_cast %swap3A_2356 : i32 to index
    %swap3A_2358 = arith.constant 48 : index
    %swap3A_2359 = tpu.vector_load %arg19[%swap3A_2357, %swap3A_2358] {strides = array<i32>} : memref<4x128xf32, #tpu.memory_space<vmem>>, vector<1x16xf32>,
    %swap3A_2360 = vector.shape_cast %swap3A_2359 : vector<1x16xf32> to vector<16xf32>
    %swap3A_2361 = vector.shape_cast %select_n3A_2355 : vector<16xf32> to vector<1x16xf32>
    tpu.vector_store %arg19[%swap3A_2357, %swap3A_2358], %swap3A_2361 {strides = array<i32>} : memref<4x128xf32, #tpu.memory_space<vmem>>, vector<1x16xf32>,
    %get3A_2362 = arith.constant 2 : i32
    %get3A_2363 = arith.index_cast %get3A_2362 : i32 to index
    %get3A_2364 = arith.constant 48 : index
    %get3A_2365 = tpu.vector_load %arg24[%get3A_2363, %get3A_2364] {strides = array<i32>} : memref<4x128xf32, #tpu.memory_space<vmem>>, vector<1x16xf32>,
    %get3A_2366 = vector.shape_cast %get3A_2365 : vector<1x16xf32> to vector<16xf32>
    %get3A_2367 = arith.constant 2 : i32
    %get3A_2368 = arith.index_cast %get3A_2367 : i32 to index
    %get3A_2369 = arith.constant 48 : index
    %get3A_2370 = tpu.vector_load %arg20[%get3A_2368, %get3A_2369] {strides = array<i32>} : memref<4x128xf32, #tpu.memory_space<vmem>>, vector<1x16xf32>,
    %get3A_2371 = vector.shape_cast %get3A_2370 : vector<1x16xf32> to vector<16xf32>
    %select_n3A_2372 = arith.select %lt3A_2310, %get3A_2366, %get3A_2371 : vector<16xi1>, vector<16xf32>
    %swap3A_2373 = arith.constant 2 : i32
    %swap3A_2374 = arith.index_cast %swap3A_2373 : i32 to index
    %swap3A_2375 = arith.constant 48 : index
    %swap3A_2376 = tpu.vector_load %arg20[%swap3A_2374, %swap3A_2375] {strides = array<i32>} : memref<4x128xf32, #tpu.memory_space<vmem>>, vector<1x16xf32>,
    %swap3A_2377 = vector.shape_cast %swap3A_2376 : vector<1x16xf32> to vector<16xf32>
    %swap3A_2378 = vector.shape_cast %select_n3A_2372 : vector<16xf32> to vector<1x16xf32>
    tpu.vector_store %arg20[%swap3A_2374, %swap3A_2375], %swap3A_2378 {strides = array<i32>} : memref<4x128xf32, #tpu.memory_space<vmem>>, vector<1x16xf32>,
    %get3A_2379 = arith.constant 2 : i32
    %get3A_2380 = arith.index_cast %get3A_2379 : i32 to index
    %get3A_2381 = arith.constant 64 : index
    %get3A_2382 = tpu.vector_load %arg15[%get3A_2380, %get3A_2381] {strides = array<i32>} : memref<4x128xi32, #tpu.memory_space<vmem>>, vector<1x16xi32>,
    %get3A_2383 = vector.shape_cast %get3A_2382 : vector<1x16xi32> to vector<16xi32>
    %lt3A_2384 = arith.constant 2048 : i32
    %lt3A_2385 = vector.broadcast %lt3A_2384 : i32 to vector<16xi32>
    %lt3A_2386 = arith.cmpi slt, %get3A_2383, %lt3A_2385 : vector<16xi32>
    %get3A_2387 = arith.constant 2 : i32
    %get3A_2388 = arith.index_cast %get3A_2387 : i32 to index
    %get3A_2389 = arith.constant 64 : index
    %get3A_2390 = tpu.vector_load %arg21[%get3A_2388, %get3A_2389] {strides = array<i32>} : memref<4x128xi32, #tpu.memory_space<vmem>>, vector<1x16xi32>,
    %get3A_2391 = vector.shape_cast %get3A_2390 : vector<1x16xi32> to vector<16xi32>
    %get3A_2392 = arith.constant 2 : i32
    %get3A_2393 = arith.index_cast %get3A_2392 : i32 to index
    %get3A_2394 = arith.constant 64 : index
    %get3A_2395 = tpu.vector_load %arg17[%get3A_2393, %get3A_2394] {strides = array<i32>} : memref<4x128xi32, #tpu.memory_space<vmem>>, vector<1x16xi32>,
    %get3A_2396 = vector.shape_cast %get3A_2395 : vector<1x16xi32> to vector<16xi32>
    %select_n3A_2397 = arith.select %lt3A_2386, %get3A_2391, %get3A_2396 : vector<16xi1>, vector<16xi32>
    %swap3A_2398 = arith.constant 2 : i32
    %swap3A_2399 = arith.index_cast %swap3A_2398 : i32 to index
    %swap3A_2400 = arith.constant 64 : index
    %swap3A_2401 = tpu.vector_load %arg17[%swap3A_2399, %swap3A_2400] {strides = array<i32>} : memref<4x128xi32, #tpu.memory_space<vmem>>, vector<1x16xi32>,
    %swap3A_2402 = vector.shape_cast %swap3A_2401 : vector<1x16xi32> to vector<16xi32>
    %swap3A_2403 = vector.shape_cast %select_n3A_2397 : vector<16xi32> to vector<1x16xi32>
    tpu.vector_store %arg17[%swap3A_2399, %swap3A_2400], %swap3A_2403 {strides = array<i32>} : memref<4x128xi32, #tpu.memory_space<vmem>>, vector<1x16xi32>,
    %get3A_2404 = arith.constant 2 : i32
    %get3A_2405 = arith.index_cast %get3A_2404 : i32 to index
    %get3A_2406 = arith.constant 64 : index
    %get3A_2407 = tpu.vector_load %arg22[%get3A_2405, %get3A_2406] {strides = array<i32>} : memref<4x128xi32, #tpu.memory_space<vmem>>, vector<1x16xi32>,
    %get3A_2408 = vector.shape_cast %get3A_2407 : vector<1x16xi32> to vector<16xi32>
    %get3A_2409 = arith.constant 2 : i32
    %get3A_2410 = arith.index_cast %get3A_2409 : i32 to index
    %get3A_2411 = arith.constant 64 : index
    %get3A_2412 = tpu.vector_load %arg18[%get3A_2410, %get3A_2411] {strides = array<i32>} : memref<4x128xi32, #tpu.memory_space<vmem>>, vector<1x16xi32>,
    %get3A_2413 = vector.shape_cast %get3A_2412 : vector<1x16xi32> to vector<16xi32>
    %select_n3A_2414 = arith.select %lt3A_2386, %get3A_2408, %get3A_2413 : vector<16xi1>, vector<16xi32>
    %swap3A_2415 = arith.constant 2 : i32
    %swap3A_2416 = arith.index_cast %swap3A_2415 : i32 to index
    %swap3A_2417 = arith.constant 64 : index
    %swap3A_2418 = tpu.vector_load %arg18[%swap3A_2416, %swap3A_2417] {strides = array<i32>} : memref<4x128xi32, #tpu.memory_space<vmem>>, vector<1x16xi32>,
    %swap3A_2419 = vector.shape_cast %swap3A_2418 : vector<1x16xi32> to vector<16xi32>
    %swap3A_2420 = vector.shape_cast %select_n3A_2414 : vector<16xi32> to vector<1x16xi32>
    tpu.vector_store %arg18[%swap3A_2416, %swap3A_2417], %swap3A_2420 {strides = array<i32>} : memref<4x128xi32, #tpu.memory_space<vmem>>, vector<1x16xi32>,
    %get3A_2421 = arith.constant 2 : i32
    %get3A_2422 = arith.index_cast %get3A_2421 : i32 to index
    %get3A_2423 = arith.constant 64 : index
    %get3A_2424 = tpu.vector_load %arg23[%get3A_2422, %get3A_2423] {strides = array<i32>} : memref<4x128xf32, #tpu.memory_space<vmem>>, vector<1x16xf32>,
    %get3A_2425 = vector.shape_cast %get3A_2424 : vector<1x16xf32> to vector<16xf32>
    %get3A_2426 = arith.constant 2 : i32
    %get3A_2427 = arith.index_cast %get3A_2426 : i32 to index
    %get3A_2428 = arith.constant 64 : index
    %get3A_2429 = tpu.vector_load %arg19[%get3A_2427, %get3A_2428] {strides = array<i32>} : memref<4x128xf32, #tpu.memory_space<vmem>>, vector<1x16xf32>,
    %get3A_2430 = vector.shape_cast %get3A_2429 : vector<1x16xf32> to vector<16xf32>
    %select_n3A_2431 = arith.select %lt3A_2386, %get3A_2425, %get3A_2430 : vector<16xi1>, vector<16xf32>
    %swap3A_2432 = arith.constant 2 : i32
    %swap3A_2433 = arith.index_cast %swap3A_2432 : i32 to index
    %swap3A_2434 = arith.constant 64 : index
    %swap3A_2435 = tpu.vector_load %arg19[%swap3A_2433, %swap3A_2434] {strides = array<i32>} : memref<4x128xf32, #tpu.memory_space<vmem>>, vector<1x16xf32>,
    %swap3A_2436 = vector.shape_cast %swap3A_2435 : vector<1x16xf32> to vector<16xf32>
    %swap3A_2437 = vector.shape_cast %select_n3A_2431 : vector<16xf32> to vector<1x16xf32>
    tpu.vector_store %arg19[%swap3A_2433, %swap3A_2434], %swap3A_2437 {strides = array<i32>} : memref<4x128xf32, #tpu.memory_space<vmem>>, vector<1x16xf32>,
    %get3A_2438 = arith.constant 2 : i32
    %get3A_2439 = arith.index_cast %get3A_2438 : i32 to index
    %get3A_2440 = arith.constant 64 : index
    %get3A_2441 = tpu.vector_load %arg24[%get3A_2439, %get3A_2440] {strides = array<i32>} : memref<4x128xf32, #tpu.memory_space<vmem>>, vector<1x16xf32>,
    %get3A_2442 = vector.shape_cast %get3A_2441 : vector<1x16xf32> to vector<16xf32>
    %get3A_2443 = arith.constant 2 : i32
    %get3A_2444 = arith.index_cast %get3A_2443 : i32 to index
    %get3A_2445 = arith.constant 64 : index
    %get3A_2446 = tpu.vector_load %arg20[%get3A_2444, %get3A_2445] {strides = array<i32>} : memref<4x128xf32, #tpu.memory_space<vmem>>, vector<1x16xf32>,
    %get3A_2447 = vector.shape_cast %get3A_2446 : vector<1x16xf32> to vector<16xf32>
    %select_n3A_2448 = arith.select %lt3A_2386, %get3A_2442, %get3A_2447 : vector<16xi1>, vector<16xf32>
    %swap3A_2449 = arith.constant 2 : i32
    %swap3A_2450 = arith.index_cast %swap3A_2449 : i32 to index
    %swap3A_2451 = arith.constant 64 : index
    %swap3A_2452 = tpu.vector_load %arg20[%swap3A_2450, %swap3A_2451] {strides = array<i32>} : memref<4x128xf32, #tpu.memory_space<vmem>>, vector<1x16xf32>,
    %swap3A_2453 = vector.shape_cast %swap3A_2452 : vector<1x16xf32> to vector<16xf32>
    %swap3A_2454 = vector.shape_cast %select_n3A_2448 : vector<16xf32> to vector<1x16xf32>
    tpu.vector_store %arg20[%swap3A_2450, %swap3A_2451], %swap3A_2454 {strides = array<i32>} : memref<4x128xf32, #tpu.memory_space<vmem>>, vector<1x16xf32>,
    %get3A_2455 = arith.constant 2 : i32
    %get3A_2456 = arith.index_cast %get3A_2455 : i32 to index
    %get3A_2457 = arith.constant 80 : index
    %get3A_2458 = tpu.vector_load %arg15[%get3A_2456, %get3A_2457] {strides = array<i32>} : memref<4x128xi32, #tpu.memory_space<vmem>>, vector<1x16xi32>,
    %get3A_2459 = vector.shape_cast %get3A_2458 : vector<1x16xi32> to vector<16xi32>
    %lt3A_2460 = arith.constant 2048 : i32
    %lt3A_2461 = vector.broadcast %lt3A_2460 : i32 to vector<16xi32>
    %lt3A_2462 = arith.cmpi slt, %get3A_2459, %lt3A_2461 : vector<16xi32>
    %get3A_2463 = arith.constant 2 : i32
    %get3A_2464 = arith.index_cast %get3A_2463 : i32 to index
    %get3A_2465 = arith.constant 80 : index
    %get3A_2466 = tpu.vector_load %arg21[%get3A_2464, %get3A_2465] {strides = array<i32>} : memref<4x128xi32, #tpu.memory_space<vmem>>, vector<1x16xi32>,
    %get3A_2467 = vector.shape_cast %get3A_2466 : vector<1x16xi32> to vector<16xi32>
    %get3A_2468 = arith.constant 2 : i32
    %get3A_2469 = arith.index_cast %get3A_2468 : i32 to index
    %get3A_2470 = arith.constant 80 : index
    %get3A_2471 = tpu.vector_load %arg17[%get3A_2469, %get3A_2470] {strides = array<i32>} : memref<4x128xi32, #tpu.memory_space<vmem>>, vector<1x16xi32>,
    %get3A_2472 = vector.shape_cast %get3A_2471 : vector<1x16xi32> to vector<16xi32>
    %select_n3A_2473 = arith.select %lt3A_2462, %get3A_2467, %get3A_2472 : vector<16xi1>, vector<16xi32>
    %swap3A_2474 = arith.constant 2 : i32
    %swap3A_2475 = arith.index_cast %swap3A_2474 : i32 to index
    %swap3A_2476 = arith.constant 80 : index
    %swap3A_2477 = tpu.vector_load %arg17[%swap3A_2475, %swap3A_2476] {strides = array<i32>} : memref<4x128xi32, #tpu.memory_space<vmem>>, vector<1x16xi32>,
    %swap3A_2478 = vector.shape_cast %swap3A_2477 : vector<1x16xi32> to vector<16xi32>
    %swap3A_2479 = vector.shape_cast %select_n3A_2473 : vector<16xi32> to vector<1x16xi32>
    tpu.vector_store %arg17[%swap3A_2475, %swap3A_2476], %swap3A_2479 {strides = array<i32>} : memref<4x128xi32, #tpu.memory_space<vmem>>, vector<1x16xi32>,
    %get3A_2480 = arith.constant 2 : i32
    %get3A_2481 = arith.index_cast %get3A_2480 : i32 to index
    %get3A_2482 = arith.constant 80 : index
    %get3A_2483 = tpu.vector_load %arg22[%get3A_2481, %get3A_2482] {strides = array<i32>} : memref<4x128xi32, #tpu.memory_space<vmem>>, vector<1x16xi32>,
    %get3A_2484 = vector.shape_cast %get3A_2483 : vector<1x16xi32> to vector<16xi32>
    %get3A_2485 = arith.constant 2 : i32
    %get3A_2486 = arith.index_cast %get3A_2485 : i32 to index
    %get3A_2487 = arith.constant 80 : index
    %get3A_2488 = tpu.vector_load %arg18[%get3A_2486, %get3A_2487] {strides = array<i32>} : memref<4x128xi32, #tpu.memory_space<vmem>>, vector<1x16xi32>,
    %get3A_2489 = vector.shape_cast %get3A_2488 : vector<1x16xi32> to vector<16xi32>
    %select_n3A_2490 = arith.select %lt3A_2462, %get3A_2484, %get3A_2489 : vector<16xi1>, vector<16xi32>
    %swap3A_2491 = arith.constant 2 : i32
    %swap3A_2492 = arith.index_cast %swap3A_2491 : i32 to index
    %swap3A_2493 = arith.constant 80 : index
    %swap3A_2494 = tpu.vector_load %arg18[%swap3A_2492, %swap3A_2493] {strides = array<i32>} : memref<4x128xi32, #tpu.memory_space<vmem>>, vector<1x16xi32>,
    %swap3A_2495 = vector.shape_cast %swap3A_2494 : vector<1x16xi32> to vector<16xi32>
    %swap3A_2496 = vector.shape_cast %select_n3A_2490 : vector<16xi32> to vector<1x16xi32>
    tpu.vector_store %arg18[%swap3A_2492, %swap3A_2493], %swap3A_2496 {strides = array<i32>} : memref<4x128xi32, #tpu.memory_space<vmem>>, vector<1x16xi32>,
    %get3A_2497 = arith.constant 2 : i32
    %get3A_2498 = arith.index_cast %get3A_2497 : i32 to index
    %get3A_2499 = arith.constant 80 : index
    %get3A_2500 = tpu.vector_load %arg23[%get3A_2498, %get3A_2499] {strides = array<i32>} : memref<4x128xf32, #tpu.memory_space<vmem>>, vector<1x16xf32>,
    %get3A_2501 = vector.shape_cast %get3A_2500 : vector<1x16xf32> to vector<16xf32>
    %get3A_2502 = arith.constant 2 : i32
    %get3A_2503 = arith.index_cast %get3A_2502 : i32 to index
    %get3A_2504 = arith.constant 80 : index
    %get3A_2505 = tpu.vector_load %arg19[%get3A_2503, %get3A_2504] {strides = array<i32>} : memref<4x128xf32, #tpu.memory_space<vmem>>, vector<1x16xf32>,
    %get3A_2506 = vector.shape_cast %get3A_2505 : vector<1x16xf32> to vector<16xf32>
    %select_n3A_2507 = arith.select %lt3A_2462, %get3A_2501, %get3A_2506 : vector<16xi1>, vector<16xf32>
    %swap3A_2508 = arith.constant 2 : i32
    %swap3A_2509 = arith.index_cast %swap3A_2508 : i32 to index
    %swap3A_2510 = arith.constant 80 : index
    %swap3A_2511 = tpu.vector_load %arg19[%swap3A_2509, %swap3A_2510] {strides = array<i32>} : memref<4x128xf32, #tpu.memory_space<vmem>>, vector<1x16xf32>,
    %swap3A_2512 = vector.shape_cast %swap3A_2511 : vector<1x16xf32> to vector<16xf32>
    %swap3A_2513 = vector.shape_cast %select_n3A_2507 : vector<16xf32> to vector<1x16xf32>
    tpu.vector_store %arg19[%swap3A_2509, %swap3A_2510], %swap3A_2513 {strides = array<i32>} : memref<4x128xf32, #tpu.memory_space<vmem>>, vector<1x16xf32>,
    %get3A_2514 = arith.constant 2 : i32
    %get3A_2515 = arith.index_cast %get3A_2514 : i32 to index
    %get3A_2516 = arith.constant 80 : index
    %get3A_2517 = tpu.vector_load %arg24[%get3A_2515, %get3A_2516] {strides = array<i32>} : memref<4x128xf32, #tpu.memory_space<vmem>>, vector<1x16xf32>,
    %get3A_2518 = vector.shape_cast %get3A_2517 : vector<1x16xf32> to vector<16xf32>
    %get3A_2519 = arith.constant 2 : i32
    %get3A_2520 = arith.index_cast %get3A_2519 : i32 to index
    %get3A_2521 = arith.constant 80 : index
    %get3A_2522 = tpu.vector_load %arg20[%get3A_2520, %get3A_2521] {strides = array<i32>} : memref<4x128xf32, #tpu.memory_space<vmem>>, vector<1x16xf32>,
    %get3A_2523 = vector.shape_cast %get3A_2522 : vector<1x16xf32> to vector<16xf32>
    %select_n3A_2524 = arith.select %lt3A_2462, %get3A_2518, %get3A_2523 : vector<16xi1>, vector<16xf32>
    %swap3A_2525 = arith.constant 2 : i32
    %swap3A_2526 = arith.index_cast %swap3A_2525 : i32 to index
    %swap3A_2527 = arith.constant 80 : index
    %swap3A_2528 = tpu.vector_load %arg20[%swap3A_2526, %swap3A_2527] {strides = array<i32>} : memref<4x128xf32, #tpu.memory_space<vmem>>, vector<1x16xf32>,
    %swap3A_2529 = vector.shape_cast %swap3A_2528 : vector<1x16xf32> to vector<16xf32>
    %swap3A_2530 = vector.shape_cast %select_n3A_2524 : vector<16xf32> to vector<1x16xf32>
    tpu.vector_store %arg20[%swap3A_2526, %swap3A_2527], %swap3A_2530 {strides = array<i32>} : memref<4x128xf32, #tpu.memory_space<vmem>>, vector<1x16xf32>,
    %get3A_2531 = arith.constant 2 : i32
    %get3A_2532 = arith.index_cast %get3A_2531 : i32 to index
    %get3A_2533 = arith.constant 96 : index
    %get3A_2534 = tpu.vector_load %arg15[%get3A_2532, %get3A_2533] {strides = array<i32>} : memref<4x128xi32, #tpu.memory_space<vmem>>, vector<1x16xi32>,
    %get3A_2535 = vector.shape_cast %get3A_2534 : vector<1x16xi32> to vector<16xi32>
    %lt3A_2536 = arith.constant 2048 : i32
    %lt3A_2537 = vector.broadcast %lt3A_2536 : i32 to vector<16xi32>
    %lt3A_2538 = arith.cmpi slt, %get3A_2535, %lt3A_2537 : vector<16xi32>
    %get3A_2539 = arith.constant 2 : i32
    %get3A_2540 = arith.index_cast %get3A_2539 : i32 to index
    %get3A_2541 = arith.constant 96 : index
    %get3A_2542 = tpu.vector_load %arg21[%get3A_2540, %get3A_2541] {strides = array<i32>} : memref<4x128xi32, #tpu.memory_space<vmem>>, vector<1x16xi32>,
    %get3A_2543 = vector.shape_cast %get3A_2542 : vector<1x16xi32> to vector<16xi32>
    %get3A_2544 = arith.constant 2 : i32
    %get3A_2545 = arith.index_cast %get3A_2544 : i32 to index
    %get3A_2546 = arith.constant 96 : index
    %get3A_2547 = tpu.vector_load %arg17[%get3A_2545, %get3A_2546] {strides = array<i32>} : memref<4x128xi32, #tpu.memory_space<vmem>>, vector<1x16xi32>,
    %get3A_2548 = vector.shape_cast %get3A_2547 : vector<1x16xi32> to vector<16xi32>
    %select_n3A_2549 = arith.select %lt3A_2538, %get3A_2543, %get3A_2548 : vector<16xi1>, vector<16xi32>
    %swap3A_2550 = arith.constant 2 : i32
    %swap3A_2551 = arith.index_cast %swap3A_2550 : i32 to index
    %swap3A_2552 = arith.constant 96 : index
    %swap3A_2553 = tpu.vector_load %arg17[%swap3A_2551, %swap3A_2552] {strides = array<i32>} : memref<4x128xi32, #tpu.memory_space<vmem>>, vector<1x16xi32>,
    %swap3A_2554 = vector.shape_cast %swap3A_2553 : vector<1x16xi32> to vector<16xi32>
    %swap3A_2555 = vector.shape_cast %select_n3A_2549 : vector<16xi32> to vector<1x16xi32>
    tpu.vector_store %arg17[%swap3A_2551, %swap3A_2552], %swap3A_2555 {strides = array<i32>} : memref<4x128xi32, #tpu.memory_space<vmem>>, vector<1x16xi32>,
    %get3A_2556 = arith.constant 2 : i32
    %get3A_2557 = arith.index_cast %get3A_2556 : i32 to index
    %get3A_2558 = arith.constant 96 : index
    %get3A_2559 = tpu.vector_load %arg22[%get3A_2557, %get3A_2558] {strides = array<i32>} : memref<4x128xi32, #tpu.memory_space<vmem>>, vector<1x16xi32>,
    %get3A_2560 = vector.shape_cast %get3A_2559 : vector<1x16xi32> to vector<16xi32>
    %get3A_2561 = arith.constant 2 : i32
    %get3A_2562 = arith.index_cast %get3A_2561 : i32 to index
    %get3A_2563 = arith.constant 96 : index
    %get3A_2564 = tpu.vector_load %arg18[%get3A_2562, %get3A_2563] {strides = array<i32>} : memref<4x128xi32, #tpu.memory_space<vmem>>, vector<1x16xi32>,
    %get3A_2565 = vector.shape_cast %get3A_2564 : vector<1x16xi32> to vector<16xi32>
    %select_n3A_2566 = arith.select %lt3A_2538, %get3A_2560, %get3A_2565 : vector<16xi1>, vector<16xi32>
    %swap3A_2567 = arith.constant 2 : i32
    %swap3A_2568 = arith.index_cast %swap3A_2567 : i32 to index
    %swap3A_2569 = arith.constant 96 : index
    %swap3A_2570 = tpu.vector_load %arg18[%swap3A_2568, %swap3A_2569] {strides = array<i32>} : memref<4x128xi32, #tpu.memory_space<vmem>>, vector<1x16xi32>,
    %swap3A_2571 = vector.shape_cast %swap3A_2570 : vector<1x16xi32> to vector<16xi32>
    %swap3A_2572 = vector.shape_cast %select_n3A_2566 : vector<16xi32> to vector<1x16xi32>
    tpu.vector_store %arg18[%swap3A_2568, %swap3A_2569], %swap3A_2572 {strides = array<i32>} : memref<4x128xi32, #tpu.memory_space<vmem>>, vector<1x16xi32>,
    %get3A_2573 = arith.constant 2 : i32
    %get3A_2574 = arith.index_cast %get3A_2573 : i32 to index
    %get3A_2575 = arith.constant 96 : index
    %get3A_2576 = tpu.vector_load %arg23[%get3A_2574, %get3A_2575] {strides = array<i32>} : memref<4x128xf32, #tpu.memory_space<vmem>>, vector<1x16xf32>,
    %get3A_2577 = vector.shape_cast %get3A_2576 : vector<1x16xf32> to vector<16xf32>
    %get3A_2578 = arith.constant 2 : i32
    %get3A_2579 = arith.index_cast %get3A_2578 : i32 to index
    %get3A_2580 = arith.constant 96 : index
    %get3A_2581 = tpu.vector_load %arg19[%get3A_2579, %get3A_2580] {strides = array<i32>} : memref<4x128xf32, #tpu.memory_space<vmem>>, vector<1x16xf32>,
    %get3A_2582 = vector.shape_cast %get3A_2581 : vector<1x16xf32> to vector<16xf32>
    %select_n3A_2583 = arith.select %lt3A_2538, %get3A_2577, %get3A_2582 : vector<16xi1>, vector<16xf32>
    %swap3A_2584 = arith.constant 2 : i32
    %swap3A_2585 = arith.index_cast %swap3A_2584 : i32 to index
    %swap3A_2586 = arith.constant 96 : index
    %swap3A_2587 = tpu.vector_load %arg19[%swap3A_2585, %swap3A_2586] {strides = array<i32>} : memref<4x128xf32, #tpu.memory_space<vmem>>, vector<1x16xf32>,
    %swap3A_2588 = vector.shape_cast %swap3A_2587 : vector<1x16xf32> to vector<16xf32>
    %swap3A_2589 = vector.shape_cast %select_n3A_2583 : vector<16xf32> to vector<1x16xf32>
    tpu.vector_store %arg19[%swap3A_2585, %swap3A_2586], %swap3A_2589 {strides = array<i32>} : memref<4x128xf32, #tpu.memory_space<vmem>>, vector<1x16xf32>,
    %get3A_2590 = arith.constant 2 : i32
    %get3A_2591 = arith.index_cast %get3A_2590 : i32 to index
    %get3A_2592 = arith.constant 96 : index
    %get3A_2593 = tpu.vector_load %arg24[%get3A_2591, %get3A_2592] {strides = array<i32>} : memref<4x128xf32, #tpu.memory_space<vmem>>, vector<1x16xf32>,
    %get3A_2594 = vector.shape_cast %get3A_2593 : vector<1x16xf32> to vector<16xf32>
    %get3A_2595 = arith.constant 2 : i32
    %get3A_2596 = arith.index_cast %get3A_2595 : i32 to index
    %get3A_2597 = arith.constant 96 : index
    %get3A_2598 = tpu.vector_load %arg20[%get3A_2596, %get3A_2597] {strides = array<i32>} : memref<4x128xf32, #tpu.memory_space<vmem>>, vector<1x16xf32>,
    %get3A_2599 = vector.shape_cast %get3A_2598 : vector<1x16xf32> to vector<16xf32>
    %select_n3A_2600 = arith.select %lt3A_2538, %get3A_2594, %get3A_2599 : vector<16xi1>, vector<16xf32>
    %swap3A_2601 = arith.constant 2 : i32
    %swap3A_2602 = arith.index_cast %swap3A_2601 : i32 to index
    %swap3A_2603 = arith.constant 96 : index
    %swap3A_2604 = tpu.vector_load %arg20[%swap3A_2602, %swap3A_2603] {strides = array<i32>} : memref<4x128xf32, #tpu.memory_space<vmem>>, vector<1x16xf32>,
    %swap3A_2605 = vector.shape_cast %swap3A_2604 : vector<1x16xf32> to vector<16xf32>
    %swap3A_2606 = vector.shape_cast %select_n3A_2600 : vector<16xf32> to vector<1x16xf32>
    tpu.vector_store %arg20[%swap3A_2602, %swap3A_2603], %swap3A_2606 {strides = array<i32>} : memref<4x128xf32, #tpu.memory_space<vmem>>, vector<1x16xf32>,
    %get3A_2607 = arith.constant 2 : i32
    %get3A_2608 = arith.index_cast %get3A_2607 : i32 to index
    %get3A_2609 = arith.constant 112 : index
    %get3A_2610 = tpu.vector_load %arg15[%get3A_2608, %get3A_2609] {strides = array<i32>} : memref<4x128xi32, #tpu.memory_space<vmem>>, vector<1x16xi32>,
    %get3A_2611 = vector.shape_cast %get3A_2610 : vector<1x16xi32> to vector<16xi32>
    %lt3A_2612 = arith.constant 2048 : i32
    %lt3A_2613 = vector.broadcast %lt3A_2612 : i32 to vector<16xi32>
    %lt3A_2614 = arith.cmpi slt, %get3A_2611, %lt3A_2613 : vector<16xi32>
    %get3A_2615 = arith.constant 2 : i32
    %get3A_2616 = arith.index_cast %get3A_2615 : i32 to index
    %get3A_2617 = arith.constant 112 : index
    %get3A_2618 = tpu.vector_load %arg21[%get3A_2616, %get3A_2617] {strides = array<i32>} : memref<4x128xi32, #tpu.memory_space<vmem>>, vector<1x16xi32>,
    %get3A_2619 = vector.shape_cast %get3A_2618 : vector<1x16xi32> to vector<16xi32>
    %get3A_2620 = arith.constant 2 : i32
    %get3A_2621 = arith.index_cast %get3A_2620 : i32 to index
    %get3A_2622 = arith.constant 112 : index
    %get3A_2623 = tpu.vector_load %arg17[%get3A_2621, %get3A_2622] {strides = array<i32>} : memref<4x128xi32, #tpu.memory_space<vmem>>, vector<1x16xi32>,
    %get3A_2624 = vector.shape_cast %get3A_2623 : vector<1x16xi32> to vector<16xi32>
    %select_n3A_2625 = arith.select %lt3A_2614, %get3A_2619, %get3A_2624 : vector<16xi1>, vector<16xi32>
    %swap3A_2626 = arith.constant 2 : i32
    %swap3A_2627 = arith.index_cast %swap3A_2626 : i32 to index
    %swap3A_2628 = arith.constant 112 : index
    %swap3A_2629 = tpu.vector_load %arg17[%swap3A_2627, %swap3A_2628] {strides = array<i32>} : memref<4x128xi32, #tpu.memory_space<vmem>>, vector<1x16xi32>,
    %swap3A_2630 = vector.shape_cast %swap3A_2629 : vector<1x16xi32> to vector<16xi32>
    %swap3A_2631 = vector.shape_cast %select_n3A_2625 : vector<16xi32> to vector<1x16xi32>
    tpu.vector_store %arg17[%swap3A_2627, %swap3A_2628], %swap3A_2631 {strides = array<i32>} : memref<4x128xi32, #tpu.memory_space<vmem>>, vector<1x16xi32>,
    %get3A_2632 = arith.constant 2 : i32
    %get3A_2633 = arith.index_cast %get3A_2632 : i32 to index
    %get3A_2634 = arith.constant 112 : index
    %get3A_2635 = tpu.vector_load %arg22[%get3A_2633, %get3A_2634] {strides = array<i32>} : memref<4x128xi32, #tpu.memory_space<vmem>>, vector<1x16xi32>,
    %get3A_2636 = vector.shape_cast %get3A_2635 : vector<1x16xi32> to vector<16xi32>
    %get3A_2637 = arith.constant 2 : i32
    %get3A_2638 = arith.index_cast %get3A_2637 : i32 to index
    %get3A_2639 = arith.constant 112 : index
    %get3A_2640 = tpu.vector_load %arg18[%get3A_2638, %get3A_2639] {strides = array<i32>} : memref<4x128xi32, #tpu.memory_space<vmem>>, vector<1x16xi32>,
    %get3A_2641 = vector.shape_cast %get3A_2640 : vector<1x16xi32> to vector<16xi32>
    %select_n3A_2642 = arith.select %lt3A_2614, %get3A_2636, %get3A_2641 : vector<16xi1>, vector<16xi32>
    %swap3A_2643 = arith.constant 2 : i32
    %swap3A_2644 = arith.index_cast %swap3A_2643 : i32 to index
    %swap3A_2645 = arith.constant 112 : index
    %swap3A_2646 = tpu.vector_load %arg18[%swap3A_2644, %swap3A_2645] {strides = array<i32>} : memref<4x128xi32, #tpu.memory_space<vmem>>, vector<1x16xi32>,
    %swap3A_2647 = vector.shape_cast %swap3A_2646 : vector<1x16xi32> to vector<16xi32>
    %swap3A_2648 = vector.shape_cast %select_n3A_2642 : vector<16xi32> to vector<1x16xi32>
    tpu.vector_store %arg18[%swap3A_2644, %swap3A_2645], %swap3A_2648 {strides = array<i32>} : memref<4x128xi32, #tpu.memory_space<vmem>>, vector<1x16xi32>,
    %get3A_2649 = arith.constant 2 : i32
    %get3A_2650 = arith.index_cast %get3A_2649 : i32 to index
    %get3A_2651 = arith.constant 112 : index
    %get3A_2652 = tpu.vector_load %arg23[%get3A_2650, %get3A_2651] {strides = array<i32>} : memref<4x128xf32, #tpu.memory_space<vmem>>, vector<1x16xf32>,
    %get3A_2653 = vector.shape_cast %get3A_2652 : vector<1x16xf32> to vector<16xf32>
    %get3A_2654 = arith.constant 2 : i32
    %get3A_2655 = arith.index_cast %get3A_2654 : i32 to index
    %get3A_2656 = arith.constant 112 : index
    %get3A_2657 = tpu.vector_load %arg19[%get3A_2655, %get3A_2656] {strides = array<i32>} : memref<4x128xf32, #tpu.memory_space<vmem>>, vector<1x16xf32>,
    %get3A_2658 = vector.shape_cast %get3A_2657 : vector<1x16xf32> to vector<16xf32>
    %select_n3A_2659 = arith.select %lt3A_2614, %get3A_2653, %get3A_2658 : vector<16xi1>, vector<16xf32>
    %swap3A_2660 = arith.constant 2 : i32
    %swap3A_2661 = arith.index_cast %swap3A_2660 : i32 to index
    %swap3A_2662 = arith.constant 112 : index
    %swap3A_2663 = tpu.vector_load %arg19[%swap3A_2661, %swap3A_2662] {strides = array<i32>} : memref<4x128xf32, #tpu.memory_space<vmem>>, vector<1x16xf32>,
    %swap3A_2664 = vector.shape_cast %swap3A_2663 : vector<1x16xf32> to vector<16xf32>
    %swap3A_2665 = vector.shape_cast %select_n3A_2659 : vector<16xf32> to vector<1x16xf32>
    tpu.vector_store %arg19[%swap3A_2661, %swap3A_2662], %swap3A_2665 {strides = array<i32>} : memref<4x128xf32, #tpu.memory_space<vmem>>, vector<1x16xf32>,
    %get3A_2666 = arith.constant 2 : i32
    %get3A_2667 = arith.index_cast %get3A_2666 : i32 to index
    %get3A_2668 = arith.constant 112 : index
    %get3A_2669 = tpu.vector_load %arg24[%get3A_2667, %get3A_2668] {strides = array<i32>} : memref<4x128xf32, #tpu.memory_space<vmem>>, vector<1x16xf32>,
    %get3A_2670 = vector.shape_cast %get3A_2669 : vector<1x16xf32> to vector<16xf32>
    %get3A_2671 = arith.constant 2 : i32
    %get3A_2672 = arith.index_cast %get3A_2671 : i32 to index
    %get3A_2673 = arith.constant 112 : index
    %get3A_2674 = tpu.vector_load %arg20[%get3A_2672, %get3A_2673] {strides = array<i32>} : memref<4x128xf32, #tpu.memory_space<vmem>>, vector<1x16xf32>,
    %get3A_2675 = vector.shape_cast %get3A_2674 : vector<1x16xf32> to vector<16xf32>
    %select_n3A_2676 = arith.select %lt3A_2614, %get3A_2670, %get3A_2675 : vector<16xi1>, vector<16xf32>
    %swap3A_2677 = arith.constant 2 : i32
    %swap3A_2678 = arith.index_cast %swap3A_2677 : i32 to index
    %swap3A_2679 = arith.constant 112 : index
    %swap3A_2680 = tpu.vector_load %arg20[%swap3A_2678, %swap3A_2679] {strides = array<i32>} : memref<4x128xf32, #tpu.memory_space<vmem>>, vector<1x16xf32>,
    %swap3A_2681 = vector.shape_cast %swap3A_2680 : vector<1x16xf32> to vector<16xf32>
    %swap3A_2682 = vector.shape_cast %select_n3A_2676 : vector<16xf32> to vector<1x16xf32>
    tpu.vector_store %arg20[%swap3A_2678, %swap3A_2679], %swap3A_2682 {strides = array<i32>} : memref<4x128xf32, #tpu.memory_space<vmem>>, vector<1x16xf32>,
    %get3A_2683 = arith.constant 3 : i32
    %get3A_2684 = arith.index_cast %get3A_2683 : i32 to index
    %get3A_2685 = arith.constant 0 : index
    %get3A_2686 = tpu.vector_load %arg15[%get3A_2684, %get3A_2685] {strides = array<i32>} : memref<4x128xi32, #tpu.memory_space<vmem>>, vector<1x16xi32>,
    %get3A_2687 = vector.shape_cast %get3A_2686 : vector<1x16xi32> to vector<16xi32>
    %lt3A_2688 = arith.constant 2048 : i32
    %lt3A_2689 = vector.broadcast %lt3A_2688 : i32 to vector<16xi32>
    %lt3A_2690 = arith.cmpi slt, %get3A_2687, %lt3A_2689 : vector<16xi32>
    %get3A_2691 = arith.constant 3 : i32
    %get3A_2692 = arith.index_cast %get3A_2691 : i32 to index
    %get3A_2693 = arith.constant 0 : index
    %get3A_2694 = tpu.vector_load %arg21[%get3A_2692, %get3A_2693] {strides = array<i32>} : memref<4x128xi32, #tpu.memory_space<vmem>>, vector<1x16xi32>,
    %get3A_2695 = vector.shape_cast %get3A_2694 : vector<1x16xi32> to vector<16xi32>
    %get3A_2696 = arith.constant 3 : i32
    %get3A_2697 = arith.index_cast %get3A_2696 : i32 to index
    %get3A_2698 = arith.constant 0 : index
    %get3A_2699 = tpu.vector_load %arg17[%get3A_2697, %get3A_2698] {strides = array<i32>} : memref<4x128xi32, #tpu.memory_space<vmem>>, vector<1x16xi32>,
    %get3A_2700 = vector.shape_cast %get3A_2699 : vector<1x16xi32> to vector<16xi32>
    %select_n3A_2701 = arith.select %lt3A_2690, %get3A_2695, %get3A_2700 : vector<16xi1>, vector<16xi32>
    %swap3A_2702 = arith.constant 3 : i32
    %swap3A_2703 = arith.index_cast %swap3A_2702 : i32 to index
    %swap3A_2704 = arith.constant 0 : index
    %swap3A_2705 = tpu.vector_load %arg17[%swap3A_2703, %swap3A_2704] {strides = array<i32>} : memref<4x128xi32, #tpu.memory_space<vmem>>, vector<1x16xi32>,
    %swap3A_2706 = vector.shape_cast %swap3A_2705 : vector<1x16xi32> to vector<16xi32>
    %swap3A_2707 = vector.shape_cast %select_n3A_2701 : vector<16xi32> to vector<1x16xi32>
    tpu.vector_store %arg17[%swap3A_2703, %swap3A_2704], %swap3A_2707 {strides = array<i32>} : memref<4x128xi32, #tpu.memory_space<vmem>>, vector<1x16xi32>,
    %get3A_2708 = arith.constant 3 : i32
    %get3A_2709 = arith.index_cast %get3A_2708 : i32 to index
    %get3A_2710 = arith.constant 0 : index
    %get3A_2711 = tpu.vector_load %arg22[%get3A_2709, %get3A_2710] {strides = array<i32>} : memref<4x128xi32, #tpu.memory_space<vmem>>, vector<1x16xi32>,
    %get3A_2712 = vector.shape_cast %get3A_2711 : vector<1x16xi32> to vector<16xi32>
    %get3A_2713 = arith.constant 3 : i32
    %get3A_2714 = arith.index_cast %get3A_2713 : i32 to index
    %get3A_2715 = arith.constant 0 : index
    %get3A_2716 = tpu.vector_load %arg18[%get3A_2714, %get3A_2715] {strides = array<i32>} : memref<4x128xi32, #tpu.memory_space<vmem>>, vector<1x16xi32>,
    %get3A_2717 = vector.shape_cast %get3A_2716 : vector<1x16xi32> to vector<16xi32>
    %select_n3A_2718 = arith.select %lt3A_2690, %get3A_2712, %get3A_2717 : vector<16xi1>, vector<16xi32>
    %swap3A_2719 = arith.constant 3 : i32
    %swap3A_2720 = arith.index_cast %swap3A_2719 : i32 to index
    %swap3A_2721 = arith.constant 0 : index
    %swap3A_2722 = tpu.vector_load %arg18[%swap3A_2720, %swap3A_2721] {strides = array<i32>} : memref<4x128xi32, #tpu.memory_space<vmem>>, vector<1x16xi32>,
    %swap3A_2723 = vector.shape_cast %swap3A_2722 : vector<1x16xi32> to vector<16xi32>
    %swap3A_2724 = vector.shape_cast %select_n3A_2718 : vector<16xi32> to vector<1x16xi32>
    tpu.vector_store %arg18[%swap3A_2720, %swap3A_2721], %swap3A_2724 {strides = array<i32>} : memref<4x128xi32, #tpu.memory_space<vmem>>, vector<1x16xi32>,
    %get3A_2725 = arith.constant 3 : i32
    %get3A_2726 = arith.index_cast %get3A_2725 : i32 to index
    %get3A_2727 = arith.constant 0 : index
    %get3A_2728 = tpu.vector_load %arg23[%get3A_2726, %get3A_2727] {strides = array<i32>} : memref<4x128xf32, #tpu.memory_space<vmem>>, vector<1x16xf32>,
    %get3A_2729 = vector.shape_cast %get3A_2728 : vector<1x16xf32> to vector<16xf32>
    %get3A_2730 = arith.constant 3 : i32
    %get3A_2731 = arith.index_cast %get3A_2730 : i32 to index
    %get3A_2732 = arith.constant 0 : index
    %get3A_2733 = tpu.vector_load %arg19[%get3A_2731, %get3A_2732] {strides = array<i32>} : memref<4x128xf32, #tpu.memory_space<vmem>>, vector<1x16xf32>,
    %get3A_2734 = vector.shape_cast %get3A_2733 : vector<1x16xf32> to vector<16xf32>
    %select_n3A_2735 = arith.select %lt3A_2690, %get3A_2729, %get3A_2734 : vector<16xi1>, vector<16xf32>
    %swap3A_2736 = arith.constant 3 : i32
    %swap3A_2737 = arith.index_cast %swap3A_2736 : i32 to index
    %swap3A_2738 = arith.constant 0 : index
    %swap3A_2739 = tpu.vector_load %arg19[%swap3A_2737, %swap3A_2738] {strides = array<i32>} : memref<4x128xf32, #tpu.memory_space<vmem>>, vector<1x16xf32>,
    %swap3A_2740 = vector.shape_cast %swap3A_2739 : vector<1x16xf32> to vector<16xf32>
    %swap3A_2741 = vector.shape_cast %select_n3A_2735 : vector<16xf32> to vector<1x16xf32>
    tpu.vector_store %arg19[%swap3A_2737, %swap3A_2738], %swap3A_2741 {strides = array<i32>} : memref<4x128xf32, #tpu.memory_space<vmem>>, vector<1x16xf32>,
    %get3A_2742 = arith.constant 3 : i32
    %get3A_2743 = arith.index_cast %get3A_2742 : i32 to index
    %get3A_2744 = arith.constant 0 : index
    %get3A_2745 = tpu.vector_load %arg24[%get3A_2743, %get3A_2744] {strides = array<i32>} : memref<4x128xf32, #tpu.memory_space<vmem>>, vector<1x16xf32>,
    %get3A_2746 = vector.shape_cast %get3A_2745 : vector<1x16xf32> to vector<16xf32>
    %get3A_2747 = arith.constant 3 : i32
    %get3A_2748 = arith.index_cast %get3A_2747 : i32 to index
    %get3A_2749 = arith.constant 0 : index
    %get3A_2750 = tpu.vector_load %arg20[%get3A_2748, %get3A_2749] {strides = array<i32>} : memref<4x128xf32, #tpu.memory_space<vmem>>, vector<1x16xf32>,
    %get3A_2751 = vector.shape_cast %get3A_2750 : vector<1x16xf32> to vector<16xf32>
    %select_n3A_2752 = arith.select %lt3A_2690, %get3A_2746, %get3A_2751 : vector<16xi1>, vector<16xf32>
    %swap3A_2753 = arith.constant 3 : i32
    %swap3A_2754 = arith.index_cast %swap3A_2753 : i32 to index
    %swap3A_2755 = arith.constant 0 : index
    %swap3A_2756 = tpu.vector_load %arg20[%swap3A_2754, %swap3A_2755] {strides = array<i32>} : memref<4x128xf32, #tpu.memory_space<vmem>>, vector<1x16xf32>,
    %swap3A_2757 = vector.shape_cast %swap3A_2756 : vector<1x16xf32> to vector<16xf32>
    %swap3A_2758 = vector.shape_cast %select_n3A_2752 : vector<16xf32> to vector<1x16xf32>
    tpu.vector_store %arg20[%swap3A_2754, %swap3A_2755], %swap3A_2758 {strides = array<i32>} : memref<4x128xf32, #tpu.memory_space<vmem>>, vector<1x16xf32>,
    %get3A_2759 = arith.constant 3 : i32
    %get3A_2760 = arith.index_cast %get3A_2759 : i32 to index
    %get3A_2761 = arith.constant 16 : index
    %get3A_2762 = tpu.vector_load %arg15[%get3A_2760, %get3A_2761] {strides = array<i32>} : memref<4x128xi32, #tpu.memory_space<vmem>>, vector<1x16xi32>,
    %get3A_2763 = vector.shape_cast %get3A_2762 : vector<1x16xi32> to vector<16xi32>
    %lt3A_2764 = arith.constant 2048 : i32
    %lt3A_2765 = vector.broadcast %lt3A_2764 : i32 to vector<16xi32>
    %lt3A_2766 = arith.cmpi slt, %get3A_2763, %lt3A_2765 : vector<16xi32>
    %get3A_2767 = arith.constant 3 : i32
    %get3A_2768 = arith.index_cast %get3A_2767 : i32 to index
    %get3A_2769 = arith.constant 16 : index
    %get3A_2770 = tpu.vector_load %arg21[%get3A_2768, %get3A_2769] {strides = array<i32>} : memref<4x128xi32, #tpu.memory_space<vmem>>, vector<1x16xi32>,
    %get3A_2771 = vector.shape_cast %get3A_2770 : vector<1x16xi32> to vector<16xi32>
    %get3A_2772 = arith.constant 3 : i32
    %get3A_2773 = arith.index_cast %get3A_2772 : i32 to index
    %get3A_2774 = arith.constant 16 : index
    %get3A_2775 = tpu.vector_load %arg17[%get3A_2773, %get3A_2774] {strides = array<i32>} : memref<4x128xi32, #tpu.memory_space<vmem>>, vector<1x16xi32>,
    %get3A_2776 = vector.shape_cast %get3A_2775 : vector<1x16xi32> to vector<16xi32>
    %select_n3A_2777 = arith.select %lt3A_2766, %get3A_2771, %get3A_2776 : vector<16xi1>, vector<16xi32>
    %swap3A_2778 = arith.constant 3 : i32
    %swap3A_2779 = arith.index_cast %swap3A_2778 : i32 to index
    %swap3A_2780 = arith.constant 16 : index
    %swap3A_2781 = tpu.vector_load %arg17[%swap3A_2779, %swap3A_2780] {strides = array<i32>} : memref<4x128xi32, #tpu.memory_space<vmem>>, vector<1x16xi32>,
    %swap3A_2782 = vector.shape_cast %swap3A_2781 : vector<1x16xi32> to vector<16xi32>
    %swap3A_2783 = vector.shape_cast %select_n3A_2777 : vector<16xi32> to vector<1x16xi32>
    tpu.vector_store %arg17[%swap3A_2779, %swap3A_2780], %swap3A_2783 {strides = array<i32>} : memref<4x128xi32, #tpu.memory_space<vmem>>, vector<1x16xi32>,
    %get3A_2784 = arith.constant 3 : i32
    %get3A_2785 = arith.index_cast %get3A_2784 : i32 to index
    %get3A_2786 = arith.constant 16 : index
    %get3A_2787 = tpu.vector_load %arg22[%get3A_2785, %get3A_2786] {strides = array<i32>} : memref<4x128xi32, #tpu.memory_space<vmem>>, vector<1x16xi32>,
    %get3A_2788 = vector.shape_cast %get3A_2787 : vector<1x16xi32> to vector<16xi32>
    %get3A_2789 = arith.constant 3 : i32
    %get3A_2790 = arith.index_cast %get3A_2789 : i32 to index
    %get3A_2791 = arith.constant 16 : index
    %get3A_2792 = tpu.vector_load %arg18[%get3A_2790, %get3A_2791] {strides = array<i32>} : memref<4x128xi32, #tpu.memory_space<vmem>>, vector<1x16xi32>,
    %get3A_2793 = vector.shape_cast %get3A_2792 : vector<1x16xi32> to vector<16xi32>
    %select_n3A_2794 = arith.select %lt3A_2766, %get3A_2788, %get3A_2793 : vector<16xi1>, vector<16xi32>
    %swap3A_2795 = arith.constant 3 : i32
    %swap3A_2796 = arith.index_cast %swap3A_2795 : i32 to index
    %swap3A_2797 = arith.constant 16 : index
    %swap3A_2798 = tpu.vector_load %arg18[%swap3A_2796, %swap3A_2797] {strides = array<i32>} : memref<4x128xi32, #tpu.memory_space<vmem>>, vector<1x16xi32>,
    %swap3A_2799 = vector.shape_cast %swap3A_2798 : vector<1x16xi32> to vector<16xi32>
    %swap3A_2800 = vector.shape_cast %select_n3A_2794 : vector<16xi32> to vector<1x16xi32>
    tpu.vector_store %arg18[%swap3A_2796, %swap3A_2797], %swap3A_2800 {strides = array<i32>} : memref<4x128xi32, #tpu.memory_space<vmem>>, vector<1x16xi32>,
    %get3A_2801 = arith.constant 3 : i32
    %get3A_2802 = arith.index_cast %get3A_2801 : i32 to index
    %get3A_2803 = arith.constant 16 : index
    %get3A_2804 = tpu.vector_load %arg23[%get3A_2802, %get3A_2803] {strides = array<i32>} : memref<4x128xf32, #tpu.memory_space<vmem>>, vector<1x16xf32>,
    %get3A_2805 = vector.shape_cast %get3A_2804 : vector<1x16xf32> to vector<16xf32>
    %get3A_2806 = arith.constant 3 : i32
    %get3A_2807 = arith.index_cast %get3A_2806 : i32 to index
    %get3A_2808 = arith.constant 16 : index
    %get3A_2809 = tpu.vector_load %arg19[%get3A_2807, %get3A_2808] {strides = array<i32>} : memref<4x128xf32, #tpu.memory_space<vmem>>, vector<1x16xf32>,
    %get3A_2810 = vector.shape_cast %get3A_2809 : vector<1x16xf32> to vector<16xf32>
    %select_n3A_2811 = arith.select %lt3A_2766, %get3A_2805, %get3A_2810 : vector<16xi1>, vector<16xf32>
    %swap3A_2812 = arith.constant 3 : i32
    %swap3A_2813 = arith.index_cast %swap3A_2812 : i32 to index
    %swap3A_2814 = arith.constant 16 : index
    %swap3A_2815 = tpu.vector_load %arg19[%swap3A_2813, %swap3A_2814] {strides = array<i32>} : memref<4x128xf32, #tpu.memory_space<vmem>>, vector<1x16xf32>,
    %swap3A_2816 = vector.shape_cast %swap3A_2815 : vector<1x16xf32> to vector<16xf32>
    %swap3A_2817 = vector.shape_cast %select_n3A_2811 : vector<16xf32> to vector<1x16xf32>
    tpu.vector_store %arg19[%swap3A_2813, %swap3A_2814], %swap3A_2817 {strides = array<i32>} : memref<4x128xf32, #tpu.memory_space<vmem>>, vector<1x16xf32>,
    %get3A_2818 = arith.constant 3 : i32
    %get3A_2819 = arith.index_cast %get3A_2818 : i32 to index
    %get3A_2820 = arith.constant 16 : index
    %get3A_2821 = tpu.vector_load %arg24[%get3A_2819, %get3A_2820] {strides = array<i32>} : memref<4x128xf32, #tpu.memory_space<vmem>>, vector<1x16xf32>,
    %get3A_2822 = vector.shape_cast %get3A_2821 : vector<1x16xf32> to vector<16xf32>
    %get3A_2823 = arith.constant 3 : i32
    %get3A_2824 = arith.index_cast %get3A_2823 : i32 to index
    %get3A_2825 = arith.constant 16 : index
    %get3A_2826 = tpu.vector_load %arg20[%get3A_2824, %get3A_2825] {strides = array<i32>} : memref<4x128xf32, #tpu.memory_space<vmem>>, vector<1x16xf32>,
    %get3A_2827 = vector.shape_cast %get3A_2826 : vector<1x16xf32> to vector<16xf32>
    %select_n3A_2828 = arith.select %lt3A_2766, %get3A_2822, %get3A_2827 : vector<16xi1>, vector<16xf32>
    %swap3A_2829 = arith.constant 3 : i32
    %swap3A_2830 = arith.index_cast %swap3A_2829 : i32 to index
    %swap3A_2831 = arith.constant 16 : index
    %swap3A_2832 = tpu.vector_load %arg20[%swap3A_2830, %swap3A_2831] {strides = array<i32>} : memref<4x128xf32, #tpu.memory_space<vmem>>, vector<1x16xf32>,
    %swap3A_2833 = vector.shape_cast %swap3A_2832 : vector<1x16xf32> to vector<16xf32>
    %swap3A_2834 = vector.shape_cast %select_n3A_2828 : vector<16xf32> to vector<1x16xf32>
    tpu.vector_store %arg20[%swap3A_2830, %swap3A_2831], %swap3A_2834 {strides = array<i32>} : memref<4x128xf32, #tpu.memory_space<vmem>>, vector<1x16xf32>,
    %get3A_2835 = arith.constant 3 : i32
    %get3A_2836 = arith.index_cast %get3A_2835 : i32 to index
    %get3A_2837 = arith.constant 32 : index
    %get3A_2838 = tpu.vector_load %arg15[%get3A_2836, %get3A_2837] {strides = array<i32>} : memref<4x128xi32, #tpu.memory_space<vmem>>, vector<1x16xi32>,
    %get3A_2839 = vector.shape_cast %get3A_2838 : vector<1x16xi32> to vector<16xi32>
    %lt3A_2840 = arith.constant 2048 : i32
    %lt3A_2841 = vector.broadcast %lt3A_2840 : i32 to vector<16xi32>
    %lt3A_2842 = arith.cmpi slt, %get3A_2839, %lt3A_2841 : vector<16xi32>
    %get3A_2843 = arith.constant 3 : i32
    %get3A_2844 = arith.index_cast %get3A_2843 : i32 to index
    %get3A_2845 = arith.constant 32 : index
    %get3A_2846 = tpu.vector_load %arg21[%get3A_2844, %get3A_2845] {strides = array<i32>} : memref<4x128xi32, #tpu.memory_space<vmem>>, vector<1x16xi32>,
    %get3A_2847 = vector.shape_cast %get3A_2846 : vector<1x16xi32> to vector<16xi32>
    %get3A_2848 = arith.constant 3 : i32
    %get3A_2849 = arith.index_cast %get3A_2848 : i32 to index
    %get3A_2850 = arith.constant 32 : index
    %get3A_2851 = tpu.vector_load %arg17[%get3A_2849, %get3A_2850] {strides = array<i32>} : memref<4x128xi32, #tpu.memory_space<vmem>>, vector<1x16xi32>,
    %get3A_2852 = vector.shape_cast %get3A_2851 : vector<1x16xi32> to vector<16xi32>
    %select_n3A_2853 = arith.select %lt3A_2842, %get3A_2847, %get3A_2852 : vector<16xi1>, vector<16xi32>
    %swap3A_2854 = arith.constant 3 : i32
    %swap3A_2855 = arith.index_cast %swap3A_2854 : i32 to index
    %swap3A_2856 = arith.constant 32 : index
    %swap3A_2857 = tpu.vector_load %arg17[%swap3A_2855, %swap3A_2856] {strides = array<i32>} : memref<4x128xi32, #tpu.memory_space<vmem>>, vector<1x16xi32>,
    %swap3A_2858 = vector.shape_cast %swap3A_2857 : vector<1x16xi32> to vector<16xi32>
    %swap3A_2859 = vector.shape_cast %select_n3A_2853 : vector<16xi32> to vector<1x16xi32>
    tpu.vector_store %arg17[%swap3A_2855, %swap3A_2856], %swap3A_2859 {strides = array<i32>} : memref<4x128xi32, #tpu.memory_space<vmem>>, vector<1x16xi32>,
    %get3A_2860 = arith.constant 3 : i32
    %get3A_2861 = arith.index_cast %get3A_2860 : i32 to index
    %get3A_2862 = arith.constant 32 : index
    %get3A_2863 = tpu.vector_load %arg22[%get3A_2861, %get3A_2862] {strides = array<i32>} : memref<4x128xi32, #tpu.memory_space<vmem>>, vector<1x16xi32>,
    %get3A_2864 = vector.shape_cast %get3A_2863 : vector<1x16xi32> to vector<16xi32>
    %get3A_2865 = arith.constant 3 : i32
    %get3A_2866 = arith.index_cast %get3A_2865 : i32 to index
    %get3A_2867 = arith.constant 32 : index
    %get3A_2868 = tpu.vector_load %arg18[%get3A_2866, %get3A_2867] {strides = array<i32>} : memref<4x128xi32, #tpu.memory_space<vmem>>, vector<1x16xi32>,
    %get3A_2869 = vector.shape_cast %get3A_2868 : vector<1x16xi32> to vector<16xi32>
    %select_n3A_2870 = arith.select %lt3A_2842, %get3A_2864, %get3A_2869 : vector<16xi1>, vector<16xi32>
    %swap3A_2871 = arith.constant 3 : i32
    %swap3A_2872 = arith.index_cast %swap3A_2871 : i32 to index
    %swap3A_2873 = arith.constant 32 : index
    %swap3A_2874 = tpu.vector_load %arg18[%swap3A_2872, %swap3A_2873] {strides = array<i32>} : memref<4x128xi32, #tpu.memory_space<vmem>>, vector<1x16xi32>,
    %swap3A_2875 = vector.shape_cast %swap3A_2874 : vector<1x16xi32> to vector<16xi32>
    %swap3A_2876 = vector.shape_cast %select_n3A_2870 : vector<16xi32> to vector<1x16xi32>
    tpu.vector_store %arg18[%swap3A_2872, %swap3A_2873], %swap3A_2876 {strides = array<i32>} : memref<4x128xi32, #tpu.memory_space<vmem>>, vector<1x16xi32>,
    %get3A_2877 = arith.constant 3 : i32
    %get3A_2878 = arith.index_cast %get3A_2877 : i32 to index
    %get3A_2879 = arith.constant 32 : index
    %get3A_2880 = tpu.vector_load %arg23[%get3A_2878, %get3A_2879] {strides = array<i32>} : memref<4x128xf32, #tpu.memory_space<vmem>>, vector<1x16xf32>,
    %get3A_2881 = vector.shape_cast %get3A_2880 : vector<1x16xf32> to vector<16xf32>
    %get3A_2882 = arith.constant 3 : i32
    %get3A_2883 = arith.index_cast %get3A_2882 : i32 to index
    %get3A_2884 = arith.constant 32 : index
    %get3A_2885 = tpu.vector_load %arg19[%get3A_2883, %get3A_2884] {strides = array<i32>} : memref<4x128xf32, #tpu.memory_space<vmem>>, vector<1x16xf32>,
    %get3A_2886 = vector.shape_cast %get3A_2885 : vector<1x16xf32> to vector<16xf32>
    %select_n3A_2887 = arith.select %lt3A_2842, %get3A_2881, %get3A_2886 : vector<16xi1>, vector<16xf32>
    %swap3A_2888 = arith.constant 3 : i32
    %swap3A_2889 = arith.index_cast %swap3A_2888 : i32 to index
    %swap3A_2890 = arith.constant 32 : index
    %swap3A_2891 = tpu.vector_load %arg19[%swap3A_2889, %swap3A_2890] {strides = array<i32>} : memref<4x128xf32, #tpu.memory_space<vmem>>, vector<1x16xf32>,
    %swap3A_2892 = vector.shape_cast %swap3A_2891 : vector<1x16xf32> to vector<16xf32>
    %swap3A_2893 = vector.shape_cast %select_n3A_2887 : vector<16xf32> to vector<1x16xf32>
    tpu.vector_store %arg19[%swap3A_2889, %swap3A_2890], %swap3A_2893 {strides = array<i32>} : memref<4x128xf32, #tpu.memory_space<vmem>>, vector<1x16xf32>,
    %get3A_2894 = arith.constant 3 : i32
    %get3A_2895 = arith.index_cast %get3A_2894 : i32 to index
    %get3A_2896 = arith.constant 32 : index
    %get3A_2897 = tpu.vector_load %arg24[%get3A_2895, %get3A_2896] {strides = array<i32>} : memref<4x128xf32, #tpu.memory_space<vmem>>, vector<1x16xf32>,
    %get3A_2898 = vector.shape_cast %get3A_2897 : vector<1x16xf32> to vector<16xf32>
    %get3A_2899 = arith.constant 3 : i32
    %get3A_2900 = arith.index_cast %get3A_2899 : i32 to index
    %get3A_2901 = arith.constant 32 : index
    %get3A_2902 = tpu.vector_load %arg20[%get3A_2900, %get3A_2901] {strides = array<i32>} : memref<4x128xf32, #tpu.memory_space<vmem>>, vector<1x16xf32>,
    %get3A_2903 = vector.shape_cast %get3A_2902 : vector<1x16xf32> to vector<16xf32>
    %select_n3A_2904 = arith.select %lt3A_2842, %get3A_2898, %get3A_2903 : vector<16xi1>, vector<16xf32>
    %swap3A_2905 = arith.constant 3 : i32
    %swap3A_2906 = arith.index_cast %swap3A_2905 : i32 to index
    %swap3A_2907 = arith.constant 32 : index
    %swap3A_2908 = tpu.vector_load %arg20[%swap3A_2906, %swap3A_2907] {strides = array<i32>} : memref<4x128xf32, #tpu.memory_space<vmem>>, vector<1x16xf32>,
    %swap3A_2909 = vector.shape_cast %swap3A_2908 : vector<1x16xf32> to vector<16xf32>
    %swap3A_2910 = vector.shape_cast %select_n3A_2904 : vector<16xf32> to vector<1x16xf32>
    tpu.vector_store %arg20[%swap3A_2906, %swap3A_2907], %swap3A_2910 {strides = array<i32>} : memref<4x128xf32, #tpu.memory_space<vmem>>, vector<1x16xf32>,
    %get3A_2911 = arith.constant 3 : i32
    %get3A_2912 = arith.index_cast %get3A_2911 : i32 to index
    %get3A_2913 = arith.constant 48 : index
    %get3A_2914 = tpu.vector_load %arg15[%get3A_2912, %get3A_2913] {strides = array<i32>} : memref<4x128xi32, #tpu.memory_space<vmem>>, vector<1x16xi32>,
    %get3A_2915 = vector.shape_cast %get3A_2914 : vector<1x16xi32> to vector<16xi32>
    %lt3A_2916 = arith.constant 2048 : i32
    %lt3A_2917 = vector.broadcast %lt3A_2916 : i32 to vector<16xi32>
    %lt3A_2918 = arith.cmpi slt, %get3A_2915, %lt3A_2917 : vector<16xi32>
    %get3A_2919 = arith.constant 3 : i32
    %get3A_2920 = arith.index_cast %get3A_2919 : i32 to index
    %get3A_2921 = arith.constant 48 : index
    %get3A_2922 = tpu.vector_load %arg21[%get3A_2920, %get3A_2921] {strides = array<i32>} : memref<4x128xi32, #tpu.memory_space<vmem>>, vector<1x16xi32>,
    %get3A_2923 = vector.shape_cast %get3A_2922 : vector<1x16xi32> to vector<16xi32>
    %get3A_2924 = arith.constant 3 : i32
    %get3A_2925 = arith.index_cast %get3A_2924 : i32 to index
    %get3A_2926 = arith.constant 48 : index
    %get3A_2927 = tpu.vector_load %arg17[%get3A_2925, %get3A_2926] {strides = array<i32>} : memref<4x128xi32, #tpu.memory_space<vmem>>, vector<1x16xi32>,
    %get3A_2928 = vector.shape_cast %get3A_2927 : vector<1x16xi32> to vector<16xi32>
    %select_n3A_2929 = arith.select %lt3A_2918, %get3A_2923, %get3A_2928 : vector<16xi1>, vector<16xi32>
    %swap3A_2930 = arith.constant 3 : i32
    %swap3A_2931 = arith.index_cast %swap3A_2930 : i32 to index
    %swap3A_2932 = arith.constant 48 : index
    %swap3A_2933 = tpu.vector_load %arg17[%swap3A_2931, %swap3A_2932] {strides = array<i32>} : memref<4x128xi32, #tpu.memory_space<vmem>>, vector<1x16xi32>,
    %swap3A_2934 = vector.shape_cast %swap3A_2933 : vector<1x16xi32> to vector<16xi32>
    %swap3A_2935 = vector.shape_cast %select_n3A_2929 : vector<16xi32> to vector<1x16xi32>
    tpu.vector_store %arg17[%swap3A_2931, %swap3A_2932], %swap3A_2935 {strides = array<i32>} : memref<4x128xi32, #tpu.memory_space<vmem>>, vector<1x16xi32>,
    %get3A_2936 = arith.constant 3 : i32
    %get3A_2937 = arith.index_cast %get3A_2936 : i32 to index
    %get3A_2938 = arith.constant 48 : index
    %get3A_2939 = tpu.vector_load %arg22[%get3A_2937, %get3A_2938] {strides = array<i32>} : memref<4x128xi32, #tpu.memory_space<vmem>>, vector<1x16xi32>,
    %get3A_2940 = vector.shape_cast %get3A_2939 : vector<1x16xi32> to vector<16xi32>
    %get3A_2941 = arith.constant 3 : i32
    %get3A_2942 = arith.index_cast %get3A_2941 : i32 to index
    %get3A_2943 = arith.constant 48 : index
    %get3A_2944 = tpu.vector_load %arg18[%get3A_2942, %get3A_2943] {strides = array<i32>} : memref<4x128xi32, #tpu.memory_space<vmem>>, vector<1x16xi32>,
    %get3A_2945 = vector.shape_cast %get3A_2944 : vector<1x16xi32> to vector<16xi32>
    %select_n3A_2946 = arith.select %lt3A_2918, %get3A_2940, %get3A_2945 : vector<16xi1>, vector<16xi32>
    %swap3A_2947 = arith.constant 3 : i32
    %swap3A_2948 = arith.index_cast %swap3A_2947 : i32 to index
    %swap3A_2949 = arith.constant 48 : index
    %swap3A_2950 = tpu.vector_load %arg18[%swap3A_2948, %swap3A_2949] {strides = array<i32>} : memref<4x128xi32, #tpu.memory_space<vmem>>, vector<1x16xi32>,
    %swap3A_2951 = vector.shape_cast %swap3A_2950 : vector<1x16xi32> to vector<16xi32>
    %swap3A_2952 = vector.shape_cast %select_n3A_2946 : vector<16xi32> to vector<1x16xi32>
    tpu.vector_store %arg18[%swap3A_2948, %swap3A_2949], %swap3A_2952 {strides = array<i32>} : memref<4x128xi32, #tpu.memory_space<vmem>>, vector<1x16xi32>,
    %get3A_2953 = arith.constant 3 : i32
    %get3A_2954 = arith.index_cast %get3A_2953 : i32 to index
    %get3A_2955 = arith.constant 48 : index
    %get3A_2956 = tpu.vector_load %arg23[%get3A_2954, %get3A_2955] {strides = array<i32>} : memref<4x128xf32, #tpu.memory_space<vmem>>, vector<1x16xf32>,
    %get3A_2957 = vector.shape_cast %get3A_2956 : vector<1x16xf32> to vector<16xf32>
    %get3A_2958 = arith.constant 3 : i32
    %get3A_2959 = arith.index_cast %get3A_2958 : i32 to index
    %get3A_2960 = arith.constant 48 : index
    %get3A_2961 = tpu.vector_load %arg19[%get3A_2959, %get3A_2960] {strides = array<i32>} : memref<4x128xf32, #tpu.memory_space<vmem>>, vector<1x16xf32>,
    %get3A_2962 = vector.shape_cast %get3A_2961 : vector<1x16xf32> to vector<16xf32>
    %select_n3A_2963 = arith.select %lt3A_2918, %get3A_2957, %get3A_2962 : vector<16xi1>, vector<16xf32>
    %swap3A_2964 = arith.constant 3 : i32
    %swap3A_2965 = arith.index_cast %swap3A_2964 : i32 to index
    %swap3A_2966 = arith.constant 48 : index
    %swap3A_2967 = tpu.vector_load %arg19[%swap3A_2965, %swap3A_2966] {strides = array<i32>} : memref<4x128xf32, #tpu.memory_space<vmem>>, vector<1x16xf32>,
    %swap3A_2968 = vector.shape_cast %swap3A_2967 : vector<1x16xf32> to vector<16xf32>
    %swap3A_2969 = vector.shape_cast %select_n3A_2963 : vector<16xf32> to vector<1x16xf32>
    tpu.vector_store %arg19[%swap3A_2965, %swap3A_2966], %swap3A_2969 {strides = array<i32>} : memref<4x128xf32, #tpu.memory_space<vmem>>, vector<1x16xf32>,
    %get3A_2970 = arith.constant 3 : i32
    %get3A_2971 = arith.index_cast %get3A_2970 : i32 to index
    %get3A_2972 = arith.constant 48 : index
    %get3A_2973 = tpu.vector_load %arg24[%get3A_2971, %get3A_2972] {strides = array<i32>} : memref<4x128xf32, #tpu.memory_space<vmem>>, vector<1x16xf32>,
    %get3A_2974 = vector.shape_cast %get3A_2973 : vector<1x16xf32> to vector<16xf32>
    %get3A_2975 = arith.constant 3 : i32
    %get3A_2976 = arith.index_cast %get3A_2975 : i32 to index
    %get3A_2977 = arith.constant 48 : index
    %get3A_2978 = tpu.vector_load %arg20[%get3A_2976, %get3A_2977] {strides = array<i32>} : memref<4x128xf32, #tpu.memory_space<vmem>>, vector<1x16xf32>,
    %get3A_2979 = vector.shape_cast %get3A_2978 : vector<1x16xf32> to vector<16xf32>
    %select_n3A_2980 = arith.select %lt3A_2918, %get3A_2974, %get3A_2979 : vector<16xi1>, vector<16xf32>
    %swap3A_2981 = arith.constant 3 : i32
    %swap3A_2982 = arith.index_cast %swap3A_2981 : i32 to index
    %swap3A_2983 = arith.constant 48 : index
    %swap3A_2984 = tpu.vector_load %arg20[%swap3A_2982, %swap3A_2983] {strides = array<i32>} : memref<4x128xf32, #tpu.memory_space<vmem>>, vector<1x16xf32>,
    %swap3A_2985 = vector.shape_cast %swap3A_2984 : vector<1x16xf32> to vector<16xf32>
    %swap3A_2986 = vector.shape_cast %select_n3A_2980 : vector<16xf32> to vector<1x16xf32>
    tpu.vector_store %arg20[%swap3A_2982, %swap3A_2983], %swap3A_2986 {strides = array<i32>} : memref<4x128xf32, #tpu.memory_space<vmem>>, vector<1x16xf32>,
    %get3A_2987 = arith.constant 3 : i32
    %get3A_2988 = arith.index_cast %get3A_2987 : i32 to index
    %get3A_2989 = arith.constant 64 : index
    %get3A_2990 = tpu.vector_load %arg15[%get3A_2988, %get3A_2989] {strides = array<i32>} : memref<4x128xi32, #tpu.memory_space<vmem>>, vector<1x16xi32>,
    %get3A_2991 = vector.shape_cast %get3A_2990 : vector<1x16xi32> to vector<16xi32>
    %lt3A_2992 = arith.constant 2048 : i32
    %lt3A_2993 = vector.broadcast %lt3A_2992 : i32 to vector<16xi32>
    %lt3A_2994 = arith.cmpi slt, %get3A_2991, %lt3A_2993 : vector<16xi32>
    %get3A_2995 = arith.constant 3 : i32
    %get3A_2996 = arith.index_cast %get3A_2995 : i32 to index
    %get3A_2997 = arith.constant 64 : index
    %get3A_2998 = tpu.vector_load %arg21[%get3A_2996, %get3A_2997] {strides = array<i32>} : memref<4x128xi32, #tpu.memory_space<vmem>>, vector<1x16xi32>,
    %get3A_2999 = vector.shape_cast %get3A_2998 : vector<1x16xi32> to vector<16xi32>
    %get3A_3000 = arith.constant 3 : i32
    %get3A_3001 = arith.index_cast %get3A_3000 : i32 to index
    %get3A_3002 = arith.constant 64 : index
    %get3A_3003 = tpu.vector_load %arg17[%get3A_3001, %get3A_3002] {strides = array<i32>} : memref<4x128xi32, #tpu.memory_space<vmem>>, vector<1x16xi32>,
    %get3A_3004 = vector.shape_cast %get3A_3003 : vector<1x16xi32> to vector<16xi32>
    %select_n3A_3005 = arith.select %lt3A_2994, %get3A_2999, %get3A_3004 : vector<16xi1>, vector<16xi32>
    %swap3A_3006 = arith.constant 3 : i32
    %swap3A_3007 = arith.index_cast %swap3A_3006 : i32 to index
    %swap3A_3008 = arith.constant 64 : index
    %swap3A_3009 = tpu.vector_load %arg17[%swap3A_3007, %swap3A_3008] {strides = array<i32>} : memref<4x128xi32, #tpu.memory_space<vmem>>, vector<1x16xi32>,
    %swap3A_3010 = vector.shape_cast %swap3A_3009 : vector<1x16xi32> to vector<16xi32>
    %swap3A_3011 = vector.shape_cast %select_n3A_3005 : vector<16xi32> to vector<1x16xi32>
    tpu.vector_store %arg17[%swap3A_3007, %swap3A_3008], %swap3A_3011 {strides = array<i32>} : memref<4x128xi32, #tpu.memory_space<vmem>>, vector<1x16xi32>,
    %get3A_3012 = arith.constant 3 : i32
    %get3A_3013 = arith.index_cast %get3A_3012 : i32 to index
    %get3A_3014 = arith.constant 64 : index
    %get3A_3015 = tpu.vector_load %arg22[%get3A_3013, %get3A_3014] {strides = array<i32>} : memref<4x128xi32, #tpu.memory_space<vmem>>, vector<1x16xi32>,
    %get3A_3016 = vector.shape_cast %get3A_3015 : vector<1x16xi32> to vector<16xi32>
    %get3A_3017 = arith.constant 3 : i32
    %get3A_3018 = arith.index_cast %get3A_3017 : i32 to index
    %get3A_3019 = arith.constant 64 : index
    %get3A_3020 = tpu.vector_load %arg18[%get3A_3018, %get3A_3019] {strides = array<i32>} : memref<4x128xi32, #tpu.memory_space<vmem>>, vector<1x16xi32>,
    %get3A_3021 = vector.shape_cast %get3A_3020 : vector<1x16xi32> to vector<16xi32>
    %select_n3A_3022 = arith.select %lt3A_2994, %get3A_3016, %get3A_3021 : vector<16xi1>, vector<16xi32>
    %swap3A_3023 = arith.constant 3 : i32
    %swap3A_3024 = arith.index_cast %swap3A_3023 : i32 to index
    %swap3A_3025 = arith.constant 64 : index
    %swap3A_3026 = tpu.vector_load %arg18[%swap3A_3024, %swap3A_3025] {strides = array<i32>} : memref<4x128xi32, #tpu.memory_space<vmem>>, vector<1x16xi32>,
    %swap3A_3027 = vector.shape_cast %swap3A_3026 : vector<1x16xi32> to vector<16xi32>
    %swap3A_3028 = vector.shape_cast %select_n3A_3022 : vector<16xi32> to vector<1x16xi32>
    tpu.vector_store %arg18[%swap3A_3024, %swap3A_3025], %swap3A_3028 {strides = array<i32>} : memref<4x128xi32, #tpu.memory_space<vmem>>, vector<1x16xi32>,
    %get3A_3029 = arith.constant 3 : i32
    %get3A_3030 = arith.index_cast %get3A_3029 : i32 to index
    %get3A_3031 = arith.constant 64 : index
    %get3A_3032 = tpu.vector_load %arg23[%get3A_3030, %get3A_3031] {strides = array<i32>} : memref<4x128xf32, #tpu.memory_space<vmem>>, vector<1x16xf32>,
    %get3A_3033 = vector.shape_cast %get3A_3032 : vector<1x16xf32> to vector<16xf32>
    %get3A_3034 = arith.constant 3 : i32
    %get3A_3035 = arith.index_cast %get3A_3034 : i32 to index
    %get3A_3036 = arith.constant 64 : index
    %get3A_3037 = tpu.vector_load %arg19[%get3A_3035, %get3A_3036] {strides = array<i32>} : memref<4x128xf32, #tpu.memory_space<vmem>>, vector<1x16xf32>,
    %get3A_3038 = vector.shape_cast %get3A_3037 : vector<1x16xf32> to vector<16xf32>
    %select_n3A_3039 = arith.select %lt3A_2994, %get3A_3033, %get3A_3038 : vector<16xi1>, vector<16xf32>
    %swap3A_3040 = arith.constant 3 : i32
    %swap3A_3041 = arith.index_cast %swap3A_3040 : i32 to index
    %swap3A_3042 = arith.constant 64 : index
    %swap3A_3043 = tpu.vector_load %arg19[%swap3A_3041, %swap3A_3042] {strides = array<i32>} : memref<4x128xf32, #tpu.memory_space<vmem>>, vector<1x16xf32>,
    %swap3A_3044 = vector.shape_cast %swap3A_3043 : vector<1x16xf32> to vector<16xf32>
    %swap3A_3045 = vector.shape_cast %select_n3A_3039 : vector<16xf32> to vector<1x16xf32>
    tpu.vector_store %arg19[%swap3A_3041, %swap3A_3042], %swap3A_3045 {strides = array<i32>} : memref<4x128xf32, #tpu.memory_space<vmem>>, vector<1x16xf32>,
    %get3A_3046 = arith.constant 3 : i32
    %get3A_3047 = arith.index_cast %get3A_3046 : i32 to index
    %get3A_3048 = arith.constant 64 : index
    %get3A_3049 = tpu.vector_load %arg24[%get3A_3047, %get3A_3048] {strides = array<i32>} : memref<4x128xf32, #tpu.memory_space<vmem>>, vector<1x16xf32>,
    %get3A_3050 = vector.shape_cast %get3A_3049 : vector<1x16xf32> to vector<16xf32>
    %get3A_3051 = arith.constant 3 : i32
    %get3A_3052 = arith.index_cast %get3A_3051 : i32 to index
    %get3A_3053 = arith.constant 64 : index
    %get3A_3054 = tpu.vector_load %arg20[%get3A_3052, %get3A_3053] {strides = array<i32>} : memref<4x128xf32, #tpu.memory_space<vmem>>, vector<1x16xf32>,
    %get3A_3055 = vector.shape_cast %get3A_3054 : vector<1x16xf32> to vector<16xf32>
    %select_n3A_3056 = arith.select %lt3A_2994, %get3A_3050, %get3A_3055 : vector<16xi1>, vector<16xf32>
    %swap3A_3057 = arith.constant 3 : i32
    %swap3A_3058 = arith.index_cast %swap3A_3057 : i32 to index
    %swap3A_3059 = arith.constant 64 : index
    %swap3A_3060 = tpu.vector_load %arg20[%swap3A_3058, %swap3A_3059] {strides = array<i32>} : memref<4x128xf32, #tpu.memory_space<vmem>>, vector<1x16xf32>,
    %swap3A_3061 = vector.shape_cast %swap3A_3060 : vector<1x16xf32> to vector<16xf32>
    %swap3A_3062 = vector.shape_cast %select_n3A_3056 : vector<16xf32> to vector<1x16xf32>
    tpu.vector_store %arg20[%swap3A_3058, %swap3A_3059], %swap3A_3062 {strides = array<i32>} : memref<4x128xf32, #tpu.memory_space<vmem>>, vector<1x16xf32>,
    %get3A_3063 = arith.constant 3 : i32
    %get3A_3064 = arith.index_cast %get3A_3063 : i32 to index
    %get3A_3065 = arith.constant 80 : index
    %get3A_3066 = tpu.vector_load %arg15[%get3A_3064, %get3A_3065] {strides = array<i32>} : memref<4x128xi32, #tpu.memory_space<vmem>>, vector<1x16xi32>,
    %get3A_3067 = vector.shape_cast %get3A_3066 : vector<1x16xi32> to vector<16xi32>
    %lt3A_3068 = arith.constant 2048 : i32
    %lt3A_3069 = vector.broadcast %lt3A_3068 : i32 to vector<16xi32>
    %lt3A_3070 = arith.cmpi slt, %get3A_3067, %lt3A_3069 : vector<16xi32>
    %get3A_3071 = arith.constant 3 : i32
    %get3A_3072 = arith.index_cast %get3A_3071 : i32 to index
    %get3A_3073 = arith.constant 80 : index
    %get3A_3074 = tpu.vector_load %arg21[%get3A_3072, %get3A_3073] {strides = array<i32>} : memref<4x128xi32, #tpu.memory_space<vmem>>, vector<1x16xi32>,
    %get3A_3075 = vector.shape_cast %get3A_3074 : vector<1x16xi32> to vector<16xi32>
    %get3A_3076 = arith.constant 3 : i32
    %get3A_3077 = arith.index_cast %get3A_3076 : i32 to index
    %get3A_3078 = arith.constant 80 : index
    %get3A_3079 = tpu.vector_load %arg17[%get3A_3077, %get3A_3078] {strides = array<i32>} : memref<4x128xi32, #tpu.memory_space<vmem>>, vector<1x16xi32>,
    %get3A_3080 = vector.shape_cast %get3A_3079 : vector<1x16xi32> to vector<16xi32>
    %select_n3A_3081 = arith.select %lt3A_3070, %get3A_3075, %get3A_3080 : vector<16xi1>, vector<16xi32>
    %swap3A_3082 = arith.constant 3 : i32
    %swap3A_3083 = arith.index_cast %swap3A_3082 : i32 to index
    %swap3A_3084 = arith.constant 80 : index
    %swap3A_3085 = tpu.vector_load %arg17[%swap3A_3083, %swap3A_3084] {strides = array<i32>} : memref<4x128xi32, #tpu.memory_space<vmem>>, vector<1x16xi32>,
    %swap3A_3086 = vector.shape_cast %swap3A_3085 : vector<1x16xi32> to vector<16xi32>
    %swap3A_3087 = vector.shape_cast %select_n3A_3081 : vector<16xi32> to vector<1x16xi32>
    tpu.vector_store %arg17[%swap3A_3083, %swap3A_3084], %swap3A_3087 {strides = array<i32>} : memref<4x128xi32, #tpu.memory_space<vmem>>, vector<1x16xi32>,
    %get3A_3088 = arith.constant 3 : i32
    %get3A_3089 = arith.index_cast %get3A_3088 : i32 to index
    %get3A_3090 = arith.constant 80 : index
    %get3A_3091 = tpu.vector_load %arg22[%get3A_3089, %get3A_3090] {strides = array<i32>} : memref<4x128xi32, #tpu.memory_space<vmem>>, vector<1x16xi32>,
    %get3A_3092 = vector.shape_cast %get3A_3091 : vector<1x16xi32> to vector<16xi32>
    %get3A_3093 = arith.constant 3 : i32
    %get3A_3094 = arith.index_cast %get3A_3093 : i32 to index
    %get3A_3095 = arith.constant 80 : index
    %get3A_3096 = tpu.vector_load %arg18[%get3A_3094, %get3A_3095] {strides = array<i32>} : memref<4x128xi32, #tpu.memory_space<vmem>>, vector<1x16xi32>,
    %get3A_3097 = vector.shape_cast %get3A_3096 : vector<1x16xi32> to vector<16xi32>
    %select_n3A_3098 = arith.select %lt3A_3070, %get3A_3092, %get3A_3097 : vector<16xi1>, vector<16xi32>
    %swap3A_3099 = arith.constant 3 : i32
    %swap3A_3100 = arith.index_cast %swap3A_3099 : i32 to index
    %swap3A_3101 = arith.constant 80 : index
    %swap3A_3102 = tpu.vector_load %arg18[%swap3A_3100, %swap3A_3101] {strides = array<i32>} : memref<4x128xi32, #tpu.memory_space<vmem>>, vector<1x16xi32>,
    %swap3A_3103 = vector.shape_cast %swap3A_3102 : vector<1x16xi32> to vector<16xi32>
    %swap3A_3104 = vector.shape_cast %select_n3A_3098 : vector<16xi32> to vector<1x16xi32>
    tpu.vector_store %arg18[%swap3A_3100, %swap3A_3101], %swap3A_3104 {strides = array<i32>} : memref<4x128xi32, #tpu.memory_space<vmem>>, vector<1x16xi32>,
    %get3A_3105 = arith.constant 3 : i32
    %get3A_3106 = arith.index_cast %get3A_3105 : i32 to index
    %get3A_3107 = arith.constant 80 : index
    %get3A_3108 = tpu.vector_load %arg23[%get3A_3106, %get3A_3107] {strides = array<i32>} : memref<4x128xf32, #tpu.memory_space<vmem>>, vector<1x16xf32>,
    %get3A_3109 = vector.shape_cast %get3A_3108 : vector<1x16xf32> to vector<16xf32>
    %get3A_3110 = arith.constant 3 : i32
    %get3A_3111 = arith.index_cast %get3A_3110 : i32 to index
    %get3A_3112 = arith.constant 80 : index
    %get3A_3113 = tpu.vector_load %arg19[%get3A_3111, %get3A_3112] {strides = array<i32>} : memref<4x128xf32, #tpu.memory_space<vmem>>, vector<1x16xf32>,
    %get3A_3114 = vector.shape_cast %get3A_3113 : vector<1x16xf32> to vector<16xf32>
    %select_n3A_3115 = arith.select %lt3A_3070, %get3A_3109, %get3A_3114 : vector<16xi1>, vector<16xf32>
    %swap3A_3116 = arith.constant 3 : i32
    %swap3A_3117 = arith.index_cast %swap3A_3116 : i32 to index
    %swap3A_3118 = arith.constant 80 : index
    %swap3A_3119 = tpu.vector_load %arg19[%swap3A_3117, %swap3A_3118] {strides = array<i32>} : memref<4x128xf32, #tpu.memory_space<vmem>>, vector<1x16xf32>,
    %swap3A_3120 = vector.shape_cast %swap3A_3119 : vector<1x16xf32> to vector<16xf32>
    %swap3A_3121 = vector.shape_cast %select_n3A_3115 : vector<16xf32> to vector<1x16xf32>
    tpu.vector_store %arg19[%swap3A_3117, %swap3A_3118], %swap3A_3121 {strides = array<i32>} : memref<4x128xf32, #tpu.memory_space<vmem>>, vector<1x16xf32>,
    %get3A_3122 = arith.constant 3 : i32
    %get3A_3123 = arith.index_cast %get3A_3122 : i32 to index
    %get3A_3124 = arith.constant 80 : index
    %get3A_3125 = tpu.vector_load %arg24[%get3A_3123, %get3A_3124] {strides = array<i32>} : memref<4x128xf32, #tpu.memory_space<vmem>>, vector<1x16xf32>,
    %get3A_3126 = vector.shape_cast %get3A_3125 : vector<1x16xf32> to vector<16xf32>
    %get3A_3127 = arith.constant 3 : i32
    %get3A_3128 = arith.index_cast %get3A_3127 : i32 to index
    %get3A_3129 = arith.constant 80 : index
    %get3A_3130 = tpu.vector_load %arg20[%get3A_3128, %get3A_3129] {strides = array<i32>} : memref<4x128xf32, #tpu.memory_space<vmem>>, vector<1x16xf32>,
    %get3A_3131 = vector.shape_cast %get3A_3130 : vector<1x16xf32> to vector<16xf32>
    %select_n3A_3132 = arith.select %lt3A_3070, %get3A_3126, %get3A_3131 : vector<16xi1>, vector<16xf32>
    %swap3A_3133 = arith.constant 3 : i32
    %swap3A_3134 = arith.index_cast %swap3A_3133 : i32 to index
    %swap3A_3135 = arith.constant 80 : index
    %swap3A_3136 = tpu.vector_load %arg20[%swap3A_3134, %swap3A_3135] {strides = array<i32>} : memref<4x128xf32, #tpu.memory_space<vmem>>, vector<1x16xf32>,
    %swap3A_3137 = vector.shape_cast %swap3A_3136 : vector<1x16xf32> to vector<16xf32>
    %swap3A_3138 = vector.shape_cast %select_n3A_3132 : vector<16xf32> to vector<1x16xf32>
    tpu.vector_store %arg20[%swap3A_3134, %swap3A_3135], %swap3A_3138 {strides = array<i32>} : memref<4x128xf32, #tpu.memory_space<vmem>>, vector<1x16xf32>,
    %get3A_3139 = arith.constant 3 : i32
    %get3A_3140 = arith.index_cast %get3A_3139 : i32 to index
    %get3A_3141 = arith.constant 96 : index
    %get3A_3142 = tpu.vector_load %arg15[%get3A_3140, %get3A_3141] {strides = array<i32>} : memref<4x128xi32, #tpu.memory_space<vmem>>, vector<1x16xi32>,
    %get3A_3143 = vector.shape_cast %get3A_3142 : vector<1x16xi32> to vector<16xi32>
    %lt3A_3144 = arith.constant 2048 : i32
    %lt3A_3145 = vector.broadcast %lt3A_3144 : i32 to vector<16xi32>
    %lt3A_3146 = arith.cmpi slt, %get3A_3143, %lt3A_3145 : vector<16xi32>
    %get3A_3147 = arith.constant 3 : i32
    %get3A_3148 = arith.index_cast %get3A_3147 : i32 to index
    %get3A_3149 = arith.constant 96 : index
    %get3A_3150 = tpu.vector_load %arg21[%get3A_3148, %get3A_3149] {strides = array<i32>} : memref<4x128xi32, #tpu.memory_space<vmem>>, vector<1x16xi32>,
    %get3A_3151 = vector.shape_cast %get3A_3150 : vector<1x16xi32> to vector<16xi32>
    %get3A_3152 = arith.constant 3 : i32
    %get3A_3153 = arith.index_cast %get3A_3152 : i32 to index
    %get3A_3154 = arith.constant 96 : index
    %get3A_3155 = tpu.vector_load %arg17[%get3A_3153, %get3A_3154] {strides = array<i32>} : memref<4x128xi32, #tpu.memory_space<vmem>>, vector<1x16xi32>,
    %get3A_3156 = vector.shape_cast %get3A_3155 : vector<1x16xi32> to vector<16xi32>
    %select_n3A_3157 = arith.select %lt3A_3146, %get3A_3151, %get3A_3156 : vector<16xi1>, vector<16xi32>
    %swap3A_3158 = arith.constant 3 : i32
    %swap3A_3159 = arith.index_cast %swap3A_3158 : i32 to index
    %swap3A_3160 = arith.constant 96 : index
    %swap3A_3161 = tpu.vector_load %arg17[%swap3A_3159, %swap3A_3160] {strides = array<i32>} : memref<4x128xi32, #tpu.memory_space<vmem>>, vector<1x16xi32>,
    %swap3A_3162 = vector.shape_cast %swap3A_3161 : vector<1x16xi32> to vector<16xi32>
    %swap3A_3163 = vector.shape_cast %select_n3A_3157 : vector<16xi32> to vector<1x16xi32>
    tpu.vector_store %arg17[%swap3A_3159, %swap3A_3160], %swap3A_3163 {strides = array<i32>} : memref<4x128xi32, #tpu.memory_space<vmem>>, vector<1x16xi32>,
    %get3A_3164 = arith.constant 3 : i32
    %get3A_3165 = arith.index_cast %get3A_3164 : i32 to index
    %get3A_3166 = arith.constant 96 : index
    %get3A_3167 = tpu.vector_load %arg22[%get3A_3165, %get3A_3166] {strides = array<i32>} : memref<4x128xi32, #tpu.memory_space<vmem>>, vector<1x16xi32>,
    %get3A_3168 = vector.shape_cast %get3A_3167 : vector<1x16xi32> to vector<16xi32>
    %get3A_3169 = arith.constant 3 : i32
    %get3A_3170 = arith.index_cast %get3A_3169 : i32 to index
    %get3A_3171 = arith.constant 96 : index
    %get3A_3172 = tpu.vector_load %arg18[%get3A_3170, %get3A_3171] {strides = array<i32>} : memref<4x128xi32, #tpu.memory_space<vmem>>, vector<1x16xi32>,
    %get3A_3173 = vector.shape_cast %get3A_3172 : vector<1x16xi32> to vector<16xi32>
    %select_n3A_3174 = arith.select %lt3A_3146, %get3A_3168, %get3A_3173 : vector<16xi1>, vector<16xi32>
    %swap3A_3175 = arith.constant 3 : i32
    %swap3A_3176 = arith.index_cast %swap3A_3175 : i32 to index
    %swap3A_3177 = arith.constant 96 : index
    %swap3A_3178 = tpu.vector_load %arg18[%swap3A_3176, %swap3A_3177] {strides = array<i32>} : memref<4x128xi32, #tpu.memory_space<vmem>>, vector<1x16xi32>,
    %swap3A_3179 = vector.shape_cast %swap3A_3178 : vector<1x16xi32> to vector<16xi32>
    %swap3A_3180 = vector.shape_cast %select_n3A_3174 : vector<16xi32> to vector<1x16xi32>
    tpu.vector_store %arg18[%swap3A_3176, %swap3A_3177], %swap3A_3180 {strides = array<i32>} : memref<4x128xi32, #tpu.memory_space<vmem>>, vector<1x16xi32>,
    %get3A_3181 = arith.constant 3 : i32
    %get3A_3182 = arith.index_cast %get3A_3181 : i32 to index
    %get3A_3183 = arith.constant 96 : index
    %get3A_3184 = tpu.vector_load %arg23[%get3A_3182, %get3A_3183] {strides = array<i32>} : memref<4x128xf32, #tpu.memory_space<vmem>>, vector<1x16xf32>,
    %get3A_3185 = vector.shape_cast %get3A_3184 : vector<1x16xf32> to vector<16xf32>
    %get3A_3186 = arith.constant 3 : i32
    %get3A_3187 = arith.index_cast %get3A_3186 : i32 to index
    %get3A_3188 = arith.constant 96 : index
    %get3A_3189 = tpu.vector_load %arg19[%get3A_3187, %get3A_3188] {strides = array<i32>} : memref<4x128xf32, #tpu.memory_space<vmem>>, vector<1x16xf32>,
    %get3A_3190 = vector.shape_cast %get3A_3189 : vector<1x16xf32> to vector<16xf32>
    %select_n3A_3191 = arith.select %lt3A_3146, %get3A_3185, %get3A_3190 : vector<16xi1>, vector<16xf32>
    %swap3A_3192 = arith.constant 3 : i32
    %swap3A_3193 = arith.index_cast %swap3A_3192 : i32 to index
    %swap3A_3194 = arith.constant 96 : index
    %swap3A_3195 = tpu.vector_load %arg19[%swap3A_3193, %swap3A_3194] {strides = array<i32>} : memref<4x128xf32, #tpu.memory_space<vmem>>, vector<1x16xf32>,
    %swap3A_3196 = vector.shape_cast %swap3A_3195 : vector<1x16xf32> to vector<16xf32>
    %swap3A_3197 = vector.shape_cast %select_n3A_3191 : vector<16xf32> to vector<1x16xf32>
    tpu.vector_store %arg19[%swap3A_3193, %swap3A_3194], %swap3A_3197 {strides = array<i32>} : memref<4x128xf32, #tpu.memory_space<vmem>>, vector<1x16xf32>,
    %get3A_3198 = arith.constant 3 : i32
    %get3A_3199 = arith.index_cast %get3A_3198 : i32 to index
    %get3A_3200 = arith.constant 96 : index
    %get3A_3201 = tpu.vector_load %arg24[%get3A_3199, %get3A_3200] {strides = array<i32>} : memref<4x128xf32, #tpu.memory_space<vmem>>, vector<1x16xf32>,
    %get3A_3202 = vector.shape_cast %get3A_3201 : vector<1x16xf32> to vector<16xf32>
    %get3A_3203 = arith.constant 3 : i32
    %get3A_3204 = arith.index_cast %get3A_3203 : i32 to index
    %get3A_3205 = arith.constant 96 : index
    %get3A_3206 = tpu.vector_load %arg20[%get3A_3204, %get3A_3205] {strides = array<i32>} : memref<4x128xf32, #tpu.memory_space<vmem>>, vector<1x16xf32>,
    %get3A_3207 = vector.shape_cast %get3A_3206 : vector<1x16xf32> to vector<16xf32>
    %select_n3A_3208 = arith.select %lt3A_3146, %get3A_3202, %get3A_3207 : vector<16xi1>, vector<16xf32>
    %swap3A_3209 = arith.constant 3 : i32
    %swap3A_3210 = arith.index_cast %swap3A_3209 : i32 to index
    %swap3A_3211 = arith.constant 96 : index
    %swap3A_3212 = tpu.vector_load %arg20[%swap3A_3210, %swap3A_3211] {strides = array<i32>} : memref<4x128xf32, #tpu.memory_space<vmem>>, vector<1x16xf32>,
    %swap3A_3213 = vector.shape_cast %swap3A_3212 : vector<1x16xf32> to vector<16xf32>
    %swap3A_3214 = vector.shape_cast %select_n3A_3208 : vector<16xf32> to vector<1x16xf32>
    tpu.vector_store %arg20[%swap3A_3210, %swap3A_3211], %swap3A_3214 {strides = array<i32>} : memref<4x128xf32, #tpu.memory_space<vmem>>, vector<1x16xf32>,
    %get3A_3215 = arith.constant 3 : i32
    %get3A_3216 = arith.index_cast %get3A_3215 : i32 to index
    %get3A_3217 = arith.constant 112 : index
    %get3A_3218 = tpu.vector_load %arg15[%get3A_3216, %get3A_3217] {strides = array<i32>} : memref<4x128xi32, #tpu.memory_space<vmem>>, vector<1x16xi32>,
    %get3A_3219 = vector.shape_cast %get3A_3218 : vector<1x16xi32> to vector<16xi32>
    %lt3A_3220 = arith.constant 2048 : i32
    %lt3A_3221 = vector.broadcast %lt3A_3220 : i32 to vector<16xi32>
    %lt3A_3222 = arith.cmpi slt, %get3A_3219, %lt3A_3221 : vector<16xi32>
    %get3A_3223 = arith.constant 3 : i32
    %get3A_3224 = arith.index_cast %get3A_3223 : i32 to index
    %get3A_3225 = arith.constant 112 : index
    %get3A_3226 = tpu.vector_load %arg21[%get3A_3224, %get3A_3225] {strides = array<i32>} : memref<4x128xi32, #tpu.memory_space<vmem>>, vector<1x16xi32>,
    %get3A_3227 = vector.shape_cast %get3A_3226 : vector<1x16xi32> to vector<16xi32>
    %get3A_3228 = arith.constant 3 : i32
    %get3A_3229 = arith.index_cast %get3A_3228 : i32 to index
    %get3A_3230 = arith.constant 112 : index
    %get3A_3231 = tpu.vector_load %arg17[%get3A_3229, %get3A_3230] {strides = array<i32>} : memref<4x128xi32, #tpu.memory_space<vmem>>, vector<1x16xi32>,
    %get3A_3232 = vector.shape_cast %get3A_3231 : vector<1x16xi32> to vector<16xi32>
    %select_n3A_3233 = arith.select %lt3A_3222, %get3A_3227, %get3A_3232 : vector<16xi1>, vector<16xi32>
    %swap3A_3234 = arith.constant 3 : i32
    %swap3A_3235 = arith.index_cast %swap3A_3234 : i32 to index
    %swap3A_3236 = arith.constant 112 : index
    %swap3A_3237 = tpu.vector_load %arg17[%swap3A_3235, %swap3A_3236] {strides = array<i32>} : memref<4x128xi32, #tpu.memory_space<vmem>>, vector<1x16xi32>,
    %swap3A_3238 = vector.shape_cast %swap3A_3237 : vector<1x16xi32> to vector<16xi32>
    %swap3A_3239 = vector.shape_cast %select_n3A_3233 : vector<16xi32> to vector<1x16xi32>
    tpu.vector_store %arg17[%swap3A_3235, %swap3A_3236], %swap3A_3239 {strides = array<i32>} : memref<4x128xi32, #tpu.memory_space<vmem>>, vector<1x16xi32>,
    %get3A_3240 = arith.constant 3 : i32
    %get3A_3241 = arith.index_cast %get3A_3240 : i32 to index
    %get3A_3242 = arith.constant 112 : index
    %get3A_3243 = tpu.vector_load %arg22[%get3A_3241, %get3A_3242] {strides = array<i32>} : memref<4x128xi32, #tpu.memory_space<vmem>>, vector<1x16xi32>,
    %get3A_3244 = vector.shape_cast %get3A_3243 : vector<1x16xi32> to vector<16xi32>
    %get3A_3245 = arith.constant 3 : i32
    %get3A_3246 = arith.index_cast %get3A_3245 : i32 to index
    %get3A_3247 = arith.constant 112 : index
    %get3A_3248 = tpu.vector_load %arg18[%get3A_3246, %get3A_3247] {strides = array<i32>} : memref<4x128xi32, #tpu.memory_space<vmem>>, vector<1x16xi32>,
    %get3A_3249 = vector.shape_cast %get3A_3248 : vector<1x16xi32> to vector<16xi32>
    %select_n3A_3250 = arith.select %lt3A_3222, %get3A_3244, %get3A_3249 : vector<16xi1>, vector<16xi32>
    %swap3A_3251 = arith.constant 3 : i32
    %swap3A_3252 = arith.index_cast %swap3A_3251 : i32 to index
    %swap3A_3253 = arith.constant 112 : index
    %swap3A_3254 = tpu.vector_load %arg18[%swap3A_3252, %swap3A_3253] {strides = array<i32>} : memref<4x128xi32, #tpu.memory_space<vmem>>, vector<1x16xi32>,
    %swap3A_3255 = vector.shape_cast %swap3A_3254 : vector<1x16xi32> to vector<16xi32>
    %swap3A_3256 = vector.shape_cast %select_n3A_3250 : vector<16xi32> to vector<1x16xi32>
    tpu.vector_store %arg18[%swap3A_3252, %swap3A_3253], %swap3A_3256 {strides = array<i32>} : memref<4x128xi32, #tpu.memory_space<vmem>>, vector<1x16xi32>,
    %get3A_3257 = arith.constant 3 : i32
    %get3A_3258 = arith.index_cast %get3A_3257 : i32 to index
    %get3A_3259 = arith.constant 112 : index
    %get3A_3260 = tpu.vector_load %arg23[%get3A_3258, %get3A_3259] {strides = array<i32>} : memref<4x128xf32, #tpu.memory_space<vmem>>, vector<1x16xf32>,
    %get3A_3261 = vector.shape_cast %get3A_3260 : vector<1x16xf32> to vector<16xf32>
    %get3A_3262 = arith.constant 3 : i32
    %get3A_3263 = arith.index_cast %get3A_3262 : i32 to index
    %get3A_3264 = arith.constant 112 : index
    %get3A_3265 = tpu.vector_load %arg19[%get3A_3263, %get3A_3264] {strides = array<i32>} : memref<4x128xf32, #tpu.memory_space<vmem>>, vector<1x16xf32>,
    %get3A_3266 = vector.shape_cast %get3A_3265 : vector<1x16xf32> to vector<16xf32>
    %select_n3A_3267 = arith.select %lt3A_3222, %get3A_3261, %get3A_3266 : vector<16xi1>, vector<16xf32>
    %swap3A_3268 = arith.constant 3 : i32
    %swap3A_3269 = arith.index_cast %swap3A_3268 : i32 to index
    %swap3A_3270 = arith.constant 112 : index
    %swap3A_3271 = tpu.vector_load %arg19[%swap3A_3269, %swap3A_3270] {strides = array<i32>} : memref<4x128xf32, #tpu.memory_space<vmem>>, vector<1x16xf32>,
    %swap3A_3272 = vector.shape_cast %swap3A_3271 : vector<1x16xf32> to vector<16xf32>
    %swap3A_3273 = vector.shape_cast %select_n3A_3267 : vector<16xf32> to vector<1x16xf32>
    tpu.vector_store %arg19[%swap3A_3269, %swap3A_3270], %swap3A_3273 {strides = array<i32>} : memref<4x128xf32, #tpu.memory_space<vmem>>, vector<1x16xf32>,
    %get3A_3274 = arith.constant 3 : i32
    %get3A_3275 = arith.index_cast %get3A_3274 : i32 to index
    %get3A_3276 = arith.constant 112 : index
    %get3A_3277 = tpu.vector_load %arg24[%get3A_3275, %get3A_3276] {strides = array<i32>} : memref<4x128xf32, #tpu.memory_space<vmem>>, vector<1x16xf32>,
    %get3A_3278 = vector.shape_cast %get3A_3277 : vector<1x16xf32> to vector<16xf32>
    %get3A_3279 = arith.constant 3 : i32
    %get3A_3280 = arith.index_cast %get3A_3279 : i32 to index
    %get3A_3281 = arith.constant 112 : index
    %get3A_3282 = tpu.vector_load %arg20[%get3A_3280, %get3A_3281] {strides = array<i32>} : memref<4x128xf32, #tpu.memory_space<vmem>>, vector<1x16xf32>,
    %get3A_3283 = vector.shape_cast %get3A_3282 : vector<1x16xf32> to vector<16xf32>
    %select_n3A_3284 = arith.select %lt3A_3222, %get3A_3278, %get3A_3283 : vector<16xi1>, vector<16xf32>
    %swap3A_3285 = arith.constant 3 : i32
    %swap3A_3286 = arith.index_cast %swap3A_3285 : i32 to index
    %swap3A_3287 = arith.constant 112 : index
    %swap3A_3288 = tpu.vector_load %arg20[%swap3A_3286, %swap3A_3287] {strides = array<i32>} : memref<4x128xf32, #tpu.memory_space<vmem>>, vector<1x16xf32>,
    %swap3A_3289 = vector.shape_cast %swap3A_3288 : vector<1x16xf32> to vector<16xf32>
    %swap3A_3290 = vector.shape_cast %select_n3A_3284 : vector<16xf32> to vector<1x16xf32>
    tpu.vector_store %arg20[%swap3A_3286, %swap3A_3287], %swap3A_3290 {strides = array<i32>} : memref<4x128xf32, #tpu.memory_space<vmem>>, vector<1x16xf32>,
    "tpu.region"() ({
      %run_scoped3A = tpu.sem_alloc : memref<!tpu.dma_semaphore, #tpu.memory_space<semaphore_mem>>
      %dma_start3A_3291 = arith.constant 0 : i32
      %dma_start3A_3292 = tpu.memref_slice %arg11[%mul3A_2, %dma_start3A_3291] : memref<128x128xi32, #tpu.memory_space<hbm>> -> memref<4x128xi32, #tpu.memory_space<hbm>>
      %dma_start3A_3293 = arith.constant 0 : i32
      %dma_start3A_3294 = tpu.memref_slice %arg11[%mul3A_2, %dma_start3A_3293] : memref<128x128xi32, #tpu.memory_space<hbm>> -> memref<4x128xi32, #tpu.memory_space<hbm>>
      tpu.enqueue_dma source(%arg17 : memref<4x128xi32, #tpu.memory_space<vmem>>) target(%dma_start3A_3294 : memref<4x128xi32, #tpu.memory_space<hbm>>) target_semaphore(%run_scoped3A : memref<!tpu.dma_semaphore, #tpu.memory_space<semaphore_mem>>)
      %dma_wait3A_3295 = arith.constant 0 : i32
      %dma_wait3A_3296 = tpu.memref_slice %arg11[%mul3A_2, %dma_wait3A_3295] : memref<128x128xi32, #tpu.memory_space<hbm>> -> memref<4x128xi32, #tpu.memory_space<hbm>>
      %dma_wait3A_3297 = arith.constant 0 : i32
      %dma_wait3A_3298 = tpu.memref_slice %arg11[%mul3A_2, %dma_wait3A_3297] : memref<128x128xi32, #tpu.memory_space<hbm>> -> memref<4x128xi32, #tpu.memory_space<hbm>>
      tpu.wait_dma2 semaphore(%run_scoped3A : memref<!tpu.dma_semaphore, #tpu.memory_space<semaphore_mem>>) src(%arg17 : memref<4x128xi32, #tpu.memory_space<vmem>>) dst(%dma_wait3A_3298 : memref<4x128xi32, #tpu.memory_space<hbm>>)
      tpu.yield
    }) : () -> ()
    "tpu.region"() ({
      %run_scoped3A = tpu.sem_alloc : memref<!tpu.dma_semaphore, #tpu.memory_space<semaphore_mem>>
      %dma_start3A_3291 = arith.constant 0 : i32
      %dma_start3A_3292 = tpu.memref_slice %arg12[%mul3A_2, %dma_start3A_3291] : memref<128x128xi32, #tpu.memory_space<hbm>> -> memref<4x128xi32, #tpu.memory_space<hbm>>
      %dma_start3A_3293 = arith.constant 0 : i32
      %dma_start3A_3294 = tpu.memref_slice %arg12[%mul3A_2, %dma_start3A_3293] : memref<128x128xi32, #tpu.memory_space<hbm>> -> memref<4x128xi32, #tpu.memory_space<hbm>>
      tpu.enqueue_dma source(%arg18 : memref<4x128xi32, #tpu.memory_space<vmem>>) target(%dma_start3A_3294 : memref<4x128xi32, #tpu.memory_space<hbm>>) target_semaphore(%run_scoped3A : memref<!tpu.dma_semaphore, #tpu.memory_space<semaphore_mem>>)
      %dma_wait3A_3295 = arith.constant 0 : i32
      %dma_wait3A_3296 = tpu.memref_slice %arg12[%mul3A_2, %dma_wait3A_3295] : memref<128x128xi32, #tpu.memory_space<hbm>> -> memref<4x128xi32, #tpu.memory_space<hbm>>
      %dma_wait3A_3297 = arith.constant 0 : i32
      %dma_wait3A_3298 = tpu.memref_slice %arg12[%mul3A_2, %dma_wait3A_3297] : memref<128x128xi32, #tpu.memory_space<hbm>> -> memref<4x128xi32, #tpu.memory_space<hbm>>
      tpu.wait_dma2 semaphore(%run_scoped3A : memref<!tpu.dma_semaphore, #tpu.memory_space<semaphore_mem>>) src(%arg18 : memref<4x128xi32, #tpu.memory_space<vmem>>) dst(%dma_wait3A_3298 : memref<4x128xi32, #tpu.memory_space<hbm>>)
      tpu.yield
    }) : () -> ()
    "tpu.region"() ({
      %run_scoped3A = tpu.sem_alloc : memref<!tpu.dma_semaphore, #tpu.memory_space<semaphore_mem>>
      %dma_start3A_3291 = arith.constant 0 : i32
      %dma_start3A_3292 = tpu.memref_slice %arg13[%mul3A_2, %dma_start3A_3291] : memref<128x128xf32, #tpu.memory_space<hbm>> -> memref<4x128xf32, #tpu.memory_space<hbm>>
      %dma_start3A_3293 = arith.constant 0 : i32
      %dma_start3A_3294 = tpu.memref_slice %arg13[%mul3A_2, %dma_start3A_3293] : memref<128x128xf32, #tpu.memory_space<hbm>> -> memref<4x128xf32, #tpu.memory_space<hbm>>
      tpu.enqueue_dma source(%arg19 : memref<4x128xf32, #tpu.memory_space<vmem>>) target(%dma_start3A_3294 : memref<4x128xf32, #tpu.memory_space<hbm>>) target_semaphore(%run_scoped3A : memref<!tpu.dma_semaphore, #tpu.memory_space<semaphore_mem>>)
      %dma_wait3A_3295 = arith.constant 0 : i32
      %dma_wait3A_3296 = tpu.memref_slice %arg13[%mul3A_2, %dma_wait3A_3295] : memref<128x128xf32, #tpu.memory_space<hbm>> -> memref<4x128xf32, #tpu.memory_space<hbm>>
      %dma_wait3A_3297 = arith.constant 0 : i32
      %dma_wait3A_3298 = tpu.memref_slice %arg13[%mul3A_2, %dma_wait3A_3297] : memref<128x128xf32, #tpu.memory_space<hbm>> -> memref<4x128xf32, #tpu.memory_space<hbm>>
      tpu.wait_dma2 semaphore(%run_scoped3A : memref<!tpu.dma_semaphore, #tpu.memory_space<semaphore_mem>>) src(%arg19 : memref<4x128xf32, #tpu.memory_space<vmem>>) dst(%dma_wait3A_3298 : memref<4x128xf32, #tpu.memory_space<hbm>>)
      tpu.yield
    }) : () -> ()
    "tpu.region"() ({
      %run_scoped3A = tpu.sem_alloc : memref<!tpu.dma_semaphore, #tpu.memory_space<semaphore_mem>>
      %dma_start3A_3291 = arith.constant 0 : i32
      %dma_start3A_3292 = tpu.memref_slice %arg14[%mul3A_2, %dma_start3A_3291] : memref<128x128xf32, #tpu.memory_space<hbm>> -> memref<4x128xf32, #tpu.memory_space<hbm>>
      %dma_start3A_3293 = arith.constant 0 : i32
      %dma_start3A_3294 = tpu.memref_slice %arg14[%mul3A_2, %dma_start3A_3293] : memref<128x128xf32, #tpu.memory_space<hbm>> -> memref<4x128xf32, #tpu.memory_space<hbm>>
      tpu.enqueue_dma source(%arg20 : memref<4x128xf32, #tpu.memory_space<vmem>>) target(%dma_start3A_3294 : memref<4x128xf32, #tpu.memory_space<hbm>>) target_semaphore(%run_scoped3A : memref<!tpu.dma_semaphore, #tpu.memory_space<semaphore_mem>>)
      %dma_wait3A_3295 = arith.constant 0 : i32
      %dma_wait3A_3296 = tpu.memref_slice %arg14[%mul3A_2, %dma_wait3A_3295] : memref<128x128xf32, #tpu.memory_space<hbm>> -> memref<4x128xf32, #tpu.memory_space<hbm>>
      %dma_wait3A_3297 = arith.constant 0 : i32
      %dma_wait3A_3298 = tpu.memref_slice %arg14[%mul3A_2, %dma_wait3A_3297] : memref<128x128xf32, #tpu.memory_space<hbm>> -> memref<4x128xf32, #tpu.memory_space<hbm>>
      tpu.wait_dma2 semaphore(%run_scoped3A : memref<!tpu.dma_semaphore, #tpu.memory_space<semaphore_mem>>) src(%arg20 : memref<4x128xf32, #tpu.memory_space<vmem>>) dst(%dma_wait3A_3298 : memref<4x128xf32, #tpu.memory_space<hbm>>)
      tpu.yield
    }) : () -> ()
    return
  }
}

#map = affine_map<(d0, d1) -> (0)>
#map1 = affine_map<(d0, d1) -> (0, 0)>
module attributes {stable_mosaic.version = 14 : i64} {
  func.func @_sc_gather_rows(%arg0: i32, %arg1: i32, %arg2: memref<16384xi32, #tpu.memory_space<hbm>>, %arg3: memref<16384x2048xf32, #tpu.memory_space<hbm>>, %arg4: memref<2048x2048xf32, #tpu.memory_space<hbm>>, %arg5: memref<64xi32, #tpu.memory_space<vmem>>, %arg6: memref<16x2048xf32, #tpu.memory_space<vmem>>, %arg7: memref<16x2048xf32, #tpu.memory_space<vmem>>, %arg8: memref<!tpu.dma_semaphore, #tpu.memory_space<semaphore_mem>>, %arg9: memref<!tpu.dma_semaphore, #tpu.memory_space<semaphore_mem>>) attributes {dimension_semantics = [#tpu.dimension_semantics<core_parallel>, #tpu.dimension_semantics<subcore_parallel>], iteration_bounds = array<i64: 2, 16>, scalar_prefetch = 0 : i64, scratch_operands = 5 : i64, tpu.core_type = #tpu.core_type<sc_vector_subcore>, window_params = [{transform_indices = #map}, {transform_indices = #map1}, {transform_indices = #map1}]} {
    %mul3A = arith.constant 16 : i32
    %mul3A_0 = arith.muli %arg0, %mul3A : i32
    %add3A = arith.addi %mul3A_0, %arg1 : i32
    %mul3A_1 = arith.constant 64 : i32
    %mul3A_2 = arith.muli %add3A, %mul3A_1 : i32
    "tpu.region"() ({
      %run_scoped3A = tpu.sem_alloc : memref<!tpu.dma_semaphore, #tpu.memory_space<semaphore_mem>>
      %dma_start3A_44 = tpu.memref_slice %arg2[%mul3A_2] : memref<16384xi32, #tpu.memory_space<hbm>> -> memref<64xi32, #tpu.memory_space<hbm>>
      %dma_start3A_45 = tpu.memref_slice %arg2[%mul3A_2] : memref<16384xi32, #tpu.memory_space<hbm>> -> memref<64xi32, #tpu.memory_space<hbm>>
      tpu.enqueue_dma source(%dma_start3A_45 : memref<64xi32, #tpu.memory_space<hbm>>) target(%arg5 : memref<64xi32, #tpu.memory_space<vmem>>) target_semaphore(%run_scoped3A : memref<!tpu.dma_semaphore, #tpu.memory_space<semaphore_mem>>)
      %dma_wait3A_46 = tpu.memref_slice %arg2[%mul3A_2] : memref<16384xi32, #tpu.memory_space<hbm>> -> memref<64xi32, #tpu.memory_space<hbm>>
      %dma_wait3A_47 = tpu.memref_slice %arg2[%mul3A_2] : memref<16384xi32, #tpu.memory_space<hbm>> -> memref<64xi32, #tpu.memory_space<hbm>>
      tpu.wait_dma2 semaphore(%run_scoped3A : memref<!tpu.dma_semaphore, #tpu.memory_space<semaphore_mem>>) src(%dma_wait3A_47 : memref<64xi32, #tpu.memory_space<hbm>>) dst(%arg5 : memref<64xi32, #tpu.memory_space<vmem>>)
      tpu.yield
    }) : () -> ()
    %get3A = arith.constant 0 : index
    %get3A_3 = tpu.vector_load %arg5[%get3A] {strides = array<i32>} : memref<64xi32, #tpu.memory_space<vmem>>, vector<16xi32>,
    %get3A_4 = vector.shape_cast %get3A_3 : vector<16xi32> to vector<16xi32>
    %dma_start3A = arith.constant 0 : i32
    %dma_start3A_5 = arith.constant 0 : i32
    %dma_start3A_6 = tpu.memref_slice %arg3[%dma_start3A, %dma_start3A_5] : memref<16384x2048xf32, #tpu.memory_space<hbm>> -> memref<16384x2048xf32, #tpu.memory_space<hbm>>
    tpu.enqueue_indirect_dma source(%dma_start3A_6 : memref<16384x2048xf32, #tpu.memory_space<hbm>>) target(%arg6 : memref<16x2048xf32, #tpu.memory_space<vmem>>) offsets(%get3A_4 : vector<16xi32>) semaphore(%arg8 : memref<!tpu.dma_semaphore, #tpu.memory_space<semaphore_mem>>)
    %get3A_7 = arith.constant 16 : index
    %get3A_8 = tpu.vector_load %arg5[%get3A_7] {strides = array<i32>} : memref<64xi32, #tpu.memory_space<vmem>>, vector<16xi32>,
    %get3A_9 = vector.shape_cast %get3A_8 : vector<16xi32> to vector<16xi32>
    %dma_start3A_10 = arith.constant 0 : i32
    %dma_start3A_11 = arith.constant 0 : i32
    %dma_start3A_12 = tpu.memref_slice %arg3[%dma_start3A_10, %dma_start3A_11] : memref<16384x2048xf32, #tpu.memory_space<hbm>> -> memref<16384x2048xf32, #tpu.memory_space<hbm>>
    tpu.enqueue_indirect_dma source(%dma_start3A_12 : memref<16384x2048xf32, #tpu.memory_space<hbm>>) target(%arg7 : memref<16x2048xf32, #tpu.memory_space<vmem>>) offsets(%get3A_9 : vector<16xi32>) semaphore(%arg9 : memref<!tpu.dma_semaphore, #tpu.memory_space<semaphore_mem>>)
    %get3A_13 = arith.constant 32 : index
    %get3A_14 = tpu.vector_load %arg5[%get3A_13] {strides = array<i32>} : memref<64xi32, #tpu.memory_space<vmem>>, vector<16xi32>,
    %get3A_15 = vector.shape_cast %get3A_14 : vector<16xi32> to vector<16xi32>
    %dma_wait3A = arith.constant 0 : i32
    %dma_wait3A_16 = arith.constant 0 : i32
    %dma_wait3A_17 = tpu.memref_slice %arg3[%dma_wait3A, %dma_wait3A_16] : memref<16384x2048xf32, #tpu.memory_space<hbm>> -> memref<16384x2048xf32, #tpu.memory_space<hbm>>
    tpu.wait_indirect_dma semaphore(%arg8 : memref<!tpu.dma_semaphore, #tpu.memory_space<semaphore_mem>>) src(%dma_wait3A_17 : memref<16384x2048xf32, #tpu.memory_space<hbm>>) dst(%arg6 : memref<16x2048xf32, #tpu.memory_space<vmem>>)
    %add3A_18 = arith.constant 0 : i32
    %add3A_19 = arith.addi %mul3A_2, %add3A_18 : i32
    "tpu.region"() ({
      %run_scoped3A = tpu.sem_alloc : memref<!tpu.dma_semaphore, #tpu.memory_space<semaphore_mem>>
      %dma_start3A_44 = arith.constant 0 : i32
      %dma_start3A_45 = tpu.memref_slice %arg4[%add3A_19, %dma_start3A_44] : memref<2048x2048xf32, #tpu.memory_space<hbm>> -> memref<16x2048xf32, #tpu.memory_space<hbm>>
      %dma_start3A_46 = arith.constant 0 : i32
      %dma_start3A_47 = tpu.memref_slice %arg4[%add3A_19, %dma_start3A_46] : memref<2048x2048xf32, #tpu.memory_space<hbm>> -> memref<16x2048xf32, #tpu.memory_space<hbm>>
      tpu.enqueue_dma source(%arg6 : memref<16x2048xf32, #tpu.memory_space<vmem>>) target(%dma_start3A_47 : memref<16x2048xf32, #tpu.memory_space<hbm>>) target_semaphore(%run_scoped3A : memref<!tpu.dma_semaphore, #tpu.memory_space<semaphore_mem>>)
      %dma_wait3A_48 = arith.constant 0 : i32
      %dma_wait3A_49 = tpu.memref_slice %arg4[%add3A_19, %dma_wait3A_48] : memref<2048x2048xf32, #tpu.memory_space<hbm>> -> memref<16x2048xf32, #tpu.memory_space<hbm>>
      %dma_wait3A_50 = arith.constant 0 : i32
      %dma_wait3A_51 = tpu.memref_slice %arg4[%add3A_19, %dma_wait3A_50] : memref<2048x2048xf32, #tpu.memory_space<hbm>> -> memref<16x2048xf32, #tpu.memory_space<hbm>>
      tpu.wait_dma2 semaphore(%run_scoped3A : memref<!tpu.dma_semaphore, #tpu.memory_space<semaphore_mem>>) src(%arg6 : memref<16x2048xf32, #tpu.memory_space<vmem>>) dst(%dma_wait3A_51 : memref<16x2048xf32, #tpu.memory_space<hbm>>)
      tpu.yield
    }) : () -> ()
    %dma_start3A_20 = arith.constant 0 : i32
    %dma_start3A_21 = arith.constant 0 : i32
    %dma_start3A_22 = tpu.memref_slice %arg3[%dma_start3A_20, %dma_start3A_21] : memref<16384x2048xf32, #tpu.memory_space<hbm>> -> memref<16384x2048xf32, #tpu.memory_space<hbm>>
    tpu.enqueue_indirect_dma source(%dma_start3A_22 : memref<16384x2048xf32, #tpu.memory_space<hbm>>) target(%arg6 : memref<16x2048xf32, #tpu.memory_space<vmem>>) offsets(%get3A_15 : vector<16xi32>) semaphore(%arg8 : memref<!tpu.dma_semaphore, #tpu.memory_space<semaphore_mem>>)
    %get3A_23 = arith.constant 48 : index
    %get3A_24 = tpu.vector_load %arg5[%get3A_23] {strides = array<i32>} : memref<64xi32, #tpu.memory_space<vmem>>, vector<16xi32>,
    %get3A_25 = vector.shape_cast %get3A_24 : vector<16xi32> to vector<16xi32>
    %dma_wait3A_26 = arith.constant 0 : i32
    %dma_wait3A_27 = arith.constant 0 : i32
    %dma_wait3A_28 = tpu.memref_slice %arg3[%dma_wait3A_26, %dma_wait3A_27] : memref<16384x2048xf32, #tpu.memory_space<hbm>> -> memref<16384x2048xf32, #tpu.memory_space<hbm>>
    tpu.wait_indirect_dma semaphore(%arg9 : memref<!tpu.dma_semaphore, #tpu.memory_space<semaphore_mem>>) src(%dma_wait3A_28 : memref<16384x2048xf32, #tpu.memory_space<hbm>>) dst(%arg7 : memref<16x2048xf32, #tpu.memory_space<vmem>>)
    %add3A_29 = arith.constant 16 : i32
    %add3A_30 = arith.addi %mul3A_2, %add3A_29 : i32
    "tpu.region"() ({
      %run_scoped3A = tpu.sem_alloc : memref<!tpu.dma_semaphore, #tpu.memory_space<semaphore_mem>>
      %dma_start3A_44 = arith.constant 0 : i32
      %dma_start3A_45 = tpu.memref_slice %arg4[%add3A_30, %dma_start3A_44] : memref<2048x2048xf32, #tpu.memory_space<hbm>> -> memref<16x2048xf32, #tpu.memory_space<hbm>>
      %dma_start3A_46 = arith.constant 0 : i32
      %dma_start3A_47 = tpu.memref_slice %arg4[%add3A_30, %dma_start3A_46] : memref<2048x2048xf32, #tpu.memory_space<hbm>> -> memref<16x2048xf32, #tpu.memory_space<hbm>>
      tpu.enqueue_dma source(%arg7 : memref<16x2048xf32, #tpu.memory_space<vmem>>) target(%dma_start3A_47 : memref<16x2048xf32, #tpu.memory_space<hbm>>) target_semaphore(%run_scoped3A : memref<!tpu.dma_semaphore, #tpu.memory_space<semaphore_mem>>)
      %dma_wait3A_48 = arith.constant 0 : i32
      %dma_wait3A_49 = tpu.memref_slice %arg4[%add3A_30, %dma_wait3A_48] : memref<2048x2048xf32, #tpu.memory_space<hbm>> -> memref<16x2048xf32, #tpu.memory_space<hbm>>
      %dma_wait3A_50 = arith.constant 0 : i32
      %dma_wait3A_51 = tpu.memref_slice %arg4[%add3A_30, %dma_wait3A_50] : memref<2048x2048xf32, #tpu.memory_space<hbm>> -> memref<16x2048xf32, #tpu.memory_space<hbm>>
      tpu.wait_dma2 semaphore(%run_scoped3A : memref<!tpu.dma_semaphore, #tpu.memory_space<semaphore_mem>>) src(%arg7 : memref<16x2048xf32, #tpu.memory_space<vmem>>) dst(%dma_wait3A_51 : memref<16x2048xf32, #tpu.memory_space<hbm>>)
      tpu.yield
    }) : () -> ()
    %dma_start3A_31 = arith.constant 0 : i32
    %dma_start3A_32 = arith.constant 0 : i32
    %dma_start3A_33 = tpu.memref_slice %arg3[%dma_start3A_31, %dma_start3A_32] : memref<16384x2048xf32, #tpu.memory_space<hbm>> -> memref<16384x2048xf32, #tpu.memory_space<hbm>>
    tpu.enqueue_indirect_dma source(%dma_start3A_33 : memref<16384x2048xf32, #tpu.memory_space<hbm>>) target(%arg7 : memref<16x2048xf32, #tpu.memory_space<vmem>>) offsets(%get3A_25 : vector<16xi32>) semaphore(%arg9 : memref<!tpu.dma_semaphore, #tpu.memory_space<semaphore_mem>>)
    %dma_wait3A_34 = arith.constant 0 : i32
    %dma_wait3A_35 = arith.constant 0 : i32
    %dma_wait3A_36 = tpu.memref_slice %arg3[%dma_wait3A_34, %dma_wait3A_35] : memref<16384x2048xf32, #tpu.memory_space<hbm>> -> memref<16384x2048xf32, #tpu.memory_space<hbm>>
    tpu.wait_indirect_dma semaphore(%arg8 : memref<!tpu.dma_semaphore, #tpu.memory_space<semaphore_mem>>) src(%dma_wait3A_36 : memref<16384x2048xf32, #tpu.memory_space<hbm>>) dst(%arg6 : memref<16x2048xf32, #tpu.memory_space<vmem>>)
    %add3A_37 = arith.constant 32 : i32
    %add3A_38 = arith.addi %mul3A_2, %add3A_37 : i32
    "tpu.region"() ({
      %run_scoped3A = tpu.sem_alloc : memref<!tpu.dma_semaphore, #tpu.memory_space<semaphore_mem>>
      %dma_start3A_44 = arith.constant 0 : i32
      %dma_start3A_45 = tpu.memref_slice %arg4[%add3A_38, %dma_start3A_44] : memref<2048x2048xf32, #tpu.memory_space<hbm>> -> memref<16x2048xf32, #tpu.memory_space<hbm>>
      %dma_start3A_46 = arith.constant 0 : i32
      %dma_start3A_47 = tpu.memref_slice %arg4[%add3A_38, %dma_start3A_46] : memref<2048x2048xf32, #tpu.memory_space<hbm>> -> memref<16x2048xf32, #tpu.memory_space<hbm>>
      tpu.enqueue_dma source(%arg6 : memref<16x2048xf32, #tpu.memory_space<vmem>>) target(%dma_start3A_47 : memref<16x2048xf32, #tpu.memory_space<hbm>>) target_semaphore(%run_scoped3A : memref<!tpu.dma_semaphore, #tpu.memory_space<semaphore_mem>>)
      %dma_wait3A_48 = arith.constant 0 : i32
      %dma_wait3A_49 = tpu.memref_slice %arg4[%add3A_38, %dma_wait3A_48] : memref<2048x2048xf32, #tpu.memory_space<hbm>> -> memref<16x2048xf32, #tpu.memory_space<hbm>>
      %dma_wait3A_50 = arith.constant 0 : i32
      %dma_wait3A_51 = tpu.memref_slice %arg4[%add3A_38, %dma_wait3A_50] : memref<2048x2048xf32, #tpu.memory_space<hbm>> -> memref<16x2048xf32, #tpu.memory_space<hbm>>
      tpu.wait_dma2 semaphore(%run_scoped3A : memref<!tpu.dma_semaphore, #tpu.memory_space<semaphore_mem>>) src(%arg6 : memref<16x2048xf32, #tpu.memory_space<vmem>>) dst(%dma_wait3A_51 : memref<16x2048xf32, #tpu.memory_space<hbm>>)
      tpu.yield
    }) : () -> ()
    %dma_wait3A_39 = arith.constant 0 : i32
    %dma_wait3A_40 = arith.constant 0 : i32
    %dma_wait3A_41 = tpu.memref_slice %arg3[%dma_wait3A_39, %dma_wait3A_40] : memref<16384x2048xf32, #tpu.memory_space<hbm>> -> memref<16384x2048xf32, #tpu.memory_space<hbm>>
    tpu.wait_indirect_dma semaphore(%arg9 : memref<!tpu.dma_semaphore, #tpu.memory_space<semaphore_mem>>) src(%dma_wait3A_41 : memref<16384x2048xf32, #tpu.memory_space<hbm>>) dst(%arg7 : memref<16x2048xf32, #tpu.memory_space<vmem>>)
    %add3A_42 = arith.constant 48 : i32
    %add3A_43 = arith.addi %mul3A_2, %add3A_42 : i32
    "tpu.region"() ({
      %run_scoped3A = tpu.sem_alloc : memref<!tpu.dma_semaphore, #tpu.memory_space<semaphore_mem>>
      %dma_start3A_44 = arith.constant 0 : i32
      %dma_start3A_45 = tpu.memref_slice %arg4[%add3A_43, %dma_start3A_44] : memref<2048x2048xf32, #tpu.memory_space<hbm>> -> memref<16x2048xf32, #tpu.memory_space<hbm>>
      %dma_start3A_46 = arith.constant 0 : i32
      %dma_start3A_47 = tpu.memref_slice %arg4[%add3A_43, %dma_start3A_46] : memref<2048x2048xf32, #tpu.memory_space<hbm>> -> memref<16x2048xf32, #tpu.memory_space<hbm>>
      tpu.enqueue_dma source(%arg7 : memref<16x2048xf32, #tpu.memory_space<vmem>>) target(%dma_start3A_47 : memref<16x2048xf32, #tpu.memory_space<hbm>>) target_semaphore(%run_scoped3A : memref<!tpu.dma_semaphore, #tpu.memory_space<semaphore_mem>>)
      %dma_wait3A_48 = arith.constant 0 : i32
      %dma_wait3A_49 = tpu.memref_slice %arg4[%add3A_43, %dma_wait3A_48] : memref<2048x2048xf32, #tpu.memory_space<hbm>> -> memref<16x2048xf32, #tpu.memory_space<hbm>>
      %dma_wait3A_50 = arith.constant 0 : i32
      %dma_wait3A_51 = tpu.memref_slice %arg4[%add3A_43, %dma_wait3A_50] : memref<2048x2048xf32, #tpu.memory_space<hbm>> -> memref<16x2048xf32, #tpu.memory_space<hbm>>
      tpu.wait_dma2 semaphore(%run_scoped3A : memref<!tpu.dma_semaphore, #tpu.memory_space<semaphore_mem>>) src(%arg7 : memref<16x2048xf32, #tpu.memory_space<vmem>>) dst(%dma_wait3A_51 : memref<16x2048xf32, #tpu.memory_space<hbm>>)
      tpu.yield
    }) : () -> ()
    return
  }
}

#map = affine_map<(d0, d1) -> (0, 0)>
#map1 = affine_map<(d0, d1) -> (0)>
module attributes {stable_mosaic.version = 14 : i64} {
  func.func @_sc_scatter_idx(%arg0: i32, %arg1: i32, %arg2: memref<128x128xi32, #tpu.memory_space<hbm>>, %arg3: memref<16384xi32, #tpu.memory_space<hbm>>, %arg4: memref<4x128xi32, #tpu.memory_space<vmem>>, %arg5: memref<4x128xi32, #tpu.memory_space<vmem>>, %arg6: memref<!tpu.dma_semaphore, #tpu.memory_space<semaphore_mem>>) attributes {dimension_semantics = [#tpu.dimension_semantics<core_parallel>, #tpu.dimension_semantics<subcore_parallel>], iteration_bounds = array<i64: 2, 16>, scalar_prefetch = 0 : i64, scratch_operands = 3 : i64, tpu.core_type = #tpu.core_type<sc_vector_subcore>, window_params = [{transform_indices = #map}, {transform_indices = #map1}]} {
    %mul3A = arith.constant 16 : i32
    %mul3A_0 = arith.muli %arg0, %mul3A : i32
    %add3A = arith.addi %mul3A_0, %arg1 : i32
    %mul3A_1 = arith.constant 512 : i32
    %mul3A_2 = arith.muli %add3A, %mul3A_1 : i32
    %mul3A_3 = arith.constant 4 : i32
    %mul3A_4 = arith.muli %add3A, %mul3A_3 : i32
    "tpu.region"() ({
      %run_scoped3A = tpu.sem_alloc : memref<!tpu.dma_semaphore, #tpu.memory_space<semaphore_mem>>
      %dma_start3A_497 = arith.constant 0 : i32
      %dma_start3A_498 = tpu.memref_slice %arg2[%mul3A_4, %dma_start3A_497] : memref<128x128xi32, #tpu.memory_space<hbm>> -> memref<4x128xi32, #tpu.memory_space<hbm>>
      %dma_start3A_499 = arith.constant 0 : i32
      %dma_start3A_500 = tpu.memref_slice %arg2[%mul3A_4, %dma_start3A_499] : memref<128x128xi32, #tpu.memory_space<hbm>> -> memref<4x128xi32, #tpu.memory_space<hbm>>
      tpu.enqueue_dma source(%dma_start3A_500 : memref<4x128xi32, #tpu.memory_space<hbm>>) target(%arg4 : memref<4x128xi32, #tpu.memory_space<vmem>>) target_semaphore(%run_scoped3A : memref<!tpu.dma_semaphore, #tpu.memory_space<semaphore_mem>>)
      %dma_wait3A_501 = arith.constant 0 : i32
      %dma_wait3A_502 = tpu.memref_slice %arg2[%mul3A_4, %dma_wait3A_501] : memref<128x128xi32, #tpu.memory_space<hbm>> -> memref<4x128xi32, #tpu.memory_space<hbm>>
      %dma_wait3A_503 = arith.constant 0 : i32
      %dma_wait3A_504 = tpu.memref_slice %arg2[%mul3A_4, %dma_wait3A_503] : memref<128x128xi32, #tpu.memory_space<hbm>> -> memref<4x128xi32, #tpu.memory_space<hbm>>
      tpu.wait_dma2 semaphore(%run_scoped3A : memref<!tpu.dma_semaphore, #tpu.memory_space<semaphore_mem>>) src(%dma_wait3A_504 : memref<4x128xi32, #tpu.memory_space<hbm>>) dst(%arg4 : memref<4x128xi32, #tpu.memory_space<vmem>>)
      tpu.yield
    }) : () -> ()
    %iota3A = tpu.iota {dimensions = array<i32: 0>} : vector<16xi32>
    %add3A_5 = arith.constant 0 : i32
    %add3A_6 = arith.addi %mul3A_2, %add3A_5 : i32
    %add3A_7 = arith.constant 0 : i32
    %add3A_8 = arith.addi %add3A_6, %add3A_7 : i32
    %add3A_9 = vector.broadcast %add3A_8 : i32 to vector<16xi32>
    %add3A_10 = arith.addi %iota3A, %add3A_9 : vector<16xi32>
    %swap3A = arith.constant 0 : i32
    %swap3A_11 = arith.index_cast %swap3A : i32 to index
    %swap3A_12 = arith.constant 0 : index
    %swap3A_13 = tpu.vector_load %arg5[%swap3A_11, %swap3A_12] {strides = array<i32>} : memref<4x128xi32, #tpu.memory_space<vmem>>, vector<1x16xi32>,
    %swap3A_14 = vector.shape_cast %swap3A_13 : vector<1x16xi32> to vector<16xi32>
    %swap3A_15 = vector.shape_cast %add3A_10 : vector<16xi32> to vector<1x16xi32>
    tpu.vector_store %arg5[%swap3A_11, %swap3A_12], %swap3A_15 {strides = array<i32>} : memref<4x128xi32, #tpu.memory_space<vmem>>, vector<1x16xi32>,
    %iota3A_16 = tpu.iota {dimensions = array<i32: 0>} : vector<16xi32>
    %add3A_17 = arith.constant 0 : i32
    %add3A_18 = arith.addi %mul3A_2, %add3A_17 : i32
    %add3A_19 = arith.constant 16 : i32
    %add3A_20 = arith.addi %add3A_18, %add3A_19 : i32
    %add3A_21 = vector.broadcast %add3A_20 : i32 to vector<16xi32>
    %add3A_22 = arith.addi %iota3A_16, %add3A_21 : vector<16xi32>
    %swap3A_23 = arith.constant 0 : i32
    %swap3A_24 = arith.index_cast %swap3A_23 : i32 to index
    %swap3A_25 = arith.constant 16 : index
    %swap3A_26 = tpu.vector_load %arg5[%swap3A_24, %swap3A_25] {strides = array<i32>} : memref<4x128xi32, #tpu.memory_space<vmem>>, vector<1x16xi32>,
    %swap3A_27 = vector.shape_cast %swap3A_26 : vector<1x16xi32> to vector<16xi32>
    %swap3A_28 = vector.shape_cast %add3A_22 : vector<16xi32> to vector<1x16xi32>
    tpu.vector_store %arg5[%swap3A_24, %swap3A_25], %swap3A_28 {strides = array<i32>} : memref<4x128xi32, #tpu.memory_space<vmem>>, vector<1x16xi32>,
    %iota3A_29 = tpu.iota {dimensions = array<i32: 0>} : vector<16xi32>
    %add3A_30 = arith.constant 0 : i32
    %add3A_31 = arith.addi %mul3A_2, %add3A_30 : i32
    %add3A_32 = arith.constant 32 : i32
    %add3A_33 = arith.addi %add3A_31, %add3A_32 : i32
    %add3A_34 = vector.broadcast %add3A_33 : i32 to vector<16xi32>
    %add3A_35 = arith.addi %iota3A_29, %add3A_34 : vector<16xi32>
    %swap3A_36 = arith.constant 0 : i32
    %swap3A_37 = arith.index_cast %swap3A_36 : i32 to index
    %swap3A_38 = arith.constant 32 : index
    %swap3A_39 = tpu.vector_load %arg5[%swap3A_37, %swap3A_38] {strides = array<i32>} : memref<4x128xi32, #tpu.memory_space<vmem>>, vector<1x16xi32>,
    %swap3A_40 = vector.shape_cast %swap3A_39 : vector<1x16xi32> to vector<16xi32>
    %swap3A_41 = vector.shape_cast %add3A_35 : vector<16xi32> to vector<1x16xi32>
    tpu.vector_store %arg5[%swap3A_37, %swap3A_38], %swap3A_41 {strides = array<i32>} : memref<4x128xi32, #tpu.memory_space<vmem>>, vector<1x16xi32>,
    %iota3A_42 = tpu.iota {dimensions = array<i32: 0>} : vector<16xi32>
    %add3A_43 = arith.constant 0 : i32
    %add3A_44 = arith.addi %mul3A_2, %add3A_43 : i32
    %add3A_45 = arith.constant 48 : i32
    %add3A_46 = arith.addi %add3A_44, %add3A_45 : i32
    %add3A_47 = vector.broadcast %add3A_46 : i32 to vector<16xi32>
    %add3A_48 = arith.addi %iota3A_42, %add3A_47 : vector<16xi32>
    %swap3A_49 = arith.constant 0 : i32
    %swap3A_50 = arith.index_cast %swap3A_49 : i32 to index
    %swap3A_51 = arith.constant 48 : index
    %swap3A_52 = tpu.vector_load %arg5[%swap3A_50, %swap3A_51] {strides = array<i32>} : memref<4x128xi32, #tpu.memory_space<vmem>>, vector<1x16xi32>,
    %swap3A_53 = vector.shape_cast %swap3A_52 : vector<1x16xi32> to vector<16xi32>
    %swap3A_54 = vector.shape_cast %add3A_48 : vector<16xi32> to vector<1x16xi32>
    tpu.vector_store %arg5[%swap3A_50, %swap3A_51], %swap3A_54 {strides = array<i32>} : memref<4x128xi32, #tpu.memory_space<vmem>>, vector<1x16xi32>,
    %iota3A_55 = tpu.iota {dimensions = array<i32: 0>} : vector<16xi32>
    %add3A_56 = arith.constant 0 : i32
    %add3A_57 = arith.addi %mul3A_2, %add3A_56 : i32
    %add3A_58 = arith.constant 64 : i32
    %add3A_59 = arith.addi %add3A_57, %add3A_58 : i32
    %add3A_60 = vector.broadcast %add3A_59 : i32 to vector<16xi32>
    %add3A_61 = arith.addi %iota3A_55, %add3A_60 : vector<16xi32>
    %swap3A_62 = arith.constant 0 : i32
    %swap3A_63 = arith.index_cast %swap3A_62 : i32 to index
    %swap3A_64 = arith.constant 64 : index
    %swap3A_65 = tpu.vector_load %arg5[%swap3A_63, %swap3A_64] {strides = array<i32>} : memref<4x128xi32, #tpu.memory_space<vmem>>, vector<1x16xi32>,
    %swap3A_66 = vector.shape_cast %swap3A_65 : vector<1x16xi32> to vector<16xi32>
    %swap3A_67 = vector.shape_cast %add3A_61 : vector<16xi32> to vector<1x16xi32>
    tpu.vector_store %arg5[%swap3A_63, %swap3A_64], %swap3A_67 {strides = array<i32>} : memref<4x128xi32, #tpu.memory_space<vmem>>, vector<1x16xi32>,
    %iota3A_68 = tpu.iota {dimensions = array<i32: 0>} : vector<16xi32>
    %add3A_69 = arith.constant 0 : i32
    %add3A_70 = arith.addi %mul3A_2, %add3A_69 : i32
    %add3A_71 = arith.constant 80 : i32
    %add3A_72 = arith.addi %add3A_70, %add3A_71 : i32
    %add3A_73 = vector.broadcast %add3A_72 : i32 to vector<16xi32>
    %add3A_74 = arith.addi %iota3A_68, %add3A_73 : vector<16xi32>
    %swap3A_75 = arith.constant 0 : i32
    %swap3A_76 = arith.index_cast %swap3A_75 : i32 to index
    %swap3A_77 = arith.constant 80 : index
    %swap3A_78 = tpu.vector_load %arg5[%swap3A_76, %swap3A_77] {strides = array<i32>} : memref<4x128xi32, #tpu.memory_space<vmem>>, vector<1x16xi32>,
    %swap3A_79 = vector.shape_cast %swap3A_78 : vector<1x16xi32> to vector<16xi32>
    %swap3A_80 = vector.shape_cast %add3A_74 : vector<16xi32> to vector<1x16xi32>
    tpu.vector_store %arg5[%swap3A_76, %swap3A_77], %swap3A_80 {strides = array<i32>} : memref<4x128xi32, #tpu.memory_space<vmem>>, vector<1x16xi32>,
    %iota3A_81 = tpu.iota {dimensions = array<i32: 0>} : vector<16xi32>
    %add3A_82 = arith.constant 0 : i32
    %add3A_83 = arith.addi %mul3A_2, %add3A_82 : i32
    %add3A_84 = arith.constant 96 : i32
    %add3A_85 = arith.addi %add3A_83, %add3A_84 : i32
    %add3A_86 = vector.broadcast %add3A_85 : i32 to vector<16xi32>
    %add3A_87 = arith.addi %iota3A_81, %add3A_86 : vector<16xi32>
    %swap3A_88 = arith.constant 0 : i32
    %swap3A_89 = arith.index_cast %swap3A_88 : i32 to index
    %swap3A_90 = arith.constant 96 : index
    %swap3A_91 = tpu.vector_load %arg5[%swap3A_89, %swap3A_90] {strides = array<i32>} : memref<4x128xi32, #tpu.memory_space<vmem>>, vector<1x16xi32>,
    %swap3A_92 = vector.shape_cast %swap3A_91 : vector<1x16xi32> to vector<16xi32>
    %swap3A_93 = vector.shape_cast %add3A_87 : vector<16xi32> to vector<1x16xi32>
    tpu.vector_store %arg5[%swap3A_89, %swap3A_90], %swap3A_93 {strides = array<i32>} : memref<4x128xi32, #tpu.memory_space<vmem>>, vector<1x16xi32>,
    %iota3A_94 = tpu.iota {dimensions = array<i32: 0>} : vector<16xi32>
    %add3A_95 = arith.constant 0 : i32
    %add3A_96 = arith.addi %mul3A_2, %add3A_95 : i32
    %add3A_97 = arith.constant 112 : i32
    %add3A_98 = arith.addi %add3A_96, %add3A_97 : i32
    %add3A_99 = vector.broadcast %add3A_98 : i32 to vector<16xi32>
    %add3A_100 = arith.addi %iota3A_94, %add3A_99 : vector<16xi32>
    %swap3A_101 = arith.constant 0 : i32
    %swap3A_102 = arith.index_cast %swap3A_101 : i32 to index
    %swap3A_103 = arith.constant 112 : index
    %swap3A_104 = tpu.vector_load %arg5[%swap3A_102, %swap3A_103] {strides = array<i32>} : memref<4x128xi32, #tpu.memory_space<vmem>>, vector<1x16xi32>,
    %swap3A_105 = vector.shape_cast %swap3A_104 : vector<1x16xi32> to vector<16xi32>
    %swap3A_106 = vector.shape_cast %add3A_100 : vector<16xi32> to vector<1x16xi32>
    tpu.vector_store %arg5[%swap3A_102, %swap3A_103], %swap3A_106 {strides = array<i32>} : memref<4x128xi32, #tpu.memory_space<vmem>>, vector<1x16xi32>,
    %iota3A_107 = tpu.iota {dimensions = array<i32: 0>} : vector<16xi32>
    %add3A_108 = arith.constant 128 : i32
    %add3A_109 = arith.addi %mul3A_2, %add3A_108 : i32
    %add3A_110 = arith.constant 0 : i32
    %add3A_111 = arith.addi %add3A_109, %add3A_110 : i32
    %add3A_112 = vector.broadcast %add3A_111 : i32 to vector<16xi32>
    %add3A_113 = arith.addi %iota3A_107, %add3A_112 : vector<16xi32>
    %swap3A_114 = arith.constant 1 : i32
    %swap3A_115 = arith.index_cast %swap3A_114 : i32 to index
    %swap3A_116 = arith.constant 0 : index
    %swap3A_117 = tpu.vector_load %arg5[%swap3A_115, %swap3A_116] {strides = array<i32>} : memref<4x128xi32, #tpu.memory_space<vmem>>, vector<1x16xi32>,
    %swap3A_118 = vector.shape_cast %swap3A_117 : vector<1x16xi32> to vector<16xi32>
    %swap3A_119 = vector.shape_cast %add3A_113 : vector<16xi32> to vector<1x16xi32>
    tpu.vector_store %arg5[%swap3A_115, %swap3A_116], %swap3A_119 {strides = array<i32>} : memref<4x128xi32, #tpu.memory_space<vmem>>, vector<1x16xi32>,
    %iota3A_120 = tpu.iota {dimensions = array<i32: 0>} : vector<16xi32>
    %add3A_121 = arith.constant 128 : i32
    %add3A_122 = arith.addi %mul3A_2, %add3A_121 : i32
    %add3A_123 = arith.constant 16 : i32
    %add3A_124 = arith.addi %add3A_122, %add3A_123 : i32
    %add3A_125 = vector.broadcast %add3A_124 : i32 to vector<16xi32>
    %add3A_126 = arith.addi %iota3A_120, %add3A_125 : vector<16xi32>
    %swap3A_127 = arith.constant 1 : i32
    %swap3A_128 = arith.index_cast %swap3A_127 : i32 to index
    %swap3A_129 = arith.constant 16 : index
    %swap3A_130 = tpu.vector_load %arg5[%swap3A_128, %swap3A_129] {strides = array<i32>} : memref<4x128xi32, #tpu.memory_space<vmem>>, vector<1x16xi32>,
    %swap3A_131 = vector.shape_cast %swap3A_130 : vector<1x16xi32> to vector<16xi32>
    %swap3A_132 = vector.shape_cast %add3A_126 : vector<16xi32> to vector<1x16xi32>
    tpu.vector_store %arg5[%swap3A_128, %swap3A_129], %swap3A_132 {strides = array<i32>} : memref<4x128xi32, #tpu.memory_space<vmem>>, vector<1x16xi32>,
    %iota3A_133 = tpu.iota {dimensions = array<i32: 0>} : vector<16xi32>
    %add3A_134 = arith.constant 128 : i32
    %add3A_135 = arith.addi %mul3A_2, %add3A_134 : i32
    %add3A_136 = arith.constant 32 : i32
    %add3A_137 = arith.addi %add3A_135, %add3A_136 : i32
    %add3A_138 = vector.broadcast %add3A_137 : i32 to vector<16xi32>
    %add3A_139 = arith.addi %iota3A_133, %add3A_138 : vector<16xi32>
    %swap3A_140 = arith.constant 1 : i32
    %swap3A_141 = arith.index_cast %swap3A_140 : i32 to index
    %swap3A_142 = arith.constant 32 : index
    %swap3A_143 = tpu.vector_load %arg5[%swap3A_141, %swap3A_142] {strides = array<i32>} : memref<4x128xi32, #tpu.memory_space<vmem>>, vector<1x16xi32>,
    %swap3A_144 = vector.shape_cast %swap3A_143 : vector<1x16xi32> to vector<16xi32>
    %swap3A_145 = vector.shape_cast %add3A_139 : vector<16xi32> to vector<1x16xi32>
    tpu.vector_store %arg5[%swap3A_141, %swap3A_142], %swap3A_145 {strides = array<i32>} : memref<4x128xi32, #tpu.memory_space<vmem>>, vector<1x16xi32>,
    %iota3A_146 = tpu.iota {dimensions = array<i32: 0>} : vector<16xi32>
    %add3A_147 = arith.constant 128 : i32
    %add3A_148 = arith.addi %mul3A_2, %add3A_147 : i32
    %add3A_149 = arith.constant 48 : i32
    %add3A_150 = arith.addi %add3A_148, %add3A_149 : i32
    %add3A_151 = vector.broadcast %add3A_150 : i32 to vector<16xi32>
    %add3A_152 = arith.addi %iota3A_146, %add3A_151 : vector<16xi32>
    %swap3A_153 = arith.constant 1 : i32
    %swap3A_154 = arith.index_cast %swap3A_153 : i32 to index
    %swap3A_155 = arith.constant 48 : index
    %swap3A_156 = tpu.vector_load %arg5[%swap3A_154, %swap3A_155] {strides = array<i32>} : memref<4x128xi32, #tpu.memory_space<vmem>>, vector<1x16xi32>,
    %swap3A_157 = vector.shape_cast %swap3A_156 : vector<1x16xi32> to vector<16xi32>
    %swap3A_158 = vector.shape_cast %add3A_152 : vector<16xi32> to vector<1x16xi32>
    tpu.vector_store %arg5[%swap3A_154, %swap3A_155], %swap3A_158 {strides = array<i32>} : memref<4x128xi32, #tpu.memory_space<vmem>>, vector<1x16xi32>,
    %iota3A_159 = tpu.iota {dimensions = array<i32: 0>} : vector<16xi32>
    %add3A_160 = arith.constant 128 : i32
    %add3A_161 = arith.addi %mul3A_2, %add3A_160 : i32
    %add3A_162 = arith.constant 64 : i32
    %add3A_163 = arith.addi %add3A_161, %add3A_162 : i32
    %add3A_164 = vector.broadcast %add3A_163 : i32 to vector<16xi32>
    %add3A_165 = arith.addi %iota3A_159, %add3A_164 : vector<16xi32>
    %swap3A_166 = arith.constant 1 : i32
    %swap3A_167 = arith.index_cast %swap3A_166 : i32 to index
    %swap3A_168 = arith.constant 64 : index
    %swap3A_169 = tpu.vector_load %arg5[%swap3A_167, %swap3A_168] {strides = array<i32>} : memref<4x128xi32, #tpu.memory_space<vmem>>, vector<1x16xi32>,
    %swap3A_170 = vector.shape_cast %swap3A_169 : vector<1x16xi32> to vector<16xi32>
    %swap3A_171 = vector.shape_cast %add3A_165 : vector<16xi32> to vector<1x16xi32>
    tpu.vector_store %arg5[%swap3A_167, %swap3A_168], %swap3A_171 {strides = array<i32>} : memref<4x128xi32, #tpu.memory_space<vmem>>, vector<1x16xi32>,
    %iota3A_172 = tpu.iota {dimensions = array<i32: 0>} : vector<16xi32>
    %add3A_173 = arith.constant 128 : i32
    %add3A_174 = arith.addi %mul3A_2, %add3A_173 : i32
    %add3A_175 = arith.constant 80 : i32
    %add3A_176 = arith.addi %add3A_174, %add3A_175 : i32
    %add3A_177 = vector.broadcast %add3A_176 : i32 to vector<16xi32>
    %add3A_178 = arith.addi %iota3A_172, %add3A_177 : vector<16xi32>
    %swap3A_179 = arith.constant 1 : i32
    %swap3A_180 = arith.index_cast %swap3A_179 : i32 to index
    %swap3A_181 = arith.constant 80 : index
    %swap3A_182 = tpu.vector_load %arg5[%swap3A_180, %swap3A_181] {strides = array<i32>} : memref<4x128xi32, #tpu.memory_space<vmem>>, vector<1x16xi32>,
    %swap3A_183 = vector.shape_cast %swap3A_182 : vector<1x16xi32> to vector<16xi32>
    %swap3A_184 = vector.shape_cast %add3A_178 : vector<16xi32> to vector<1x16xi32>
    tpu.vector_store %arg5[%swap3A_180, %swap3A_181], %swap3A_184 {strides = array<i32>} : memref<4x128xi32, #tpu.memory_space<vmem>>, vector<1x16xi32>,
    %iota3A_185 = tpu.iota {dimensions = array<i32: 0>} : vector<16xi32>
    %add3A_186 = arith.constant 128 : i32
    %add3A_187 = arith.addi %mul3A_2, %add3A_186 : i32
    %add3A_188 = arith.constant 96 : i32
    %add3A_189 = arith.addi %add3A_187, %add3A_188 : i32
    %add3A_190 = vector.broadcast %add3A_189 : i32 to vector<16xi32>
    %add3A_191 = arith.addi %iota3A_185, %add3A_190 : vector<16xi32>
    %swap3A_192 = arith.constant 1 : i32
    %swap3A_193 = arith.index_cast %swap3A_192 : i32 to index
    %swap3A_194 = arith.constant 96 : index
    %swap3A_195 = tpu.vector_load %arg5[%swap3A_193, %swap3A_194] {strides = array<i32>} : memref<4x128xi32, #tpu.memory_space<vmem>>, vector<1x16xi32>,
    %swap3A_196 = vector.shape_cast %swap3A_195 : vector<1x16xi32> to vector<16xi32>
    %swap3A_197 = vector.shape_cast %add3A_191 : vector<16xi32> to vector<1x16xi32>
    tpu.vector_store %arg5[%swap3A_193, %swap3A_194], %swap3A_197 {strides = array<i32>} : memref<4x128xi32, #tpu.memory_space<vmem>>, vector<1x16xi32>,
    %iota3A_198 = tpu.iota {dimensions = array<i32: 0>} : vector<16xi32>
    %add3A_199 = arith.constant 128 : i32
    %add3A_200 = arith.addi %mul3A_2, %add3A_199 : i32
    %add3A_201 = arith.constant 112 : i32
    %add3A_202 = arith.addi %add3A_200, %add3A_201 : i32
    %add3A_203 = vector.broadcast %add3A_202 : i32 to vector<16xi32>
    %add3A_204 = arith.addi %iota3A_198, %add3A_203 : vector<16xi32>
    %swap3A_205 = arith.constant 1 : i32
    %swap3A_206 = arith.index_cast %swap3A_205 : i32 to index
    %swap3A_207 = arith.constant 112 : index
    %swap3A_208 = tpu.vector_load %arg5[%swap3A_206, %swap3A_207] {strides = array<i32>} : memref<4x128xi32, #tpu.memory_space<vmem>>, vector<1x16xi32>,
    %swap3A_209 = vector.shape_cast %swap3A_208 : vector<1x16xi32> to vector<16xi32>
    %swap3A_210 = vector.shape_cast %add3A_204 : vector<16xi32> to vector<1x16xi32>
    tpu.vector_store %arg5[%swap3A_206, %swap3A_207], %swap3A_210 {strides = array<i32>} : memref<4x128xi32, #tpu.memory_space<vmem>>, vector<1x16xi32>,
    %iota3A_211 = tpu.iota {dimensions = array<i32: 0>} : vector<16xi32>
    %add3A_212 = arith.constant 256 : i32
    %add3A_213 = arith.addi %mul3A_2, %add3A_212 : i32
    %add3A_214 = arith.constant 0 : i32
    %add3A_215 = arith.addi %add3A_213, %add3A_214 : i32
    %add3A_216 = vector.broadcast %add3A_215 : i32 to vector<16xi32>
    %add3A_217 = arith.addi %iota3A_211, %add3A_216 : vector<16xi32>
    %swap3A_218 = arith.constant 2 : i32
    %swap3A_219 = arith.index_cast %swap3A_218 : i32 to index
    %swap3A_220 = arith.constant 0 : index
    %swap3A_221 = tpu.vector_load %arg5[%swap3A_219, %swap3A_220] {strides = array<i32>} : memref<4x128xi32, #tpu.memory_space<vmem>>, vector<1x16xi32>,
    %swap3A_222 = vector.shape_cast %swap3A_221 : vector<1x16xi32> to vector<16xi32>
    %swap3A_223 = vector.shape_cast %add3A_217 : vector<16xi32> to vector<1x16xi32>
    tpu.vector_store %arg5[%swap3A_219, %swap3A_220], %swap3A_223 {strides = array<i32>} : memref<4x128xi32, #tpu.memory_space<vmem>>, vector<1x16xi32>,
    %iota3A_224 = tpu.iota {dimensions = array<i32: 0>} : vector<16xi32>
    %add3A_225 = arith.constant 256 : i32
    %add3A_226 = arith.addi %mul3A_2, %add3A_225 : i32
    %add3A_227 = arith.constant 16 : i32
    %add3A_228 = arith.addi %add3A_226, %add3A_227 : i32
    %add3A_229 = vector.broadcast %add3A_228 : i32 to vector<16xi32>
    %add3A_230 = arith.addi %iota3A_224, %add3A_229 : vector<16xi32>
    %swap3A_231 = arith.constant 2 : i32
    %swap3A_232 = arith.index_cast %swap3A_231 : i32 to index
    %swap3A_233 = arith.constant 16 : index
    %swap3A_234 = tpu.vector_load %arg5[%swap3A_232, %swap3A_233] {strides = array<i32>} : memref<4x128xi32, #tpu.memory_space<vmem>>, vector<1x16xi32>,
    %swap3A_235 = vector.shape_cast %swap3A_234 : vector<1x16xi32> to vector<16xi32>
    %swap3A_236 = vector.shape_cast %add3A_230 : vector<16xi32> to vector<1x16xi32>
    tpu.vector_store %arg5[%swap3A_232, %swap3A_233], %swap3A_236 {strides = array<i32>} : memref<4x128xi32, #tpu.memory_space<vmem>>, vector<1x16xi32>,
    %iota3A_237 = tpu.iota {dimensions = array<i32: 0>} : vector<16xi32>
    %add3A_238 = arith.constant 256 : i32
    %add3A_239 = arith.addi %mul3A_2, %add3A_238 : i32
    %add3A_240 = arith.constant 32 : i32
    %add3A_241 = arith.addi %add3A_239, %add3A_240 : i32
    %add3A_242 = vector.broadcast %add3A_241 : i32 to vector<16xi32>
    %add3A_243 = arith.addi %iota3A_237, %add3A_242 : vector<16xi32>
    %swap3A_244 = arith.constant 2 : i32
    %swap3A_245 = arith.index_cast %swap3A_244 : i32 to index
    %swap3A_246 = arith.constant 32 : index
    %swap3A_247 = tpu.vector_load %arg5[%swap3A_245, %swap3A_246] {strides = array<i32>} : memref<4x128xi32, #tpu.memory_space<vmem>>, vector<1x16xi32>,
    %swap3A_248 = vector.shape_cast %swap3A_247 : vector<1x16xi32> to vector<16xi32>
    %swap3A_249 = vector.shape_cast %add3A_243 : vector<16xi32> to vector<1x16xi32>
    tpu.vector_store %arg5[%swap3A_245, %swap3A_246], %swap3A_249 {strides = array<i32>} : memref<4x128xi32, #tpu.memory_space<vmem>>, vector<1x16xi32>,
    %iota3A_250 = tpu.iota {dimensions = array<i32: 0>} : vector<16xi32>
    %add3A_251 = arith.constant 256 : i32
    %add3A_252 = arith.addi %mul3A_2, %add3A_251 : i32
    %add3A_253 = arith.constant 48 : i32
    %add3A_254 = arith.addi %add3A_252, %add3A_253 : i32
    %add3A_255 = vector.broadcast %add3A_254 : i32 to vector<16xi32>
    %add3A_256 = arith.addi %iota3A_250, %add3A_255 : vector<16xi32>
    %swap3A_257 = arith.constant 2 : i32
    %swap3A_258 = arith.index_cast %swap3A_257 : i32 to index
    %swap3A_259 = arith.constant 48 : index
    %swap3A_260 = tpu.vector_load %arg5[%swap3A_258, %swap3A_259] {strides = array<i32>} : memref<4x128xi32, #tpu.memory_space<vmem>>, vector<1x16xi32>,
    %swap3A_261 = vector.shape_cast %swap3A_260 : vector<1x16xi32> to vector<16xi32>
    %swap3A_262 = vector.shape_cast %add3A_256 : vector<16xi32> to vector<1x16xi32>
    tpu.vector_store %arg5[%swap3A_258, %swap3A_259], %swap3A_262 {strides = array<i32>} : memref<4x128xi32, #tpu.memory_space<vmem>>, vector<1x16xi32>,
    %iota3A_263 = tpu.iota {dimensions = array<i32: 0>} : vector<16xi32>
    %add3A_264 = arith.constant 256 : i32
    %add3A_265 = arith.addi %mul3A_2, %add3A_264 : i32
    %add3A_266 = arith.constant 64 : i32
    %add3A_267 = arith.addi %add3A_265, %add3A_266 : i32
    %add3A_268 = vector.broadcast %add3A_267 : i32 to vector<16xi32>
    %add3A_269 = arith.addi %iota3A_263, %add3A_268 : vector<16xi32>
    %swap3A_270 = arith.constant 2 : i32
    %swap3A_271 = arith.index_cast %swap3A_270 : i32 to index
    %swap3A_272 = arith.constant 64 : index
    %swap3A_273 = tpu.vector_load %arg5[%swap3A_271, %swap3A_272] {strides = array<i32>} : memref<4x128xi32, #tpu.memory_space<vmem>>, vector<1x16xi32>,
    %swap3A_274 = vector.shape_cast %swap3A_273 : vector<1x16xi32> to vector<16xi32>
    %swap3A_275 = vector.shape_cast %add3A_269 : vector<16xi32> to vector<1x16xi32>
    tpu.vector_store %arg5[%swap3A_271, %swap3A_272], %swap3A_275 {strides = array<i32>} : memref<4x128xi32, #tpu.memory_space<vmem>>, vector<1x16xi32>,
    %iota3A_276 = tpu.iota {dimensions = array<i32: 0>} : vector<16xi32>
    %add3A_277 = arith.constant 256 : i32
    %add3A_278 = arith.addi %mul3A_2, %add3A_277 : i32
    %add3A_279 = arith.constant 80 : i32
    %add3A_280 = arith.addi %add3A_278, %add3A_279 : i32
    %add3A_281 = vector.broadcast %add3A_280 : i32 to vector<16xi32>
    %add3A_282 = arith.addi %iota3A_276, %add3A_281 : vector<16xi32>
    %swap3A_283 = arith.constant 2 : i32
    %swap3A_284 = arith.index_cast %swap3A_283 : i32 to index
    %swap3A_285 = arith.constant 80 : index
    %swap3A_286 = tpu.vector_load %arg5[%swap3A_284, %swap3A_285] {strides = array<i32>} : memref<4x128xi32, #tpu.memory_space<vmem>>, vector<1x16xi32>,
    %swap3A_287 = vector.shape_cast %swap3A_286 : vector<1x16xi32> to vector<16xi32>
    %swap3A_288 = vector.shape_cast %add3A_282 : vector<16xi32> to vector<1x16xi32>
    tpu.vector_store %arg5[%swap3A_284, %swap3A_285], %swap3A_288 {strides = array<i32>} : memref<4x128xi32, #tpu.memory_space<vmem>>, vector<1x16xi32>,
    %iota3A_289 = tpu.iota {dimensions = array<i32: 0>} : vector<16xi32>
    %add3A_290 = arith.constant 256 : i32
    %add3A_291 = arith.addi %mul3A_2, %add3A_290 : i32
    %add3A_292 = arith.constant 96 : i32
    %add3A_293 = arith.addi %add3A_291, %add3A_292 : i32
    %add3A_294 = vector.broadcast %add3A_293 : i32 to vector<16xi32>
    %add3A_295 = arith.addi %iota3A_289, %add3A_294 : vector<16xi32>
    %swap3A_296 = arith.constant 2 : i32
    %swap3A_297 = arith.index_cast %swap3A_296 : i32 to index
    %swap3A_298 = arith.constant 96 : index
    %swap3A_299 = tpu.vector_load %arg5[%swap3A_297, %swap3A_298] {strides = array<i32>} : memref<4x128xi32, #tpu.memory_space<vmem>>, vector<1x16xi32>,
    %swap3A_300 = vector.shape_cast %swap3A_299 : vector<1x16xi32> to vector<16xi32>
    %swap3A_301 = vector.shape_cast %add3A_295 : vector<16xi32> to vector<1x16xi32>
    tpu.vector_store %arg5[%swap3A_297, %swap3A_298], %swap3A_301 {strides = array<i32>} : memref<4x128xi32, #tpu.memory_space<vmem>>, vector<1x16xi32>,
    %iota3A_302 = tpu.iota {dimensions = array<i32: 0>} : vector<16xi32>
    %add3A_303 = arith.constant 256 : i32
    %add3A_304 = arith.addi %mul3A_2, %add3A_303 : i32
    %add3A_305 = arith.constant 112 : i32
    %add3A_306 = arith.addi %add3A_304, %add3A_305 : i32
    %add3A_307 = vector.broadcast %add3A_306 : i32 to vector<16xi32>
    %add3A_308 = arith.addi %iota3A_302, %add3A_307 : vector<16xi32>
    %swap3A_309 = arith.constant 2 : i32
    %swap3A_310 = arith.index_cast %swap3A_309 : i32 to index
    %swap3A_311 = arith.constant 112 : index
    %swap3A_312 = tpu.vector_load %arg5[%swap3A_310, %swap3A_311] {strides = array<i32>} : memref<4x128xi32, #tpu.memory_space<vmem>>, vector<1x16xi32>,
    %swap3A_313 = vector.shape_cast %swap3A_312 : vector<1x16xi32> to vector<16xi32>
    %swap3A_314 = vector.shape_cast %add3A_308 : vector<16xi32> to vector<1x16xi32>
    tpu.vector_store %arg5[%swap3A_310, %swap3A_311], %swap3A_314 {strides = array<i32>} : memref<4x128xi32, #tpu.memory_space<vmem>>, vector<1x16xi32>,
    %iota3A_315 = tpu.iota {dimensions = array<i32: 0>} : vector<16xi32>
    %add3A_316 = arith.constant 384 : i32
    %add3A_317 = arith.addi %mul3A_2, %add3A_316 : i32
    %add3A_318 = arith.constant 0 : i32
    %add3A_319 = arith.addi %add3A_317, %add3A_318 : i32
    %add3A_320 = vector.broadcast %add3A_319 : i32 to vector<16xi32>
    %add3A_321 = arith.addi %iota3A_315, %add3A_320 : vector<16xi32>
    %swap3A_322 = arith.constant 3 : i32
    %swap3A_323 = arith.index_cast %swap3A_322 : i32 to index
    %swap3A_324 = arith.constant 0 : index
    %swap3A_325 = tpu.vector_load %arg5[%swap3A_323, %swap3A_324] {strides = array<i32>} : memref<4x128xi32, #tpu.memory_space<vmem>>, vector<1x16xi32>,
    %swap3A_326 = vector.shape_cast %swap3A_325 : vector<1x16xi32> to vector<16xi32>
    %swap3A_327 = vector.shape_cast %add3A_321 : vector<16xi32> to vector<1x16xi32>
    tpu.vector_store %arg5[%swap3A_323, %swap3A_324], %swap3A_327 {strides = array<i32>} : memref<4x128xi32, #tpu.memory_space<vmem>>, vector<1x16xi32>,
    %iota3A_328 = tpu.iota {dimensions = array<i32: 0>} : vector<16xi32>
    %add3A_329 = arith.constant 384 : i32
    %add3A_330 = arith.addi %mul3A_2, %add3A_329 : i32
    %add3A_331 = arith.constant 16 : i32
    %add3A_332 = arith.addi %add3A_330, %add3A_331 : i32
    %add3A_333 = vector.broadcast %add3A_332 : i32 to vector<16xi32>
    %add3A_334 = arith.addi %iota3A_328, %add3A_333 : vector<16xi32>
    %swap3A_335 = arith.constant 3 : i32
    %swap3A_336 = arith.index_cast %swap3A_335 : i32 to index
    %swap3A_337 = arith.constant 16 : index
    %swap3A_338 = tpu.vector_load %arg5[%swap3A_336, %swap3A_337] {strides = array<i32>} : memref<4x128xi32, #tpu.memory_space<vmem>>, vector<1x16xi32>,
    %swap3A_339 = vector.shape_cast %swap3A_338 : vector<1x16xi32> to vector<16xi32>
    %swap3A_340 = vector.shape_cast %add3A_334 : vector<16xi32> to vector<1x16xi32>
    tpu.vector_store %arg5[%swap3A_336, %swap3A_337], %swap3A_340 {strides = array<i32>} : memref<4x128xi32, #tpu.memory_space<vmem>>, vector<1x16xi32>,
    %iota3A_341 = tpu.iota {dimensions = array<i32: 0>} : vector<16xi32>
    %add3A_342 = arith.constant 384 : i32
    %add3A_343 = arith.addi %mul3A_2, %add3A_342 : i32
    %add3A_344 = arith.constant 32 : i32
    %add3A_345 = arith.addi %add3A_343, %add3A_344 : i32
    %add3A_346 = vector.broadcast %add3A_345 : i32 to vector<16xi32>
    %add3A_347 = arith.addi %iota3A_341, %add3A_346 : vector<16xi32>
    %swap3A_348 = arith.constant 3 : i32
    %swap3A_349 = arith.index_cast %swap3A_348 : i32 to index
    %swap3A_350 = arith.constant 32 : index
    %swap3A_351 = tpu.vector_load %arg5[%swap3A_349, %swap3A_350] {strides = array<i32>} : memref<4x128xi32, #tpu.memory_space<vmem>>, vector<1x16xi32>,
    %swap3A_352 = vector.shape_cast %swap3A_351 : vector<1x16xi32> to vector<16xi32>
    %swap3A_353 = vector.shape_cast %add3A_347 : vector<16xi32> to vector<1x16xi32>
    tpu.vector_store %arg5[%swap3A_349, %swap3A_350], %swap3A_353 {strides = array<i32>} : memref<4x128xi32, #tpu.memory_space<vmem>>, vector<1x16xi32>,
    %iota3A_354 = tpu.iota {dimensions = array<i32: 0>} : vector<16xi32>
    %add3A_355 = arith.constant 384 : i32
    %add3A_356 = arith.addi %mul3A_2, %add3A_355 : i32
    %add3A_357 = arith.constant 48 : i32
    %add3A_358 = arith.addi %add3A_356, %add3A_357 : i32
    %add3A_359 = vector.broadcast %add3A_358 : i32 to vector<16xi32>
    %add3A_360 = arith.addi %iota3A_354, %add3A_359 : vector<16xi32>
    %swap3A_361 = arith.constant 3 : i32
    %swap3A_362 = arith.index_cast %swap3A_361 : i32 to index
    %swap3A_363 = arith.constant 48 : index
    %swap3A_364 = tpu.vector_load %arg5[%swap3A_362, %swap3A_363] {strides = array<i32>} : memref<4x128xi32, #tpu.memory_space<vmem>>, vector<1x16xi32>,
    %swap3A_365 = vector.shape_cast %swap3A_364 : vector<1x16xi32> to vector<16xi32>
    %swap3A_366 = vector.shape_cast %add3A_360 : vector<16xi32> to vector<1x16xi32>
    tpu.vector_store %arg5[%swap3A_362, %swap3A_363], %swap3A_366 {strides = array<i32>} : memref<4x128xi32, #tpu.memory_space<vmem>>, vector<1x16xi32>,
    %iota3A_367 = tpu.iota {dimensions = array<i32: 0>} : vector<16xi32>
    %add3A_368 = arith.constant 384 : i32
    %add3A_369 = arith.addi %mul3A_2, %add3A_368 : i32
    %add3A_370 = arith.constant 64 : i32
    %add3A_371 = arith.addi %add3A_369, %add3A_370 : i32
    %add3A_372 = vector.broadcast %add3A_371 : i32 to vector<16xi32>
    %add3A_373 = arith.addi %iota3A_367, %add3A_372 : vector<16xi32>
    %swap3A_374 = arith.constant 3 : i32
    %swap3A_375 = arith.index_cast %swap3A_374 : i32 to index
    %swap3A_376 = arith.constant 64 : index
    %swap3A_377 = tpu.vector_load %arg5[%swap3A_375, %swap3A_376] {strides = array<i32>} : memref<4x128xi32, #tpu.memory_space<vmem>>, vector<1x16xi32>,
    %swap3A_378 = vector.shape_cast %swap3A_377 : vector<1x16xi32> to vector<16xi32>
    %swap3A_379 = vector.shape_cast %add3A_373 : vector<16xi32> to vector<1x16xi32>
    tpu.vector_store %arg5[%swap3A_375, %swap3A_376], %swap3A_379 {strides = array<i32>} : memref<4x128xi32, #tpu.memory_space<vmem>>, vector<1x16xi32>,
    %iota3A_380 = tpu.iota {dimensions = array<i32: 0>} : vector<16xi32>
    %add3A_381 = arith.constant 384 : i32
    %add3A_382 = arith.addi %mul3A_2, %add3A_381 : i32
    %add3A_383 = arith.constant 80 : i32
    %add3A_384 = arith.addi %add3A_382, %add3A_383 : i32
    %add3A_385 = vector.broadcast %add3A_384 : i32 to vector<16xi32>
    %add3A_386 = arith.addi %iota3A_380, %add3A_385 : vector<16xi32>
    %swap3A_387 = arith.constant 3 : i32
    %swap3A_388 = arith.index_cast %swap3A_387 : i32 to index
    %swap3A_389 = arith.constant 80 : index
    %swap3A_390 = tpu.vector_load %arg5[%swap3A_388, %swap3A_389] {strides = array<i32>} : memref<4x128xi32, #tpu.memory_space<vmem>>, vector<1x16xi32>,
    %swap3A_391 = vector.shape_cast %swap3A_390 : vector<1x16xi32> to vector<16xi32>
    %swap3A_392 = vector.shape_cast %add3A_386 : vector<16xi32> to vector<1x16xi32>
    tpu.vector_store %arg5[%swap3A_388, %swap3A_389], %swap3A_392 {strides = array<i32>} : memref<4x128xi32, #tpu.memory_space<vmem>>, vector<1x16xi32>,
    %iota3A_393 = tpu.iota {dimensions = array<i32: 0>} : vector<16xi32>
    %add3A_394 = arith.constant 384 : i32
    %add3A_395 = arith.addi %mul3A_2, %add3A_394 : i32
    %add3A_396 = arith.constant 96 : i32
    %add3A_397 = arith.addi %add3A_395, %add3A_396 : i32
    %add3A_398 = vector.broadcast %add3A_397 : i32 to vector<16xi32>
    %add3A_399 = arith.addi %iota3A_393, %add3A_398 : vector<16xi32>
    %swap3A_400 = arith.constant 3 : i32
    %swap3A_401 = arith.index_cast %swap3A_400 : i32 to index
    %swap3A_402 = arith.constant 96 : index
    %swap3A_403 = tpu.vector_load %arg5[%swap3A_401, %swap3A_402] {strides = array<i32>} : memref<4x128xi32, #tpu.memory_space<vmem>>, vector<1x16xi32>,
    %swap3A_404 = vector.shape_cast %swap3A_403 : vector<1x16xi32> to vector<16xi32>
    %swap3A_405 = vector.shape_cast %add3A_399 : vector<16xi32> to vector<1x16xi32>
    tpu.vector_store %arg5[%swap3A_401, %swap3A_402], %swap3A_405 {strides = array<i32>} : memref<4x128xi32, #tpu.memory_space<vmem>>, vector<1x16xi32>,
    %iota3A_406 = tpu.iota {dimensions = array<i32: 0>} : vector<16xi32>
    %add3A_407 = arith.constant 384 : i32
    %add3A_408 = arith.addi %mul3A_2, %add3A_407 : i32
    %add3A_409 = arith.constant 112 : i32
    %add3A_410 = arith.addi %add3A_408, %add3A_409 : i32
    %add3A_411 = vector.broadcast %add3A_410 : i32 to vector<16xi32>
    %add3A_412 = arith.addi %iota3A_406, %add3A_411 : vector<16xi32>
    %swap3A_413 = arith.constant 3 : i32
    %swap3A_414 = arith.index_cast %swap3A_413 : i32 to index
    %swap3A_415 = arith.constant 112 : index
    %swap3A_416 = tpu.vector_load %arg5[%swap3A_414, %swap3A_415] {strides = array<i32>} : memref<4x128xi32, #tpu.memory_space<vmem>>, vector<1x16xi32>,
    %swap3A_417 = vector.shape_cast %swap3A_416 : vector<1x16xi32> to vector<16xi32>
    %swap3A_418 = vector.shape_cast %add3A_412 : vector<16xi32> to vector<1x16xi32>
    tpu.vector_store %arg5[%swap3A_414, %swap3A_415], %swap3A_418 {strides = array<i32>} : memref<4x128xi32, #tpu.memory_space<vmem>>, vector<1x16xi32>,
    %dma_start3A = arith.constant 0 : i32
    %dma_start3A_419 = arith.constant 0 : i32
    %dma_start3A_420 = arith.constant 0 : i32
    %dma_start3A_421 = tpu.memref_slice %arg5[%dma_start3A, %dma_start3A_420] : memref<4x128xi32, #tpu.memory_space<vmem>> -> memref<1x128xi32, #tpu.memory_space<vmem>>
    %dma_start3A_422 = tpu.memref_squeeze %dma_start3A_421 : memref<1x128xi32, #tpu.memory_space<vmem>> -> memref<128xi32, #tpu.memory_space<vmem>>
    %dma_start3A_423 = arith.constant 0 : i32
    %dma_start3A_424 = tpu.memref_slice %arg4[%dma_start3A_419, %dma_start3A_423] : memref<4x128xi32, #tpu.memory_space<vmem>> -> memref<1x128xi32, #tpu.memory_space<vmem>>
    %dma_start3A_425 = tpu.memref_squeeze %dma_start3A_424 : memref<1x128xi32, #tpu.memory_space<vmem>> -> memref<128xi32, #tpu.memory_space<vmem>>
    %dma_start3A_426 = arith.constant 0 : i32
    %dma_start3A_427 = tpu.memref_slice %arg3[%dma_start3A_426] : memref<16384xi32, #tpu.memory_space<hbm>> -> memref<16384xi32, #tpu.memory_space<hbm>>
    tpu.enqueue_indirect_dma source(%dma_start3A_422 : memref<128xi32, #tpu.memory_space<vmem>>) target(%dma_start3A_427 : memref<16384xi32, #tpu.memory_space<hbm>>) offsets(%dma_start3A_425 : memref<128xi32, #tpu.memory_space<vmem>>) semaphore(%arg6 : memref<!tpu.dma_semaphore, #tpu.memory_space<semaphore_mem>>)
    %dma_start3A_428 = arith.constant 1 : i32
    %dma_start3A_429 = arith.constant 1 : i32
    %dma_start3A_430 = arith.constant 0 : i32
    %dma_start3A_431 = tpu.memref_slice %arg5[%dma_start3A_428, %dma_start3A_430] : memref<4x128xi32, #tpu.memory_space<vmem>> -> memref<1x128xi32, #tpu.memory_space<vmem>>
    %dma_start3A_432 = tpu.memref_squeeze %dma_start3A_431 : memref<1x128xi32, #tpu.memory_space<vmem>> -> memref<128xi32, #tpu.memory_space<vmem>>
    %dma_start3A_433 = arith.constant 0 : i32
    %dma_start3A_434 = tpu.memref_slice %arg4[%dma_start3A_429, %dma_start3A_433] : memref<4x128xi32, #tpu.memory_space<vmem>> -> memref<1x128xi32, #tpu.memory_space<vmem>>
    %dma_start3A_435 = tpu.memref_squeeze %dma_start3A_434 : memref<1x128xi32, #tpu.memory_space<vmem>> -> memref<128xi32, #tpu.memory_space<vmem>>
    %dma_start3A_436 = arith.constant 0 : i32
    %dma_start3A_437 = tpu.memref_slice %arg3[%dma_start3A_436] : memref<16384xi32, #tpu.memory_space<hbm>> -> memref<16384xi32, #tpu.memory_space<hbm>>
    tpu.enqueue_indirect_dma source(%dma_start3A_432 : memref<128xi32, #tpu.memory_space<vmem>>) target(%dma_start3A_437 : memref<16384xi32, #tpu.memory_space<hbm>>) offsets(%dma_start3A_435 : memref<128xi32, #tpu.memory_space<vmem>>) semaphore(%arg6 : memref<!tpu.dma_semaphore, #tpu.memory_space<semaphore_mem>>)
    %dma_start3A_438 = arith.constant 2 : i32
    %dma_start3A_439 = arith.constant 2 : i32
    %dma_start3A_440 = arith.constant 0 : i32
    %dma_start3A_441 = tpu.memref_slice %arg5[%dma_start3A_438, %dma_start3A_440] : memref<4x128xi32, #tpu.memory_space<vmem>> -> memref<1x128xi32, #tpu.memory_space<vmem>>
    %dma_start3A_442 = tpu.memref_squeeze %dma_start3A_441 : memref<1x128xi32, #tpu.memory_space<vmem>> -> memref<128xi32, #tpu.memory_space<vmem>>
    %dma_start3A_443 = arith.constant 0 : i32
    %dma_start3A_444 = tpu.memref_slice %arg4[%dma_start3A_439, %dma_start3A_443] : memref<4x128xi32, #tpu.memory_space<vmem>> -> memref<1x128xi32, #tpu.memory_space<vmem>>
    %dma_start3A_445 = tpu.memref_squeeze %dma_start3A_444 : memref<1x128xi32, #tpu.memory_space<vmem>> -> memref<128xi32, #tpu.memory_space<vmem>>
    %dma_start3A_446 = arith.constant 0 : i32
    %dma_start3A_447 = tpu.memref_slice %arg3[%dma_start3A_446] : memref<16384xi32, #tpu.memory_space<hbm>> -> memref<16384xi32, #tpu.memory_space<hbm>>
    tpu.enqueue_indirect_dma source(%dma_start3A_442 : memref<128xi32, #tpu.memory_space<vmem>>) target(%dma_start3A_447 : memref<16384xi32, #tpu.memory_space<hbm>>) offsets(%dma_start3A_445 : memref<128xi32, #tpu.memory_space<vmem>>) semaphore(%arg6 : memref<!tpu.dma_semaphore, #tpu.memory_space<semaphore_mem>>)
    %dma_start3A_448 = arith.constant 3 : i32
    %dma_start3A_449 = arith.constant 3 : i32
    %dma_start3A_450 = arith.constant 0 : i32
    %dma_start3A_451 = tpu.memref_slice %arg5[%dma_start3A_448, %dma_start3A_450] : memref<4x128xi32, #tpu.memory_space<vmem>> -> memref<1x128xi32, #tpu.memory_space<vmem>>
    %dma_start3A_452 = tpu.memref_squeeze %dma_start3A_451 : memref<1x128xi32, #tpu.memory_space<vmem>> -> memref<128xi32, #tpu.memory_space<vmem>>
    %dma_start3A_453 = arith.constant 0 : i32
    %dma_start3A_454 = tpu.memref_slice %arg4[%dma_start3A_449, %dma_start3A_453] : memref<4x128xi32, #tpu.memory_space<vmem>> -> memref<1x128xi32, #tpu.memory_space<vmem>>
    %dma_start3A_455 = tpu.memref_squeeze %dma_start3A_454 : memref<1x128xi32, #tpu.memory_space<vmem>> -> memref<128xi32, #tpu.memory_space<vmem>>
    %dma_start3A_456 = arith.constant 0 : i32
    %dma_start3A_457 = tpu.memref_slice %arg3[%dma_start3A_456] : memref<16384xi32, #tpu.memory_space<hbm>> -> memref<16384xi32, #tpu.memory_space<hbm>>
    tpu.enqueue_indirect_dma source(%dma_start3A_452 : memref<128xi32, #tpu.memory_space<vmem>>) target(%dma_start3A_457 : memref<16384xi32, #tpu.memory_space<hbm>>) offsets(%dma_start3A_455 : memref<128xi32, #tpu.memory_space<vmem>>) semaphore(%arg6 : memref<!tpu.dma_semaphore, #tpu.memory_space<semaphore_mem>>)
    %dma_wait3A = arith.constant 0 : i32
    %dma_wait3A_458 = arith.constant 0 : i32
    %dma_wait3A_459 = arith.constant 0 : i32
    %dma_wait3A_460 = tpu.memref_slice %arg5[%dma_wait3A, %dma_wait3A_459] : memref<4x128xi32, #tpu.memory_space<vmem>> -> memref<1x128xi32, #tpu.memory_space<vmem>>
    %dma_wait3A_461 = tpu.memref_squeeze %dma_wait3A_460 : memref<1x128xi32, #tpu.memory_space<vmem>> -> memref<128xi32, #tpu.memory_space<vmem>>
    %dma_wait3A_462 = arith.constant 0 : i32
    %dma_wait3A_463 = tpu.memref_slice %arg4[%dma_wait3A_458, %dma_wait3A_462] : memref<4x128xi32, #tpu.memory_space<vmem>> -> memref<1x128xi32, #tpu.memory_space<vmem>>
    %dma_wait3A_464 = tpu.memref_squeeze %dma_wait3A_463 : memref<1x128xi32, #tpu.memory_space<vmem>> -> memref<128xi32, #tpu.memory_space<vmem>>
    %dma_wait3A_465 = arith.constant 0 : i32
    %dma_wait3A_466 = tpu.memref_slice %arg3[%dma_wait3A_465] : memref<16384xi32, #tpu.memory_space<hbm>> -> memref<16384xi32, #tpu.memory_space<hbm>>
    tpu.wait_indirect_dma semaphore(%arg6 : memref<!tpu.dma_semaphore, #tpu.memory_space<semaphore_mem>>) src(%dma_wait3A_461 : memref<128xi32, #tpu.memory_space<vmem>>) dst(%dma_wait3A_466 : memref<16384xi32, #tpu.memory_space<hbm>>)
    %dma_wait3A_467 = arith.constant 1 : i32
    %dma_wait3A_468 = arith.constant 1 : i32
    %dma_wait3A_469 = arith.constant 0 : i32
    %dma_wait3A_470 = tpu.memref_slice %arg5[%dma_wait3A_467, %dma_wait3A_469] : memref<4x128xi32, #tpu.memory_space<vmem>> -> memref<1x128xi32, #tpu.memory_space<vmem>>
    %dma_wait3A_471 = tpu.memref_squeeze %dma_wait3A_470 : memref<1x128xi32, #tpu.memory_space<vmem>> -> memref<128xi32, #tpu.memory_space<vmem>>
    %dma_wait3A_472 = arith.constant 0 : i32
    %dma_wait3A_473 = tpu.memref_slice %arg4[%dma_wait3A_468, %dma_wait3A_472] : memref<4x128xi32, #tpu.memory_space<vmem>> -> memref<1x128xi32, #tpu.memory_space<vmem>>
    %dma_wait3A_474 = tpu.memref_squeeze %dma_wait3A_473 : memref<1x128xi32, #tpu.memory_space<vmem>> -> memref<128xi32, #tpu.memory_space<vmem>>
    %dma_wait3A_475 = arith.constant 0 : i32
    %dma_wait3A_476 = tpu.memref_slice %arg3[%dma_wait3A_475] : memref<16384xi32, #tpu.memory_space<hbm>> -> memref<16384xi32, #tpu.memory_space<hbm>>
    tpu.wait_indirect_dma semaphore(%arg6 : memref<!tpu.dma_semaphore, #tpu.memory_space<semaphore_mem>>) src(%dma_wait3A_471 : memref<128xi32, #tpu.memory_space<vmem>>) dst(%dma_wait3A_476 : memref<16384xi32, #tpu.memory_space<hbm>>)
    %dma_wait3A_477 = arith.constant 2 : i32
    %dma_wait3A_478 = arith.constant 2 : i32
    %dma_wait3A_479 = arith.constant 0 : i32
    %dma_wait3A_480 = tpu.memref_slice %arg5[%dma_wait3A_477, %dma_wait3A_479] : memref<4x128xi32, #tpu.memory_space<vmem>> -> memref<1x128xi32, #tpu.memory_space<vmem>>
    %dma_wait3A_481 = tpu.memref_squeeze %dma_wait3A_480 : memref<1x128xi32, #tpu.memory_space<vmem>> -> memref<128xi32, #tpu.memory_space<vmem>>
    %dma_wait3A_482 = arith.constant 0 : i32
    %dma_wait3A_483 = tpu.memref_slice %arg4[%dma_wait3A_478, %dma_wait3A_482] : memref<4x128xi32, #tpu.memory_space<vmem>> -> memref<1x128xi32, #tpu.memory_space<vmem>>
    %dma_wait3A_484 = tpu.memref_squeeze %dma_wait3A_483 : memref<1x128xi32, #tpu.memory_space<vmem>> -> memref<128xi32, #tpu.memory_space<vmem>>
    %dma_wait3A_485 = arith.constant 0 : i32
    %dma_wait3A_486 = tpu.memref_slice %arg3[%dma_wait3A_485] : memref<16384xi32, #tpu.memory_space<hbm>> -> memref<16384xi32, #tpu.memory_space<hbm>>
    tpu.wait_indirect_dma semaphore(%arg6 : memref<!tpu.dma_semaphore, #tpu.memory_space<semaphore_mem>>) src(%dma_wait3A_481 : memref<128xi32, #tpu.memory_space<vmem>>) dst(%dma_wait3A_486 : memref<16384xi32, #tpu.memory_space<hbm>>)
    %dma_wait3A_487 = arith.constant 3 : i32
    %dma_wait3A_488 = arith.constant 3 : i32
    %dma_wait3A_489 = arith.constant 0 : i32
    %dma_wait3A_490 = tpu.memref_slice %arg5[%dma_wait3A_487, %dma_wait3A_489] : memref<4x128xi32, #tpu.memory_space<vmem>> -> memref<1x128xi32, #tpu.memory_space<vmem>>
    %dma_wait3A_491 = tpu.memref_squeeze %dma_wait3A_490 : memref<1x128xi32, #tpu.memory_space<vmem>> -> memref<128xi32, #tpu.memory_space<vmem>>
    %dma_wait3A_492 = arith.constant 0 : i32
    %dma_wait3A_493 = tpu.memref_slice %arg4[%dma_wait3A_488, %dma_wait3A_492] : memref<4x128xi32, #tpu.memory_space<vmem>> -> memref<1x128xi32, #tpu.memory_space<vmem>>
    %dma_wait3A_494 = tpu.memref_squeeze %dma_wait3A_493 : memref<1x128xi32, #tpu.memory_space<vmem>> -> memref<128xi32, #tpu.memory_space<vmem>>
    %dma_wait3A_495 = arith.constant 0 : i32
    %dma_wait3A_496 = tpu.memref_slice %arg3[%dma_wait3A_495] : memref<16384xi32, #tpu.memory_space<hbm>> -> memref<16384xi32, #tpu.memory_space<hbm>>
    tpu.wait_indirect_dma semaphore(%arg6 : memref<!tpu.dma_semaphore, #tpu.memory_space<semaphore_mem>>) src(%dma_wait3A_491 : memref<128xi32, #tpu.memory_space<vmem>>) dst(%dma_wait3A_496 : memref<16384xi32, #tpu.memory_space<hbm>>)
    return
  }
}

module attributes {stable_mosaic.version = 14 : i64} {
  func.func @_prep_body(%arg0: memref<16x128xf32, #tpu.memory_space<vmem>>, %arg1: memref<1024x128xf32, #tpu.memory_space<vmem>>, %arg2: memref<1x1024xf32, #tpu.memory_space<vmem>>, %arg3: memref<1024x2048xf32, #tpu.memory_space<vmem>>, %arg4: memref<1x1024xf32, #tpu.memory_space<vmem>>, %arg5: memref<16x1024xf32, #tpu.memory_space<vmem>>, %arg6: memref<16x2048xf32, #tpu.memory_space<vmem>>, %arg7: memref<1x16xf32, #tpu.memory_space<vmem>>) attributes {dimension_semantics = [], scalar_prefetch = 0 : i64, scratch_operands = 0 : i64, tpu.core_type = #tpu.core_type<tc>} {
    %get3A = arith.constant 0 : index
    %get3A_0 = arith.constant 0 : index
    %get3A_1 = vector.load %arg0[%get3A, %get3A_0] : memref<16x128xf32, #tpu.memory_space<vmem>>, vector<16x128xf32>
    %get3A_2 = arith.constant 0 : index
    %get3A_3 = arith.constant 0 : index
    %get3A_4 = vector.load %arg1[%get3A_2, %get3A_3] : memref<1024x128xf32, #tpu.memory_space<vmem>>, vector<1024x128xf32>
    %dot_general3A = arith.constant dense<0.000000e+00> : vector<16x1024xf32>
    %dot_general3A_5 = tpu.matmul %get3A_1, %get3A_4, %dot_general3A {dimension_numbers = #tpu.dot_dimension_numbers<[1], [1], [0], [0], [0, 0, 1, 0], [], []>, transpose_lhs_hint = false} : vector<16x128xf32>, vector<1024x128xf32>, vector<16x1024xf32> -> vector<16x1024xf32>
    %get3A_6 = arith.constant 0 : index
    %get3A_7 = arith.constant 0 : index
    %get3A_8 = vector.load %arg2[%get3A_6, %get3A_7] : memref<1x1024xf32, #tpu.memory_space<vmem>>, vector<1x1024xf32>
    %add3A = vector.broadcast %get3A_8 : vector<1x1024xf32> to vector<16x1024xf32>
    %add3A_9 = arith.addf %dot_general3A_5, %add3A : vector<16x1024xf32>
    %swap3A = arith.constant 0 : index
    %swap3A_10 = arith.constant 0 : index
    %swap3A_11 = vector.load %arg5[%swap3A, %swap3A_10] : memref<16x1024xf32, #tpu.memory_space<vmem>>, vector<16x1024xf32>
    tpu.vector_store %arg5[%swap3A, %swap3A_10], %add3A_9 {strides = array<i32>} : memref<16x1024xf32, #tpu.memory_space<vmem>>, vector<16x1024xf32>,
    %get3A_12 = arith.constant 0 : index
    %get3A_13 = arith.constant 0 : index
    %get3A_14 = vector.load %arg3[%get3A_12, %get3A_13] : memref<1024x2048xf32, #tpu.memory_space<vmem>>, vector<1024x2048xf32>
    %dot_general3A_15 = arith.constant dense<0.000000e+00> : vector<16x2048xf32>
    %dot_general3A_16 = tpu.matmul %add3A_9, %get3A_14, %dot_general3A_15 {dimension_numbers = #tpu.dot_dimension_numbers<[1], [0], [0], [1], [0, 0, 1, 1], [], []>, transpose_lhs_hint = false} : vector<16x1024xf32>, vector<1024x2048xf32>, vector<16x2048xf32> -> vector<16x2048xf32>
    %swap3A_17 = arith.constant 0 : index
    %swap3A_18 = arith.constant 0 : index
    %swap3A_19 = vector.load %arg6[%swap3A_17, %swap3A_18] : memref<16x2048xf32, #tpu.memory_space<vmem>>, vector<16x2048xf32>
    tpu.vector_store %arg6[%swap3A_17, %swap3A_18], %dot_general3A_16 {strides = array<i32>} : memref<16x2048xf32, #tpu.memory_space<vmem>>, vector<16x2048xf32>,
    %get3A_20 = arith.constant 0 : index
    %get3A_21 = arith.constant 0 : index
    %get3A_22 = vector.load %arg4[%get3A_20, %get3A_21] : memref<1x1024xf32, #tpu.memory_space<vmem>>, vector<1x1024xf32>
    %dot_general3A_23 = arith.constant dense<0.000000e+00> : vector<1x16xf32>
    %dot_general3A_24 = tpu.matmul %get3A_22, %add3A_9, %dot_general3A_23 {dimension_numbers = #tpu.dot_dimension_numbers<[1], [1], [0], [0], [0, 0, 1, 0], [], []>, transpose_lhs_hint = false} : vector<1x1024xf32>, vector<16x1024xf32>, vector<1x16xf32> -> vector<1x16xf32>
    %swap3A_25 = arith.constant 0 : index
    %swap3A_26 = arith.constant 0 : index
    %swap3A_27 = vector.load %arg7[%swap3A_25, %swap3A_26] : memref<1x16xf32, #tpu.memory_space<vmem>>, vector<1x16xf32>
    tpu.vector_store %arg7[%swap3A_25, %swap3A_26], %dot_general3A_24 {strides = array<i32>} : memref<1x16xf32, #tpu.memory_space<vmem>>, vector<1x16xf32>,
    return
  }
}

module attributes {stable_mosaic.version = 14 : i64} {
  func.func @_p1_body(%arg0: i32, %arg1: memref<1024x2048xf32, #tpu.memory_space<vmem>>, %arg2: memref<16x2048xf32, #tpu.memory_space<vmem>>, %arg3: memref<1x16xf32, #tpu.memory_space<vmem>>, %arg4: memref<1024x1024xf32, #tpu.memory_space<vmem>>, %arg5: memref<1x1024x1xi32, #tpu.memory_space<vmem>>, %arg6: memref<1x1024x1xi32, #tpu.memory_space<vmem>>, %arg7: memref<1x1024x1xf32, #tpu.memory_space<vmem>>, %arg8: memref<1x1024x1xf32, #tpu.memory_space<vmem>>, %arg9: memref<1x1024x1xi32, #tpu.memory_space<vmem>>, %arg10: memref<1x1xf32, #tpu.memory_space<vmem>>, %arg11: memref<1x1xf32, #tpu.memory_space<smem>>, %arg12: memref<1x1xi32, #tpu.memory_space<smem>>, %arg13: memref<1x1xi32, #tpu.memory_space<smem>>) attributes {dimension_semantics = [#tpu.dimension_semantics<arbitrary>], iteration_bounds = array<i64: 16>, scalar_prefetch = 0 : i64, scratch_operands = 3 : i64, tpu.core_type = #tpu.core_type<tc>, window_params = [{transform_indices = @transform_0, window_bounds = array<i64: 1024, 2048>}, {pipeline_mode = #tpu.pipeline_mode<synchronous>, transform_indices = @transform_1, window_bounds = array<i64: 16, 2048>}, {pipeline_mode = #tpu.pipeline_mode<synchronous>, transform_indices = @transform_2, window_bounds = array<i64: 1, 16>}, {pipeline_mode = #tpu.pipeline_mode<synchronous>, transform_indices = @transform_3, window_bounds = array<i64: 1024, 1024>}, {transform_indices = @transform_4, window_bounds = array<i64: 1, 1024, 1>}, {transform_indices = @transform_5, window_bounds = array<i64: 1, 1024, 1>}, {transform_indices = @transform_6, window_bounds = array<i64: 1, 1024, 1>}, {transform_indices = @transform_7, window_bounds = array<i64: 1, 1024, 1>}, {transform_indices = @transform_8, window_bounds = array<i64: 1, 1024, 1>}, {pipeline_mode = #tpu.pipeline_mode<synchronous>, transform_indices = @transform_9, window_bounds = array<i64: 1, 1>}]} {
    %eq3A = arith.constant 0 : i32
    %eq3A_0 = arith.cmpi eq, %arg0, %eq3A : i32
    %convert_element_type3A = arith.extui %eq3A_0 : i1 to i32
    %cond3A = arith.constant 0 : i32
    %cond3A_1 = arith.cmpi ne, %convert_element_type3A, %cond3A : i32
    scf.if %cond3A_1 {
      %swap3A_149 = arith.constant 0.000000e+00 : f32
      %swap3A_150 = arith.constant 0 : index
      %swap3A_151 = arith.constant 0 : index
      %swap3A_152 = memref.load %arg11[%swap3A_150, %swap3A_151] : memref<1x1xf32, #tpu.memory_space<smem>>
      memref.store %swap3A_149, %arg11[%swap3A_150, %swap3A_151] : memref<1x1xf32, #tpu.memory_space<smem>>
      %swap3A_153 = arith.constant 0 : i32
      %swap3A_154 = arith.constant 0 : index
      %swap3A_155 = arith.constant 0 : index
      %swap3A_156 = memref.load %arg12[%swap3A_154, %swap3A_155] : memref<1x1xi32, #tpu.memory_space<smem>>
      memref.store %swap3A_153, %arg12[%swap3A_154, %swap3A_155] : memref<1x1xi32, #tpu.memory_space<smem>>
      %swap3A_157 = arith.constant 0 : i32
      %swap3A_158 = arith.constant 0 : index
      %swap3A_159 = arith.constant 0 : index
      %swap3A_160 = memref.load %arg13[%swap3A_158, %swap3A_159] : memref<1x1xi32, #tpu.memory_space<smem>>
      memref.store %swap3A_157, %arg13[%swap3A_158, %swap3A_159] : memref<1x1xi32, #tpu.memory_space<smem>>
    } else {
    }
    %get3A = arith.constant 0 : index
    %get3A_2 = arith.constant 0 : index
    %get3A_3 = vector.load %arg1[%get3A, %get3A_2] : memref<1024x2048xf32, #tpu.memory_space<vmem>>, vector<1024x2048xf32>
    %get3A_4 = arith.constant 0 : index
    %get3A_5 = arith.constant 0 : index
    %get3A_6 = vector.load %arg2[%get3A_4, %get3A_5] : memref<16x2048xf32, #tpu.memory_space<vmem>>, vector<16x2048xf32>
    %dot_general3A = arith.constant dense<0.000000e+00> : vector<1024x16xf32>
    %dot_general3A_7 = tpu.matmul %get3A_3, %get3A_6, %dot_general3A {dimension_numbers = #tpu.dot_dimension_numbers<[1], [1], [0], [0], [0, 0, 1, 0], [], []>, transpose_lhs_hint = false} : vector<1024x2048xf32>, vector<16x2048xf32>, vector<1024x16xf32> -> vector<1024x16xf32>
    %get3A_8 = arith.constant 0 : index
    %get3A_9 = arith.constant 0 : index
    %get3A_10 = vector.load %arg3[%get3A_8, %get3A_9] : memref<1x16xf32, #tpu.memory_space<vmem>>, vector<1x16xf32>
    %add3A = vector.broadcast %get3A_10 : vector<1x16xf32> to vector<1024x16xf32>
    %add3A_11 = arith.addf %dot_general3A_7, %add3A : vector<1024x16xf32>
    %iota3A = tpu.iota {dimensions = array<i32: 1>} : vector<1024x16xi32>
    %reduce_max3A = arith.constant dense<0xFF800000> : vector<1024xf32>
    %reduce_max3A_12 = vector.multi_reduction <maximumf>, %add3A_11, %reduce_max3A [1] : vector<1024x16xf32> to vector<1024xf32>
    %broadcast_in_dim3A = vector.shape_cast %reduce_max3A_12 : vector<1024xf32> to vector<1024x1xf32>
    %eq3A_13 = vector.broadcast %broadcast_in_dim3A : vector<1024x1xf32> to vector<1024x16xf32>
    %eq3A_14 = arith.cmpf oeq, %add3A_11, %eq3A_13 : vector<1024x16xf32>
    %jit3A = arith.constant 16 : i32
    %broadcast_in_dim3A_15 = vector.broadcast %jit3A : i32 to vector<1024x16xi32>
    %select_n3A = arith.select %eq3A_14, %iota3A, %broadcast_in_dim3A_15 : vector<1024x16xi1>, vector<1024x16xi32>
    %reduce_min3A = arith.constant dense<2147483647> : vector<1024xi32>
    %reduce_min3A_16 = vector.multi_reduction <minsi>, %select_n3A, %reduce_min3A [1] : vector<1024x16xi32> to vector<1024xi32>
    %broadcast_in_dim3A_17 = vector.shape_cast %reduce_min3A_16 : vector<1024xi32> to vector<1024x1xi32>
    %eq3A_18 = vector.broadcast %broadcast_in_dim3A_17 : vector<1024x1xi32> to vector<1024x16xi32>
    %eq3A_19 = arith.cmpi eq, %iota3A, %eq3A_18 : vector<1024x16xi32>
    %jit3A_20 = arith.constant 0xFF800000 : f32
    %broadcast_in_dim3A_21 = vector.broadcast %jit3A_20 : f32 to vector<1024x16xf32>
    %select_n3A_22 = arith.select %eq3A_19, %broadcast_in_dim3A_21, %add3A_11 : vector<1024x16xi1>, vector<1024x16xf32>
    %reduce_max3A_23 = arith.constant dense<0xFF800000> : vector<1024xf32>
    %reduce_max3A_24 = vector.multi_reduction <maximumf>, %select_n3A_22, %reduce_max3A_23 [1] : vector<1024x16xf32> to vector<1024xf32>
    %broadcast_in_dim3A_25 = vector.shape_cast %reduce_max3A_24 : vector<1024xf32> to vector<1024x1xf32>
    %eq3A_26 = vector.broadcast %broadcast_in_dim3A_25 : vector<1024x1xf32> to vector<1024x16xf32>
    %eq3A_27 = arith.cmpf oeq, %select_n3A_22, %eq3A_26 : vector<1024x16xf32>
    %jit3A_28 = arith.constant 16 : i32
    %broadcast_in_dim3A_29 = vector.broadcast %jit3A_28 : i32 to vector<1024x16xi32>
    %select_n3A_30 = arith.select %eq3A_27, %iota3A, %broadcast_in_dim3A_29 : vector<1024x16xi1>, vector<1024x16xi32>
    %reduce_min3A_31 = arith.constant dense<2147483647> : vector<1024xi32>
    %reduce_min3A_32 = vector.multi_reduction <minsi>, %select_n3A_30, %reduce_min3A_31 [1] : vector<1024x16xi32> to vector<1024xi32>
    %broadcast_in_dim3A_33 = vector.shape_cast %reduce_min3A_32 : vector<1024xi32> to vector<1024x1xi32>
    %sub3A = arith.subf %broadcast_in_dim3A_25, %broadcast_in_dim3A : vector<1024x1xf32>
    %exp3A = math.exp %sub3A : vector<1024x1xf32>
    %add3A_34 = arith.constant 1.000000e+00 : f32
    %add3A_35 = vector.broadcast %add3A_34 : f32 to vector<1024x1xf32>
    %add3A_36 = arith.addf %add3A_35, %exp3A : vector<1024x1xf32>
    %div3A = arith.constant 1.000000e+00 : f32
    %div3A_37 = vector.broadcast %div3A : f32 to vector<1024x1xf32>
    %div3A_38 = arith.divf %div3A_37, %add3A_36 : vector<1024x1xf32>
    %add3A_39 = arith.constant 1.000000e+00 : f32
    %add3A_40 = vector.broadcast %add3A_39 : f32 to vector<1024x1xf32>
    %add3A_41 = arith.addf %add3A_40, %exp3A : vector<1024x1xf32>
    %div3A_42 = arith.divf %exp3A, %add3A_41 : vector<1024x1xf32>
    %eq3A_43 = vector.broadcast %broadcast_in_dim3A_33 : vector<1024x1xi32> to vector<1024x16xi32>
    %eq3A_44 = arith.cmpi eq, %iota3A, %eq3A_43 : vector<1024x16xi32>
    %jit3A_45 = arith.constant 0xFF800000 : f32
    %broadcast_in_dim3A_46 = vector.broadcast %jit3A_45 : f32 to vector<1024x16xf32>
    %select_n3A_47 = arith.select %eq3A_44, %broadcast_in_dim3A_46, %select_n3A_22 : vector<1024x16xi1>, vector<1024x16xf32>
    %reduce_max3A_48 = arith.constant dense<0xFF800000> : vector<1024xf32>
    %reduce_max3A_49 = vector.multi_reduction <maximumf>, %select_n3A_47, %reduce_max3A_48 [1] : vector<1024x16xf32> to vector<1024xf32>
    %broadcast_in_dim3A_50 = vector.shape_cast %reduce_max3A_49 : vector<1024xf32> to vector<1024x1xf32>
    %sub3A_51 = arith.subf %broadcast_in_dim3A, %broadcast_in_dim3A_25 : vector<1024x1xf32>
    %lt3A = arith.constant 8.000000e-03 : f32
    %lt3A_52 = vector.broadcast %lt3A : f32 to vector<1024x1xf32>
    %lt3A_53 = arith.cmpf olt, %sub3A_51, %lt3A_52 : vector<1024x1xf32>
    %sub3A_54 = arith.subf %broadcast_in_dim3A_25, %broadcast_in_dim3A_50 : vector<1024x1xf32>
    %lt3A_55 = arith.constant 8.000000e-03 : f32
    %lt3A_56 = vector.broadcast %lt3A_55 : f32 to vector<1024x1xf32>
    %lt3A_57 = arith.cmpf olt, %sub3A_54, %lt3A_56 : vector<1024x1xf32>
    %or3A = arith.ori %lt3A_53, %lt3A_57 : vector<1024x1xi1>
    %swap3A = arith.constant 0 : index
    %swap3A_58 = arith.constant 0 : index
    %swap3A_59 = arith.constant 0 : index
    %swap3A_60 = vector.load %arg5[%swap3A, %swap3A_58, %swap3A_59] : memref<1x1024x1xi32, #tpu.memory_space<vmem>>, vector<1x1024x1xi32>
    %swap3A_61 = vector.shape_cast %swap3A_60 : vector<1x1024x1xi32> to vector<1024x1xi32>
    %swap3A_62 = vector.shape_cast %broadcast_in_dim3A_17 : vector<1024x1xi32> to vector<1x1024x1xi32>
    tpu.vector_store %arg5[%swap3A, %swap3A_58, %swap3A_59], %swap3A_62 {strides = array<i32>} : memref<1x1024x1xi32, #tpu.memory_space<vmem>>, vector<1x1024x1xi32>,
    %swap3A_63 = arith.constant 0 : index
    %swap3A_64 = arith.constant 0 : index
    %swap3A_65 = arith.constant 0 : index
    %swap3A_66 = vector.load %arg6[%swap3A_63, %swap3A_64, %swap3A_65] : memref<1x1024x1xi32, #tpu.memory_space<vmem>>, vector<1x1024x1xi32>
    %swap3A_67 = vector.shape_cast %swap3A_66 : vector<1x1024x1xi32> to vector<1024x1xi32>
    %swap3A_68 = vector.shape_cast %broadcast_in_dim3A_33 : vector<1024x1xi32> to vector<1x1024x1xi32>
    tpu.vector_store %arg6[%swap3A_63, %swap3A_64, %swap3A_65], %swap3A_68 {strides = array<i32>} : memref<1x1024x1xi32, #tpu.memory_space<vmem>>, vector<1x1024x1xi32>,
    %swap3A_69 = arith.constant 0 : index
    %swap3A_70 = arith.constant 0 : index
    %swap3A_71 = arith.constant 0 : index
    %swap3A_72 = vector.load %arg7[%swap3A_69, %swap3A_70, %swap3A_71] : memref<1x1024x1xf32, #tpu.memory_space<vmem>>, vector<1x1024x1xf32>
    %swap3A_73 = vector.shape_cast %swap3A_72 : vector<1x1024x1xf32> to vector<1024x1xf32>
    %swap3A_74 = vector.shape_cast %div3A_38 : vector<1024x1xf32> to vector<1x1024x1xf32>
    tpu.vector_store %arg7[%swap3A_69, %swap3A_70, %swap3A_71], %swap3A_74 {strides = array<i32>} : memref<1x1024x1xf32, #tpu.memory_space<vmem>>, vector<1x1024x1xf32>,
    %swap3A_75 = arith.constant 0 : index
    %swap3A_76 = arith.constant 0 : index
    %swap3A_77 = arith.constant 0 : index
    %swap3A_78 = vector.load %arg8[%swap3A_75, %swap3A_76, %swap3A_77] : memref<1x1024x1xf32, #tpu.memory_space<vmem>>, vector<1x1024x1xf32>
    %swap3A_79 = vector.shape_cast %swap3A_78 : vector<1x1024x1xf32> to vector<1024x1xf32>
    %swap3A_80 = vector.shape_cast %div3A_42 : vector<1024x1xf32> to vector<1x1024x1xf32>
    tpu.vector_store %arg8[%swap3A_75, %swap3A_76, %swap3A_77], %swap3A_80 {strides = array<i32>} : memref<1x1024x1xf32, #tpu.memory_space<vmem>>, vector<1x1024x1xf32>,
    %get3A_81 = arith.constant 0 : index
    %get3A_82 = arith.constant 0 : index
    %get3A_83 = memref.load %arg11[%get3A_81, %get3A_82] : memref<1x1xf32, #tpu.memory_space<smem>>
    %add3A_84 = arith.addf %div3A_38, %div3A_42 : vector<1024x1xf32>
    %reduce_sum3A = vector.shape_cast %add3A_84 : vector<1024x1xf32> to vector<1x1024x1xf32>
    %reduce_sum3A_85 = arith.constant dense<0.000000e+00> : vector<1xf32>
    %reduce_sum3A_86 = vector.multi_reduction <add>, %reduce_sum3A, %reduce_sum3A_85 [1, 2] : vector<1x1024x1xf32> to vector<1xf32>
    %reduce_sum3A_87 = vector.shape_cast %reduce_sum3A_86 : vector<1xf32> to vector<1x1x1xf32>
    %reduce_sum3A_88 = vector.extract %reduce_sum3A_87[0, 0, 0] : f32 from vector<1x1x1xf32>
    %add3A_89 = arith.addf %get3A_83, %reduce_sum3A_88 : f32
    %swap3A_90 = arith.constant 0 : index
    %swap3A_91 = arith.constant 0 : index
    %swap3A_92 = memref.load %arg11[%swap3A_90, %swap3A_91] : memref<1x1xf32, #tpu.memory_space<smem>>
    memref.store %add3A_89, %arg11[%swap3A_90, %swap3A_91] : memref<1x1xf32, #tpu.memory_space<smem>>
    %eq3A_93 = arith.constant 15 : i32
    %eq3A_94 = arith.cmpi eq, %arg0, %eq3A_93 : i32
    %convert_element_type3A_95 = arith.extui %eq3A_94 : i1 to i32
    %cond3A_96 = arith.constant 0 : i32
    %cond3A_97 = arith.cmpi ne, %convert_element_type3A_95, %cond3A_96 : i32
    scf.if %cond3A_97 {
      %get3A_149 = arith.constant 0 : index
      %get3A_150 = arith.constant 0 : index
      %get3A_151 = memref.load %arg11[%get3A_149, %get3A_150] : memref<1x1xf32, #tpu.memory_space<smem>>
      %mul3A = arith.constant 9.765625E-4 : f32
      %mul3A_152 = arith.mulf %get3A_151, %mul3A : f32
      %broadcast_in_dim3A_153 = vector.broadcast %mul3A_152 : f32 to vector<1x1xf32>
      %swap3A_154 = arith.constant 0 : index
      %swap3A_155 = arith.constant 0 : index
      %swap3A_156 = vector.load %arg10[%swap3A_154, %swap3A_155] : memref<1x1xf32, #tpu.memory_space<vmem>>, vector<1x1xf32>
      tpu.vector_store %arg10[%swap3A_154, %swap3A_155], %broadcast_in_dim3A_153 {strides = array<i32>} : memref<1x1xf32, #tpu.memory_space<vmem>>, vector<1x1xf32>,
    } else {
    }
    %get3A_98 = arith.constant 0 : index
    %get3A_99 = arith.constant 0 : index
    %get3A_100 = vector.load %arg4[%get3A_98, %get3A_99] : memref<1024x1024xf32, #tpu.memory_space<vmem>>, vector<1024x1024xf32>
    %convert_element_type3A_101 = arith.extui %or3A : vector<1024x1xi1> to vector<1024x1xi32>
    %convert_element_type3A_102 = arith.sitofp %convert_element_type3A_101 : vector<1024x1xi32> to vector<1024x1xf32>
    %dot_general3A_103 = arith.constant dense<0.000000e+00> : vector<1024x1xf32>
    %dot_general3A_104 = tpu.matmul %get3A_100, %convert_element_type3A_102, %dot_general3A_103 {dimension_numbers = #tpu.dot_dimension_numbers<[1], [0], [0], [1], [0, 0, 1, 1], [], []>, transpose_lhs_hint = false} : vector<1024x1024xf32>, vector<1024x1xf32>, vector<1024x1xf32> -> vector<1024x1xf32>
    %convert_element_type3A_105 = arith.fptosi %dot_general3A_104 : vector<1024x1xf32> to vector<1024x1xi32>
    %iota3A_106 = tpu.iota {dimensions = array<i32: 0>} : vector<1024x1xi32>
    %add3A_107 = arith.constant 1 : i32
    %add3A_108 = vector.broadcast %add3A_107 : i32 to vector<1024x1xi32>
    %add3A_109 = arith.addi %iota3A_106, %add3A_108 : vector<1024x1xi32>
    %sub3A_110 = arith.subi %add3A_109, %convert_element_type3A_105 : vector<1024x1xi32>
    %get3A_111 = arith.constant 0 : index
    %get3A_112 = arith.constant 0 : index
    %get3A_113 = memref.load %arg12[%get3A_111, %get3A_112] : memref<1x1xi32, #tpu.memory_space<smem>>
    %get3A_114 = arith.constant 0 : index
    %get3A_115 = arith.constant 0 : index
    %get3A_116 = memref.load %arg13[%get3A_114, %get3A_115] : memref<1x1xi32, #tpu.memory_space<smem>>
    %add3A_117 = vector.broadcast %get3A_113 : i32 to vector<1024x1xi32>
    %add3A_118 = arith.addi %add3A_117, %convert_element_type3A_105 : vector<1024x1xi32>
    %sub3A_119 = arith.constant 1 : i32
    %sub3A_120 = vector.broadcast %sub3A_119 : i32 to vector<1024x1xi32>
    %sub3A_121 = arith.subi %add3A_118, %sub3A_120 : vector<1024x1xi32>
    %sub3A_122 = arith.constant 16384 : i32
    %sub3A_123 = arith.subi %sub3A_122, %get3A_116 : i32
    %sub3A_124 = vector.broadcast %sub3A_123 : i32 to vector<1024x1xi32>
    %sub3A_125 = arith.subi %sub3A_124, %sub3A_110 : vector<1024x1xi32>
    %select_n3A_126 = arith.select %or3A, %sub3A_121, %sub3A_125 : vector<1024x1xi1>, vector<1024x1xi32>
    %swap3A_127 = arith.constant 0 : index
    %swap3A_128 = arith.constant 0 : index
    %swap3A_129 = arith.constant 0 : index
    %swap3A_130 = vector.load %arg9[%swap3A_127, %swap3A_128, %swap3A_129] : memref<1x1024x1xi32, #tpu.memory_space<vmem>>, vector<1x1024x1xi32>
    %swap3A_131 = vector.shape_cast %swap3A_130 : vector<1x1024x1xi32> to vector<1024x1xi32>
    %swap3A_132 = vector.shape_cast %select_n3A_126 : vector<1024x1xi32> to vector<1x1024x1xi32>
    tpu.vector_store %arg9[%swap3A_127, %swap3A_128, %swap3A_129], %swap3A_132 {strides = array<i32>} : memref<1x1024x1xi32, #tpu.memory_space<vmem>>, vector<1x1024x1xi32>,
    %convert_element_type3A_133 = arith.extui %or3A : vector<1024x1xi1> to vector<1024x1xi32>
    %reduce_sum3A_134 = vector.shape_cast %convert_element_type3A_133 : vector<1024x1xi32> to vector<1x1024x1xi32>
    %reduce_sum3A_135 = arith.constant dense<0> : vector<1xi32>
    %reduce_sum3A_136 = vector.multi_reduction <add>, %reduce_sum3A_134, %reduce_sum3A_135 [1, 2] : vector<1x1024x1xi32> to vector<1xi32>
    %reduce_sum3A_137 = vector.shape_cast %reduce_sum3A_136 : vector<1xi32> to vector<1x1x1xi32>
    %reduce_sum3A_138 = vector.extract %reduce_sum3A_137[0, 0, 0] : i32 from vector<1x1x1xi32>
    %add3A_139 = arith.addi %get3A_113, %reduce_sum3A_138 : i32
    %swap3A_140 = arith.constant 0 : index
    %swap3A_141 = arith.constant 0 : index
    %swap3A_142 = memref.load %arg12[%swap3A_140, %swap3A_141] : memref<1x1xi32, #tpu.memory_space<smem>>
    memref.store %add3A_139, %arg12[%swap3A_140, %swap3A_141] : memref<1x1xi32, #tpu.memory_space<smem>>
    %sub3A_143 = arith.constant 1024 : i32
    %sub3A_144 = arith.subi %sub3A_143, %reduce_sum3A_138 : i32
    %add3A_145 = arith.addi %get3A_116, %sub3A_144 : i32
    %swap3A_146 = arith.constant 0 : index
    %swap3A_147 = arith.constant 0 : index
    %swap3A_148 = memref.load %arg13[%swap3A_146, %swap3A_147] : memref<1x1xi32, #tpu.memory_space<smem>>
    memref.store %add3A_145, %arg13[%swap3A_146, %swap3A_147] : memref<1x1xi32, #tpu.memory_space<smem>>
    return
  }
  func.func @transform_0(%arg0: i32) -> (i32, i32) {
    %c0_i32 = arith.constant 0 : i32
    %c0_i32_0 = arith.constant 0 : i32
    return %arg0, %c0_i32 : i32, i32
  }
  func.func @transform_1(%arg0: i32) -> (i32, i32) {
    %c0_i32 = arith.constant 0 : i32
    %c0_i32_0 = arith.constant 0 : i32
    %c0_i32_1 = arith.constant 0 : i32
    return %c0_i32, %c0_i32_0 : i32, i32
  }
  func.func @transform_2(%arg0: i32) -> (i32, i32) {
    %c0_i32 = arith.constant 0 : i32
    %c0_i32_0 = arith.constant 0 : i32
    %c0_i32_1 = arith.constant 0 : i32
    return %c0_i32, %c0_i32_0 : i32, i32
  }
  func.func @transform_3(%arg0: i32) -> (i32, i32) {
    %c0_i32 = arith.constant 0 : i32
    %c0_i32_0 = arith.constant 0 : i32
    %c0_i32_1 = arith.constant 0 : i32
    return %c0_i32, %c0_i32_0 : i32, i32
  }
  func.func @transform_4(%arg0: i32) -> (i32, i32, i32) {
    %c0_i32 = arith.constant 0 : i32
    %c0_i32_0 = arith.constant 0 : i32
    %c0_i32_1 = arith.constant 0 : i32
    return %arg0, %c0_i32, %c0_i32_0 : i32, i32, i32
  }
  func.func @transform_5(%arg0: i32) -> (i32, i32, i32) {
    %c0_i32 = arith.constant 0 : i32
    %c0_i32_0 = arith.constant 0 : i32
    %c0_i32_1 = arith.constant 0 : i32
    return %arg0, %c0_i32, %c0_i32_0 : i32, i32, i32
  }
  func.func @transform_6(%arg0: i32) -> (i32, i32, i32) {
    %c0_i32 = arith.constant 0 : i32
    %c0_i32_0 = arith.constant 0 : i32
    %c0_i32_1 = arith.constant 0 : i32
    return %arg0, %c0_i32, %c0_i32_0 : i32, i32, i32
  }
  func.func @transform_7(%arg0: i32) -> (i32, i32, i32) {
    %c0_i32 = arith.constant 0 : i32
    %c0_i32_0 = arith.constant 0 : i32
    %c0_i32_1 = arith.constant 0 : i32
    return %arg0, %c0_i32, %c0_i32_0 : i32, i32, i32
  }
  func.func @transform_8(%arg0: i32) -> (i32, i32, i32) {
    %c0_i32 = arith.constant 0 : i32
    %c0_i32_0 = arith.constant 0 : i32
    %c0_i32_1 = arith.constant 0 : i32
    return %arg0, %c0_i32, %c0_i32_0 : i32, i32, i32
  }
  func.func @transform_9(%arg0: i32) -> (i32, i32) {
    %c0_i32 = arith.constant 0 : i32
    %c0_i32_0 = arith.constant 0 : i32
    %c0_i32_1 = arith.constant 0 : i32
    return %c0_i32, %c0_i32_0 : i32, i32
  }
}

module attributes {stable_mosaic.version = 14 : i64} {
  func.func @_p3_body(%arg0: i32, %arg1: memref<512x2048xf32, #tpu.memory_space<vmem>>, %arg2: memref<1024x2048xf32, #tpu.memory_space<vmem>>, %arg3: memref<1x1024xf32, #tpu.memory_space<vmem>>, %arg4: memref<16x1024xf32, #tpu.memory_space<vmem>>, %arg5: memref<1x512x1xi32, #tpu.memory_space<vmem>>, %arg6: memref<1x512x1xi32, #tpu.memory_space<vmem>>, %arg7: memref<1x512x1xf32, #tpu.memory_space<vmem>>, %arg8: memref<1x512x1xf32, #tpu.memory_space<vmem>>) attributes {dimension_semantics = [#tpu.dimension_semantics<arbitrary>], iteration_bounds = array<i64: 4>, scalar_prefetch = 0 : i64, scratch_operands = 0 : i64, tpu.core_type = #tpu.core_type<tc>, window_params = [{transform_indices = @transform_0, window_bounds = array<i64: 512, 2048>}, {pipeline_mode = #tpu.pipeline_mode<synchronous>, transform_indices = @transform_1, window_bounds = array<i64: 1024, 2048>}, {pipeline_mode = #tpu.pipeline_mode<synchronous>, transform_indices = @transform_2, window_bounds = array<i64: 1, 1024>}, {pipeline_mode = #tpu.pipeline_mode<synchronous>, transform_indices = @transform_3, window_bounds = array<i64: 16, 1024>}, {transform_indices = @transform_4, window_bounds = array<i64: 1, 512, 1>}, {transform_indices = @transform_5, window_bounds = array<i64: 1, 512, 1>}, {transform_indices = @transform_6, window_bounds = array<i64: 1, 512, 1>}, {transform_indices = @transform_7, window_bounds = array<i64: 1, 512, 1>}]} {
    %get3A = arith.constant 0 : index
    %get3A_0 = arith.constant 0 : index
    %get3A_1 = vector.load %arg1[%get3A, %get3A_0] : memref<512x2048xf32, #tpu.memory_space<vmem>>, vector<512x2048xf32>
    %get3A_2 = arith.constant 0 : index
    %get3A_3 = arith.constant 0 : index
    %get3A_4 = vector.load %arg2[%get3A_2, %get3A_3] : memref<1024x2048xf32, #tpu.memory_space<vmem>>, vector<1024x2048xf32>
    %dot_general3A = arith.constant dense<0.000000e+00> : vector<512x1024xf32>
    %dot_general3A_5 = tpu.matmul %get3A_1, %get3A_4, %dot_general3A {dimension_numbers = #tpu.dot_dimension_numbers<[1], [1], [0], [0], [0, 0, 1, 0], [], []>, transpose_lhs_hint = false} : vector<512x2048xf32>, vector<1024x2048xf32>, vector<512x1024xf32> -> vector<512x1024xf32>
    %get3A_6 = arith.constant 0 : index
    %get3A_7 = arith.constant 0 : index
    %get3A_8 = vector.load %arg3[%get3A_6, %get3A_7] : memref<1x1024xf32, #tpu.memory_space<vmem>>, vector<1x1024xf32>
    %add3A = vector.broadcast %get3A_8 : vector<1x1024xf32> to vector<512x1024xf32>
    %add3A_9 = arith.addf %dot_general3A_5, %add3A : vector<512x1024xf32>
    %get3A_10 = arith.constant 0 : index
    %get3A_11 = arith.constant 0 : index
    %get3A_12 = vector.load %arg4[%get3A_10, %get3A_11] : memref<16x1024xf32, #tpu.memory_space<vmem>>, vector<16x1024xf32>
    %dot_general3A_13 = arith.constant dense<0.000000e+00> : vector<512x16xf32>
    %dot_general3A_14 = tpu.matmul %add3A_9, %get3A_12, %dot_general3A_13 {dimension_numbers = #tpu.dot_dimension_numbers<[1], [1], [0], [0], [0, 0, 1, 0], [], []>, transpose_lhs_hint = false} : vector<512x1024xf32>, vector<16x1024xf32>, vector<512x16xf32> -> vector<512x16xf32>
    %iota3A = tpu.iota {dimensions = array<i32: 1>} : vector<512x16xi32>
    %reduce_max3A = arith.constant dense<0xFF800000> : vector<512xf32>
    %reduce_max3A_15 = vector.multi_reduction <maximumf>, %dot_general3A_14, %reduce_max3A [1] : vector<512x16xf32> to vector<512xf32>
    %broadcast_in_dim3A = vector.shape_cast %reduce_max3A_15 : vector<512xf32> to vector<512x1xf32>
    %eq3A = vector.broadcast %broadcast_in_dim3A : vector<512x1xf32> to vector<512x16xf32>
    %eq3A_16 = arith.cmpf oeq, %dot_general3A_14, %eq3A : vector<512x16xf32>
    %jit3A = arith.constant 16 : i32
    %broadcast_in_dim3A_17 = vector.broadcast %jit3A : i32 to vector<512x16xi32>
    %select_n3A = arith.select %eq3A_16, %iota3A, %broadcast_in_dim3A_17 : vector<512x16xi1>, vector<512x16xi32>
    %reduce_min3A = arith.constant dense<2147483647> : vector<512xi32>
    %reduce_min3A_18 = vector.multi_reduction <minsi>, %select_n3A, %reduce_min3A [1] : vector<512x16xi32> to vector<512xi32>
    %broadcast_in_dim3A_19 = vector.shape_cast %reduce_min3A_18 : vector<512xi32> to vector<512x1xi32>
    %eq3A_20 = vector.broadcast %broadcast_in_dim3A_19 : vector<512x1xi32> to vector<512x16xi32>
    %eq3A_21 = arith.cmpi eq, %iota3A, %eq3A_20 : vector<512x16xi32>
    %jit3A_22 = arith.constant 0xFF800000 : f32
    %broadcast_in_dim3A_23 = vector.broadcast %jit3A_22 : f32 to vector<512x16xf32>
    %select_n3A_24 = arith.select %eq3A_21, %broadcast_in_dim3A_23, %dot_general3A_14 : vector<512x16xi1>, vector<512x16xf32>
    %reduce_max3A_25 = arith.constant dense<0xFF800000> : vector<512xf32>
    %reduce_max3A_26 = vector.multi_reduction <maximumf>, %select_n3A_24, %reduce_max3A_25 [1] : vector<512x16xf32> to vector<512xf32>
    %broadcast_in_dim3A_27 = vector.shape_cast %reduce_max3A_26 : vector<512xf32> to vector<512x1xf32>
    %eq3A_28 = vector.broadcast %broadcast_in_dim3A_27 : vector<512x1xf32> to vector<512x16xf32>
    %eq3A_29 = arith.cmpf oeq, %select_n3A_24, %eq3A_28 : vector<512x16xf32>
    %jit3A_30 = arith.constant 16 : i32
    %broadcast_in_dim3A_31 = vector.broadcast %jit3A_30 : i32 to vector<512x16xi32>
    %select_n3A_32 = arith.select %eq3A_29, %iota3A, %broadcast_in_dim3A_31 : vector<512x16xi1>, vector<512x16xi32>
    %reduce_min3A_33 = arith.constant dense<2147483647> : vector<512xi32>
    %reduce_min3A_34 = vector.multi_reduction <minsi>, %select_n3A_32, %reduce_min3A_33 [1] : vector<512x16xi32> to vector<512xi32>
    %broadcast_in_dim3A_35 = vector.shape_cast %reduce_min3A_34 : vector<512xi32> to vector<512x1xi32>
    %sub3A = arith.subf %broadcast_in_dim3A_27, %broadcast_in_dim3A : vector<512x1xf32>
    %exp3A = math.exp %sub3A : vector<512x1xf32>
    %add3A_36 = arith.constant 1.000000e+00 : f32
    %add3A_37 = vector.broadcast %add3A_36 : f32 to vector<512x1xf32>
    %add3A_38 = arith.addf %add3A_37, %exp3A : vector<512x1xf32>
    %div3A = arith.constant 1.000000e+00 : f32
    %div3A_39 = vector.broadcast %div3A : f32 to vector<512x1xf32>
    %div3A_40 = arith.divf %div3A_39, %add3A_38 : vector<512x1xf32>
    %add3A_41 = arith.constant 1.000000e+00 : f32
    %add3A_42 = vector.broadcast %add3A_41 : f32 to vector<512x1xf32>
    %add3A_43 = arith.addf %add3A_42, %exp3A : vector<512x1xf32>
    %div3A_44 = arith.divf %exp3A, %add3A_43 : vector<512x1xf32>
    %swap3A = arith.constant 0 : index
    %swap3A_45 = arith.constant 0 : index
    %swap3A_46 = arith.constant 0 : index
    %swap3A_47 = vector.load %arg5[%swap3A, %swap3A_45, %swap3A_46] : memref<1x512x1xi32, #tpu.memory_space<vmem>>, vector<1x512x1xi32>
    %swap3A_48 = vector.shape_cast %swap3A_47 : vector<1x512x1xi32> to vector<512x1xi32>
    %swap3A_49 = vector.shape_cast %broadcast_in_dim3A_19 : vector<512x1xi32> to vector<1x512x1xi32>
    tpu.vector_store %arg5[%swap3A, %swap3A_45, %swap3A_46], %swap3A_49 {strides = array<i32>} : memref<1x512x1xi32, #tpu.memory_space<vmem>>, vector<1x512x1xi32>,
    %swap3A_50 = arith.constant 0 : index
    %swap3A_51 = arith.constant 0 : index
    %swap3A_52 = arith.constant 0 : index
    %swap3A_53 = vector.load %arg6[%swap3A_50, %swap3A_51, %swap3A_52] : memref<1x512x1xi32, #tpu.memory_space<vmem>>, vector<1x512x1xi32>
    %swap3A_54 = vector.shape_cast %swap3A_53 : vector<1x512x1xi32> to vector<512x1xi32>
    %swap3A_55 = vector.shape_cast %broadcast_in_dim3A_35 : vector<512x1xi32> to vector<1x512x1xi32>
    tpu.vector_store %arg6[%swap3A_50, %swap3A_51, %swap3A_52], %swap3A_55 {strides = array<i32>} : memref<1x512x1xi32, #tpu.memory_space<vmem>>, vector<1x512x1xi32>,
    %swap3A_56 = arith.constant 0 : index
    %swap3A_57 = arith.constant 0 : index
    %swap3A_58 = arith.constant 0 : index
    %swap3A_59 = vector.load %arg7[%swap3A_56, %swap3A_57, %swap3A_58] : memref<1x512x1xf32, #tpu.memory_space<vmem>>, vector<1x512x1xf32>
    %swap3A_60 = vector.shape_cast %swap3A_59 : vector<1x512x1xf32> to vector<512x1xf32>
    %swap3A_61 = vector.shape_cast %div3A_40 : vector<512x1xf32> to vector<1x512x1xf32>
    tpu.vector_store %arg7[%swap3A_56, %swap3A_57, %swap3A_58], %swap3A_61 {strides = array<i32>} : memref<1x512x1xf32, #tpu.memory_space<vmem>>, vector<1x512x1xf32>,
    %swap3A_62 = arith.constant 0 : index
    %swap3A_63 = arith.constant 0 : index
    %swap3A_64 = arith.constant 0 : index
    %swap3A_65 = vector.load %arg8[%swap3A_62, %swap3A_63, %swap3A_64] : memref<1x512x1xf32, #tpu.memory_space<vmem>>, vector<1x512x1xf32>
    %swap3A_66 = vector.shape_cast %swap3A_65 : vector<1x512x1xf32> to vector<512x1xf32>
    %swap3A_67 = vector.shape_cast %div3A_44 : vector<512x1xf32> to vector<1x512x1xf32>
    tpu.vector_store %arg8[%swap3A_62, %swap3A_63, %swap3A_64], %swap3A_67 {strides = array<i32>} : memref<1x512x1xf32, #tpu.memory_space<vmem>>, vector<1x512x1xf32>,
    return
  }
  func.func @transform_0(%arg0: i32) -> (i32, i32) {
    %c0_i32 = arith.constant 0 : i32
    %c0_i32_0 = arith.constant 0 : i32
    return %arg0, %c0_i32 : i32, i32
  }
  func.func @transform_1(%arg0: i32) -> (i32, i32) {
    %c0_i32 = arith.constant 0 : i32
    %c0_i32_0 = arith.constant 0 : i32
    %c0_i32_1 = arith.constant 0 : i32
    return %c0_i32, %c0_i32_0 : i32, i32
  }
  func.func @transform_2(%arg0: i32) -> (i32, i32) {
    %c0_i32 = arith.constant 0 : i32
    %c0_i32_0 = arith.constant 0 : i32
    %c0_i32_1 = arith.constant 0 : i32
    return %c0_i32, %c0_i32_0 : i32, i32
  }
  func.func @transform_3(%arg0: i32) -> (i32, i32) {
    %c0_i32 = arith.constant 0 : i32
    %c0_i32_0 = arith.constant 0 : i32
    %c0_i32_1 = arith.constant 0 : i32
    return %c0_i32, %c0_i32_0 : i32, i32
  }
  func.func @transform_4(%arg0: i32) -> (i32, i32, i32) {
    %c0_i32 = arith.constant 0 : i32
    %c0_i32_0 = arith.constant 0 : i32
    %c0_i32_1 = arith.constant 0 : i32
    return %arg0, %c0_i32, %c0_i32_0 : i32, i32, i32
  }
  func.func @transform_5(%arg0: i32) -> (i32, i32, i32) {
    %c0_i32 = arith.constant 0 : i32
    %c0_i32_0 = arith.constant 0 : i32
    %c0_i32_1 = arith.constant 0 : i32
    return %arg0, %c0_i32, %c0_i32_0 : i32, i32, i32
  }
  func.func @transform_6(%arg0: i32) -> (i32, i32, i32) {
    %c0_i32 = arith.constant 0 : i32
    %c0_i32_0 = arith.constant 0 : i32
    %c0_i32_1 = arith.constant 0 : i32
    return %arg0, %c0_i32, %c0_i32_0 : i32, i32, i32
  }
  func.func @transform_7(%arg0: i32) -> (i32, i32, i32) {
    %c0_i32 = arith.constant 0 : i32
    %c0_i32_0 = arith.constant 0 : i32
    %c0_i32_1 = arith.constant 0 : i32
    return %arg0, %c0_i32, %c0_i32_0 : i32, i32, i32
  }
}

</mosaic_0001>

<sc_bundles>
// kernel: kernel.11.cloned.1.call-start
scs
__scs_entry_jumppad:
0x0: {  	(pc) =	sbr.rel $0x88, $3  }
0x1: {  	(tag) =	ssettag $0x0;
	lr =	simm.s32 $0x1  }
0x2: {  	[smem:$0x3F9B] =	sst lr;
	_ =	strace $0xD0000000  }
0x3: {  	_ = 	snop  }
0x4: {  	_ = 	snop  }
0x5: {  	_ = 	snop  }
0x6: {  	_ = 	snop  }
0x7: {  	_ = 	snop  }
__scs_overlays_trampoline_lowered:
0x8: {  	[smem:$0x3FAA] =	sst s0  }
0x9: {  	[smem:$0x3FAB] =	sst s1  }
0xa: {  	[smem:$0x3FAC] =	sst s2  }
0xb: {  	[smem:$0x3FAD] =	sst s3  }
0xc: {  	[smem:$0x3FAE] =	sst s4  }
0xd: {  	[smem:$0x3FAF] =	sst s5  }
0xe: {  	[smem:$0x3FB0] =	sst s6  }
0xf: {  	[smem:$0x3FB1] =	sst s7  }
0x10: {  	[smem:$0x3FB2] =	sst s8  }
0x11: {  	[smem:$0x3FB3] =	sst s9;
	s0 =	simm.s32 @!p0 $0x0  }
0x12: {  	s1 =	sld [smem:$0x3F99];
	s0 =	simm.s32 @p0 $0x1  }
0x13: {  	[smem:$0x3FB4] =	sst s0;
	s0 =	simm.s32 @!p1 $0x0  }
0x14: {  	s2 =	sld [smem:$0x3F98];
	s0 =	simm.s32 @p1 $0x1  }
0x15: {  	[smem:$0x3FB5] =	sst s0;
	s0 =	simm.s32 @!p2 $0x0  }
0x16: {  	s3 =	sld [smem:$0x3FDB];
	s0 =	simm.s32 @p2 $0x1  }
0x17: {  	s4 =	simm.s32 $0x1BF5;
	[smem:$0x3FB7] =	sst s0  }
0x18: {  	s0 =	sld [smem:$0x3F9A];
	_ =	swait.ge [sflag:s4], $0x0  }
0x19: {  	s7 =	sld [smem:$0x3F9B]  }
0x1a: {  	s8 =	sadd.s32 $0xFFFFE003, lr  }
0x1b: {  	s9 =	sadd.s32 $0xFFFFFEF7, lr;
	s5 =	simm.s32 $0xFFFFFFFF;
	p2 =	slt.u32 s8, $0xFFFFF086  }
0x1c: {  	p1 =	slt.u32 s9, $0xF7A;
	s5 =	simm.s32 @!p2 $0x0  }
0x1d: {  	s5 =	simm.s32 @p1 $0x1;
	p0 =	seq.s32 s7, s2  }
0x1e: {  	s7 =	smul.u32 @!p0 $0xF7A, s2;
	p2 =	seq.s32 @!p0 s5, $0x0  }
0x1f: {  	s9 =	smul.u32 $0xF7A, s1;
	s8 =	simm.s32 @!p0 $0x1BF5;
	p2 =	por !p2, p0  }
0x20: {  	[sflag:s8] =	ssyncset.s32 @!p0 $0xFFFFF086;
	s6 =	sadd.s32 @!p0 s3, s7;
	s7 =	simm.s32 @!p0 $0x108  }
0x21: {  	s3 =	sadd.s32 s3, s9;
	s6 =	sadd.s32 @!p0 $0x88, s6;
	s7 =	simm.s32 @p2 $0x1082  }
0x22: {  	[simem:s7], [sflag:s8] =	dma.local @!p0 [hbm:s6], $0xF7A  }
0x23: {  	s9 =	sor.u32 $0xD0000000, s2;
	s6 =	simm.s32 $0x108;
	_ =	swait.ge @!p0 [sflag:s8], $0x0  }
0x24: {  	s3 =	sadd.s32 $0x88, s3;
	s6 =	simm.s32 @!p1 $0x1082;
	[sflag:s4] =	ssyncset.s32 $0xFFFFF086  }
0x25: {  	[simem:s6], [sflag:s4] =	dma.local [hbm:s3], $0xF7A  }
0x26: {  	[smem:$0x3F9B] =	sst s1;
	(tag) =	ssettag s2;
	_ =	strace s9  }
0x27: {  	s1 =	sld [smem:$0x3FAB]  }
0x28: {  	s2 =	sld [smem:$0x3FAC]  }
0x29: {  	s4 =	sld [smem:$0x3FAE]  }
0x2a: {  	p0 =	seq.s32 s5, $0x0;
	s5 =	sld [smem:$0x3FAF]  }
0x2b: {  	s6 =	sld [smem:$0x3FB0]  }
0x2c: {  	s7 =	sld [smem:$0x3FB1]  }
0x2d: {  	s3 =	simm.s32 $0x108;
	s8 =	sld [smem:$0x3FB2]  }
0x2e: {  	s3 =	simm.s32 @!p0 $0x1082;
	s9 =	sld [smem:$0x3FB3]  }
0x2f: {  	lr =	sadd.s32 s0, s3;
	s0 =	sld [smem:$0x3FAA]  }
0x30: {  	s3 =	sld [smem:$0x3FAD]  }
0x31: {  	[smem:$0x3FB6] =	sst s10  }
0x32: {  	s10 =	sld [smem:$0x3FB4];
	_ =	sdelay $0x3  }
0x33: {  	p0 =	seq.s32 s10, $0x1;
	s10 =	sld [smem:$0x3FB6];
	_ =	sdelay $0x3  }
0x34: {  	[smem:$0x3FB6] =	sst s10  }
0x35: {  	s10 =	sld [smem:$0x3FB5];
	_ =	sdelay $0x3  }
0x36: {  	p1 =	seq.s32 s10, $0x1;
	s10 =	sld [smem:$0x3FB6];
	_ =	sdelay $0x3  }
0x37: {  	[smem:$0x3FB6] =	sst s10  }
0x38: {  	s10 =	sld [smem:$0x3FB7]  }
0x39: {  	_ = 	snop;
	(pc) =	sbr.ind lr, $3  }
0x3a: {  	_ = 	snop  }
0x3b: {  	_ = 	snop  }
0x3c: {  	p2 =	seq.s32 s10, $0x1;
	s10 =	sld [smem:$0x3FB6]  }
0x3d: {  	_ =	shalt  }
0x3e: {  	_ =	shalt  }
0x3f: {  	_ =	shalt  }
0x40: {  	_ =	shalt  }
0x41: {  	_ =	shalt  }
0x42: {  	_ =	shalt  }
0x43: {  	_ =	shalt  }
0x44: {  	_ =	shalt  }
0x45: {  	_ =	shalt  }
0x46: {  	_ =	shalt  }
0x47: {  	_ =	shalt  }
0x48: {  	_ =	shalt  }
0x49: {  	_ =	shalt  }
0x4a: {  	_ =	shalt  }
0x4b: {  	_ =	shalt  }
0x4c: {  	_ =	shalt  }
0x4d: {  	_ =	shalt  }
0x4e: {  	_ =	shalt  }
0x4f: {  	_ =	shalt  }
0x50: {  	_ =	shalt  }
0x51: {  	_ =	shalt  }
0x52: {  	_ =	shalt  }
0x53: {  	_ =	shalt  }
0x54: {  	_ =	shalt  }
0x55: {  	_ =	shalt  }
0x56: {  	_ =	shalt  }
0x57: {  	_ =	shalt  }
0x58: {  	_ =	shalt  }
0x59: {  	_ =	shalt  }
0x5a: {  	_ =	shalt  }
0x5b: {  	_ =	shalt  }
0x5c: {  	_ =	shalt  }
0x5d: {  	_ =	shalt  }
0x5e: {  	_ =	shalt  }
0x5f: {  	_ =	shalt  }
0x60: {  	_ =	shalt  }
0x61: {  	_ =	shalt  }
0x62: {  	_ =	shalt  }
0x63: {  	_ =	shalt  }
0x64: {  	_ =	shalt  }
0x65: {  	_ =	shalt  }
0x66: {  	_ =	shalt  }
0x67: {  	_ =	shalt  }
0x68: {  	_ =	shalt  }
0x69: {  	_ =	shalt  }
0x6a: {  	_ =	shalt  }
0x6b: {  	_ =	shalt  }
0x6c: {  	_ =	shalt  }
0x6d: {  	_ =	shalt  }
0x6e: {  	_ =	shalt  }
0x6f: {  	_ =	shalt  }
0x70: {  	_ =	shalt  }
0x71: {  	_ =	shalt  }
0x72: {  	_ =	shalt  }
0x73: {  	_ =	shalt  }
0x74: {  	_ =	shalt  }
0x75: {  	_ =	shalt  }
0x76: {  	_ =	shalt  }
0x77: {  	_ =	shalt  }
0x78: {  	_ =	shalt  }
0x79: {  	_ =	shalt  }
0x7a: {  	_ =	shalt  }
0x7b: {  	_ =	shalt  }
0x7c: {  	_ =	shalt  }
0x7d: {  	_ =	shalt  }
0x7e: {  	_ =	shalt  }
0x7f: {  	_ =	shalt  }
0x80: {  	_ =	shalt  }
0x81: {  	_ =	shalt  }
0x82: {  	_ =	shalt  }
0x83: {  	_ =	shalt  }
0x84: {  	_ =	shalt  }
0x85: {  	_ =	shalt  }
0x86: {  	_ =	shalt  }
0x87: {  	_ =	shalt  }
.Lfunc_end0:
.L_simem_size_0:
called_computation.1_lowered:
.L_overlay_start_0:
0x88: {  	s2 =	sld [smem:$0x3FD9]  }
0x89: {  	s3 =	sld [smem:$0x3FFE];
	_ =	sdelay $0x1  }
0x8a: {  	s1 =	srdreg.scid  }
0x8b: {  	s0 =	sand.u32 $0x1, s1  }
0x8c: {  	s17 =	sshll.u32 s0, $0xA;
	s2 =	sadd.s32 s3, s2  }
0x8d: {  	s2 =	sadd.s32 s2, s17  }
0x8e: {  	[smem:$0x3FC2] =	sst s2  }
0x8f: {  	_ = 	snop  }
0x90: {  	s2 =	sld [smem:$0x3FC9];
	(tm) =	ssettm $0x1  }
0x91: {  	s18 =	sld [smem:$0x3FFB];
	_ =	sdelay $0x3  }
0x92: {  	_ =	strace s18  }
0x93: {  	s3 =	sld [smem:$0x3FFC];
	_ =	sdelay $0x3  }
0x94: {  	_ =	strace s3  }
0x95: {  	s3 =	sld [smem:$0x3FFD];
	_ =	sdelay $0x3  }
0x96: {  	_ =	strace s3  }
0x97: {  	_ =	strace $0x8FFFFFFF  }
0x98: {  	s19 =	sld [smem:$0x3FDB];
	_ =	sdelay $0x1  }
0x99: {  	s4 =	simm.s32 $_scs_section_size  }
0x9a: {  	s5 =	simm.s32 $_size__tile_overlayer_lowered;
	s6 =	simm.s32 $_tile_overlayer_lowered  }
0x9b: {  	s22 =	simm.s32 $0x1BFF;
	s21 =	sshll.u32 s6, $0x1;
	s3 =	sadd.s32 s4, s19  }
0x9c: {  	s7 =	simm.s32 $0x0;
	s20 =	sshll.u32 s5, $0x1;
	s5 =	sadd.s32 s21, s3  }
0x9d: {  	[timem:s7], [sflag:s22] =	dma.local [hbm:s5], s20  }
0x9e: {  	_ =	swait.ge [sflag:s22], s20  }
0x9f: {  	s4 =	ssub.s32 $0x0, s20;
	[sflag:s22] =	ssyncset.done $0x0  }
0xa0: {  	[sflag:s22] =	ssyncadd.s32 s4;
	_ =	sdelay $0x1  }
0xa1: {  	s23 =	simm.s32 $0x1B8B  }
0xa2: {  	_ =	swait.ge [sflag:s23], $0x1  }
0xa3: {  	[sflag:s23] =	ssyncset.done $0x0  }
0xa4: {  	s25 =	simm.s32 $0x1B8E;
	s24 =	sld [smem:$0x3FFE];
	[sflag:s23] =	ssyncadd.s32 $0xFFFFFFFF  }
0xa5: {  	s26 =	simm.s32 $execute0_lowered;
	[smem:$0x3FD2] =	sst s25  }
0xa6: {  	s5 =	sshll.u32 s26, $0x1;
	_ =	strace $0x80000049;
	[dreg:$0x1] =	wrdreg $0xFFFFFFFF  }
0xa7: {  	s28 =	simm.s32 $_size_execute0_lowered;
	s3 =	sadd.s32 s3, s5;
	[dreg:$0x0] =	wrdreg $0x0  }
0xa8: {  	s5 =	sshll.u32 s28, $0x1;
	[dreg:$0x2] =	wrdreg s3  }
0xa9: {  	[dreg:$0x3] =	wrdreg s5  }
0xaa: {  	[dreg:$0x4] =	wrdreg $0xC0  }
0xab: {  	_ =	task [dreg:s7], $0x5FFFF  }
0xac: {  	[dreg:$0x1] =	wrdreg $0xFFFFFFFF  }
0xad: {  	[dreg:$0x0] =	wrdreg $0x60  }
0xae: {  	[dreg:$0x2] =	wrdreg s24  }
0xaf: {  	[dreg:$0x3] =	wrdreg s2  }
0xb0: {  	[dreg:$0x4] =	wrdreg $0x9  }
0xb1: {  	_ =	task.clear_ibuf [dreg:s7], $0x5FFFF;
	_ =	strace $0x90000049  }
0xb2: {  	s29 =	simm.s32 $0x9;
	_ =	strace $0x8000004B  }
0xb3: {  	_ =	swait.ge [sflag:s29], $0x1  }
0xb4: {  	[sflag:s29] =	ssyncadd.s32 $0xFFFFFFFF  }
0xb5: {  	_ =	strace $0x9000004B  }
0xb6: {  	_ =	sfence  }
0xb7: {  	s30 =	sld [smem:$0x0];
	_ =	sdelay $0x2  }
0xb8: {  	s31 =	sshll.u32 s1, $0xD;
	s1 =	sshrl.u32 s1, $0x2  }
0xb9: {  	s3 =	sand.u32 $0x4000, s31;
	s1 =	sadd.s32 s1, s30  }
0xba: {  	s0 =	sor.u32 s3, s0;
	s1 =	sshll.u32 s1, $0x11  }
0xbb: {  	s0 =	sor.u32 s1, s0  }
0xbc: {  	s0 =	sadd.s32 $0x8F2B, s0  }
0xbd: {  	[sflag:s0] =	ssyncadd.remote.s32 $0x1  }
0xbe: {  	_ =	sfence.sel $0xFFFF  }
0xbf: {  	[dreg:$0x0] =	wrdreg $0xFFFFFFFF;
	(pc) =	sbr.abs _section_cstart, $3  }
0xc0: {  	[dreg:$0x1] =	wrdreg $0xFFFFFFFF  }
0xc1: {  	_ =	task.clear_ibuf [dreg:s7], $0x2FFFF;
	_ =	strace $0x9FFFFFFF  }
0xc2: {  	(tm) =	ssettm $0x7FFFFFFF  }
0xc3: {  	_ =	shalt  }
tec
execute0_lowered:
.L_overlay_start_1:
0x0: {  	(tag) =	ssettag $0x1  }
0x1: {  	s0 =	srdreg.scid;
	s1 =	rddreg [dreg:$0x0]  }
0x2: {  	s3 =	stileid.u32;
	s13 =	rddreg [dreg:$0x1]  }
0x3: {  	s12 =	simm.s32 $0x3;
	s26 =	simm.s32 $0x1;
	s28 =	simm.s32 $0x2  }
0x4: {  	s30 =	simm.s32 $0x80;
	s31 =	simm.s32 $0x880;
	s14 =	simm.s32 $0x2080  }
0x5: {  	s15 =	simm.s32 $0x2880;
	s16 =	simm.s32 $0x3080;
	s17 =	simm.s32 $0x3880  }
0x6: {  	s18 =	simm.s32 $0x4080;
	s19 =	simm.s32 $0x4880;
	s20 =	simm.s32 $0x5080  }
0x7: {  	s21 =	simm.s32 $0x5880;
	s22 =	simm.s32 $0x6080;
	s23 =	simm.s32 $0x6880  }
0x8: {  	s24 =	simm.s32 $0x7080;
	s25 =	simm.s32 $0x7880;
	s2 =	simm.s32 $0x8080  }
0x9: {  	s0 =	sand.u32 $0x1, s0;
	s5 =	sshll.u32 s3, $0x6;
	s3 =	simm.s32 $0x0  }
0xa: {  	s10 =	sadd.s32 $0x700, s13;
	s4 =	sshll.u32 s0, $0xA;
	[smem:$0x7FF] =	sst s3  }
0xb: {  	s0 =	ssub.s32 $0x2, s0;
	s4 =	sor.u32 s5, s4;
	_ =	strace $0x8000004A  }
0xc: {  	s6 =	sshrl.u32 s0, $0x1;
	s5 =	sshrl.u32 s4, $0x3;
	s4 =	sshll.u32 s4, $0x8  }
0xd: {  	s0 =	ssub.s32 s0, s6;
	s6 =	sadd.s32 $0x300, s13;
	s5 =	sadd.s32 s5, s1  }
0xe: {  	s1 =	sadd.s32 s4, s1;
	s4 =	sadd.s32 $0x100, s13;
	s5 =	sadd.s32 $0x1200, s5  }
0xf: {  	s11 =	smax.u32 s0, $0x1;
	s7 =	sadd.s32 $0xC1200, s1;
	[dreg:$0x3] =	wrdreg s5  }
0x10: {  	s8 =	sadd.s32 $0xC2200, s1;
	s9 =	sadd.s32 $0xC3200, s1;
	[dreg:$0x4] =	wrdreg s7  }
0x11: {  	v2 =	vlaneseq.u32;
	s1 =	sadd.s32 $0xC4200, s1;
	s5 =	sadd.s32 $0x200, s13;
	[dreg:$0x5] =	wrdreg s8  }
0x12: {  	vm0 =	vmmov $0xffff;
	v1 =	vshrl.u32 v2, $0x3;
	s7 =	sadd.s32 $0x400, s13;
	s8 =	sadd.s32 $0x500, s13;
	[dreg:$0x6] =	wrdreg s9  }
0x13: {  	v0 =	vand.u32 $0x7, v2;
	v2 =	vor.u32 $0x8, v2;
	v1 =	vmul.u32 $0x8, v1;
	s9 =	sadd.s32 $0x600, s13;
	[dreg:$0x7] =	wrdreg s1;
	s1 =	simm.s32 $0x1080  }
.LBB2_1:
0x14: {  	s29 =	rddreg [dreg:$0x3]  }
0x15: {  	[tilespmem:s3], [sflag:$0x3] =	stream.linear.gather [hbm4b:s29+s3], $0x40, $0x38;
	[tilespmem:$0x10080] =	vst v63  }
0x16: {  	_ =	swait.ge [sflag:s12], $0x40  }
0x17: {  	[sflag:s12] =	ssyncset.done $0x0  }
0x18: {  	[sflag:s12] =	ssyncadd.s32 $0xFFFFFFC0  }
0x19: {  	v3 =	vld [tilespmem:$0x0];
	_ =	sdelay $0x4  }
0x1a: {  	v4 =	vshll.u32 v3, $0x4  }
0x1b: {  	v3 =	vand.u32 $0x7, v3;
	v4 =	vand.u32 $0xFFFFFF80, v4  }
0x1c: {  	v3 =	vor.u32 v3, v4  }
0x1d: {  	v4 =	vperm.xlane v3, v0;
	_ =	sdelay $0x1  }
0x1e: {  	v4 =	vadd.s32 v1, v4;
	_ =	sdelay $0x4  }
0x1f: {  	[tilespmem:s30], [sflag:$0x1] =	stream.indirect_vreg.gather [hbm4b:s13+s3], $0x80, v4, vm0, $0xb8;
	[tilespmem:$0x10080] =	vst v63  }
0x20: {  	_ = 	snop  }
0x21: {  	[tilespmem:s31], [sflag:$0x1] =	stream.indirect_vreg.gather [hbm4b:s4+s3], $0x80, v4, vm0, $0xb8;
	[tilespmem:$0x10080] =	vst v63  }
0x22: {  	_ = 	snop  }
0x23: {  	[tilespmem:s1], [sflag:$0x1] =	stream.indirect_vreg.gather [hbm4b:s5+s3], $0x80, v4, vm0, $0xb8;
	[tilespmem:$0x10080] =	vst v63  }
0x24: {  	s0 =	simm.s32 $0x1880  }
0x25: {  	[tilespmem:s0], [sflag:$0x1] =	stream.indirect_vreg.gather [hbm4b:s6+s3], $0x80, v4, vm0, $0xb8;
	[tilespmem:$0x10080] =	vst v63  }
0x26: {  	_ = 	snop  }
0x27: {  	[tilespmem:s14], [sflag:$0x1] =	stream.indirect_vreg.gather [hbm4b:s7+s3], $0x80, v4, vm0, $0xb8;
	[tilespmem:$0x10080] =	vst v63  }
0x28: {  	v3 =	vperm.xlane v3, v2  }
0x29: {  	[tilespmem:s15], [sflag:$0x1] =	stream.indirect_vreg.gather [hbm4b:s8+s3], $0x80, v4, vm0, $0xb8;
	[tilespmem:$0x10080] =	vst v63  }
0x2a: {  	v3 =	vadd.s32 v1, v3  }
0x2b: {  	[tilespmem:s16], [sflag:$0x1] =	stream.indirect_vreg.gather [hbm4b:s9+s3], $0x80, v4, vm0, $0xb8;
	[tilespmem:$0x10080] =	vst v63  }
0x2c: {  	_ = 	snop  }
0x2d: {  	[tilespmem:s17], [sflag:$0x1] =	stream.indirect_vreg.gather [hbm4b:s10+s3], $0x80, v4, vm0, $0xb8;
	[tilespmem:$0x10080] =	vst v63  }
0x2e: {  	_ = 	snop  }
0x2f: {  	[tilespmem:s18], [sflag:$0x1] =	stream.indirect_vreg.gather [hbm4b:s13+s3], $0x80, v3, vm0, $0xb8;
	[tilespmem:$0x10080] =	vst v63  }
0x30: {  	_ = 	snop  }
0x31: {  	[tilespmem:s19], [sflag:$0x1] =	stream.indirect_vreg.gather [hbm4b:s4+s3], $0x80, v3, vm0, $0xb8;
	[tilespmem:$0x10080] =	vst v63  }
0x32: {  	_ = 	snop  }
0x33: {  	[tilespmem:s20], [sflag:$0x1] =	stream.indirect_vreg.gather [hbm4b:s5+s3], $0x80, v3, vm0, $0xb8;
	[tilespmem:$0x10080] =	vst v63  }
0x34: {  	_ = 	snop  }
0x35: {  	[tilespmem:s21], [sflag:$0x1] =	stream.indirect_vreg.gather [hbm4b:s6+s3], $0x80, v3, vm0, $0xb8;
	[tilespmem:$0x10080] =	vst v63  }
0x36: {  	_ = 	snop  }
0x37: {  	[tilespmem:s22], [sflag:$0x1] =	stream.indirect_vreg.gather [hbm4b:s7+s3], $0x80, v3, vm0, $0xb8;
	[tilespmem:$0x10080] =	vst v63  }
0x38: {  	_ = 	snop  }
0x39: {  	[tilespmem:s23], [sflag:$0x1] =	stream.indirect_vreg.gather [hbm4b:s8+s3], $0x80, v3, vm0, $0xb8;
	[tilespmem:$0x10080] =	vst v63  }
0x3a: {  	_ = 	snop  }
0x3b: {  	[tilespmem:s24], [sflag:$0x1] =	stream.indirect_vreg.gather [hbm4b:s9+s3], $0x80, v3, vm0, $0xb8;
	[tilespmem:$0x10080] =	vst v63  }
0x3c: {  	_ = 	snop  }
0x3d: {  	[tilespmem:s25], [sflag:$0x1] =	stream.indirect_vreg.gather [hbm4b:s10+s3], $0x80, v3, vm0, $0xb8;
	[tilespmem:$0x10080] =	vst v63  }
0x3e: {  	v3 =	vld [tilespmem:$0x10];
	_ =	sdelay $0x4  }
0x3f: {  	v61 =	vshll.u32 v3, $0x4  }
0x40: {  	v3 =	vand.u32 $0x7, v3;
	v4 =	vand.u32 $0xFFFFFF80, v61  }
0x41: {  	v3 =	vor.u32 v3, v4  }
0x42: {  	v4 =	vperm.xlane v3, v0;
	_ =	sdelay $0x1  }
0x43: {  	v4 =	vadd.s32 v1, v4;
	_ =	sdelay $0x4  }
0x44: {  	[tilespmem:s2], [sflag:$0x2] =	stream.indirect_vreg.gather [hbm4b:s13+s3], $0x80, v4, vm0, $0xb8;
	[tilespmem:$0x10080] =	vst v63  }
0x45: {  	s29 =	simm.s32 $0x8880  }
0x46: {  	[tilespmem:s29], [sflag:$0x2] =	stream.indirect_vreg.gather [hbm4b:s4+s3], $0x80, v4, vm0, $0xb8;
	[tilespmem:$0x10080] =	vst v63  }
0x47: {  	s29 =	simm.s32 $0x9080  }
0x48: {  	[tilespmem:s29], [sflag:$0x2] =	stream.indirect_vreg.gather [hbm4b:s5+s3], $0x80, v4, vm0, $0xb8;
	[tilespmem:$0x10080] =	vst v63  }
0x49: {  	s29 =	simm.s32 $0x9880  }
0x4a: {  	[tilespmem:s29], [sflag:$0x2] =	stream.indirect_vreg.gather [hbm4b:s6+s3], $0x80, v4, vm0, $0xb8;
	[tilespmem:$0x10080] =	vst v63  }
0x4b: {  	s29 =	simm.s32 $0xA080  }
0x4c: {  	[tilespmem:s29], [sflag:$0x2] =	stream.indirect_vreg.gather [hbm4b:s7+s3], $0x80, v4, vm0, $0xb8;
	[tilespmem:$0x10080] =	vst v63  }
0x4d: {  	v3 =	vperm.xlane v3, v2;
	s29 =	simm.s32 $0xA880  }
0x4e: {  	[tilespmem:s29], [sflag:$0x2] =	stream.indirect_vreg.gather [hbm4b:s8+s3], $0x80, v4, vm0, $0xb8;
	[tilespmem:$0x10080] =	vst v63  }
0x4f: {  	v3 =	vadd.s32 v1, v3;
	s29 =	simm.s32 $0xB080  }
0x50: {  	[tilespmem:s29], [sflag:$0x2] =	stream.indirect_vreg.gather [hbm4b:s9+s3], $0x80, v4, vm0, $0xb8;
	[tilespmem:$0x10080] =	vst v63  }
0x51: {  	s29 =	simm.s32 $0xB880  }
0x52: {  	[tilespmem:s29], [sflag:$0x2] =	stream.indirect_vreg.gather [hbm4b:s10+s3], $0x80, v4, vm0, $0xb8;
	[tilespmem:$0x10080] =	vst v63  }
0x53: {  	s29 =	simm.s32 $0xC080  }
0x54: {  	[tilespmem:s29], [sflag:$0x2] =	stream.indirect_vreg.gather [hbm4b:s13+s3], $0x80, v3, vm0, $0xb8;
	[tilespmem:$0x10080] =	vst v63  }
0x55: {  	s29 =	simm.s32 $0xC880  }
0x56: {  	[tilespmem:s29], [sflag:$0x2] =	stream.indirect_vreg.gather [hbm4b:s4+s3], $0x80, v3, vm0, $0xb8;
	[tilespmem:$0x10080] =	vst v63  }
0x57: {  	s29 =	simm.s32 $0xD080  }
0x58: {  	[tilespmem:s29], [sflag:$0x2] =	stream.indirect_vreg.gather [hbm4b:s5+s3], $0x80, v3, vm0, $0xb8;
	[tilespmem:$0x10080] =	vst v63  }
0x59: {  	s29 =	simm.s32 $0xD880  }
0x5a: {  	[tilespmem:s29], [sflag:$0x2] =	stream.indirect_vreg.gather [hbm4b:s6+s3], $0x80, v3, vm0, $0xb8;
	[tilespmem:$0x10080] =	vst v63  }
0x5b: {  	s29 =	simm.s32 $0xE080  }
0x5c: {  	[tilespmem:s29], [sflag:$0x2] =	stream.indirect_vreg.gather [hbm4b:s7+s3], $0x80, v3, vm0, $0xb8;
	[tilespmem:$0x10080] =	vst v63  }
0x5d: {  	s29 =	simm.s32 $0xE880  }
0x5e: {  	[tilespmem:s29], [sflag:$0x2] =	stream.indirect_vreg.gather [hbm4b:s8+s3], $0x80, v3, vm0, $0xb8;
	[tilespmem:$0x10080] =	vst v63  }
0x5f: {  	s29 =	simm.s32 $0xF080  }
0x60: {  	[tilespmem:s29], [sflag:$0x2] =	stream.indirect_vreg.gather [hbm4b:s9+s3], $0x80, v3, vm0, $0xb8;
	[tilespmem:$0x10080] =	vst v63  }
0x61: {  	s29 =	simm.s32 $0xF880  }
0x62: {  	[tilespmem:s29], [sflag:$0x2] =	stream.indirect_vreg.gather [hbm4b:s10+s3], $0x80, v3, vm0, $0xb8;
	[tilespmem:$0x10080] =	vst v63  }
0x63: {  	v3 =	vld [tilespmem:$0x20];
	_ =	sdelay $0x4  }
0x64: {  	v62 =	vshll.u32 v3, $0x4  }
0x65: {  	v3 =	vand.u32 $0x7, v3;
	v4 =	vand.u32 $0xFFFFFF80, v62  }
0x66: {  	v3 =	vor.u32 v3, v4  }
0x67: {  	_ =	swait.ge [sflag:s26], $0x8000;
	v4 =	vperm.xlane v3, v0  }
0x68: {  	[sflag:s26] =	ssyncset.done $0x0  }
0x69: {  	s29 =	rddreg [dreg:$0x4];
	[sflag:s26] =	ssyncadd.s32 $0xFFFF8000;
	v4 =	vadd.s32 v1, v4  }
0x6a: {  	[hbm4b:s29+s3] =	stream.linear.scatter [tilespmem:s30], [sflag:$0x3], $0x8000, $0x38;
	[tilespmem:$0x10080] =	vst v63  }
0x6b: {  	_ =	swait.ge [sflag:s12], $0x8000  }
0x6c: {  	[sflag:s12] =	ssyncset.done $0x0  }
0x6d: {  	[sflag:s12] =	ssyncadd.s32 $0xFFFF8000  }
0x6e: {  	[tilespmem:s30], [sflag:$0x1] =	stream.indirect_vreg.gather [hbm4b:s13+s3], $0x80, v4, vm0, $0xb8;
	[tilespmem:$0x10080] =	vst v63  }
0x6f: {  	_ = 	snop  }
0x70: {  	[tilespmem:s31], [sflag:$0x1] =	stream.indirect_vreg.gather [hbm4b:s4+s3], $0x80, v4, vm0, $0xb8;
	[tilespmem:$0x10080] =	vst v63  }
0x71: {  	_ = 	snop  }
0x72: {  	[tilespmem:s1], [sflag:$0x1] =	stream.indirect_vreg.gather [hbm4b:s5+s3], $0x80, v4, vm0, $0xb8;
	[tilespmem:$0x10080] =	vst v63  }
0x73: {  	_ = 	snop  }
0x74: {  	[tilespmem:s0], [sflag:$0x1] =	stream.indirect_vreg.gather [hbm4b:s6+s3], $0x80, v4, vm0, $0xb8;
	[tilespmem:$0x10080] =	vst v63  }
0x75: {  	_ = 	snop  }
0x76: {  	[tilespmem:s14], [sflag:$0x1] =	stream.indirect_vreg.gather [hbm4b:s7+s3], $0x80, v4, vm0, $0xb8;
	[tilespmem:$0x10080] =	vst v63  }
0x77: {  	v3 =	vperm.xlane v3, v2  }
0x78: {  	[tilespmem:s15], [sflag:$0x1] =	stream.indirect_vreg.gather [hbm4b:s8+s3], $0x80, v4, vm0, $0xb8;
	[tilespmem:$0x10080] =	vst v63  }
0x79: {  	v3 =	vadd.s32 v1, v3  }
0x7a: {  	[tilespmem:s16], [sflag:$0x1] =	stream.indirect_vreg.gather [hbm4b:s9+s3], $0x80, v4, vm0, $0xb8;
	[tilespmem:$0x10080] =	vst v63  }
0x7b: {  	_ = 	snop  }
0x7c: {  	[tilespmem:s17], [sflag:$0x1] =	stream.indirect_vreg.gather [hbm4b:s10+s3], $0x80, v4, vm0, $0xb8;
	[tilespmem:$0x10080] =	vst v63  }
0x7d: {  	_ = 	snop  }
0x7e: {  	[tilespmem:s18], [sflag:$0x1] =	stream.indirect_vreg.gather [hbm4b:s13+s3], $0x80, v3, vm0, $0xb8;
	[tilespmem:$0x10080] =	vst v63  }
0x7f: {  	_ = 	snop  }
0x80: {  	[tilespmem:s19], [sflag:$0x1] =	stream.indirect_vreg.gather [hbm4b:s4+s3], $0x80, v3, vm0, $0xb8;
	[tilespmem:$0x10080] =	vst v63  }
0x81: {  	_ = 	snop  }
0x82: {  	[tilespmem:s20], [sflag:$0x1] =	stream.indirect_vreg.gather [hbm4b:s5+s3], $0x80, v3, vm0, $0xb8;
	[tilespmem:$0x10080] =	vst v63  }
0x83: {  	_ = 	snop  }
0x84: {  	[tilespmem:s21], [sflag:$0x1] =	stream.indirect_vreg.gather [hbm4b:s6+s3], $0x80, v3, vm0, $0xb8;
	[tilespmem:$0x10080] =	vst v63  }
0x85: {  	_ = 	snop  }
0x86: {  	[tilespmem:s22], [sflag:$0x1] =	stream.indirect_vreg.gather [hbm4b:s7+s3], $0x80, v3, vm0, $0xb8;
	[tilespmem:$0x10080] =	vst v63  }
0x87: {  	_ = 	snop  }
0x88: {  	[tilespmem:s23], [sflag:$0x1] =	stream.indirect_vreg.gather [hbm4b:s8+s3], $0x80, v3, vm0, $0xb8;
	[tilespmem:$0x10080] =	vst v63  }
0x89: {  	_ = 	snop  }
0x8a: {  	[tilespmem:s24], [sflag:$0x1] =	stream.indirect_vreg.gather [hbm4b:s9+s3], $0x80, v3, vm0, $0xb8;
	[tilespmem:$0x10080] =	vst v63  }
0x8b: {  	_ = 	snop  }
0x8c: {  	[tilespmem:s25], [sflag:$0x1] =	stream.indirect_vreg.gather [hbm4b:s10+s3], $0x80, v3, vm0, $0xb8;
	[tilespmem:$0x10080] =	vst v63  }
0x8d: {  	v3 =	vld [tilespmem:$0x30];
	_ =	sdelay $0x4  }
0x8e: {  	v63 =	vshll.u32 v3, $0x4  }
0x8f: {  	v3 =	vand.u32 $0x7, v3;
	v4 =	vand.u32 $0xFFFFFF80, v63  }
0x90: {  	v3 =	vor.u32 v3, v4  }
0x91: {  	_ =	swait.ge [sflag:s28], $0x8000;
	v4 =	vperm.xlane v3, v0  }
0x92: {  	[sflag:s28] =	ssyncset.done $0x0  }
0x93: {  	s0 =	rddreg [dreg:$0x5];
	[sflag:s28] =	ssyncadd.s32 $0xFFFF8000;
	v4 =	vadd.s32 v1, v4  }
0x94: {  	[hbm4b:s0+s3] =	stream.linear.scatter [tilespmem:s2], [sflag:$0x3], $0x8000, $0x38;
	[tilespmem:$0x10080] =	vst v63  }
0x95: {  	_ =	swait.ge [sflag:s12], $0x8000  }
0x96: {  	[sflag:s12] =	ssyncset.done $0x0  }
0x97: {  	[sflag:s12] =	ssyncadd.s32 $0xFFFF8000  }
0x98: {  	[tilespmem:s2], [sflag:$0x2] =	stream.indirect_vreg.gather [hbm4b:s13+s3], $0x80, v4, vm0, $0xb8;
	[tilespmem:$0x10080] =	vst v63  }
0x99: {  	s29 =	simm.s32 $0x8880  }
0x9a: {  	[tilespmem:s29], [sflag:$0x2] =	stream.indirect_vreg.gather [hbm4b:s4+s3], $0x80, v4, vm0, $0xb8;
	[tilespmem:$0x10080] =	vst v63  }
0x9b: {  	s29 =	simm.s32 $0x9080  }
0x9c: {  	[tilespmem:s29], [sflag:$0x2] =	stream.indirect_vreg.gather [hbm4b:s5+s3], $0x80, v4, vm0, $0xb8;
	[tilespmem:$0x10080] =	vst v63  }
0x9d: {  	s29 =	simm.s32 $0x9880  }
0x9e: {  	[tilespmem:s29], [sflag:$0x2] =	stream.indirect_vreg.gather [hbm4b:s6+s3], $0x80, v4, vm0, $0xb8;
	[tilespmem:$0x10080] =	vst v63  }
0x9f: {  	s29 =	simm.s32 $0xA080  }
0xa0: {  	[tilespmem:s29], [sflag:$0x2] =	stream.indirect_vreg.gather [hbm4b:s7+s3], $0x80, v4, vm0, $0xb8;
	[tilespmem:$0x10080] =	vst v63  }
0xa1: {  	v3 =	vperm.xlane v3, v2;
	s29 =	simm.s32 $0xA880  }
0xa2: {  	[tilespmem:s29], [sflag:$0x2] =	stream.indirect_vreg.gather [hbm4b:s8+s3], $0x80, v4, vm0, $0xb8;
	[tilespmem:$0x10080] =	vst v63  }
0xa3: {  	v3 =	vadd.s32 v1, v3;
	s29 =	simm.s32 $0xB080  }
0xa4: {  	[tilespmem:s29], [sflag:$0x2] =	stream.indirect_vreg.gather [hbm4b:s9+s3], $0x80, v4, vm0, $0xb8;
	[tilespmem:$0x10080] =	vst v63  }
0xa5: {  	s29 =	simm.s32 $0xB880  }
0xa6: {  	[tilespmem:s29], [sflag:$0x2] =	stream.indirect_vreg.gather [hbm4b:s10+s3], $0x80, v4, vm0, $0xb8;
	[tilespmem:$0x10080] =	vst v63  }
0xa7: {  	s29 =	simm.s32 $0xC080  }
0xa8: {  	[tilespmem:s29], [sflag:$0x2] =	stream.indirect_vreg.gather [hbm4b:s13+s3], $0x80, v3, vm0, $0xb8;
	[tilespmem:$0x10080] =	vst v63  }
0xa9: {  	s29 =	simm.s32 $0xC880  }
0xaa: {  	[tilespmem:s29], [sflag:$0x2] =	stream.indirect_vreg.gather [hbm4b:s4+s3], $0x80, v3, vm0, $0xb8;
	[tilespmem:$0x10080] =	vst v63  }
0xab: {  	s29 =	simm.s32 $0xD080  }
0xac: {  	[tilespmem:s29], [sflag:$0x2] =	stream.indirect_vreg.gather [hbm4b:s5+s3], $0x80, v3, vm0, $0xb8;
	[tilespmem:$0x10080] =	vst v63  }
0xad: {  	s29 =	simm.s32 $0xD880  }
0xae: {  	[tilespmem:s29], [sflag:$0x2] =	stream.indirect_vreg.gather [hbm4b:s6+s3], $0x80, v3, vm0, $0xb8;
	[tilespmem:$0x10080] =	vst v63  }
0xaf: {  	s29 =	simm.s32 $0xE080  }
0xb0: {  	[tilespmem:s29], [sflag:$0x2] =	stream.indirect_vreg.gather [hbm4b:s7+s3], $0x80, v3, vm0, $0xb8;
	[tilespmem:$0x10080] =	vst v63  }
0xb1: {  	s29 =	simm.s32 $0xE880  }
0xb2: {  	[tilespmem:s29], [sflag:$0x2] =	stream.indirect_vreg.gather [hbm4b:s8+s3], $0x80, v3, vm0, $0xb8;
	[tilespmem:$0x10080] =	vst v63  }
0xb3: {  	s29 =	simm.s32 $0xF080  }
0xb4: {  	[tilespmem:s29], [sflag:$0x2] =	stream.indirect_vreg.gather [hbm4b:s9+s3], $0x80, v3, vm0, $0xb8;
	[tilespmem:$0x10080] =	vst v63  }
0xb5: {  	s29 =	simm.s32 $0xF880  }
0xb6: {  	[tilespmem:s29], [sflag:$0x2] =	stream.indirect_vreg.gather [hbm4b:s10+s3], $0x80, v3, vm0, $0xb8;
	[tilespmem:$0x10080] =	vst v63  }
0xb7: {  	_ =	swait.ge [sflag:s26], $0x8000  }
0xb8: {  	[sflag:s26] =	ssyncset.done $0x0  }
0xb9: {  	s0 =	rddreg [dreg:$0x6];
	[sflag:s26] =	ssyncadd.s32 $0xFFFF8000  }
0xba: {  	[hbm4b:s0+s3] =	stream.linear.scatter [tilespmem:s30], [sflag:$0x3], $0x8000, $0x38;
	[tilespmem:$0x10080] =	vst v63  }
0xbb: {  	_ =	swait.ge [sflag:s12], $0x8000  }
0xbc: {  	[sflag:s12] =	ssyncset.done $0x0  }
0xbd: {  	[sflag:s12] =	ssyncadd.s32 $0xFFFF8000  }
0xbe: {  	_ =	swait.ge [sflag:s28], $0x8000  }
0xbf: {  	p0 =	sne.s32 s11, $0x1;
	[sflag:s28] =	ssyncset.done $0x0  }
.Ltmp0:
0xc0: {  	s0 =	rddreg [dreg:$0x7];
	[sflag:s28] =	ssyncadd.s32 $0xFFFF8000;
	(pc) =	sbr.rel @p0 .LBB2_1-.Ltmp0, $4  }
0xc1: {  	[hbm4b:s0+s3] =	stream.linear.scatter [tilespmem:s2], [sflag:$0x3], $0x8000, $0x38;
	[tilespmem:$0x10080] =	vst v63  }
0xc2: {  	_ =	swait.ge [sflag:s12], $0x8000  }
0xc3: {  	[sflag:s12] =	ssyncset.done $0x0  }
0xc4: {  	s11 =	sadd.s32 $0xFFFFFFFF, s11;
	[sflag:s12] =	ssyncadd.s32 $0xFFFF8000  }
0xc5: {  	_ =	sfence.sel $0x180000  }
0xc6: {  	[bflag:$0x0] =	sbarrier.arrive $0xFFFF  }
0xc7: {  	_ =	strace $0x9000004A  }
0xc8: {  	s0 =	stileid.u32;
	[bflag:$0x2] =	sbarrier.arrive $0xFFFF  }
0xc9: {  	p0 =	sne.s32 s0, $0x0;
	s0 =	rddreg [dreg:$0x2]  }
0xca: {  	s0 =	sadd.s32 @!p0 $0x100000, s0  }
0xcb: {  	[sflag:s0] =	ssyncadd.tile.s32 @!p0 $0x1;
	_ =	shalt  }
.Lfunc_end2:
_tile_overlayer_lowered:
.L_overlay_start_2:
0xcc: {  	(tag) =	ssettag $0x2  }
0xcd: {  	s0 =	rddreg [dreg:$0x0];
	s2 =	stileid.u32  }
0xce: {  	s1 =	rddreg [dreg:$0x1];
	p0 =	sne.s32 s2, $0x0  }
0xcf: {  	s3 =	rddreg [dreg:$0x2];
	[bflag:$0x3] =	sbarrier.arrive $0xFFFF;
	s2 =	simm.s32 @!p0 $0x1C03  }
0xd0: {  	[timem:s3], [sflag:s2] =	dma.local @!p0 [hbm:s0], s1  }
0xd1: {  	s0 =	simm.s32 @!p0 $0x3  }
0xd2: {  	_ =	swait.ge @!p0 [sflag:s0], s1  }
0xd3: {  	s1 =	ssub.s32 @!p0 $0x0, s1;
	[sflag:s0] =	ssyncset.done @!p0 $0x0  }
0xd4: {  	[sflag:s0] =	ssyncadd.s32 @!p0 s1  }
0xd5: {  	[bflag:$0x3] =	sbarrier.arrive $0xFFFF  }
0xd6: {  	_ =	shalt  }

// kernel: kernel.14.cloned.1.call-start
scs
__scs_entry_jumppad:
0x0: {  	(pc) =	sbr.rel $0x88, $3  }
0x1: {  	(tag) =	ssettag $0x0;
	lr =	simm.s32 $0x1  }
0x2: {  	[smem:$0x3F9B] =	sst lr;
	_ =	strace $0xD0000000  }
0x3: {  	_ = 	snop  }
0x4: {  	_ = 	snop  }
0x5: {  	_ = 	snop  }
0x6: {  	_ = 	snop  }
0x7: {  	_ = 	snop  }
__scs_overlays_trampoline_lowered:
0x8: {  	[smem:$0x3FAA] =	sst s0  }
0x9: {  	[smem:$0x3FAB] =	sst s1  }
0xa: {  	[smem:$0x3FAC] =	sst s2  }
0xb: {  	[smem:$0x3FAD] =	sst s3  }
0xc: {  	[smem:$0x3FAE] =	sst s4  }
0xd: {  	[smem:$0x3FAF] =	sst s5  }
0xe: {  	[smem:$0x3FB0] =	sst s6  }
0xf: {  	[smem:$0x3FB1] =	sst s7  }
0x10: {  	[smem:$0x3FB2] =	sst s8  }
0x11: {  	[smem:$0x3FB3] =	sst s9;
	s0 =	simm.s32 @!p0 $0x0  }
0x12: {  	s1 =	sld [smem:$0x3F99];
	s0 =	simm.s32 @p0 $0x1  }
0x13: {  	[smem:$0x3FB4] =	sst s0;
	s0 =	simm.s32 @!p1 $0x0  }
0x14: {  	s2 =	sld [smem:$0x3F98];
	s0 =	simm.s32 @p1 $0x1  }
0x15: {  	[smem:$0x3FB5] =	sst s0;
	s0 =	simm.s32 @!p2 $0x0  }
0x16: {  	s3 =	sld [smem:$0x3FDB];
	s0 =	simm.s32 @p2 $0x1  }
0x17: {  	s4 =	simm.s32 $0x1BF5;
	[smem:$0x3FB7] =	sst s0  }
0x18: {  	s0 =	sld [smem:$0x3F9A];
	_ =	swait.ge [sflag:s4], $0x0  }
0x19: {  	s7 =	sld [smem:$0x3F9B]  }
0x1a: {  	s8 =	sadd.s32 $0xFFFFE003, lr  }
0x1b: {  	s9 =	sadd.s32 $0xFFFFFEF7, lr;
	s5 =	simm.s32 $0xFFFFFFFF;
	p2 =	slt.u32 s8, $0xFFFFF086  }
0x1c: {  	p1 =	slt.u32 s9, $0xF7A;
	s5 =	simm.s32 @!p2 $0x0  }
0x1d: {  	s5 =	simm.s32 @p1 $0x1;
	p0 =	seq.s32 s7, s2  }
0x1e: {  	s7 =	smul.u32 @!p0 $0xF7A, s2;
	p2 =	seq.s32 @!p0 s5, $0x0  }
0x1f: {  	s9 =	smul.u32 $0xF7A, s1;
	s8 =	simm.s32 @!p0 $0x1BF5;
	p2 =	por !p2, p0  }
0x20: {  	[sflag:s8] =	ssyncset.s32 @!p0 $0xFFFFF086;
	s6 =	sadd.s32 @!p0 s3, s7;
	s7 =	simm.s32 @!p0 $0x108  }
0x21: {  	s3 =	sadd.s32 s3, s9;
	s6 =	sadd.s32 @!p0 $0x88, s6;
	s7 =	simm.s32 @p2 $0x1082  }
0x22: {  	[simem:s7], [sflag:s8] =	dma.local @!p0 [hbm:s6], $0xF7A  }
0x23: {  	s9 =	sor.u32 $0xD0000000, s2;
	s6 =	simm.s32 $0x108;
	_ =	swait.ge @!p0 [sflag:s8], $0x0  }
0x24: {  	s3 =	sadd.s32 $0x88, s3;
	s6 =	simm.s32 @!p1 $0x1082;
	[sflag:s4] =	ssyncset.s32 $0xFFFFF086  }
0x25: {  	[simem:s6], [sflag:s4] =	dma.local [hbm:s3], $0xF7A  }
0x26: {  	[smem:$0x3F9B] =	sst s1;
	(tag) =	ssettag s2;
	_ =	strace s9  }
0x27: {  	s1 =	sld [smem:$0x3FAB]  }
0x28: {  	s2 =	sld [smem:$0x3FAC]  }
0x29: {  	s4 =	sld [smem:$0x3FAE]  }
0x2a: {  	p0 =	seq.s32 s5, $0x0;
	s5 =	sld [smem:$0x3FAF]  }
0x2b: {  	s6 =	sld [smem:$0x3FB0]  }
0x2c: {  	s7 =	sld [smem:$0x3FB1]  }
0x2d: {  	s3 =	simm.s32 $0x108;
	s8 =	sld [smem:$0x3FB2]  }
0x2e: {  	s3 =	simm.s32 @!p0 $0x1082;
	s9 =	sld [smem:$0x3FB3]  }
0x2f: {  	lr =	sadd.s32 s0, s3;
	s0 =	sld [smem:$0x3FAA]  }
0x30: {  	s3 =	sld [smem:$0x3FAD]  }
0x31: {  	[smem:$0x3FB6] =	sst s10  }
0x32: {  	s10 =	sld [smem:$0x3FB4];
	_ =	sdelay $0x3  }
0x33: {  	p0 =	seq.s32 s10, $0x1;
	s10 =	sld [smem:$0x3FB6];
	_ =	sdelay $0x3  }
0x34: {  	[smem:$0x3FB6] =	sst s10  }
0x35: {  	s10 =	sld [smem:$0x3FB5];
	_ =	sdelay $0x3  }
0x36: {  	p1 =	seq.s32 s10, $0x1;
	s10 =	sld [smem:$0x3FB6];
	_ =	sdelay $0x3  }
0x37: {  	[smem:$0x3FB6] =	sst s10  }
0x38: {  	s10 =	sld [smem:$0x3FB7]  }
0x39: {  	_ = 	snop;
	(pc) =	sbr.ind lr, $3  }
0x3a: {  	_ = 	snop  }
0x3b: {  	_ = 	snop  }
0x3c: {  	p2 =	seq.s32 s10, $0x1;
	s10 =	sld [smem:$0x3FB6]  }
0x3d: {  	_ =	shalt  }
0x3e: {  	_ =	shalt  }
0x3f: {  	_ =	shalt  }
0x40: {  	_ =	shalt  }
0x41: {  	_ =	shalt  }
0x42: {  	_ =	shalt  }
0x43: {  	_ =	shalt  }
0x44: {  	_ =	shalt  }
0x45: {  	_ =	shalt  }
0x46: {  	_ =	shalt  }
0x47: {  	_ =	shalt  }
0x48: {  	_ =	shalt  }
0x49: {  	_ =	shalt  }
0x4a: {  	_ =	shalt  }
0x4b: {  	_ =	shalt  }
0x4c: {  	_ =	shalt  }
0x4d: {  	_ =	shalt  }
0x4e: {  	_ =	shalt  }
0x4f: {  	_ =	shalt  }
0x50: {  	_ =	shalt  }
0x51: {  	_ =	shalt  }
0x52: {  	_ =	shalt  }
0x53: {  	_ =	shalt  }
0x54: {  	_ =	shalt  }
0x55: {  	_ =	shalt  }
0x56: {  	_ =	shalt  }
0x57: {  	_ =	shalt  }
0x58: {  	_ =	shalt  }
0x59: {  	_ =	shalt  }
0x5a: {  	_ =	shalt  }
0x5b: {  	_ =	shalt  }
0x5c: {  	_ =	shalt  }
0x5d: {  	_ =	shalt  }
0x5e: {  	_ =	shalt  }
0x5f: {  	_ =	shalt  }
0x60: {  	_ =	shalt  }
0x61: {  	_ =	shalt  }
0x62: {  	_ =	shalt  }
0x63: {  	_ =	shalt  }
0x64: {  	_ =	shalt  }
0x65: {  	_ =	shalt  }
0x66: {  	_ =	shalt  }
0x67: {  	_ =	shalt  }
0x68: {  	_ =	shalt  }
0x69: {  	_ =	shalt  }
0x6a: {  	_ =	shalt  }
0x6b: {  	_ =	shalt  }
0x6c: {  	_ =	shalt  }
0x6d: {  	_ =	shalt  }
0x6e: {  	_ =	shalt  }
0x6f: {  	_ =	shalt  }
0x70: {  	_ =	shalt  }
0x71: {  	_ =	shalt  }
0x72: {  	_ =	shalt  }
0x73: {  	_ =	shalt  }
0x74: {  	_ =	shalt  }
0x75: {  	_ =	shalt  }
0x76: {  	_ =	shalt  }
0x77: {  	_ =	shalt  }
0x78: {  	_ =	shalt  }
0x79: {  	_ =	shalt  }
0x7a: {  	_ =	shalt  }
0x7b: {  	_ =	shalt  }
0x7c: {  	_ =	shalt  }
0x7d: {  	_ =	shalt  }
0x7e: {  	_ =	shalt  }
0x7f: {  	_ =	shalt  }
0x80: {  	_ =	shalt  }
0x81: {  	_ =	shalt  }
0x82: {  	_ =	shalt  }
0x83: {  	_ =	shalt  }
0x84: {  	_ =	shalt  }
0x85: {  	_ =	shalt  }
0x86: {  	_ =	shalt  }
0x87: {  	_ =	shalt  }
.Lfunc_end0:
.L_simem_size_0:
called_computation.2_lowered:
.L_overlay_start_0:
0x88: {  	s2 =	sld [smem:$0x3FD9]  }
0x89: {  	s3 =	sld [smem:$0x3FFE];
	_ =	sdelay $0x1  }
0x8a: {  	s1 =	srdreg.scid  }
0x8b: {  	s0 =	sand.u32 $0x1, s1  }
0x8c: {  	s14 =	sshll.u32 s0, $0xA;
	s2 =	sadd.s32 s3, s2  }
0x8d: {  	s2 =	sadd.s32 s2, s14  }
0x8e: {  	[smem:$0x3FC2] =	sst s2  }
0x8f: {  	_ = 	snop  }
0x90: {  	s2 =	sld [smem:$0x3FD0];
	_ =	sdelay $0x2  }
0x91: {  	s15 =	simm.s32 $0xA;
	s4 =	simm.s32 $0x10  }
0x92: {  	[smem:s4], [sflag:s15] =	dma.local [hbm:s2], $0x1  }
0x93: {  	_ =	swait.eq [sflag:s15], $0x1  }
0x94: {  	[sflag:s15] =	ssyncset.done $0x0  }
0x95: {  	s16 =	sld [smem:$0x10];
	[sflag:s15] =	ssyncadd.s32 $0xFFFFFFFF  }
0x96: {  	s17 =	sld [smem:$0x11];
	(tm) =	ssettm $0x1  }
0x97: {  	s18 =	sld [smem:$0x3FFB];
	_ =	sdelay $0x3  }
0x98: {  	_ =	strace s18  }
0x99: {  	s4 =	sld [smem:$0x3FFC];
	_ =	sdelay $0x3  }
0x9a: {  	_ =	strace s4  }
0x9b: {  	s4 =	sld [smem:$0x3FFD];
	_ =	sdelay $0x3  }
0x9c: {  	_ =	strace s4  }
0x9d: {  	_ =	strace $0x8FFFFFFF  }
0x9e: {  	s19 =	sld [smem:$0x3FDB];
	_ =	sdelay $0x1  }
0x9f: {  	s5 =	simm.s32 $_scs_section_size  }
0xa0: {  	s6 =	simm.s32 $_size__tile_overlayer_lowered;
	s7 =	simm.s32 $_tile_overlayer_lowered  }
0xa1: {  	s22 =	simm.s32 $0x1BFF;
	s21 =	sshll.u32 s7, $0x1;
	s4 =	sadd.s32 s5, s19  }
0xa2: {  	s8 =	simm.s32 $0x0;
	s20 =	sshll.u32 s6, $0x1;
	s6 =	sadd.s32 s21, s4  }
0xa3: {  	[timem:s8], [sflag:s22] =	dma.local [hbm:s6], s20  }
0xa4: {  	_ =	swait.ge [sflag:s22], s20  }
0xa5: {  	s5 =	ssub.s32 $0x0, s20;
	[sflag:s22] =	ssyncset.done $0x0  }
0xa6: {  	[sflag:s22] =	ssyncadd.s32 s5;
	_ =	sdelay $0x1  }
0xa7: {  	s23 =	simm.s32 $0x1B8B  }
0xa8: {  	_ =	swait.ge [sflag:s23], $0x1  }
0xa9: {  	[sflag:s23] =	ssyncset.done $0x0  }
0xaa: {  	s25 =	simm.s32 $0x1B8E;
	s24 =	sld [smem:$0x3FFE];
	[sflag:s23] =	ssyncadd.s32 $0xFFFFFFFF  }
0xab: {  	s26 =	simm.s32 $execute0_lowered;
	[smem:$0x3FD2] =	sst s25  }
0xac: {  	s6 =	sshll.u32 s26, $0x1;
	_ =	strace $0x8000004C;
	[dreg:$0x1] =	wrdreg $0xFFFFFFFF  }
0xad: {  	s28 =	simm.s32 $_size_execute0_lowered;
	s4 =	sadd.s32 s4, s6;
	[dreg:$0x0] =	wrdreg $0x0  }
0xae: {  	s6 =	sshll.u32 s28, $0x1;
	[dreg:$0x2] =	wrdreg s4  }
0xaf: {  	[dreg:$0x3] =	wrdreg s6  }
0xb0: {  	[dreg:$0x4] =	wrdreg $0xC0  }
0xb1: {  	_ =	task [dreg:s8], $0x5FFFF  }
0xb2: {  	[dreg:$0x1] =	wrdreg $0xFFFFFFFF  }
0xb3: {  	[dreg:$0x0] =	wrdreg $0x60  }
0xb4: {  	[dreg:$0x2] =	wrdreg s17  }
0xb5: {  	[dreg:$0x3] =	wrdreg s16  }
0xb6: {  	[dreg:$0x4] =	wrdreg s24  }
0xb7: {  	[dreg:$0x5] =	wrdreg $0x9  }
0xb8: {  	_ =	task.clear_ibuf [dreg:s8], $0x6FFFF;
	_ =	strace $0x9000004C  }
0xb9: {  	s29 =	simm.s32 $0x9;
	_ =	strace $0x8000004E  }
0xba: {  	_ =	swait.ge [sflag:s29], $0x1  }
0xbb: {  	[sflag:s29] =	ssyncadd.s32 $0xFFFFFFFF  }
0xbc: {  	_ =	strace $0x9000004E  }
0xbd: {  	_ =	sfence  }
0xbe: {  	s30 =	sld [smem:$0x0];
	_ =	sdelay $0x2  }
0xbf: {  	s31 =	sshll.u32 s1, $0xD;
	s1 =	sshrl.u32 s1, $0x2  }
0xc0: {  	s3 =	sand.u32 $0x4000, s31;
	s1 =	sadd.s32 s1, s30  }
0xc1: {  	s0 =	sor.u32 s3, s0;
	s1 =	sshll.u32 s1, $0x11  }
0xc2: {  	s0 =	sor.u32 s1, s0  }
0xc3: {  	s0 =	sadd.s32 $0x8F2B, s0  }
0xc4: {  	[sflag:s0] =	ssyncadd.remote.s32 $0x1  }
0xc5: {  	_ =	sfence.sel $0xFFFF  }
0xc6: {  	[dreg:$0x0] =	wrdreg $0xFFFFFFFF;
	(pc) =	sbr.abs _section_cstart, $3  }
0xc7: {  	[dreg:$0x1] =	wrdreg $0xFFFFFFFF  }
0xc8: {  	_ =	task.clear_ibuf [dreg:s8], $0x2FFFF;
	_ =	strace $0x9FFFFFFF  }
0xc9: {  	(tm) =	ssettm $0x7FFFFFFF  }
tec
execute0_lowered:
.L_overlay_start_1:
0x0: {  	(tag) =	ssettag $0x1  }
0x1: {  	s0 =	rddreg [dreg:$0x0]  }
0x2: {  	s3 =	rddreg [dreg:$0x1]  }
0x3: {  	s6 =	rddreg [dreg:$0x2]  }
0x4: {  	s2 =	srdreg.scid;
	s1 =	stileid.u32  }
0x5: {  	s10 =	simm.s32 $0x600;
	s11 =	simm.s32 $0x800;
	s12 =	simm.s32 $0xA00  }
0x6: {  	s24 =	simm.s32 $0xC00;
	s13 =	simm.s32 $0x80;
	s25 =	simm.s32 $0xE00  }
0x7: {  	s14 =	simm.s32 $0x200;
	s26 =	simm.s32 $0x1000;
	s28 =	simm.s32 $0xD80  }
0x8: {  	s29 =	simm.s32 $0xF80;
	s30 =	simm.s32 $0x1180;
	s31 =	simm.s32 $0x1380  }
0x9: {  	s7 =	sand.u32 $0x1, s2;
	s2 =	simm.s32 $0x0;
	s5 =	sshll.u32 s1, $0x6  }
0xa: {  	s4 =	sshll.u32 s7, $0xA;
	[smem:$0x7FF] =	sst s2;
	s7 =	ssub.s32 $0x2, s7  }
0xb: {  	s4 =	sor.u32 s5, s4;
	_ =	strace $0x8000004D;
	[dreg:$0xd] =	wrdreg s24  }
0xc: {  	s5 =	sadd.s32 $0x1000, s6;
	s9 =	sshrl.u32 s7, $0x1;
	[dreg:$0xe] =	wrdreg s25  }
0xd: {  	[dreg:$0xf] =	wrdreg s26;
	s24 =	simm.s32 $0x1100;
	s25 =	simm.s32 $0x1300  }
0xe: {  	s26 =	simm.s32 $0x380;
	s0 =	sadd.s32 s0, s4;
	s8 =	sadd.s32 s4, s6  }
0xf: {  	s16 =	sadd.s32 s3, s4;
	s3 =	sadd.s32 $0xC00, s6;
	[dreg:$0x4] =	wrdreg s0  }
0x10: {  	s4 =	sadd.s32 $0xA00, s6;
	[dreg:$0x5] =	wrdreg s16;
	s17 =	sadd.s32 $0x1A00, s8  }
0x11: {  	s7 =	ssub.s32 s7, s9;
	s18 =	sadd.s32 $0x2200, s8;
	[dreg:$0x6] =	wrdreg s17  }
0x12: {  	s6 =	sadd.s32 $0xE00, s6;
	s19 =	sadd.s32 $0x2A00, s8;
	[dreg:$0x7] =	wrdreg s18  }
0x13: {  	s9 =	simm.s32 $0x400;
	s20 =	sadd.s32 $0x1200, s8;
	[dreg:$0x8] =	wrdreg s19  }
0x14: {  	s21 =	sadd.s32 $0x3200, s8;
	s22 =	sadd.s32 $0x3A00, s8;
	[dreg:$0x9] =	wrdreg s20  }
0x15: {  	s23 =	sadd.s32 $0x4200, s8;
	s7 =	smax.u32 s7, $0x1;
	[dreg:$0xa] =	wrdreg s21  }
0x16: {  	s8 =	simm.s32 $0x2;
	s16 =	simm.s32 $0x280;
	[dreg:$0xb] =	wrdreg s22  }
0x17: {  	s0 =	simm.s32 $0x1;
	[dreg:$0xc] =	wrdreg s23;
	s17 =	simm.s32 $0xC80  }
0x18: {  	s18 =	simm.s32 $0xE80;
	s19 =	simm.s32 $0x1080;
	s20 =	simm.s32 $0x1280  }
0x19: {  	s21 =	simm.s32 $0x300;
	s22 =	simm.s32 $0xD00;
	s23 =	simm.s32 $0xF00  }
.LBB2_1:
0x1a: {  	s1 =	rddreg [dreg:$0x4]  }
0x1b: {  	[tilespmem:s2], [sflag:$0x2] =	stream.linear.gather [hbm4b:s1+s2], $0x200, $0x38;
	[tilespmem:$0x1400] =	vst v63  }
0x1c: {  	_ =	swait.ge [sflag:s8], $0x200  }
0x1d: {  	[sflag:s8] =	ssyncset.done $0x0  }
0x1e: {  	s15 =	rddreg [dreg:$0x5];
	[sflag:s8] =	ssyncadd.s32 $0xFFFFFE00  }
0x1f: {  	[tilespmem:s9], [sflag:$0x2] =	stream.linear.gather [hbm4b:s15+s2], $0x200, $0x38;
	[tilespmem:$0x1400] =	vst v63  }
0x20: {  	_ =	swait.ge [sflag:s8], $0x200  }
0x21: {  	[sflag:s8] =	ssyncset.done $0x0  }
0x22: {  	s15 =	rddreg [dreg:$0x6];
	[sflag:s8] =	ssyncadd.s32 $0xFFFFFE00  }
0x23: {  	[tilespmem:s10], [sflag:$0x2] =	stream.linear.gather [hbm4b:s15+s2], $0x200, $0x38;
	[tilespmem:$0x1400] =	vst v63  }
0x24: {  	_ =	swait.ge [sflag:s8], $0x200  }
0x25: {  	[sflag:s8] =	ssyncset.done $0x0  }
0x26: {  	s15 =	rddreg [dreg:$0x7];
	[sflag:s8] =	ssyncadd.s32 $0xFFFFFE00  }
0x27: {  	[tilespmem:s11], [sflag:$0x2] =	stream.linear.gather [hbm4b:s15+s2], $0x200, $0x38;
	[tilespmem:$0x1400] =	vst v63  }
0x28: {  	_ =	swait.ge [sflag:s8], $0x200  }
0x29: {  	[sflag:s8] =	ssyncset.done $0x0  }
0x2a: {  	s15 =	rddreg [dreg:$0x8];
	[sflag:s8] =	ssyncadd.s32 $0xFFFFFE00  }
0x2b: {  	[tilespmem:s12], [sflag:$0x2] =	stream.linear.gather [hbm4b:s15+s2], $0x200, $0x38;
	[tilespmem:$0x1400] =	vst v63  }
0x2c: {  	_ =	swait.ge [sflag:s8], $0x200  }
0x2d: {  	[sflag:s8] =	ssyncset.done $0x0  }
0x2e: {  	[sflag:s8] =	ssyncadd.s32 $0xFFFFFE00  }
0x2f: {  	v0 =	vld [tilespmem:$0x0]  }
0x30: {  	v1 =	vld [tilespmem:$0x10]  }
0x31: {  	v2 =	vld [tilespmem:$0x20]  }
0x32: {  	v3 =	vld [tilespmem:$0x30]  }
0x33: {  	v4 =	vld [tilespmem:$0x40]  }
0x34: {  	v5 =	vld [tilespmem:$0x50];
	vm0 =	vlt.s32 v0, $0x800  }
0x35: {  	v6 =	vld [tilespmem:$0x60];
	vm13 =	vlt.s32 v1, $0x800;
	v0 =	vnsel vm0, $0x0, v0  }
0x36: {  	v9 =	vld [tilespmem:$0x70];
	vm14 =	vlt.s32 v2, $0x800;
	v8 =	vnsel vm13, $0x0, v1;
	[tilespmem:$0x200] =	vst v0  }
0x37: {  	v11 =	vld [tilespmem:$0x80];
	vm15 =	vlt.s32 v3, $0x800;
	v10 =	vnsel vm14, $0x0, v2;
	[tilespmem:$0x210] =	vst v8  }
0x38: {  	v13 =	vld [tilespmem:$0x90];
	vm4 =	vlt.s32 v4, $0x800;
	v12 =	vnsel vm15, $0x0, v3;
	[tilespmem:$0x220] =	vst v10  }
0x39: {  	v15 =	vld [tilespmem:$0xA0];
	vm5 =	vlt.s32 v5, $0x800;
	v14 =	vnsel vm4, $0x0, v4;
	[tilespmem:$0x230] =	vst v12  }
0x3a: {  	v17 =	vld [tilespmem:$0xB0];
	vm6 =	vlt.s32 v6, $0x800;
	v16 =	vnsel vm5, $0x0, v5;
	[tilespmem:$0x240] =	vst v14  }
0x3b: {  	v19 =	vld [tilespmem:$0xC0];
	vm7 =	vlt.s32 v9, $0x800;
	v18 =	vnsel vm6, $0x0, v6;
	[tilespmem:$0x250] =	vst v16  }
0x3c: {  	v21 =	vld [tilespmem:$0xD0];
	vm8 =	vlt.s32 v11, $0x800;
	v20 =	vnsel vm7, $0x0, v9;
	[tilespmem:$0x260] =	vst v18  }
0x3d: {  	v23 =	vld [tilespmem:$0xE0];
	vm9 =	vlt.s32 v13, $0x800;
	v22 =	vnsel vm8, $0x0, v11;
	[tilespmem:$0x270] =	vst v20  }
0x3e: {  	v25 =	vld [tilespmem:$0xF0];
	vm10 =	vlt.s32 v15, $0x800;
	v24 =	vnsel vm9, $0x0, v13;
	[tilespmem:$0x280] =	vst v22  }
0x3f: {  	v27 =	vld [tilespmem:$0x100];
	vm11 =	vlt.s32 v17, $0x800;
	v26 =	vnsel vm10, $0x0, v15;
	[tilespmem:$0x290] =	vst v24  }
0x40: {  	v29 =	vld [tilespmem:$0x110];
	vm12 =	vlt.s32 v19, $0x800;
	v28 =	vnsel vm11, $0x0, v17;
	[tilespmem:$0x2A0] =	vst v26  }
0x41: {  	v31 =	vld [tilespmem:$0x120];
	v30 =	vnsel vm12, $0x0, v19;
	vm13 =	vlt.s32 v21, $0x800;
	[tilespmem:$0x2B0] =	vst v28  }
0x42: {  	v33 =	vld [tilespmem:$0x130];
	vm14 =	vlt.s32 v23, $0x800;
	[tilespmem:$0x2C0] =	vst v30;
	v32 =	vnsel vm13, $0x0, v21  }
0x43: {  	v35 =	vld [tilespmem:$0x140];
	vm15 =	vlt.s32 v25, $0x800;
	v34 =	vnsel vm14, $0x0, v23;
	[tilespmem:$0x2D0] =	vst v32  }
0x44: {  	v37 =	vld [tilespmem:$0x150];
	vm4 =	vlt.s32 v27, $0x800;
	v36 =	vnsel vm15, $0x0, v25;
	[tilespmem:$0x2E0] =	vst v34  }
0x45: {  	v39 =	vld [tilespmem:$0x160];
	vm5 =	vlt.s32 v29, $0x800;
	v38 =	vnsel vm4, $0x0, v27;
	[tilespmem:$0x2F0] =	vst v36  }
0x46: {  	v41 =	vld [tilespmem:$0x170];
	vm6 =	vlt.s32 v31, $0x800;
	v40 =	vnsel vm5, $0x0, v29;
	[tilespmem:$0x300] =	vst v38  }
0x47: {  	v48 =	vld [tilespmem:$0x180];
	vm7 =	vlt.s32 v33, $0x800;
	v42 =	vnsel vm6, $0x0, v31;
	[tilespmem:$0x310] =	vst v40  }
0x48: {  	v49 =	vld [tilespmem:$0x190];
	vm8 =	vlt.s32 v35, $0x800;
	v43 =	vnsel vm7, $0x0, v33;
	[tilespmem:$0x320] =	vst v42  }
0x49: {  	v50 =	vld [tilespmem:$0x1A0];
	vm9 =	vlt.s32 v37, $0x800;
	v44 =	vnsel vm8, $0x0, v35;
	[tilespmem:$0x330] =	vst v43  }
0x4a: {  	v51 =	vld [tilespmem:$0x1B0];
	vm10 =	vlt.s32 v39, $0x800;
	v45 =	vnsel vm9, $0x0, v37;
	[tilespmem:$0x340] =	vst v44  }
0x4b: {  	v52 =	vld [tilespmem:$0x1C0];
	vm11 =	vlt.s32 v41, $0x800;
	v46 =	vnsel vm10, $0x0, v39;
	[tilespmem:$0x350] =	vst v45  }
0x4c: {  	v53 =	vld [tilespmem:$0x1D0];
	vm12 =	vlt.s32 v48, $0x800;
	v47 =	vnsel vm11, $0x0, v41;
	[tilespmem:$0x360] =	vst v46  }
0x4d: {  	v54 =	vld [tilespmem:$0x1E0];
	v0 =	vnsel vm12, $0x0, v48;
	vm13 =	vlt.s32 v49, $0x800;
	[tilespmem:$0x370] =	vst v47  }
0x4e: {  	v56 =	vld [tilespmem:$0x1F0];
	vm14 =	vlt.s32 v50, $0x800;
	[tilespmem:$0x380] =	vst v0;
	v55 =	vnsel vm13, $0x0, v49  }
0x4f: {  	vm15 =	vlt.s32 v51, $0x800;
	v57 =	vnsel vm14, $0x0, v50;
	[tilespmem:$0x390] =	vst v55  }
0x50: {  	vm4 =	vlt.s32 v52, $0x800;
	v58 =	vnsel vm15, $0x0, v51;
	[tilespmem:$0x3A0] =	vst v57  }
0x51: {  	vm5 =	vlt.s32 v53, $0x800;
	v59 =	vnsel vm4, $0x0, v52;
	[tilespmem:$0x3B0] =	vst v58  }
0x52: {  	vm6 =	vlt.s32 v54, $0x800;
	v60 =	vnsel vm5, $0x0, v53;
	[tilespmem:$0x3C0] =	vst v59  }
0x53: {  	vm7 =	vlt.s32 v56, $0x800;
	v61 =	vnsel vm6, $0x0, v54;
	[tilespmem:$0x3D0] =	vst v60  }
0x54: {  	v62 =	vnsel vm7, $0x0, v56;
	[tilespmem:$0x3E0] =	vst v61  }
0x55: {  	s1 =	rddreg [dreg:$0xd];
	[tilespmem:$0x3F0] =	vst v62  }
0x56: {  	[tilespmem:s1], [sflag:$0x1] =	stream.indirect.gather [hbm4b:s3+s13], $0x1, s14, s13, $0xb8;
	[tilespmem:$0x1400] =	vst v63  }
0x57: {  	s15 =	rddreg [dreg:$0xe]  }
0x58: {  	[tilespmem:s15], [sflag:$0x1] =	stream.indirect.gather [hbm4b:s4+s13], $0x1, s14, s13, $0xb8;
	[tilespmem:$0x1400] =	vst v63  }
0x59: {  	s1 =	rddreg [dreg:$0xf]  }
0x5a: {  	[tilespmem:s1], [sflag:$0x1] =	stream.indirect.gather [hbm4b:s5+s13], $0x1, s14, s13, $0xb8;
	[tilespmem:$0x1400] =	vst v63  }
0x5b: {  	s15 =	simm.s32 $0x1200  }
0x5c: {  	[tilespmem:s15], [sflag:$0x1] =	stream.indirect.gather [hbm4b:s6+s13], $0x1, s14, s13, $0xb8;
	[tilespmem:$0x1400] =	vst v63  }
0x5d: {  	_ = 	snop  }
0x5e: {  	[tilespmem:s17], [sflag:$0x1] =	stream.indirect.gather [hbm4b:s3+s13], $0x1, s16, s13, $0xb8;
	[tilespmem:$0x1400] =	vst v63  }
0x5f: {  	_ = 	snop  }
0x60: {  	[tilespmem:s18], [sflag:$0x1] =	stream.indirect.gather [hbm4b:s4+s13], $0x1, s16, s13, $0xb8;
	[tilespmem:$0x1400] =	vst v63  }
0x61: {  	_ = 	snop  }
0x62: {  	[tilespmem:s19], [sflag:$0x1] =	stream.indirect.gather [hbm4b:s5+s13], $0x1, s16, s13, $0xb8;
	[tilespmem:$0x1400] =	vst v63  }
0x63: {  	_ = 	snop  }
0x64: {  	[tilespmem:s20], [sflag:$0x1] =	stream.indirect.gather [hbm4b:s6+s13], $0x1, s16, s13, $0xb8;
	[tilespmem:$0x1400] =	vst v63  }
0x65: {  	_ = 	snop  }
0x66: {  	[tilespmem:s22], [sflag:$0x1] =	stream.indirect.gather [hbm4b:s3+s13], $0x1, s21, s13, $0xb8;
	[tilespmem:$0x1400] =	vst v63  }
0x67: {  	_ = 	snop  }
0x68: {  	[tilespmem:s23], [sflag:$0x1] =	stream.indirect.gather [hbm4b:s4+s13], $0x1, s21, s13, $0xb8;
	[tilespmem:$0x1400] =	vst v63  }
0x69: {  	_ = 	snop  }
0x6a: {  	[tilespmem:s24], [sflag:$0x1] =	stream.indirect.gather [hbm4b:s5+s13], $0x1, s21, s13, $0xb8;
	[tilespmem:$0x1400] =	vst v63  }
0x6b: {  	_ = 	snop  }
0x6c: {  	[tilespmem:s25], [sflag:$0x1] =	stream.indirect.gather [hbm4b:s6+s13], $0x1, s21, s13, $0xb8;
	[tilespmem:$0x1400] =	vst v63  }
0x6d: {  	_ = 	snop  }
0x6e: {  	[tilespmem:s28], [sflag:$0x1] =	stream.indirect.gather [hbm4b:s3+s13], $0x1, s26, s13, $0xb8;
	[tilespmem:$0x1400] =	vst v63  }
0x6f: {  	_ = 	snop  }
0x70: {  	[tilespmem:s29], [sflag:$0x1] =	stream.indirect.gather [hbm4b:s4+s13], $0x1, s26, s13, $0xb8;
	[tilespmem:$0x1400] =	vst v63  }
0x71: {  	_ = 	snop  }
0x72: {  	[tilespmem:s30], [sflag:$0x1] =	stream.indirect.gather [hbm4b:s5+s13], $0x1, s26, s13, $0xb8;
	[tilespmem:$0x1400] =	vst v63  }
0x73: {  	_ = 	snop  }
0x74: {  	[tilespmem:s31], [sflag:$0x1] =	stream.indirect.gather [hbm4b:s6+s13], $0x1, s26, s13, $0xb8;
	[tilespmem:$0x1400] =	vst v63  }
0x75: {  	_ =	swait.ge [sflag:s0], $0x80  }
0x76: {  	[sflag:s0] =	ssyncset.done $0x0  }
0x77: {  	[sflag:s0] =	ssyncadd.s32 $0xFFFFFF80  }
0x78: {  	_ =	swait.ge [sflag:s0], $0x80  }
0x79: {  	[sflag:s0] =	ssyncset.done $0x0  }
0x7a: {  	[sflag:s0] =	ssyncadd.s32 $0xFFFFFF80  }
0x7b: {  	_ =	swait.ge [sflag:s0], $0x80  }
0x7c: {  	[sflag:s0] =	ssyncset.done $0x0  }
0x7d: {  	[sflag:s0] =	ssyncadd.s32 $0xFFFFFF80  }
0x7e: {  	_ =	swait.ge [sflag:s0], $0x80  }
0x7f: {  	[sflag:s0] =	ssyncset.done $0x0  }
0x80: {  	[sflag:s0] =	ssyncadd.s32 $0xFFFFFF80  }
0x81: {  	_ =	swait.ge [sflag:s0], $0x80  }
0x82: {  	[sflag:s0] =	ssyncset.done $0x0  }
0x83: {  	[sflag:s0] =	ssyncadd.s32 $0xFFFFFF80  }
0x84: {  	_ =	swait.ge [sflag:s0], $0x80  }
0x85: {  	[sflag:s0] =	ssyncset.done $0x0  }
0x86: {  	[sflag:s0] =	ssyncadd.s32 $0xFFFFFF80  }
0x87: {  	_ =	swait.ge [sflag:s0], $0x80  }
0x88: {  	[sflag:s0] =	ssyncset.done $0x0  }
0x89: {  	[sflag:s0] =	ssyncadd.s32 $0xFFFFFF80  }
0x8a: {  	_ =	swait.ge [sflag:s0], $0x80  }
0x8b: {  	[sflag:s0] =	ssyncset.done $0x0  }
0x8c: {  	[sflag:s0] =	ssyncadd.s32 $0xFFFFFF80  }
0x8d: {  	_ =	swait.ge [sflag:s0], $0x80  }
0x8e: {  	[sflag:s0] =	ssyncset.done $0x0  }
0x8f: {  	[sflag:s0] =	ssyncadd.s32 $0xFFFFFF80  }
0x90: {  	_ =	swait.ge [sflag:s0], $0x80  }
0x91: {  	[sflag:s0] =	ssyncset.done $0x0  }
0x92: {  	[sflag:s0] =	ssyncadd.s32 $0xFFFFFF80  }
0x93: {  	_ =	swait.ge [sflag:s0], $0x80  }
0x94: {  	[sflag:s0] =	ssyncset.done $0x0  }
0x95: {  	[sflag:s0] =	ssyncadd.s32 $0xFFFFFF80  }
0x96: {  	_ =	swait.ge [sflag:s0], $0x80  }
0x97: {  	[sflag:s0] =	ssyncset.done $0x0  }
0x98: {  	[sflag:s0] =	ssyncadd.s32 $0xFFFFFF80  }
0x99: {  	_ =	swait.ge [sflag:s0], $0x80  }
0x9a: {  	[sflag:s0] =	ssyncset.done $0x0  }
0x9b: {  	[sflag:s0] =	ssyncadd.s32 $0xFFFFFF80  }
0x9c: {  	_ =	swait.ge [sflag:s0], $0x80  }
0x9d: {  	[sflag:s0] =	ssyncset.done $0x0  }
0x9e: {  	[sflag:s0] =	ssyncadd.s32 $0xFFFFFF80  }
0x9f: {  	_ =	swait.ge [sflag:s0], $0x80  }
0xa0: {  	[sflag:s0] =	ssyncset.done $0x0  }
0xa1: {  	[sflag:s0] =	ssyncadd.s32 $0xFFFFFF80  }
0xa2: {  	_ =	swait.ge [sflag:s0], $0x80  }
0xa3: {  	[sflag:s0] =	ssyncset.done $0x0  }
0xa4: {  	[sflag:s0] =	ssyncadd.s32 $0xFFFFFF80  }
0xa5: {  	v63 =	vld [tilespmem:$0xC70];
	_ =	sdelay $0x4  }
0xa6: {  	[tilespmem:$0x1F8B0] =	vst v63;
	v63 =	vld [tilespmem:$0x470];
	_ =	sdelay $0x4  }
0xa7: {  	[tilespmem:$0x1F8C0] =	vst v63;
	v63 =	vld [tilespmem:$0xE70];
	_ =	sdelay $0x4  }
0xa8: {  	[tilespmem:$0x1F8D0] =	vst v63;
	v63 =	vld [tilespmem:$0x670];
	_ =	sdelay $0x4  }
0xa9: {  	[tilespmem:$0x1F8E0] =	vst v63;
	v63 =	vld [tilespmem:$0x1070];
	_ =	sdelay $0x4  }
0xaa: {  	[tilespmem:$0x1F8F0] =	vst v63;
	v63 =	vld [tilespmem:$0x870];
	_ =	sdelay $0x4  }
0xab: {  	[tilespmem:$0x1F900] =	vst v63;
	v63 =	vld [tilespmem:$0x1270];
	_ =	sdelay $0x4  }
0xac: {  	[tilespmem:$0x1F910] =	vst v63;
	v63 =	vld [tilespmem:$0xA70];
	_ =	sdelay $0x4  }
0xad: {  	[tilespmem:$0x1F920] =	vst v63;
	v63 =	vld [tilespmem:$0x80];
	_ =	sdelay $0x4  }
0xae: {  	[tilespmem:$0x1F930] =	vst v63;
	v63 =	vld [tilespmem:$0xC80];
	_ =	sdelay $0x4  }
0xaf: {  	[tilespmem:$0x1F940] =	vst v63;
	v63 =	vld [tilespmem:$0x480];
	_ =	sdelay $0x4  }
0xb0: {  	[tilespmem:$0x1F950] =	vst v63;
	v63 =	vld [tilespmem:$0xE80];
	_ =	sdelay $0x4  }
0xb1: {  	[tilespmem:$0x1F960] =	vst v63;
	v63 =	vld [tilespmem:$0x680];
	_ =	sdelay $0x4  }
0xb2: {  	[tilespmem:$0x1F970] =	vst v63;
	v63 =	vld [tilespmem:$0x1080];
	_ =	sdelay $0x4  }
0xb3: {  	[tilespmem:$0x1F980] =	vst v63;
	v63 =	vld [tilespmem:$0x880];
	_ =	sdelay $0x4  }
0xb4: {  	[tilespmem:$0x1F990] =	vst v63;
	v63 =	vld [tilespmem:$0x1280];
	_ =	sdelay $0x4  }
0xb5: {  	[tilespmem:$0x1F9A0] =	vst v63;
	v63 =	vld [tilespmem:$0xA80];
	_ =	sdelay $0x4  }
0xb6: {  	[tilespmem:$0x1F9B0] =	vst v63;
	v63 =	vld [tilespmem:$0x90];
	_ =	sdelay $0x4  }
0xb7: {  	[tilespmem:$0x1F9C0] =	vst v63;
	v63 =	vld [tilespmem:$0xC90];
	_ =	sdelay $0x4  }
0xb8: {  	[tilespmem:$0x1F9D0] =	vst v63;
	v63 =	vld [tilespmem:$0x490];
	_ =	sdelay $0x4  }
0xb9: {  	[tilespmem:$0x1F9E0] =	vst v63;
	v63 =	vld [tilespmem:$0xE90];
	_ =	sdelay $0x4  }
0xba: {  	[tilespmem:$0x1F9F0] =	vst v63;
	v63 =	vld [tilespmem:$0x690];
	_ =	sdelay $0x4  }
0xbb: {  	[tilespmem:$0x1FA00] =	vst v63;
	v63 =	vld [tilespmem:$0x1090];
	_ =	sdelay $0x4  }
0xbc: {  	[tilespmem:$0x1FA10] =	vst v63;
	v63 =	vld [tilespmem:$0x890];
	_ =	sdelay $0x4  }
0xbd: {  	[tilespmem:$0x1FA20] =	vst v63;
	v63 =	vld [tilespmem:$0x1290];
	_ =	sdelay $0x4  }
0xbe: {  	[tilespmem:$0x1FA30] =	vst v63;
	v63 =	vld [tilespmem:$0xA90];
	_ =	sdelay $0x4  }
0xbf: {  	[tilespmem:$0x1FA40] =	vst v63;
	v63 =	vld [tilespmem:$0xA0];
	_ =	sdelay $0x4  }
0xc0: {  	[tilespmem:$0x1FA50] =	vst v63;
	v63 =	vld [tilespmem:$0xCA0];
	_ =	sdelay $0x4  }
0xc1: {  	[tilespmem:$0x1FA60] =	vst v63;
	v63 =	vld [tilespmem:$0x4A0];
	_ =	sdelay $0x4  }
0xc2: {  	[tilespmem:$0x1FA70] =	vst v63;
	v63 =	vld [tilespmem:$0xEA0];
	_ =	sdelay $0x4  }
0xc3: {  	[tilespmem:$0x1FA80] =	vst v63;
	v63 =	vld [tilespmem:$0x6A0];
	_ =	sdelay $0x4  }
0xc4: {  	[tilespmem:$0x1FA90] =	vst v63;
	v63 =	vld [tilespmem:$0x10A0];
	_ =	sdelay $0x4  }
0xc5: {  	[tilespmem:$0x1FAA0] =	vst v63;
	v63 =	vld [tilespmem:$0x8A0];
	_ =	sdelay $0x4  }
0xc6: {  	[tilespmem:$0x1FAB0] =	vst v63;
	v63 =	vld [tilespmem:$0x12A0];
	_ =	sdelay $0x4  }
0xc7: {  	[tilespmem:$0x1FAC0] =	vst v63;
	v63 =	vld [tilespmem:$0xAA0];
	_ =	sdelay $0x4  }
0xc8: {  	[tilespmem:$0x1FAD0] =	vst v63;
	v63 =	vld [tilespmem:$0xB0];
	_ =	sdelay $0x4  }
0xc9: {  	[tilespmem:$0x1FAE0] =	vst v63;
	v63 =	vld [tilespmem:$0xCB0];
	_ =	sdelay $0x1  }
0xca: {  	v0 =	vld [tilespmem:$0x0]  }
0xcb: {  	v2 =	vld [tilespmem:$0xC00]  }
0xcc: {  	v1 =	vld [tilespmem:$0x400]  }
0xcd: {  	[tilespmem:$0x1FAF0] =	vst v63;
	v63 =	vld [tilespmem:$0x4B0]  }
0xce: {  	v4 =	vld [tilespmem:$0xE00]  }
0xcf: {  	v3 =	vld [tilespmem:$0x600]  }
0xd0: {  	v6 =	vld [tilespmem:$0x1000]  }
0xd1: {  	v5 =	vld [tilespmem:$0x800]  }
0xd2: {  	[tilespmem:$0x1FB00] =	vst v63;
	v63 =	vld [tilespmem:$0xEB0]  }
0xd3: {  	v10 =	vld [tilespmem:$0x1200]  }
0xd4: {  	v7 =	vld [tilespmem:$0xA00]  }
0xd5: {  	v8 =	vld [tilespmem:$0x10]  }
0xd6: {  	v12 =	vld [tilespmem:$0xC10]  }
0xd7: {  	[tilespmem:$0x1FB10] =	vst v63;
	v63 =	vld [tilespmem:$0x6B0]  }
0xd8: {  	v9 =	vld [tilespmem:$0x410]  }
0xd9: {  	v14 =	vld [tilespmem:$0xE10]  }
0xda: {  	v11 =	vld [tilespmem:$0x610]  }
0xdb: {  	v15 =	vld [tilespmem:$0x1010]  }
0xdc: {  	[tilespmem:$0x1FB20] =	vst v63;
	v63 =	vld [tilespmem:$0x10B0]  }
0xdd: {  	v13 =	vld [tilespmem:$0x810]  }
0xde: {  	v18 =	vld [tilespmem:$0x1210]  }
0xdf: {  	v16 =	vld [tilespmem:$0xA10]  }
0xe0: {  	v17 =	vld [tilespmem:$0x20]  }
0xe1: {  	[tilespmem:$0x1FB30] =	vst v63;
	v63 =	vld [tilespmem:$0x8B0]  }
0xe2: {  	v20 =	vld [tilespmem:$0xC20]  }
0xe3: {  	v19 =	vld [tilespmem:$0x420]  }
0xe4: {  	v22 =	vld [tilespmem:$0xE20]  }
0xe5: {  	v21 =	vld [tilespmem:$0x620]  }
0xe6: {  	[tilespmem:$0x1FB40] =	vst v63;
	v63 =	vld [tilespmem:$0x12B0]  }
0xe7: {  	v24 =	vld [tilespmem:$0x1020]  }
0xe8: {  	v23 =	vld [tilespmem:$0x820]  }
0xe9: {  	v28 =	vld [tilespmem:$0x1220]  }
0xea: {  	v25 =	vld [tilespmem:$0xA20]  }
0xeb: {  	[tilespmem:$0x1FB50] =	vst v63;
	v63 =	vld [tilespmem:$0xAB0]  }
0xec: {  	v26 =	vld [tilespmem:$0x30]  }
0xed: {  	v30 =	vld [tilespmem:$0xC30]  }
0xee: {  	v27 =	vld [tilespmem:$0x430]  }
0xef: {  	v32 =	vld [tilespmem:$0xE30]  }
0xf0: {  	[tilespmem:$0x1FB60] =	vst v63;
	v63 =	vld [tilespmem:$0xC0]  }
0xf1: {  	v29 =	vld [tilespmem:$0x630]  }
0xf2: {  	v33 =	vld [tilespmem:$0x1030]  }
0xf3: {  	v31 =	vld [tilespmem:$0x830]  }
0xf4: {  	v58 =	vld [tilespmem:$0x1230]  }
0xf5: {  	[tilespmem:$0x1FB70] =	vst v63;
	v63 =	vld [tilespmem:$0xCC0]  }
0xf6: {  	v34 =	vld [tilespmem:$0xA30]  }
0xf7: {  	v35 =	vld [tilespmem:$0x40]  }
0xf8: {  	v59 =	vld [tilespmem:$0xC40]  }
0xf9: {  	v36 =	vld [tilespmem:$0x440]  }
0xfa: {  	[tilespmem:$0x1FB80] =	vst v63;
	v63 =	vld [tilespmem:$0x4C0]  }
0xfb: {  	v50 =	vld [tilespmem:$0xE40]  }
0xfc: {  	v37 =	vld [tilespmem:$0x640]  }
0xfd: {  	v47 =	vld [tilespmem:$0x1040]  }
0xfe: {  	v38 =	vld [tilespmem:$0x840]  }
0xff: {  	[tilespmem:$0x1FB90] =	vst v63;
	v63 =	vld [tilespmem:$0xEC0]  }
0x100: {  	v42 =	vld [tilespmem:$0x1240]  }
0x101: {  	v40 =	vld [tilespmem:$0xA40]  }
0x102: {  	v39 =	vld [tilespmem:$0x50]  }
0x103: {  	v43 =	vld [tilespmem:$0xC50]  }
0x104: {  	[tilespmem:$0x1FBA0] =	vst v63;
	v63 =	vld [tilespmem:$0x6C0]  }
0x105: {  	v41 =	vld [tilespmem:$0x450]  }
0x106: {  	v46 =	vld [tilespmem:$0xE50]  }
0x107: {  	v44 =	vld [tilespmem:$0x650]  }
0x108: {  	v51 =	vld [tilespmem:$0x1050]  }
0x109: {  	[tilespmem:$0x1FBB0] =	vst v63;
	v63 =	vld [tilespmem:$0x10C0]  }
0x10a: {  	v45 =	vld [tilespmem:$0x850]  }
0x10b: {  	v53 =	vld [tilespmem:$0x1250]  }
0x10c: {  	v48 =	vld [tilespmem:$0xA50]  }
0x10d: {  	v49 =	vld [tilespmem:$0x60]  }
0x10e: {  	[tilespmem:$0x1FBC0] =	vst v63;
	v63 =	vld [tilespmem:$0x8C0]  }
0x10f: {  	v54 =	vld [tilespmem:$0xC60]  }
0x110: {  	v52 =	vld [tilespmem:$0x460]  }
0x111: {  	v57 =	vld [tilespmem:$0xE60]  }
0x112: {  	v60 =	vld [tilespmem:$0x1260]  }
0x113: {  	[tilespmem:$0x1FBD0] =	vst v63;
	v63 =	vld [tilespmem:$0x12C0]  }
0x114: {  	v55 =	vld [tilespmem:$0x660]  }
0x115: {  	v62 =	vld [tilespmem:$0x1060]  }
0x116: {  	v56 =	vld [tilespmem:$0x860]  }
0x117: {  	v61 =	vld [tilespmem:$0x70];
	[tilespmem:$0x1F8A0] =	vst v60  }
0x118: {  	v60 =	vld [tilespmem:$0xA60];
	[tilespmem:$0x1FBE0] =	vst v63  }
0x119: {  	v63 =	vld [tilespmem:$0xAC0];
	_ =	sdelay $0x4  }
0x11a: {  	[tilespmem:$0x1FBF0] =	vst v63;
	v63 =	vld [tilespmem:$0xD0];
	_ =	sdelay $0x4  }
0x11b: {  	[tilespmem:$0x1FC00] =	vst v63;
	v63 =	vld [tilespmem:$0xCD0];
	_ =	sdelay $0x4  }
0x11c: {  	[tilespmem:$0x1FC10] =	vst v63;
	v63 =	vld [tilespmem:$0x4D0];
	_ =	sdelay $0x4  }
0x11d: {  	vm8 =	vlt.s32 v0, $0x800;
	[tilespmem:$0x1FC20] =	vst v63;
	v63 =	vld [tilespmem:$0xED0]  }
0x11e: {  	v0 =	vsel vm8, v2, v1  }
0x11f: {  	[tilespmem:$0x400] =	vst v0;
	v0 =	vsel vm8, v4, v3;
	v4 =	vld [tilespmem:$0x720]  }
0x120: {  	v5 =	vsel vm8, v6, v5;
	v6 =	vld [tilespmem:$0x1120]  }
0x121: {  	vm9 =	vlt.s32 v8, $0x800;
	v8 =	vld [tilespmem:$0x920]  }
0x122: {  	[tilespmem:$0x1FC30] =	vst v63;
	v63 =	vld [tilespmem:$0x6D0]  }
0x123: {  	v7 =	vsel vm8, v10, v7;
	v10 =	vld [tilespmem:$0x1320]  }
0x124: {  	v9 =	vsel vm9, v12, v9;
	v12 =	vld [tilespmem:$0xB20]  }
0x125: {  	v11 =	vsel vm9, v14, v11;
	v14 =	vsel vm9, v15, v13;
	v15 =	vld [tilespmem:$0x130]  }
0x126: {  	v16 =	vsel vm9, v18, v16;
	v18 =	vld [tilespmem:$0xD30]  }
0x127: {  	vm10 =	vlt.s32 v17, $0x800;
	[tilespmem:$0x1FC40] =	vst v63;
	v63 =	vld [tilespmem:$0x10D0]  }
0x128: {  	v19 =	vsel vm10, v20, v19;
	v20 =	vld [tilespmem:$0x530]  }
0x129: {  	v21 =	vsel vm10, v22, v21;
	v22 =	vld [tilespmem:$0xF30]  }
0x12a: {  	v23 =	vsel vm10, v24, v23;
	v24 =	vld [tilespmem:$0x730]  }
0x12b: {  	vm11 =	vlt.s32 v26, $0x800;
	v26 =	vld [tilespmem:$0x1130]  }
0x12c: {  	[tilespmem:$0x1FC50] =	vst v63;
	v63 =	vld [tilespmem:$0x8D0]  }
0x12d: {  	v25 =	vsel vm10, v28, v25;
	v28 =	vld [tilespmem:$0x930]  }
0x12e: {  	v27 =	vsel vm11, v30, v27;
	v30 =	vld [tilespmem:$0x1330]  }
0x12f: {  	v29 =	vsel vm11, v32, v29;
	v32 =	vld [tilespmem:$0xB30]  }
0x130: {  	v31 =	vsel vm11, v33, v31;
	v33 =	vsel vm11, v58, v34;
	v34 =	vld [tilespmem:$0x140]  }
0x131: {  	vm12 =	vlt.s32 v35, $0x800;
	[tilespmem:$0x1FC60] =	vst v63;
	v63 =	vld [tilespmem:$0x12D0]  }
0x132: {  	v35 =	vsel vm12, v59, v36;
	v36 =	vld [tilespmem:$0xD40]  }
0x133: {  	v59 =	vld [tilespmem:$0x540]  }
0x134: {  	v58 =	vld [tilespmem:$0xF40]  }
0x135: {  	v38 =	vsel vm12, v47, v38;
	v47 =	vld [tilespmem:$0x740]  }
0x136: {  	[tilespmem:$0x1FC70] =	vst v63;
	v63 =	vld [tilespmem:$0xAD0]  }
0x137: {  	v37 =	vsel vm12, v50, v37;
	v50 =	vld [tilespmem:$0x1140]  }
0x138: {  	[tilespmem:$0x440] =	vst v35;
	v35 =	vld [tilespmem:$0x1340]  }
0x139: {  	[tilespmem:$0x820] =	vst v23;
	v23 =	vld [tilespmem:$0xB40]  }
0x13a: {  	[tilespmem:$0x610] =	vst v11;
	v11 =	vld [tilespmem:$0x150]  }
0x13b: {  	vm13 =	vlt.s32 v39, $0x800;
	v40 =	vsel vm12, v42, v40;
	[tilespmem:$0x1FC80] =	vst v63;
	v63 =	vld [tilespmem:$0xE0]  }
0x13c: {  	v42 =	vsel vm13, v43, v41;
	v43 =	vsel vm13, v46, v44;
	v44 =	vsel vm13, v51, v45;
	v51 =	vld [tilespmem:$0x1F8A0]  }
0x13d: {  	v3 =	vld [tilespmem:$0xF50]  }
0x13e: {  	vm14 =	vlt.s32 v49, $0x800;
	v45 =	vsel vm13, v53, v48;
	v53 =	vld [tilespmem:$0x1F8B0]  }
0x13f: {  	v46 =	vsel vm14, v54, v52;
	v54 =	vld [tilespmem:$0x1F8C0]  }
0x140: {  	[tilespmem:$0x1FC90] =	vst v63;
	v63 =	vld [tilespmem:$0xCE0]  }
0x141: {  	v2 =	vld [tilespmem:$0x750]  }
0x142: {  	v49 =	vsel vm14, v62, v56;
	v56 =	vld [tilespmem:$0x1F8D0]  }
0x143: {  	v48 =	vsel vm14, v57, v55;
	v57 =	vld [tilespmem:$0x1F8E0]  }
0x144: {  	[tilespmem:$0x800] =	vst v5;
	v5 =	vld [tilespmem:$0x1150]  }
0x145: {  	[tilespmem:$0x1FCA0] =	vst v63;
	v63 =	vld [tilespmem:$0x4E0]  }
0x146: {  	vm15 =	vlt.s32 v61, $0x800;
	v61 =	vld [tilespmem:$0x1F8F0]  }
0x147: {  	v62 =	vld [tilespmem:$0x1F900]  }
0x148: {  	[tilespmem:$0x410] =	vst v9;
	v9 =	vld [tilespmem:$0x1F910]  }
0x149: {  	v13 =	vld [tilespmem:$0x1F930]  }
0x14a: {  	[tilespmem:$0x1FCB0] =	vst v63;
	v63 =	vld [tilespmem:$0xEE0]  }
0x14b: {  	[tilespmem:$0xA00] =	vst v7;
	v7 =	vld [tilespmem:$0x1350]  }
0x14c: {  	[tilespmem:$0x810] =	vst v14;
	v14 =	vld [tilespmem:$0x1F940]  }
0x14d: {  	v17 =	vld [tilespmem:$0x1F960]  }
0x14e: {  	[tilespmem:$0x620] =	vst v21;
	v21 =	vld [tilespmem:$0x1F990]  }
0x14f: {  	[tilespmem:$0x1FCC0] =	vst v63;
	v63 =	vld [tilespmem:$0x6E0]  }
0x150: {  	[tilespmem:$0xA20] =	vst v25;
	v25 =	vld [tilespmem:$0x1F9A0]  }
0x151: {  	[tilespmem:$0x630] =	vst v29;
	v29 =	vld [tilespmem:$0x1F9D0]  }
0x152: {  	[tilespmem:$0xA30] =	vst v33;
	v33 =	vld [tilespmem:$0x1FA00]  }
0x153: {  	[tilespmem:$0x640] =	vst v37;
	v37 =	vld [tilespmem:$0x1FA10]  }
0x154: {  	[tilespmem:$0x1FCD0] =	vst v63;
	v63 =	vld [tilespmem:$0x10E0]  }
0x155: {  	[tilespmem:$0x840] =	vst v38;
	v38 =	vld [tilespmem:$0x1FA20]  }
0x156: {  	[tilespmem:$0xA40] =	vst v40;
	v40 =	vld [tilespmem:$0x1FA30]  }
0x157: {  	v41 =	vld [tilespmem:$0x1FA40]  }
0x158: {  	[tilespmem:$0x650] =	vst v43;
	v43 =	vld [tilespmem:$0x1FA50]  }
0x159: {  	[tilespmem:$0x1FCE0] =	vst v63;
	v63 =	vld [tilespmem:$0x8E0]  }
0x15a: {  	[tilespmem:$0x850] =	vst v44;
	v44 =	vld [tilespmem:$0x1FA60]  }
0x15b: {  	[tilespmem:$0xA50] =	vst v45;
	v45 =	vld [tilespmem:$0x1FA70]  }
0x15c: {  	[tilespmem:$0x660] =	vst v48;
	v48 =	vld [tilespmem:$0x1FA80]  }
0x15d: {  	[tilespmem:$0x860] =	vst v49;
	v49 =	vld [tilespmem:$0x1FA90]  }
0x15e: {  	[tilespmem:$0x1FCF0] =	vst v63;
	v63 =	vld [tilespmem:$0x12E0]  }
0x15f: {  	[tilespmem:$0x1FFE0] =	vst v34;
	v34 =	vld [tilespmem:$0x940]  }
0x160: {  	[tilespmem:$0x1FF80] =	vst v22;
	v22 =	vld [tilespmem:$0xD50]  }
0x161: {  	[tilespmem:$0x1FF00] =	vst v4;
	v4 =	vld [tilespmem:$0x550]  }
0x162: {  	[tilespmem:$0x1FF10] =	vst v6;
	v6 =	vld [tilespmem:$0x950]  }
0x163: {  	[tilespmem:$0x1FD00] =	vst v63;
	v63 =	vld [tilespmem:$0xAE0]  }
0x164: {  	[tilespmem:$0x1FF30] =	vst v10;
	v10 =	vld [tilespmem:$0x1F920]  }
0x165: {  	[tilespmem:$0x1FF50] =	vst v15;
	v15 =	vld [tilespmem:$0x1F950]  }
0x166: {  	[tilespmem:$0x1FF20] =	vst v8;
	v8 =	vld [tilespmem:$0xB50]  }
0x167: {  	[tilespmem:$0x1FF60] =	vst v18;
	v18 =	vld [tilespmem:$0x1F970]  }
0x168: {  	[tilespmem:$0x1FD10] =	vst v63;
	v63 =	vld [tilespmem:$0xF0]  }
0x169: {  	[tilespmem:$0x1FF70] =	vst v20;
	v20 =	vld [tilespmem:$0x1F980]  }
0x16a: {  	[tilespmem:$0x1FFA0] =	vst v26;
	v26 =	vld [tilespmem:$0x1F9B0]  }
0x16b: {  	[tilespmem:$0x1FFB0] =	vst v28;
	v28 =	vld [tilespmem:$0x1F9C0]  }
0x16c: {  	[tilespmem:$0x1FFC0] =	vst v30;
	v30 =	vld [tilespmem:$0x1F9E0]  }
0x16d: {  	[tilespmem:$0x1FD20] =	vst v63;
	v63 =	vld [tilespmem:$0xCF0]  }
0x16e: {  	vm4 =	vlt.s32 v13, $0x800;
	v13 =	vld [tilespmem:$0xF60]  }
0x16f: {  	[tilespmem:$0x1FFD0] =	vst v32;
	v32 =	vld [tilespmem:$0x1F9F0]  }
0x170: {  	v55 =	vsel vm15, v53, v54;
	v53 =	vld [tilespmem:$0x1FAB0]  }
0x171: {  	v52 =	vsel vm14, v51, v60;
	v60 =	vsel vm15, v56, v57;
	v56 =	vld [tilespmem:$0x1FAD0]  }
0x172: {  	[tilespmem:$0x1FD30] =	vst v63;
	v63 =	vld [tilespmem:$0x4F0]  }
0x173: {  	v1 =	vsel vm15, v61, v62;
	v61 =	vld [tilespmem:$0x1FAF0]  }
0x174: {  	v62 =	vld [tilespmem:$0x1FB00]  }
0x175: {  	[tilespmem:$0xA60] =	vst v52;
	v52 =	vld [tilespmem:$0x1FAA0]  }
0x176: {  	[tilespmem:$0x470] =	vst v55;
	v55 =	vld [tilespmem:$0x1FAC0]  }
0x177: {  	[tilespmem:$0x1FD40] =	vst v63;
	v63 =	vld [tilespmem:$0xEF0]  }
0x178: {  	vm6 =	vlt.s32 v43, $0x800;
	[tilespmem:$0x670] =	vst v60;
	v60 =	vld [tilespmem:$0x1FAE0]  }
0x179: {  	[tilespmem:$0x460] =	vst v46;
	v46 =	vsel vm6, v44, v45;
	v44 =	vld [tilespmem:$0x1FBC0]  }
0x17a: {  	v45 =	vld [tilespmem:$0x1FBD0]  }
0x17b: {  	v51 =	vsel vm6, v48, v49;
	v48 =	vld [tilespmem:$0x1FBE0]  }
0x17c: {  	[tilespmem:$0x1FD50] =	vst v63;
	v63 =	vld [tilespmem:$0x6F0]  }
0x17d: {  	v49 =	vld [tilespmem:$0x1FBF0]  }
0x17e: {  	[tilespmem:$0x600] =	vst v0;
	v0 =	vld [tilespmem:$0x1FFA0]  }
0x17f: {  	[tilespmem:$0x1FF40] =	vst v12;
	v12 =	vsel vm15, v9, v10;
	v9 =	vld [tilespmem:$0x160]  }
0x180: {  	v10 =	vld [tilespmem:$0xD60]  }
0x181: {  	[tilespmem:$0x1FD60] =	vst v63;
	v63 =	vld [tilespmem:$0x10F0]  }
0x182: {  	[tilespmem:$0xA10] =	vst v16;
	v16 =	vsel vm4, v14, v15;
	v14 =	vld [tilespmem:$0x760]  }
0x183: {  	v15 =	vld [tilespmem:$0x1160]  }
0x184: {  	[tilespmem:$0x420] =	vst v19;
	v19 =	vsel vm4, v17, v18;
	v17 =	vld [tilespmem:$0x1360]  }
0x185: {  	v18 =	vld [tilespmem:$0xB60]  }
0x186: {  	[tilespmem:$0x1FD70] =	vst v63;
	v63 =	vld [tilespmem:$0x8F0]  }
0x187: {  	[tilespmem:$0x1FF90] =	vst v24;
	v24 =	vsel vm4, v20, v21;
	v20 =	vld [tilespmem:$0xD70]  }
0x188: {  	v21 =	vld [tilespmem:$0x570]  }
0x189: {  	[tilespmem:$0x430] =	vst v27;
	v27 =	vsel vm4, v25, v26;
	v26 =	vld [tilespmem:$0x1FB10]  }
0x18a: {  	v25 =	vld [tilespmem:$0x770]  }
0x18b: {  	[tilespmem:$0x1FD80] =	vst v63;
	v63 =	vld [tilespmem:$0x12F0]  }
0x18c: {  	[tilespmem:$0xA70] =	vst v12;
	v12 =	vld [tilespmem:$0x560]  }
0x18d: {  	[tilespmem:$0x480] =	vst v16;
	v16 =	vld [tilespmem:$0x960]  }
0x18e: {  	[tilespmem:$0x680] =	vst v19;
	v19 =	vld [tilespmem:$0x170]  }
0x18f: {  	[tilespmem:$0xA80] =	vst v27;
	v27 =	vld [tilespmem:$0x1FB20]  }
0x190: {  	[tilespmem:$0x1FD90] =	vst v63;
	v63 =	vld [tilespmem:$0xAF0]  }
0x191: {  	vm5 =	vlt.s32 v28, $0x800;
	[tilespmem:$0x880] =	vst v24;
	v24 =	vld [tilespmem:$0xF70]  }
0x192: {  	[tilespmem:$0x830] =	vst v31;
	v31 =	vsel vm5, v29, v30;
	v29 =	vld [tilespmem:$0x1FB30]  }
0x193: {  	v30 =	vld [tilespmem:$0x1FB40]  }
0x194: {  	[tilespmem:$0x1FFF0] =	vst v36;
	v36 =	vsel vm5, v32, v33;
	v32 =	vld [tilespmem:$0x1FB50]  }
0x195: {  	[tilespmem:$0x1FDA0] =	vst v63;
	v63 =	vld [tilespmem:$0x100]  }
0x196: {  	v33 =	vld [tilespmem:$0x1FB60]  }
0x197: {  	v39 =	vsel vm5, v37, v38;
	v37 =	vld [tilespmem:$0x1FB70]  }
0x198: {  	v38 =	vld [tilespmem:$0x1FB80]  }
0x199: {  	[tilespmem:$0x450] =	vst v42;
	v42 =	vsel vm5, v40, v41;
	v41 =	vld [tilespmem:$0x1FBA0]  }
0x19a: {  	[tilespmem:$0x1FDB0] =	vst v63;
	v63 =	vld [tilespmem:$0xD00]  }
0x19b: {  	v54 =	vsel vm6, v52, v53;
	v52 =	vld [tilespmem:$0x1FC00]  }
0x19c: {  	vm5 =	vlt.s32 v11, $0x800;
	v11 =	vld [tilespmem:$0x11B0]  }
0x19d: {  	[tilespmem:$0x890] =	vst v39;
	v39 =	vld [tilespmem:$0x1FB90]  }
0x19e: {  	[tilespmem:$0xA90] =	vst v42;
	v42 =	vld [tilespmem:$0x1FBB0]  }
0x19f: {  	[tilespmem:$0x1FDC0] =	vst v63;
	v63 =	vld [tilespmem:$0x500]  }
0x1a0: {  	v4 =	vsel vm5, v22, v4;
	v22 =	vld [tilespmem:$0x9B0]  }
0x1a1: {  	v2 =	vsel vm5, v3, v2;
	v3 =	vld [tilespmem:$0x13B0]  }
0x1a2: {  	v8 =	vsel vm5, v7, v8;
	v7 =	vld [tilespmem:$0x5C0]  }
0x1a3: {  	[tilespmem:$0x550] =	vst v4;
	v4 =	vld [tilespmem:$0xBB0]  }
0x1a4: {  	[tilespmem:$0x1FDD0] =	vst v63;
	v63 =	vld [tilespmem:$0xF00]  }
0x1a5: {  	[tilespmem:$0xB50] =	vst v8;
	v8 =	vld [tilespmem:$0xFC0]  }
0x1a6: {  	v57 =	vsel vm6, v55, v56;
	vm7 =	vlt.s32 v60, $0x800;
	vm6 =	vlt.s32 v9, $0x800;
	v9 =	vld [tilespmem:$0x7C0]  }
0x1a7: {  	v28 =	vsel vm7, v26, v27;
	v26 =	vld [tilespmem:$0x1170]  }
0x1a8: {  	v27 =	vld [tilespmem:$0x970]  }
0x1a9: {  	[tilespmem:$0x1FDE0] =	vst v63;
	v63 =	vld [tilespmem:$0x700]  }
0x1aa: {  	[tilespmem:$0x490] =	vst v31;
	v31 =	vsel vm7, v29, v30;
	v29 =	vld [tilespmem:$0xB70]  }
0x1ab: {  	v30 =	vld [tilespmem:$0x180]  }
0x1ac: {  	v53 =	vld [tilespmem:$0x1FC10]  }
0x1ad: {  	[tilespmem:$0x690] =	vst v36;
	v36 =	vsel vm7, v32, v33;
	v32 =	vld [tilespmem:$0x580]  }
0x1ae: {  	[tilespmem:$0x1FDF0] =	vst v63;
	v63 =	vld [tilespmem:$0x1100]  }
0x1af: {  	v33 =	vld [tilespmem:$0xF80]  }
0x1b0: {  	vm8 =	vlt.s32 v37, $0x800;
	v37 =	vld [tilespmem:$0x1180]  }
0x1b1: {  	v12 =	vsel vm6, v10, v12;
	v10 =	vld [tilespmem:$0x11C0]  }
0x1b2: {  	v14 =	vsel vm6, v13, v14;
	v13 =	vld [tilespmem:$0x13C0]  }
0x1b3: {  	[tilespmem:$0x1FE00] =	vst v63;
	v63 =	vld [tilespmem:$0x900]  }
0x1b4: {  	v16 =	vsel vm6, v15, v16;
	v15 =	vld [tilespmem:$0x1D0]  }
0x1b5: {  	v18 =	vsel vm6, v17, v18;
	v17 =	vld [tilespmem:$0x5D0]  }
0x1b6: {  	[tilespmem:$0x870] =	vst v1;
	v1 =	vsel vm7, v61, v62;
	vm7 =	vlt.s32 v19, $0x800;
	v19 =	vld [tilespmem:$0x7D0]  }
0x1b7: {  	[tilespmem:$0x6B0] =	vst v28;
	v28 =	vld [tilespmem:$0x1370]  }
0x1b8: {  	[tilespmem:$0x1FE10] =	vst v63;
	v63 =	vld [tilespmem:$0x1300]  }
0x1b9: {  	[tilespmem:$0x8B0] =	vst v31;
	v31 =	vld [tilespmem:$0xD80]  }
0x1ba: {  	[tilespmem:$0xAB0] =	vst v36;
	v36 =	vld [tilespmem:$0x780]  }
0x1bb: {  	v40 =	vsel vm8, v38, v39;
	v38 =	vld [tilespmem:$0x980]  }
0x1bc: {  	v39 =	vld [tilespmem:$0x1380]  }
0x1bd: {  	[tilespmem:$0x1FE20] =	vst v63;
	v63 =	vld [tilespmem:$0xB00]  }
0x1be: {  	[tilespmem:$0x560] =	vst v12;
	v12 =	vld [tilespmem:$0x9C0]  }
0x1bf: {  	[tilespmem:$0x760] =	vst v14;
	v14 =	vld [tilespmem:$0xBC0]  }
0x1c0: {  	[tilespmem:$0x960] =	vst v16;
	v16 =	vld [tilespmem:$0xDD0]  }
0x1c1: {  	[tilespmem:$0x8A0] =	vst v54;
	v54 =	vld [tilespmem:$0x1FC20]  }
0x1c2: {  	[tilespmem:$0x1FE30] =	vst v63;
	v63 =	vld [tilespmem:$0x110]  }
0x1c3: {  	v56 =	vld [tilespmem:$0x1FC30]  }
0x1c4: {  	[tilespmem:$0xAA0] =	vst v57;
	v57 =	vld [tilespmem:$0x1FC40]  }
0x1c5: {  	[tilespmem:$0x4C0] =	vst v40;
	v40 =	vld [tilespmem:$0x1FC70]  }
0x1c6: {  	v43 =	vsel vm8, v41, v42;
	v41 =	vld [tilespmem:$0x1FC80]  }
0x1c7: {  	[tilespmem:$0x1FE40] =	vst v63;
	v63 =	vld [tilespmem:$0xD10]  }
0x1c8: {  	v61 =	vld [tilespmem:$0x1FC50]  }
0x1c9: {  	v62 =	vld [tilespmem:$0x1FC60]  }
0x1ca: {  	vm9 =	vlt.s32 v52, $0x800;
	[tilespmem:$0x6C0] =	vst v43;
	v43 =	vld [tilespmem:$0x1FC90]  }
0x1cb: {  	v42 =	vsel vm9, v40, v41;
	v41 =	vld [tilespmem:$0xB80]  }
0x1cc: {  	[tilespmem:$0x1FE50] =	vst v63;
	v63 =	vld [tilespmem:$0x510]  }
0x1cd: {  	[tilespmem:$0xAD0] =	vst v42;
	v42 =	vld [tilespmem:$0x190]  }
0x1ce: {  	v40 =	vld [tilespmem:$0x1FF40]  }
0x1cf: {  	[tilespmem:$0x4A0] =	vst v46;
	v46 =	vsel vm8, v44, v45;
	v44 =	vld [tilespmem:$0x1FCA0]  }
0x1d0: {  	vm10 =	vlt.s32 v43, $0x800;
	v43 =	vld [tilespmem:$0xD90]  }
0x1d1: {  	v55 =	vsel vm9, v53, v54;
	[tilespmem:$0x1FE60] =	vst v63;
	v63 =	vld [tilespmem:$0xF10]  }
0x1d2: {  	[tilespmem:$0x4B0] =	vst v1;
	v60 =	vsel vm9, v56, v57;
	v1 =	vsel vm9, v61, v62;
	vm9 =	vlt.s32 v42, $0x800;
	v42 =	vld [tilespmem:$0x1F0]  }
0x1d3: {  	v45 =	vld [tilespmem:$0x1FCB0]  }
0x1d4: {  	[tilespmem:$0x6A0] =	vst v51;
	v51 =	vsel vm8, v48, v49;
	v48 =	vld [tilespmem:$0x1FCC0]  }
0x1d5: {  	v49 =	vld [tilespmem:$0x1FCD0]  }
0x1d6: {  	[tilespmem:$0x1FE70] =	vst v63;
	v63 =	vld [tilespmem:$0x710]  }
0x1d7: {  	v52 =	vld [tilespmem:$0x1FCE0]  }
0x1d8: {  	v53 =	vld [tilespmem:$0x1FCF0]  }
0x1d9: {  	[tilespmem:$0x4D0] =	vst v55;
	v55 =	vld [tilespmem:$0x1FD00]  }
0x1da: {  	v56 =	vld [tilespmem:$0x1FD10]  }
0x1db: {  	[tilespmem:$0x1FE80] =	vst v63;
	v63 =	vld [tilespmem:$0x1110]  }
0x1dc: {  	[tilespmem:$0x6D0] =	vst v60;
	v60 =	vld [tilespmem:$0x1FD20]  }
0x1dd: {  	[tilespmem:$0x8C0] =	vst v46;
	v46 =	vsel vm10, v44, v45;
	v44 =	vld [tilespmem:$0x1FD50]  }
0x1de: {  	v45 =	vld [tilespmem:$0x1FD60]  }
0x1df: {  	v61 =	vld [tilespmem:$0x1FD30]  }
0x1e0: {  	[tilespmem:$0x1FE90] =	vst v63;
	v63 =	vld [tilespmem:$0x910]  }
0x1e1: {  	v62 =	vld [tilespmem:$0x1FD40]  }
0x1e2: {  	[tilespmem:$0xAC0] =	vst v51;
	v51 =	vsel vm10, v48, v49;
	vm11 =	vlt.s32 v60, $0x800;
	v48 =	vld [tilespmem:$0x1FD70]  }
0x1e3: {  	[tilespmem:$0x4E0] =	vst v46;
	v46 =	vsel vm11, v44, v45;
	v44 =	vld [tilespmem:$0x590]  }
0x1e4: {  	v57 =	vsel vm10, v55, v56;
	v55 =	vld [tilespmem:$0x1FDB0]  }
0x1e5: {  	[tilespmem:$0x1FEA0] =	vst v63;
	v63 =	vld [tilespmem:$0x1310]  }
0x1e6: {  	v56 =	vld [tilespmem:$0x1FDC0]  }
0x1e7: {  	[tilespmem:$0xAE0] =	vst v57;
	v57 =	vld [tilespmem:$0x1FDD0]  }
0x1e8: {  	[tilespmem:$0x8D0] =	vst v1;
	v1 =	vsel vm11, v61, v62;
	v61 =	vld [tilespmem:$0x1FDE0]  }
0x1e9: {  	v62 =	vld [tilespmem:$0x1FDF0]  }
0x1ea: {  	[tilespmem:$0x1FEB0] =	vst v63;
	v63 =	vld [tilespmem:$0xB10]  }
0x1eb: {  	vm12 =	vlt.s32 v55, $0x800;
	v55 =	vld [tilespmem:$0x1FE20]  }
0x1ec: {  	v60 =	vsel vm12, v56, v57;
	v56 =	vld [tilespmem:$0x1FE30]  }
0x1ed: {  	[tilespmem:$0x500] =	vst v60;
	v60 =	vld [tilespmem:$0x1FE40]  }
0x1ee: {  	[tilespmem:$0x4F0] =	vst v1;
	v1 =	vsel vm12, v61, v62;
	v61 =	vld [tilespmem:$0x1FE50]  }
0x1ef: {  	[tilespmem:$0x1FEC0] =	vst v63;
	v63 =	vld [tilespmem:$0x120]  }
0x1f0: {  	v62 =	vld [tilespmem:$0x1FE60]  }
0x1f1: {  	v57 =	vsel vm12, v55, v56;
	v56 =	vld [tilespmem:$0x1FE70]  }
0x1f2: {  	[tilespmem:$0xB00] =	vst v57;
	v57 =	vld [tilespmem:$0x1FE80]  }
0x1f3: {  	v45 =	vld [tilespmem:$0xF90]  }
0x1f4: {  	[tilespmem:$0x1FED0] =	vst v63;
	v63 =	vld [tilespmem:$0xD20]  }
0x1f5: {  	[tilespmem:$0x6F0] =	vst v46;
	v46 =	vld [tilespmem:$0x790];
	vm13 =	vlt.s32 v60, $0x800  }
0x1f6: {  	[tilespmem:$0x700] =	vst v1;
	v1 =	vsel vm13, v61, v62;
	v61 =	vld [tilespmem:$0x1FE90]  }
0x1f7: {  	v60 =	vsel vm13, v56, v57;
	v62 =	vld [tilespmem:$0x1FEA0]  }
0x1f8: {  	[tilespmem:$0x710] =	vst v60;
	v60 =	vld [tilespmem:$0x1FED0]  }
0x1f9: {  	[tilespmem:$0x1FEE0] =	vst v63;
	v63 =	vld [tilespmem:$0x520]  }
0x1fa: {  	v49 =	vld [tilespmem:$0x1FD80]  }
0x1fb: {  	v54 =	vsel vm10, v52, v53;
	v52 =	vld [tilespmem:$0x1FD90]  }
0x1fc: {  	v53 =	vld [tilespmem:$0x1FDA0]  }
0x1fd: {  	[tilespmem:$0x510] =	vst v1;
	v1 =	vsel vm13, v61, v62;
	v61 =	vld [tilespmem:$0x1FEE0]  }
0x1fe: {  	vm14 =	vlt.s32 v60, $0x800;
	v60 =	vld [tilespmem:$0x1FF00];
	[tilespmem:$0x1FEF0] =	vst v63  }
0x1ff: {  	v62 =	vld [tilespmem:$0x1FEF0]  }
0x200: {  	v44 =	vsel vm9, v43, v44;
	v63 =	vld [tilespmem:$0xF20]  }
0x201: {  	[tilespmem:$0x590] =	vst v44;
	v46 =	vsel vm9, v45, v46;
	v44 =	vld [tilespmem:$0xDF0]  }
0x202: {  	[tilespmem:$0x790] =	vst v46;
	v46 =	vld [tilespmem:$0x5F0]  }
0x203: {  	[tilespmem:$0x8E0] =	vst v54;
	v54 =	vsel vm11, v52, v53;
	v52 =	vld [tilespmem:$0x1FE00]  }
0x204: {  	[tilespmem:$0x910] =	vst v1;
	v1 =	vsel vm14, v61, v62;
	v62 =	vld [tilespmem:$0x1FF10]  }
0x205: {  	v61 =	vsel vm14, v63, v60;
	v63 =	vld [tilespmem:$0x1FF20]  }
0x206: {  	v53 =	vld [tilespmem:$0x1FE10]  }
0x207: {  	[tilespmem:$0x6E0] =	vst v51;
	v51 =	vsel vm11, v48, v49;
	v48 =	vld [tilespmem:$0x1190]  }
0x208: {  	v49 =	vld [tilespmem:$0x990]  }
0x209: {  	[tilespmem:$0x8F0] =	vst v51;
	v51 =	vld [tilespmem:$0x1390]  }
0x20a: {  	[tilespmem:$0x520] =	vst v1;
	v1 =	vsel vm14, v62, v63;
	v63 =	vld [tilespmem:$0x1FF30]  }
0x20b: {  	[tilespmem:$0xAF0] =	vst v54;
	v54 =	vsel vm12, v52, v53;
	v52 =	vld [tilespmem:$0xB90]  }
0x20c: {  	v55 =	vld [tilespmem:$0x1FEB0]  }
0x20d: {  	[tilespmem:$0x720] =	vst v61;
	v61 =	vld [tilespmem:$0x1FF50]  }
0x20e: {  	v62 =	vld [tilespmem:$0x1FF60]  }
0x20f: {  	v40 =	vsel vm14, v63, v40;
	v63 =	vld [tilespmem:$0x1FF70]  }
0x210: {  	v56 =	vld [tilespmem:$0x1FEC0]  }
0x211: {  	[tilespmem:$0x750] =	vst v2;
	v53 =	vld [tilespmem:$0x1A0]  }
0x212: {  	[tilespmem:$0x900] =	vst v54;
	v54 =	vld [tilespmem:$0xDA0]  }
0x213: {  	vm15 =	vlt.s32 v61, $0x800;
	[tilespmem:$0xB20] =	vst v40;
	v40 =	vld [tilespmem:$0x1FF80]  }
0x214: {  	[tilespmem:$0x920] =	vst v1;
	v1 =	vsel vm15, v62, v63;
	v63 =	vld [tilespmem:$0x1FF90]  }
0x215: {  	[tilespmem:$0xB60] =	vst v18;
	v25 =	vsel vm7, v24, v25;
	v57 =	vsel vm13, v55, v56;
	v55 =	vld [tilespmem:$0x5A0]  }
0x216: {  	[tilespmem:$0x770] =	vst v25;
	v27 =	vsel vm7, v26, v27;
	vm10 =	vlt.s32 v53, $0x800;
	v53 =	vld [tilespmem:$0x13D0]  }
0x217: {  	[tilespmem:$0x970] =	vst v27;
	v56 =	vld [tilespmem:$0xFA0]  }
0x218: {  	vm8 =	vlt.s32 v30, $0x800;
	[tilespmem:$0xB10] =	vst v57;
	v57 =	vld [tilespmem:$0x7A0]  }
0x219: {  	v36 =	vsel vm8, v33, v36;
	[tilespmem:$0x530] =	vst v1;
	v1 =	vsel vm15, v40, v63;
	v40 =	vld [tilespmem:$0x1FFB0]  }
0x21a: {  	v38 =	vsel vm8, v37, v38;
	[tilespmem:$0x780] =	vst v36;
	v54 =	vsel vm10, v54, v55;
	v55 =	vld [tilespmem:$0xBD0]  }
0x21b: {  	[tilespmem:$0x980] =	vst v38;
	v41 =	vsel vm8, v39, v41;
	v60 =	vld [tilespmem:$0x11A0]  }
0x21c: {  	[tilespmem:$0xB80] =	vst v41;
	v49 =	vsel vm9, v48, v49;
	v61 =	vld [tilespmem:$0x9A0]  }
0x21d: {  	[tilespmem:$0x990] =	vst v49;
	v52 =	vsel vm9, v51, v52;
	v62 =	vld [tilespmem:$0x13A0]  }
0x21e: {  	[tilespmem:$0xB90] =	vst v52;
	vm13 =	vlt.s32 v15, $0x800;
	v40 =	vsel vm15, v0, v40;
	v0 =	vld [tilespmem:$0x1FFC0]  }
0x21f: {  	v45 =	vsel vm13, v16, v17;
	[tilespmem:$0x930] =	vst v40;
	v40 =	vld [tilespmem:$0x1FFD0]  }
0x220: {  	[tilespmem:$0x5D0] =	vst v45;
	v63 =	vld [tilespmem:$0xBA0]  }
0x221: {  	[tilespmem:$0x730] =	vst v1;
	v1 =	vld [tilespmem:$0x1B0]  }
0x222: {  	v52 =	vld [tilespmem:$0x11F0];
	[tilespmem:$0x5A0] =	vst v54;
	v57 =	vsel vm10, v56, v57  }
0x223: {  	v54 =	vld [tilespmem:$0x9F0];
	[tilespmem:$0x7A0] =	vst v57;
	v51 =	vsel vm13, v53, v55  }
0x224: {  	[tilespmem:$0xBD0] =	vst v51;
	v40 =	vsel vm15, v0, v40;
	v0 =	vld [tilespmem:$0x1FFE0]  }
0x225: {  	v60 =	vsel vm10, v60, v61;
	[tilespmem:$0xB30] =	vst v40;
	v40 =	vld [tilespmem:$0x1FFF0]  }
0x226: {  	v18 =	vld [tilespmem:$0xFD0];
	[tilespmem:$0x9A0] =	vst v60;
	v62 =	vsel vm10, v62, v63;
	vm11 =	vlt.s32 v1, $0x800  }
0x227: {  	v30 =	vld [tilespmem:$0xFE0];
	[tilespmem:$0xBA0] =	vst v62;
	v33 =	vsel vm11, v11, v22;
	vm15 =	vlt.s32 v42, $0x800  }
0x228: {  	v36 =	vld [tilespmem:$0x9E0];
	[tilespmem:$0x9B0] =	vst v33;
	v60 =	vsel vm15, v44, v46  }
0x229: {  	v38 =	vld [tilespmem:$0x13E0];
	v62 =	vsel vm15, v52, v54;
	[tilespmem:$0x5F0] =	vst v60;
	vm4 =	vlt.s32 v0, $0x800  }
0x22a: {  	v48 =	vld [tilespmem:$0xFF0];
	[tilespmem:$0x9F0] =	vst v62;
	v40 =	vsel vm4, v40, v59  }
0x22b: {  	v0 =	vld [tilespmem:$0xDB0];
	v58 =	vsel vm4, v58, v47;
	[tilespmem:$0x540] =	vst v40  }
0x22c: {  	v59 =	vld [tilespmem:$0x5B0];
	v34 =	vsel vm4, v50, v34;
	[tilespmem:$0x740] =	vst v58  }
0x22d: {  	v47 =	vld [tilespmem:$0xFB0];
	v23 =	vsel vm4, v35, v23;
	[tilespmem:$0x940] =	vst v34  }
0x22e: {  	v35 =	vsel vm8, v31, v32;
	v50 =	vld [tilespmem:$0x9D0];
	[tilespmem:$0xB40] =	vst v23  }
0x22f: {  	v40 =	vld [tilespmem:$0x7B0];
	v58 =	vsel vm5, v5, v6;
	[tilespmem:$0x580] =	vst v35  }
0x230: {  	v5 =	vld [tilespmem:$0x1C0];
	v23 =	vsel vm7, v20, v21;
	[tilespmem:$0x950] =	vst v58  }
0x231: {  	v34 =	vsel vm7, v28, v29;
	v20 =	vld [tilespmem:$0x11D0];
	[tilespmem:$0x570] =	vst v23  }
0x232: {  	v6 =	vld [tilespmem:$0xDC0];
	v35 =	vsel vm11, v3, v4;
	[tilespmem:$0xB70] =	vst v34  }
0x233: {  	v56 =	vld [tilespmem:$0x13F0];
	[tilespmem:$0xBB0] =	vst v35;
	v0 =	vsel vm11, v0, v59  }
0x234: {  	v61 =	vld [tilespmem:$0xDE0];
	[tilespmem:$0x5B0] =	vst v0;
	v31 =	vsel vm11, v47, v40  }
0x235: {  	v58 =	vld [tilespmem:$0x1E0];
	v47 =	vsel vm13, v18, v19;
	[tilespmem:$0x7B0] =	vst v31  }
0x236: {  	v63 =	vld [tilespmem:$0x5E0];
	vm12 =	vlt.s32 v5, $0x800;
	v49 =	vsel vm13, v20, v50;
	[tilespmem:$0x7D0] =	vst v47  }
0x237: {  	v32 =	vld [tilespmem:$0x7E0];
	v37 =	vsel vm12, v6, v7;
	[tilespmem:$0x9D0] =	vst v49  }
0x238: {  	v34 =	vld [tilespmem:$0x11E0];
	v39 =	vsel vm12, v8, v9;
	[tilespmem:$0x5C0] =	vst v37  }
0x239: {  	v40 =	vld [tilespmem:$0xBE0];
	v41 =	vsel vm12, v10, v12;
	[tilespmem:$0x7C0] =	vst v39  }
0x23a: {  	v50 =	vld [tilespmem:$0x7F0];
	v43 =	vsel vm12, v13, v14;
	vm14 =	vlt.s32 v58, $0x800;
	[tilespmem:$0x9C0] =	vst v41  }
0x23b: {  	v58 =	vld [tilespmem:$0xBF0];
	[tilespmem:$0xBC0] =	vst v43;
	v53 =	vsel vm14, v61, v63  }
0x23c: {  	v55 =	vsel vm14, v30, v32;
	[tilespmem:$0x5E0] =	vst v53  }
0x23d: {  	v57 =	vsel vm14, v34, v36;
	[tilespmem:$0x7E0] =	vst v55  }
0x23e: {  	[tilespmem:$0x9E0] =	vst v57;
	v59 =	vsel vm14, v38, v40  }
0x23f: {  	v61 =	vsel vm15, v48, v50;
	[tilespmem:$0xBE0] =	vst v59  }
0x240: {  	[tilespmem:$0x7F0] =	vst v61;
	v63 =	vsel vm15, v56, v58  }
0x241: {  	s15 =	rddreg [dreg:$0x9];
	[tilespmem:$0xBF0] =	vst v63  }
0x242: {  	[hbm4b:s15+s2] =	stream.linear.scatter [tilespmem:s9], [sflag:$0x2], $0x200, $0x38;
	[tilespmem:$0x1400] =	vst v63  }
0x243: {  	_ =	swait.ge [sflag:s8], $0x200  }
0x244: {  	[sflag:s8] =	ssyncset.done $0x0  }
0x245: {  	s15 =	rddreg [dreg:$0xa];
	[sflag:s8] =	ssyncadd.s32 $0xFFFFFE00  }
0x246: {  	[hbm4b:s15+s2] =	stream.linear.scatter [tilespmem:s10], [sflag:$0x2], $0x200, $0x38;
	[tilespmem:$0x1400] =	vst v63  }
0x247: {  	_ =	swait.ge [sflag:s8], $0x200  }
0x248: {  	[sflag:s8] =	ssyncset.done $0x0  }
0x249: {  	s15 =	rddreg [dreg:$0xb];
	[sflag:s8] =	ssyncadd.s32 $0xFFFFFE00  }
0x24a: {  	[hbm4b:s15+s2] =	stream.linear.scatter [tilespmem:s11], [sflag:$0x2], $0x200, $0x38;
	[tilespmem:$0x1400] =	vst v63  }
0x24b: {  	_ =	swait.ge [sflag:s8], $0x200  }
0x24c: {  	p0 =	sne.s32 s7, $0x1;
	[sflag:s8] =	ssyncset.done $0x0  }
.Ltmp0:
0x24d: {  	s15 =	rddreg [dreg:$0xc];
	[sflag:s8] =	ssyncadd.s32 $0xFFFFFE00;
	(pc) =	sbr.rel @p0 .LBB2_1-.Ltmp0, $4  }
0x24e: {  	[hbm4b:s15+s2] =	stream.linear.scatter [tilespmem:s12], [sflag:$0x2], $0x200, $0x38;
	[tilespmem:$0x1400] =	vst v63  }
0x24f: {  	_ =	swait.ge [sflag:s8], $0x200  }
0x250: {  	[sflag:s8] =	ssyncset.done $0x0  }
0x251: {  	s7 =	sadd.s32 $0xFFFFFFFF, s7;
	[sflag:s8] =	ssyncadd.s32 $0xFFFFFE00  }
0x252: {  	_ =	sfence.sel $0x180000  }
0x253: {  	[bflag:$0x0] =	sbarrier.arrive $0xFFFF  }
0x254: {  	_ =	strace $0x9000004D  }
0x255: {  	s0 =	stileid.u32;
	[bflag:$0x2] =	sbarrier.arrive $0xFFFF  }
0x256: {  	p0 =	sne.s32 s0, $0x0;
	s0 =	rddreg [dreg:$0x3]  }
0x257: {  	s0 =	sadd.s32 @!p0 $0x100000, s0  }
0x258: {  	[sflag:s0] =	ssyncadd.tile.s32 @!p0 $0x1;
	_ =	shalt  }
.Lfunc_end2:
_tile_overlayer_lowered:
.L_overlay_start_2:
0x259: {  	(tag) =	ssettag $0x2  }
0x25a: {  	s0 =	rddreg [dreg:$0x0];
	s2 =	stileid.u32  }
0x25b: {  	s1 =	rddreg [dreg:$0x1];
	p0 =	sne.s32 s2, $0x0  }
0x25c: {  	s3 =	rddreg [dreg:$0x2];
	[bflag:$0x3] =	sbarrier.arrive $0xFFFF;
	s2 =	simm.s32 @!p0 $0x1C02  }
0x25d: {  	[timem:s3], [sflag:s2] =	dma.local @!p0 [hbm:s0], s1  }
0x25e: {  	s0 =	simm.s32 @!p0 $0x2  }
0x25f: {  	_ =	swait.ge @!p0 [sflag:s0], s1  }
0x260: {  	s1 =	ssub.s32 @!p0 $0x0, s1;
	[sflag:s0] =	ssyncset.done @!p0 $0x0  }
0x261: {  	[sflag:s0] =	ssyncadd.s32 @!p0 s1  }
0x262: {  	[bflag:$0x3] =	sbarrier.arrive $0xFFFF  }
0x263: {  	_ =	shalt  }

// kernel: kernel.8.cloned.1.call-start
scs
__scs_entry_jumppad:
0x0: {  	(pc) =	sbr.rel $0x88, $3  }
0x1: {  	(tag) =	ssettag $0x0;
	lr =	simm.s32 $0x1  }
0x2: {  	[smem:$0x3F9B] =	sst lr;
	_ =	strace $0xD0000000  }
0x3: {  	_ = 	snop  }
0x4: {  	_ = 	snop  }
0x5: {  	_ = 	snop  }
0x6: {  	_ = 	snop  }
0x7: {  	_ = 	snop  }
__scs_overlays_trampoline_lowered:
0x8: {  	[smem:$0x3FAA] =	sst s0  }
0x9: {  	[smem:$0x3FAB] =	sst s1  }
0xa: {  	[smem:$0x3FAC] =	sst s2  }
0xb: {  	[smem:$0x3FAD] =	sst s3  }
0xc: {  	[smem:$0x3FAE] =	sst s4  }
0xd: {  	[smem:$0x3FAF] =	sst s5  }
0xe: {  	[smem:$0x3FB0] =	sst s6  }
0xf: {  	[smem:$0x3FB1] =	sst s7  }
0x10: {  	[smem:$0x3FB2] =	sst s8  }
0x11: {  	[smem:$0x3FB3] =	sst s9;
	s0 =	simm.s32 @!p0 $0x0  }
0x12: {  	s1 =	sld [smem:$0x3F99];
	s0 =	simm.s32 @p0 $0x1  }
0x13: {  	[smem:$0x3FB4] =	sst s0;
	s0 =	simm.s32 @!p1 $0x0  }
0x14: {  	s2 =	sld [smem:$0x3F98];
	s0 =	simm.s32 @p1 $0x1  }
0x15: {  	[smem:$0x3FB5] =	sst s0;
	s0 =	simm.s32 @!p2 $0x0  }
0x16: {  	s3 =	sld [smem:$0x3FDB];
	s0 =	simm.s32 @p2 $0x1  }
0x17: {  	s4 =	simm.s32 $0x1BF5;
	[smem:$0x3FB7] =	sst s0  }
0x18: {  	s0 =	sld [smem:$0x3F9A];
	_ =	swait.ge [sflag:s4], $0x0  }
0x19: {  	s7 =	sld [smem:$0x3F9B]  }
0x1a: {  	s8 =	sadd.s32 $0xFFFFE003, lr  }
0x1b: {  	s9 =	sadd.s32 $0xFFFFFEF7, lr;
	s5 =	simm.s32 $0xFFFFFFFF;
	p2 =	slt.u32 s8, $0xFFFFF086  }
0x1c: {  	p1 =	slt.u32 s9, $0xF7A;
	s5 =	simm.s32 @!p2 $0x0  }
0x1d: {  	s5 =	simm.s32 @p1 $0x1;
	p0 =	seq.s32 s7, s2  }
0x1e: {  	s7 =	smul.u32 @!p0 $0xF7A, s2;
	p2 =	seq.s32 @!p0 s5, $0x0  }
0x1f: {  	s9 =	smul.u32 $0xF7A, s1;
	s8 =	simm.s32 @!p0 $0x1BF5;
	p2 =	por !p2, p0  }
0x20: {  	[sflag:s8] =	ssyncset.s32 @!p0 $0xFFFFF086;
	s6 =	sadd.s32 @!p0 s3, s7;
	s7 =	simm.s32 @!p0 $0x108  }
0x21: {  	s3 =	sadd.s32 s3, s9;
	s6 =	sadd.s32 @!p0 $0x88, s6;
	s7 =	simm.s32 @p2 $0x1082  }
0x22: {  	[simem:s7], [sflag:s8] =	dma.local @!p0 [hbm:s6], $0xF7A  }
0x23: {  	s9 =	sor.u32 $0xD0000000, s2;
	s6 =	simm.s32 $0x108;
	_ =	swait.ge @!p0 [sflag:s8], $0x0  }
0x24: {  	s3 =	sadd.s32 $0x88, s3;
	s6 =	simm.s32 @!p1 $0x1082;
	[sflag:s4] =	ssyncset.s32 $0xFFFFF086  }
0x25: {  	[simem:s6], [sflag:s4] =	dma.local [hbm:s3], $0xF7A  }
0x26: {  	[smem:$0x3F9B] =	sst s1;
	(tag) =	ssettag s2;
	_ =	strace s9  }
0x27: {  	s1 =	sld [smem:$0x3FAB]  }
0x28: {  	s2 =	sld [smem:$0x3FAC]  }
0x29: {  	s4 =	sld [smem:$0x3FAE]  }
0x2a: {  	p0 =	seq.s32 s5, $0x0;
	s5 =	sld [smem:$0x3FAF]  }
0x2b: {  	s6 =	sld [smem:$0x3FB0]  }
0x2c: {  	s7 =	sld [smem:$0x3FB1]  }
0x2d: {  	s3 =	simm.s32 $0x108;
	s8 =	sld [smem:$0x3FB2]  }
0x2e: {  	s3 =	simm.s32 @!p0 $0x1082;
	s9 =	sld [smem:$0x3FB3]  }
0x2f: {  	lr =	sadd.s32 s0, s3;
	s0 =	sld [smem:$0x3FAA]  }
0x30: {  	s3 =	sld [smem:$0x3FAD]  }
0x31: {  	[smem:$0x3FB6] =	sst s10  }
0x32: {  	s10 =	sld [smem:$0x3FB4];
	_ =	sdelay $0x3  }
0x33: {  	p0 =	seq.s32 s10, $0x1;
	s10 =	sld [smem:$0x3FB6];
	_ =	sdelay $0x3  }
0x34: {  	[smem:$0x3FB6] =	sst s10  }
0x35: {  	s10 =	sld [smem:$0x3FB5];
	_ =	sdelay $0x3  }
0x36: {  	p1 =	seq.s32 s10, $0x1;
	s10 =	sld [smem:$0x3FB6];
	_ =	sdelay $0x3  }
0x37: {  	[smem:$0x3FB6] =	sst s10  }
0x38: {  	s10 =	sld [smem:$0x3FB7]  }
0x39: {  	_ = 	snop;
	(pc) =	sbr.ind lr, $3  }
0x3a: {  	_ = 	snop  }
0x3b: {  	_ = 	snop  }
0x3c: {  	p2 =	seq.s32 s10, $0x1;
	s10 =	sld [smem:$0x3FB6]  }
0x3d: {  	_ =	shalt  }
0x3e: {  	_ =	shalt  }
0x3f: {  	_ =	shalt  }
0x40: {  	_ =	shalt  }
0x41: {  	_ =	shalt  }
0x42: {  	_ =	shalt  }
0x43: {  	_ =	shalt  }
0x44: {  	_ =	shalt  }
0x45: {  	_ =	shalt  }
0x46: {  	_ =	shalt  }
0x47: {  	_ =	shalt  }
0x48: {  	_ =	shalt  }
0x49: {  	_ =	shalt  }
0x4a: {  	_ =	shalt  }
0x4b: {  	_ =	shalt  }
0x4c: {  	_ =	shalt  }
0x4d: {  	_ =	shalt  }
0x4e: {  	_ =	shalt  }
0x4f: {  	_ =	shalt  }
0x50: {  	_ =	shalt  }
0x51: {  	_ =	shalt  }
0x52: {  	_ =	shalt  }
0x53: {  	_ =	shalt  }
0x54: {  	_ =	shalt  }
0x55: {  	_ =	shalt  }
0x56: {  	_ =	shalt  }
0x57: {  	_ =	shalt  }
0x58: {  	_ =	shalt  }
0x59: {  	_ =	shalt  }
0x5a: {  	_ =	shalt  }
0x5b: {  	_ =	shalt  }
0x5c: {  	_ =	shalt  }
0x5d: {  	_ =	shalt  }
0x5e: {  	_ =	shalt  }
0x5f: {  	_ =	shalt  }
0x60: {  	_ =	shalt  }
0x61: {  	_ =	shalt  }
0x62: {  	_ =	shalt  }
0x63: {  	_ =	shalt  }
0x64: {  	_ =	shalt  }
0x65: {  	_ =	shalt  }
0x66: {  	_ =	shalt  }
0x67: {  	_ =	shalt  }
0x68: {  	_ =	shalt  }
0x69: {  	_ =	shalt  }
0x6a: {  	_ =	shalt  }
0x6b: {  	_ =	shalt  }
0x6c: {  	_ =	shalt  }
0x6d: {  	_ =	shalt  }
0x6e: {  	_ =	shalt  }
0x6f: {  	_ =	shalt  }
0x70: {  	_ =	shalt  }
0x71: {  	_ =	shalt  }
0x72: {  	_ =	shalt  }
0x73: {  	_ =	shalt  }
0x74: {  	_ =	shalt  }
0x75: {  	_ =	shalt  }
0x76: {  	_ =	shalt  }
0x77: {  	_ =	shalt  }
0x78: {  	_ =	shalt  }
0x79: {  	_ =	shalt  }
0x7a: {  	_ =	shalt  }
0x7b: {  	_ =	shalt  }
0x7c: {  	_ =	shalt  }
0x7d: {  	_ =	shalt  }
0x7e: {  	_ =	shalt  }
0x7f: {  	_ =	shalt  }
0x80: {  	_ =	shalt  }
0x81: {  	_ =	shalt  }
0x82: {  	_ =	shalt  }
0x83: {  	_ =	shalt  }
0x84: {  	_ =	shalt  }
0x85: {  	_ =	shalt  }
0x86: {  	_ =	shalt  }
0x87: {  	_ =	shalt  }
.Lfunc_end0:
.L_simem_size_0:
called_computation_lowered:
.L_overlay_start_0:
0x88: {  	s2 =	sld [smem:$0x3FD9]  }
0x89: {  	s3 =	sld [smem:$0x3FFE];
	_ =	sdelay $0x1  }
0x8a: {  	s1 =	srdreg.scid  }
0x8b: {  	s0 =	sand.u32 $0x1, s1  }
0x8c: {  	s14 =	sshll.u32 s0, $0xA;
	s2 =	sadd.s32 s3, s2  }
0x8d: {  	s2 =	sadd.s32 s2, s14  }
0x8e: {  	[smem:$0x3FC2] =	sst s2  }
0x8f: {  	_ = 	snop  }
0x90: {  	s2 =	sld [smem:$0x3FD0];
	_ =	sdelay $0x2  }
0x91: {  	s15 =	simm.s32 $0xA;
	s4 =	simm.s32 $0x10  }
0x92: {  	[smem:s4], [sflag:s15] =	dma.local [hbm:s2], $0x1  }
0x93: {  	_ =	swait.eq [sflag:s15], $0x1  }
0x94: {  	[sflag:s15] =	ssyncset.done $0x0  }
0x95: {  	[sflag:s15] =	ssyncadd.s32 $0xFFFFFFFF  }
0x96: {  	s16 =	sld [smem:$0x11];
	(tm) =	ssettm $0x1  }
0x97: {  	s17 =	sld [smem:$0x3FFB];
	_ =	sdelay $0x3  }
0x98: {  	_ =	strace s17  }
0x99: {  	s3 =	sld [smem:$0x3FFC];
	_ =	sdelay $0x3  }
0x9a: {  	_ =	strace s3  }
0x9b: {  	s3 =	sld [smem:$0x3FFD];
	_ =	sdelay $0x3  }
0x9c: {  	_ =	strace s3  }
0x9d: {  	_ =	strace $0x8FFFFFFF  }
0x9e: {  	s18 =	sld [smem:$0x3FDB];
	_ =	sdelay $0x1  }
0x9f: {  	s19 =	simm.s32 $_scs_section_size  }
0xa0: {  	s5 =	simm.s32 $_size__tile_overlayer_lowered;
	s6 =	simm.s32 $_tile_overlayer_lowered  }
0xa1: {  	s22 =	simm.s32 $0x1BFF;
	s21 =	sshll.u32 s6, $0x1;
	s3 =	sadd.s32 s19, s18  }
0xa2: {  	s7 =	simm.s32 $0x0;
	s20 =	sshll.u32 s5, $0x1;
	s5 =	sadd.s32 s21, s3  }
0xa3: {  	[timem:s7], [sflag:s22] =	dma.local [hbm:s5], s20  }
0xa4: {  	_ =	swait.ge [sflag:s22], s20  }
0xa5: {  	s4 =	ssub.s32 $0x0, s20;
	[sflag:s22] =	ssyncset.done $0x0  }
0xa6: {  	[sflag:s22] =	ssyncadd.s32 s4;
	_ =	sdelay $0x1  }
0xa7: {  	s23 =	simm.s32 $0x1B8B  }
0xa8: {  	_ =	swait.ge [sflag:s23], $0x1  }
0xa9: {  	[sflag:s23] =	ssyncset.done $0x0  }
0xaa: {  	s25 =	simm.s32 $0x1B8E;
	s24 =	sld [smem:$0x3FFE];
	[sflag:s23] =	ssyncadd.s32 $0xFFFFFFFF  }
0xab: {  	s26 =	simm.s32 $execute0_lowered;
	[smem:$0x3FD2] =	sst s25  }
0xac: {  	s5 =	sshll.u32 s26, $0x1;
	_ =	strace $0x80000046;
	[dreg:$0x1] =	wrdreg $0xFFFFFFFF  }
0xad: {  	s28 =	simm.s32 $_size_execute0_lowered;
	s3 =	sadd.s32 s3, s5;
	[dreg:$0x0] =	wrdreg $0x0  }
0xae: {  	s5 =	sshll.u32 s28, $0x1;
	[dreg:$0x2] =	wrdreg s3  }
0xaf: {  	[dreg:$0x3] =	wrdreg s5  }
0xb0: {  	[dreg:$0x4] =	wrdreg $0xC0  }
0xb1: {  	_ =	task [dreg:s7], $0x5FFFF  }
0xb2: {  	[dreg:$0x1] =	wrdreg $0xFFFFFFFF  }
0xb3: {  	[dreg:$0x0] =	wrdreg $0x60  }
0xb4: {  	[dreg:$0x2] =	wrdreg s16  }
0xb5: {  	[dreg:$0x3] =	wrdreg s24  }
0xb6: {  	[dreg:$0x4] =	wrdreg $0x9  }
0xb7: {  	_ =	task.clear_ibuf [dreg:s7], $0x5FFFF;
	_ =	strace $0x90000046  }
0xb8: {  	s29 =	simm.s32 $0x9;
	_ =	strace $0x80000048  }
0xb9: {  	_ =	swait.ge [sflag:s29], $0x1  }
0xba: {  	[sflag:s29] =	ssyncadd.s32 $0xFFFFFFFF  }
0xbb: {  	_ =	strace $0x90000048  }
0xbc: {  	_ =	sfence  }
0xbd: {  	s30 =	sld [smem:$0x0];
	_ =	sdelay $0x2  }
0xbe: {  	s31 =	sshll.u32 s1, $0xD;
	s1 =	sshrl.u32 s1, $0x2  }
0xbf: {  	s3 =	sand.u32 $0x4000, s31;
	s1 =	sadd.s32 s1, s30  }
0xc0: {  	s0 =	sor.u32 s3, s0;
	s1 =	sshll.u32 s1, $0x11  }
0xc1: {  	s0 =	sor.u32 s1, s0  }
0xc2: {  	s0 =	sadd.s32 $0x8F2B, s0  }
0xc3: {  	[sflag:s0] =	ssyncadd.remote.s32 $0x1  }
0xc4: {  	_ =	sfence.sel $0xFFFF  }
0xc5: {  	[dreg:$0x0] =	wrdreg $0xFFFFFFFF;
	(pc) =	sbr.abs _section_cstart, $3  }
0xc6: {  	[dreg:$0x1] =	wrdreg $0xFFFFFFFF  }
0xc7: {  	_ =	task.clear_ibuf [dreg:s7], $0x2FFFF;
	_ =	strace $0x9FFFFFFF  }
0xc8: {  	(tm) =	ssettm $0x7FFFFFFF  }
0xc9: {  	_ =	shalt  }
tec
execute0_lowered:
.L_overlay_start_1:
0x0: {  	(tag) =	ssettag $0x1  }
0x1: {  	s1 =	srdreg.scid  }
0x2: {  	s3 =	rddreg [dreg:$0x0];
	s0 =	stileid.u32;
	s5 =	sand.u32 $0x1, s1  }
0x3: {  	s7 =	rddreg [dreg:$0x1];
	s6 =	sshll.u32 s0, $0x9;
	s4 =	sshll.u32 s5, $0xD  }
0x4: {  	s2 =	simm.s32 $0x0;
	s1 =	rddreg [dreg:$0x2];
	s6 =	sor.u32 s6, s4  }
0x5: {  	[smem:$0x7FF] =	sst s2;
	s4 =	sshrl.u32 s6, $0x3  }
0x6: {  	_ =	strace $0x80000047;
	s3 =	sadd.s32 s3, s4;
	s4 =	simm.s32 $0x2  }
0x7: {  	[tilespmem:s2], [sflag:$0x2] =	stream.linear.gather [hbm4b:s3+s2], $0x200, $0x38;
	[tilespmem:$0x400] =	vst v63  }
0x8: {  	_ =	swait.ge [sflag:s4], $0x200  }
0x9: {  	v31 =	vlaneseq.u32;
	s8 =	sor.u32 $0x1F0, s6;
	[sflag:s4] =	ssyncset.done $0x0  }
0xa: {  	s9 =	sor.u32 $0x1E0, s6;
	v0 =	vor.u32 s8, v31;
	[sflag:s4] =	ssyncadd.s32 $0xFFFFFE00  }
0xb: {  	s31 =	sor.u32 $0x1D0, s6;
	v1 =	vor.u32 s9, v31;
	[tilespmem:$0x3F0] =	vst v0  }
0xc: {  	s10 =	sor.u32 $0x1C0, s6;
	v2 =	vor.u32 s31, v31;
	[tilespmem:$0x3E0] =	vst v1  }
0xd: {  	s11 =	sor.u32 $0x1B0, s6;
	v3 =	vor.u32 s10, v31;
	[tilespmem:$0x3D0] =	vst v2  }
0xe: {  	s12 =	sor.u32 $0x1A0, s6;
	v4 =	vor.u32 s11, v31;
	[tilespmem:$0x3C0] =	vst v3  }
0xf: {  	s13 =	sor.u32 $0x190, s6;
	v5 =	vor.u32 s12, v31;
	[tilespmem:$0x3B0] =	vst v4  }
0x10: {  	s15 =	ssub.s32 $0x2, s5;
	s14 =	sor.u32 $0x180, s6;
	v6 =	vor.u32 s13, v31;
	[tilespmem:$0x3A0] =	vst v5  }
0x11: {  	s16 =	sshrl.u32 s15, $0x1;
	s10 =	sor.u32 $0x170, s6;
	v7 =	vor.u32 s14, v31;
	[tilespmem:$0x390] =	vst v6  }
0x12: {  	s5 =	sadd.s32 $0x1200, s7;
	s17 =	sor.u32 $0x160, s6;
	s7 =	ssub.s32 s15, s16;
	v8 =	vor.u32 s10, v31;
	[tilespmem:$0x380] =	vst v7  }
0x13: {  	s18 =	sor.u32 $0x10, s6;
	s19 =	sor.u32 $0x150, s6;
	s20 =	sor.u32 $0x20, s6;
	v9 =	vor.u32 s17, v31;
	[tilespmem:$0x370] =	vst v8  }
0x14: {  	s21 =	sor.u32 $0x40, s6;
	s22 =	sor.u32 $0x60, s6;
	s12 =	sor.u32 $0x140, s6;
	v10 =	vor.u32 s19, v31;
	[tilespmem:$0x360] =	vst v9  }
0x15: {  	s15 =	sor.u32 $0x70, s6;
	s16 =	sor.u32 $0x120, s6;
	s14 =	sor.u32 $0x130, s6;
	v12 =	vor.u32 s12, v31;
	[tilespmem:$0x350] =	vst v10  }
0x16: {  	s23 =	sor.u32 $0x80, s6;
	s24 =	sor.u32 $0x110, s6;
	s25 =	sor.u32 $0x100, s6;
	v14 =	vor.u32 s14, v31;
	[tilespmem:$0x340] =	vst v12  }
0x17: {  	s26 =	sor.u32 $0xC0, s6;
	s28 =	sor.u32 $0xD0, s6;
	v16 =	vor.u32 s16, v31;
	s31 =	smax.u32 s7, $0x1;
	[tilespmem:$0x330] =	vst v14  }
0x18: {  	s29 =	sor.u32 $0xF0, s6;
	v18 =	vor.u32 s6, v31;
	s30 =	sor.u32 $0xE0, s6;
	v11 =	vor.u32 s18, v31;
	v19 =	vor.u32 s24, v31;
	p0 =	sne.s32 s31, $0x1;
	[tilespmem:$0x320] =	vst v16  }
.Ltmp0:
0x19: {  	s11 =	sor.u32 $0x30, s6;
	s13 =	sor.u32 $0x50, s6;
	v13 =	vor.u32 s20, v31;
	v17 =	vor.u32 s21, v31;
	v21 =	vor.u32 s25, v31;
	[tilespmem:$0x310] =	vst v19;
	(pc) =	sbr.rel @!p0 .LBB2_2-.Ltmp0, $4  }
0x1a: {  	s17 =	sor.u32 $0x90, s6;
	s18 =	sor.u32 $0xA0, s6;
	s19 =	sor.u32 $0xB0, s6;
	v24 =	vor.u32 s29, v31;
	v22 =	vor.u32 s22, v31;
	v23 =	vor.u32 s15, v31;
	[tilespmem:$0x300] =	vst v21  }
0x1b: {  	s6 =	simm.s32 $0x80;
	v26 =	vor.u32 s30, v31;
	s7 =	simm.s32 $0x200;
	s8 =	simm.s32 $0x280;
	v25 =	vor.u32 s23, v31;
	v28 =	vor.u32 s28, v31;
	[tilespmem:$0x2F0] =	vst v24  }
0x1c: {  	s9 =	simm.s32 $0x100;
	v15 =	vor.u32 s11, v31;
	v20 =	vor.u32 s13, v31;
	v27 =	vor.u32 s17, v31;
	s11 =	simm.s32 $0x300;
	s12 =	simm.s32 $0x180;
	[tilespmem:$0x2E0] =	vst v26  }
0x1d: {  	v29 =	vor.u32 s18, v31;
	v30 =	vor.u32 s19, v31;
	v31 =	vor.u32 s26, v31;
	s13 =	simm.s32 $0x380;
	s10 =	simm.s32 $0x1;
	s14 =	sadd.s32 $0xFFFFFFFF, s31;
	[tilespmem:$0x2D0] =	vst v28  }
.LBB2_1:
0x1e: {  	p0 =	sne.s32 s14, $0x1;
	s14 =	sadd.s32 $0xFFFFFFFF, s14;
	[tilespmem:$0x2C0] =	vst v31  }
0x1f: {  	[tilespmem:$0x2B0] =	vst v30  }
0x20: {  	[tilespmem:$0x2A0] =	vst v29  }
0x21: {  	[tilespmem:$0x290] =	vst v27  }
0x22: {  	[tilespmem:$0x280] =	vst v25  }
0x23: {  	[tilespmem:$0x270] =	vst v23  }
0x24: {  	[tilespmem:$0x260] =	vst v22  }
0x25: {  	[tilespmem:$0x250] =	vst v20  }
0x26: {  	[tilespmem:$0x240] =	vst v17  }
0x27: {  	[tilespmem:$0x230] =	vst v15  }
0x28: {  	[tilespmem:$0x220] =	vst v13  }
0x29: {  	[tilespmem:$0x200] =	vst v18  }
0x2a: {  	[tilespmem:$0x210] =	vst v11  }
0x2b: {  	[hbm4b:s5+s6] =	stream.indirect.scatter [tilespmem:s7], [sflag:$0x1], $0x1, s2, s6, $0xb8;
	[tilespmem:$0x400] =	vst v63  }
0x2c: {  	_ = 	snop  }
0x2d: {  	[hbm4b:s5+s6] =	stream.indirect.scatter [tilespmem:s8], [sflag:$0x1], $0x1, s6, s6, $0xb8;
	[tilespmem:$0x400] =	vst v63  }
0x2e: {  	_ = 	snop  }
0x2f: {  	[hbm4b:s5+s6] =	stream.indirect.scatter [tilespmem:s11], [sflag:$0x1], $0x1, s9, s6, $0xb8;
	[tilespmem:$0x400] =	vst v63  }
0x30: {  	_ = 	snop  }
0x31: {  	[hbm4b:s5+s6] =	stream.indirect.scatter [tilespmem:s13], [sflag:$0x1], $0x1, s12, s6, $0xb8;
	[tilespmem:$0x400] =	vst v63  }
0x32: {  	_ =	swait.ge [sflag:s10], $0x80  }
0x33: {  	[sflag:s10] =	ssyncset.done $0x0  }
0x34: {  	[sflag:s10] =	ssyncadd.s32 $0xFFFFFF80  }
0x35: {  	_ =	swait.ge [sflag:s10], $0x80  }
0x36: {  	[sflag:s10] =	ssyncset.done $0x0  }
0x37: {  	[sflag:s10] =	ssyncadd.s32 $0xFFFFFF80  }
0x38: {  	_ =	swait.ge [sflag:s10], $0x80  }
0x39: {  	[sflag:s10] =	ssyncset.done $0x0  }
0x3a: {  	[sflag:s10] =	ssyncadd.s32 $0xFFFFFF80  }
0x3b: {  	_ =	swait.ge [sflag:s10], $0x80  }
0x3c: {  	[sflag:s10] =	ssyncset.done $0x0  }
0x3d: {  	[sflag:s10] =	ssyncadd.s32 $0xFFFFFF80  }
0x3e: {  	[tilespmem:s2], [sflag:$0x2] =	stream.linear.gather [hbm4b:s3+s2], $0x200, $0x38;
	[tilespmem:$0x400] =	vst v63  }
0x3f: {  	_ =	swait.ge [sflag:s4], $0x200  }
0x40: {  	[sflag:s4] =	ssyncset.done $0x0  }
0x41: {  	[sflag:s4] =	ssyncadd.s32 $0xFFFFFE00  }
0x42: {  	[tilespmem:$0x3F0] =	vst v0  }
0x43: {  	[tilespmem:$0x3E0] =	vst v1  }
0x44: {  	[tilespmem:$0x3D0] =	vst v2  }
0x45: {  	[tilespmem:$0x3C0] =	vst v3  }
0x46: {  	[tilespmem:$0x3B0] =	vst v4  }
0x47: {  	[tilespmem:$0x3A0] =	vst v5  }
0x48: {  	[tilespmem:$0x390] =	vst v6  }
0x49: {  	[tilespmem:$0x380] =	vst v7  }
0x4a: {  	[tilespmem:$0x370] =	vst v8  }
0x4b: {  	[tilespmem:$0x360] =	vst v9  }
0x4c: {  	[tilespmem:$0x350] =	vst v10  }
0x4d: {  	[tilespmem:$0x340] =	vst v12  }
0x4e: {  	[tilespmem:$0x330] =	vst v14  }
0x4f: {  	[tilespmem:$0x320] =	vst v16  }
.Ltmp1:
0x50: {  	[tilespmem:$0x310] =	vst v19;
	(pc) =	sbr.rel @p0 .LBB2_1-.Ltmp1, $4  }
0x51: {  	[tilespmem:$0x300] =	vst v21  }
0x52: {  	[tilespmem:$0x2F0] =	vst v24  }
0x53: {  	[tilespmem:$0x2E0] =	vst v26  }
0x54: {  	[tilespmem:$0x2D0] =	vst v28  }
.LBB2_2:
0x55: {  	[tilespmem:$0x2C0] =	vst v31  }
0x56: {  	[tilespmem:$0x2B0] =	vst v30  }
0x57: {  	[tilespmem:$0x2A0] =	vst v29  }
0x58: {  	[tilespmem:$0x290] =	vst v27  }
0x59: {  	[tilespmem:$0x280] =	vst v25  }
0x5a: {  	[tilespmem:$0x270] =	vst v23  }
0x5b: {  	[tilespmem:$0x260] =	vst v22  }
0x5c: {  	[tilespmem:$0x250] =	vst v20  }
0x5d: {  	[tilespmem:$0x240] =	vst v17  }
0x5e: {  	[tilespmem:$0x230] =	vst v15  }
0x5f: {  	[tilespmem:$0x220] =	vst v13  }
0x60: {  	[tilespmem:$0x200] =	vst v18  }
0x61: {  	[tilespmem:$0x210] =	vst v11  }
0x62: {  	[hbm4b:s5+s6] =	stream.indirect.scatter [tilespmem:s7], [sflag:$0x1], $0x1, s2, s6, $0xb8;
	[tilespmem:$0x400] =	vst v63  }
0x63: {  	_ = 	snop  }
0x64: {  	[hbm4b:s5+s6] =	stream.indirect.scatter [tilespmem:s8], [sflag:$0x1], $0x1, s6, s6, $0xb8;
	[tilespmem:$0x400] =	vst v63  }
0x65: {  	_ = 	snop  }
0x66: {  	[hbm4b:s5+s6] =	stream.indirect.scatter [tilespmem:s11], [sflag:$0x1], $0x1, s9, s6, $0xb8;
	[tilespmem:$0x400] =	vst v63  }
0x67: {  	_ = 	snop  }
0x68: {  	[hbm4b:s5+s6] =	stream.indirect.scatter [tilespmem:s13], [sflag:$0x1], $0x1, s12, s6, $0xb8;
	[tilespmem:$0x400] =	vst v63  }
0x69: {  	_ =	swait.ge [sflag:s10], $0x80  }
0x6a: {  	[sflag:s10] =	ssyncset.done $0x0  }
0x6b: {  	[sflag:s10] =	ssyncadd.s32 $0xFFFFFF80  }
0x6c: {  	_ =	swait.ge [sflag:s10], $0x80  }
0x6d: {  	[sflag:s10] =	ssyncset.done $0x0  }
0x6e: {  	[sflag:s10] =	ssyncadd.s32 $0xFFFFFF80  }
0x6f: {  	_ =	swait.ge [sflag:s10], $0x80  }
0x70: {  	[sflag:s10] =	ssyncset.done $0x0  }
0x71: {  	[sflag:s10] =	ssyncadd.s32 $0xFFFFFF80  }
0x72: {  	_ =	swait.ge [sflag:s10], $0x80  }
0x73: {  	[sflag:s10] =	ssyncset.done $0x0  }
0x74: {  	[sflag:s10] =	ssyncadd.s32 $0xFFFFFF80  }
0x75: {  	_ =	sfence.sel $0x180000  }
0x76: {  	[bflag:$0x0] =	sbarrier.arrive $0xFFFF  }
0x77: {  	p0 =	sne.s32 s0, $0x0;
	_ =	strace $0x90000047  }
0x78: {  	s0 =	sadd.s32 @!p0 $0x100000, s1;
	[bflag:$0x2] =	sbarrier.arrive $0xFFFF  }
0x79: {  	[sflag:s0] =	ssyncadd.tile.s32 @!p0 $0x1;
	_ =	shalt  }
.Lfunc_end2:
_tile_overlayer_lowered:
.L_overlay_start_2:
0x7a: {  	(tag) =	ssettag $0x2  }
0x7b: {  	s0 =	rddreg [dreg:$0x0];
	s2 =	stileid.u32  }
0x7c: {  	s1 =	rddreg [dreg:$0x1];
	p0 =	sne.s32 s2, $0x0  }
0x7d: {  	s3 =	rddreg [dreg:$0x2];
	[bflag:$0x3] =	sbarrier.arrive $0xFFFF;
	s2 =	simm.s32 @!p0 $0x1C02  }
0x7e: {  	[timem:s3], [sflag:s2] =	dma.local @!p0 [hbm:s0], s1  }
0x7f: {  	s0 =	simm.s32 @!p0 $0x2  }
0x80: {  	_ =	swait.ge @!p0 [sflag:s0], s1  }
0x81: {  	s1 =	ssub.s32 @!p0 $0x0, s1;
	[sflag:s0] =	ssyncset.done @!p0 $0x0  }
0x82: {  	[sflag:s0] =	ssyncadd.s32 @!p0 s1  }
0x83: {  	[bflag:$0x3] =	sbarrier.arrive $0xFFFF  }
0x84: {  	_ =	shalt  }

</sc_bundles>
